<compile_context>
chip_gen: v7x
topology: tpu7x:2x2x1
jax: 0.10.2.dev20260603
libtpu: 0.0.44.dev20260713+nightly
codegen_flags: <defaults>
</compile_context>

<pallas_src>
import jax
import jax.numpy as jnp
from jax import lax
from jax.experimental import pallas as pl
from jax.experimental.pallas import tpu as pltpu
from jax.experimental.pallas import tpu_sc as plsc

N = 10000
E = 320000
F = 128
K = 5
NP = 10240
NPAD = N

NC = 2
NS = 16
NW = NC * NS
CHUNK = 128
SLICE = NP // NS

MAXCH = (E + NW * CHUNK - 1) // (NW * CHUNK)
EP = NW * MAXCH * CHUNK
_HALF = 40


def _sc_mesh():
    return plsc.VectorSubcoreMesh(
        core_axis_name="c", subcore_axis_name="s",
        num_cores=NC, num_subcores=NS)



def _sc_deg(rowm, colm):
    def body(rowm_hbm, colm_hbm, deg2_hbm, rowp_hbm,
             row_v, col_v, rowp_v, deg_l, sumbuf, res_v, deg_sh):
        zeros16 = jnp.zeros((16,), jnp.float32)
        ones16 = jnp.ones((16,), jnp.float32)
        cid = lax.axis_index("c")
        sid = lax.axis_index("s")
        wid = cid * NS + sid

        pltpu.sync_copy(rowm_hbm.at[wid], row_v)
        pltpu.sync_copy(colm_hbm.at[wid], col_v)

        def zbody(i, _):
            deg_l[pl.ds(i * 16, 16)] = zeros16
            return 0
        lax.fori_loop(0, NP // 16, zbody, 0)

        def chunk_body(j, _):
            for t in range(CHUNK // 16):
                r16 = row_v[j, pl.ds(t * 16, 16)]
                c16 = col_v[j, pl.ds(t * 16, 16)]
                m = r16 != c16
                rowp_v[j, pl.ds(t * 16, 16)] = jnp.where(m, r16, NPAD)
                plsc.addupdate_scatter(deg_l, [r16], ones16, mask=m)
            return 0
        lax.fori_loop(0, MAXCH, chunk_body, 0)

        pltpu.sync_copy(rowp_v, rowp_hbm.at[wid])

        pltpu.sync_copy(deg_l, deg_sh.at[sid])
        plsc.subcore_barrier()
        pltpu.sync_copy(deg_sh.at[:, pl.ds(sid * SLICE, SLICE)], sumbuf)

        def sbody(g, _):
            acc = sumbuf[0, pl.ds(g * 16, 16)]
            for r in range(1, NS):
                acc = acc + sumbuf[r, pl.ds(g * 16, 16)]
            res_v[pl.ds(g * 16, 16)] = acc
            return 0
        lax.fori_loop(0, SLICE // 16, sbody, 0)

        pltpu.sync_copy(res_v,
                        deg2_hbm.at[pl.ds(cid * NP + sid * SLICE, SLICE)])

    return pl.kernel(
        body,
        out_type=(jax.ShapeDtypeStruct((NC * NP,), jnp.float32),
                  jax.ShapeDtypeStruct((NW, MAXCH, CHUNK), jnp.int32)),
        mesh=_sc_mesh(),
        compiler_params=pltpu.CompilerParams(needs_layout_passes=False),
        scratch_types=[
            pltpu.VMEM((MAXCH, CHUNK), jnp.int32),
            pltpu.VMEM((MAXCH, CHUNK), jnp.int32),
            pltpu.VMEM((MAXCH, CHUNK), jnp.int32),
            pltpu.VMEM((NP,), jnp.float32),
            pltpu.VMEM((NS, SLICE), jnp.float32),
            pltpu.VMEM((SLICE,), jnp.float32),
            pltpu.VMEM_SHARED((NS, NP), jnp.float32),
        ],
    )(rowm, colm)



def _sc_prop(g, rowp, colm):
    def body(g_hbm, rowp_hbm, colm_hbm, acc2_hbm,
             rowi_v, coli_v, rows_a, rows_b, gsem_a, gsem_b, acc_sh):
        zeros16 = jnp.zeros((16,), jnp.float32)
        cid = lax.axis_index("c")
        sid = lax.axis_index("s")
        wid = cid * NS + sid

        def zbody(r, _):
            for t in range(F // 16):
                rows_a[r, pl.ds(t * 16, 16)] = zeros16
            return 0
        lax.fori_loop(0, CHUNK, zbody, 0)
        for kk in range(SLICE // CHUNK):
            pltpu.sync_copy(
                rows_a, acc_sh.at[pl.ds(sid * SLICE + kk * CHUNK, CHUNK)])
        plsc.subcore_barrier()

        def gfire(j, buf, sem):
            pltpu.async_copy(g_hbm.at[rowi_v.at[j]], buf, sem)

        def gwait(j, buf, sem):
            pltpu.make_async_copy(g_hbm.at[rowi_v.at[j]], buf, sem).wait()

        def scat(j, buf):
            pltpu.sync_copy(buf, acc_sh.at[coli_v.at[j]], add=True)

        for cbase, hcnt in ((0, _HALF), (_HALF, MAXCH - _HALF)):
            pltpu.sync_copy(rowp_hbm.at[wid, pl.ds(cbase, hcnt)],
                            rowi_v.at[pl.ds(0, hcnt)])
            pltpu.sync_copy(colm_hbm.at[wid, pl.ds(cbase, hcnt)],
                            coli_v.at[pl.ds(0, hcnt)])
            gfire(0, rows_a, gsem_a)

            def pair_body(p, _):
                j0 = 2 * p
                j1 = j0 + 1

                @pl.when(j1 < hcnt)
                def _():
                    gfire(j1, rows_b, gsem_b)
                gwait(j0, rows_a, gsem_a)
                scat(j0, rows_a)

                @pl.when(j1 + 1 < hcnt)
                def _():
                    gfire(j1 + 1, rows_a, gsem_a)

                @pl.when(j1 < hcnt)
                def _():
                    gwait(j1, rows_b, gsem_b)
                    scat(j1, rows_b)
                return 0
            lax.fori_loop(0, (hcnt + 1) // 2, pair_body, 0)

        plsc.subcore_barrier()
        pltpu.sync_copy(acc_sh.at[pl.ds(sid * SLICE, SLICE)],
                        acc2_hbm.at[cid, pl.ds(sid * SLICE, SLICE)])

    return pl.kernel(
        body,
        out_type=jax.ShapeDtypeStruct((NC, NP, F), jnp.float32),
        mesh=_sc_mesh(),
        compiler_params=pltpu.CompilerParams(needs_layout_passes=False),
        scratch_types=[
            pltpu.VMEM((_HALF, CHUNK), jnp.int32),
            pltpu.VMEM((_HALF, CHUNK), jnp.int32),
            pltpu.VMEM((CHUNK, F), jnp.float32),
            pltpu.VMEM((CHUNK, F), jnp.float32),
            pltpu.SemaphoreType.DMA,
            pltpu.SemaphoreType.DMA,
            pltpu.VMEM_SHARED((NP, F), jnp.float32),
        ],
    )(g, rowp, colm)



_BLK = 512


def _tc_prep(deg2, xp):
    def body(deg_ref, x_ref, dis_ref, g_ref):
        deg = deg_ref[0, :] + deg_ref[1, :]
        dis = jnp.where(deg > 0, lax.rsqrt(deg), 0.0)
        disb = jnp.broadcast_to(dis[:, None], (_BLK, F))
        dis_ref[...] = disb
        g_ref[...] = disb * x_ref[...]

    return pl.pallas_call(
        body,
        grid=(NP // _BLK,),
        in_specs=[
            pl.BlockSpec((NC, _BLK), lambda i: (0, i)),
            pl.BlockSpec((_BLK, F), lambda i: (i, 0)),
        ],
        out_specs=[
            pl.BlockSpec((_BLK, F), lambda i: (i, 0)),
            pl.BlockSpec((_BLK, F), lambda i: (i, 0)),
        ],
        out_shape=(jax.ShapeDtypeStruct((NP, F), jnp.float32),
                   jax.ShapeDtypeStruct((NP, F), jnp.float32)),
    )(deg2, xp)


def _tc_comb1(acc2, disb):
    def body(a_ref, d_ref, tx_ref, g_ref):
        p = a_ref[0] + a_ref[1]
        d = d_ref[...]
        tx = -d * p
        tx_ref[...] = tx
        g_ref[...] = d * tx

    return pl.pallas_call(
        body,
        grid=(NP // _BLK,),
        in_specs=[
            pl.BlockSpec((NC, _BLK, F), lambda i: (0, i, 0)),
            pl.BlockSpec((_BLK, F), lambda i: (i, 0)),
        ],
        out_specs=[
            pl.BlockSpec((_BLK, F), lambda i: (i, 0)),
            pl.BlockSpec((_BLK, F), lambda i: (i, 0)),
        ],
        out_shape=(jax.ShapeDtypeStruct((NP, F), jnp.float32),
                   jax.ShapeDtypeStruct((NP, F), jnp.float32)),
    )(acc2, disb)


def _tc_comb(acc2, disb, txm2):
    def body(a_ref, d_ref, t_ref, tx_ref, g_ref):
        p = a_ref[0] + a_ref[1]
        d = d_ref[...]
        tx = -2.0 * d * p - t_ref[...]
        tx_ref[...] = tx
        g_ref[...] = d * tx

    return pl.pallas_call(
        body,
        grid=(NP // _BLK,),
        in_specs=[
            pl.BlockSpec((NC, _BLK, F), lambda i: (0, i, 0)),
            pl.BlockSpec((_BLK, F), lambda i: (i, 0)),
            pl.BlockSpec((_BLK, F), lambda i: (i, 0)),
        ],
        out_specs=[
            pl.BlockSpec((_BLK, F), lambda i: (i, 0)),
            pl.BlockSpec((_BLK, F), lambda i: (i, 0)),
        ],
        out_shape=(jax.ShapeDtypeStruct((NP, F), jnp.float32),
                   jax.ShapeDtypeStruct((NP, F), jnp.float32)),
    )(acc2, disb, txm2)


_MBLK = 1024


def _tc_final(txs, W, b2):
    def body(t0, t1, t2, t3, t4, w_ref, b_ref, o_ref):
        acc = b_ref[...].astype(jnp.float32)
        for k, t in enumerate((t0, t1, t2, t3, t4)):
            acc = acc + jnp.dot(t[...], w_ref[k],
                                preferred_element_type=jnp.float32)
        o_ref[...] = jnp.maximum(acc, 0.0)

    return pl.pallas_call(
        body,
        grid=(NP // _MBLK,),
        in_specs=[pl.BlockSpec((_MBLK, F), lambda i: (i, 0))] * K
        + [pl.BlockSpec((K, F, F), lambda i: (0, 0, 0)),
           pl.BlockSpec((1, F), lambda i: (0, 0))],
        out_specs=pl.BlockSpec((_MBLK, F), lambda i: (i, 0)),
        out_shape=jax.ShapeDtypeStruct((NP, F), jnp.float32),
    )(*txs, W, b2)



def kernel(x, edge_index, W, b):
    pad = jnp.full((EP - E,), NPAD, jnp.int32)
    rowm = jnp.concatenate([edge_index[0], pad]).reshape(NW, MAXCH, CHUNK)
    colm = jnp.concatenate([edge_index[1], pad]).reshape(NW, MAXCH, CHUNK)
    xp = jnp.pad(x, ((0, NP - N), (0, 0)))
    b2 = b.reshape(1, F)

    deg2, rowp = _sc_deg(rowm, colm)
    disb, g = _tc_prep(deg2.reshape(NC, NP), xp)

    acc2 = _sc_prop(g, rowp, colm)
    tx1, g = _tc_comb1(acc2, disb)

    txs = [xp, tx1]
    for _ in range(2, K):
        acc2 = _sc_prop(g, rowp, colm)
        txk, g = _tc_comb(acc2, disb, txs[-2])
        txs.append(txk)

    out = _tc_final(txs, W, b2)
    return out[:N]

# --- scband reference (transcript-rebuilt; emitter-appended) ---
"""Pipeline reference for scband-cheb-net-45681272160993 (READ-ONLY COPY).

The authoritative reference and input builder live on the scoring server;
editing this copy changes nothing except your own understanding.
"""

import jax, jax.numpy as jnp
import numpy as np

N = 10000
E = 320000
IN = 128
OUT = 128
K = 5


def setup_inputs(seed: int = 0) -> dict:
    key = jax.random.key(seed)
    ks = jax.random.split(key, 4)
    x = jax.random.normal(ks[0], (N, IN), dtype=jnp.float32)
    edge_index = jax.random.randint(ks[1], (2, E), 0, N, dtype=jnp.int32)
    # ChebConv parameters: K linear layers (no per-layer bias) + one shared bias
    W = jax.random.normal(ks[2], (K, IN, OUT), dtype=jnp.float32) * (1.0 / np.sqrt(IN))
    b = jnp.zeros((OUT,), dtype=jnp.float32)
    return {"x": x, "edge_index": edge_index, "W": W, "b": b}


def reference(x, edge_index, W, b):
    # F.dropout with training=False is identity (eval-mode reference).
    row = edge_index[0]
    col = edge_index[1]
    # get_laplacian('sym') with remove_self_loops, then scaled by 2/lambda_max
    # with lambda_max=2.0: scaled Laplacian off-diagonal weights are
    # -D^{-1/2} A D^{-1/2}; diagonal becomes 0 and drops out.
    ew = jnp.ones((E,), dtype=x.dtype)
    ew = ew * (row != col).astype(x.dtype)  # remove self-loops
    deg = jax.ops.segment_sum(ew, row, num_segments=N)
    deg_inv_sqrt = jnp.where(deg > 0, 1.0 / jnp.sqrt(deg), 0.0)
    norm = -(deg_inv_sqrt[row] * ew * deg_inv_sqrt[col])

    def prop(h):
        msg = norm[:, None] * jnp.take(h, row, axis=0)
        return jax.ops.segment_sum(msg, col, num_segments=N)

    Tx0 = x
    out = Tx0 @ W[0]
    Tx1 = prop(x)
    out = out + Tx1 @ W[1]
    for k in range(2, K):
        Tx2 = 2.0 * prop(Tx1) - Tx0
        out = out + Tx2 @ W[k]
        Tx0, Tx1 = Tx1, Tx2
    out = out + b
    return jax.nn.relu(out)

if __name__ == "__main__":
    import jax
    _d = setup_inputs()
    print(jax.jit(kernel)(*tuple(_d.values())))

</pallas_src>

<mosaic_0001>
#map = affine_map<(d0, d1) -> (0, 0)>
#map1 = affine_map<(d0, d1) -> (0, 0, 0)>
module attributes {stable_mosaic.version = 14 : i64} {
  func.func @body(%arg0: i32, %arg1: i32, %arg2: memref<10240x128xf32, #tpu.memory_space<hbm>>, %arg3: memref<32x79x128xi32, #tpu.memory_space<hbm>>, %arg4: memref<32x79x128xi32, #tpu.memory_space<hbm>>, %arg5: memref<2x10240x128xf32, #tpu.memory_space<hbm>>, %arg6: memref<40x128xi32, #tpu.memory_space<vmem>>, %arg7: memref<40x128xi32, #tpu.memory_space<vmem>>, %arg8: memref<128x128xf32, #tpu.memory_space<vmem>>, %arg9: memref<128x128xf32, #tpu.memory_space<vmem>>, %arg10: memref<!tpu.dma_semaphore, #tpu.memory_space<semaphore_mem>>, %arg11: memref<!tpu.dma_semaphore, #tpu.memory_space<semaphore_mem>>, %arg12: memref<10240x128xf32, #tpu.memory_space<vmem_shared>>) attributes {dimension_semantics = [#tpu.dimension_semantics<core_parallel>, #tpu.dimension_semantics<subcore_parallel>], iteration_bounds = array<i64: 2, 16>, scalar_prefetch = 0 : i64, scratch_operands = 7 : i64, tpu.core_type = #tpu.core_type<sc_vector_subcore>, window_params = [{transform_indices = #map}, {transform_indices = #map1}, {transform_indices = #map1}, {transform_indices = #map1}]} {
    %broadcast_in_dim3A = arith.constant 0.000000e+00 : f32
    %broadcast_in_dim3A_0 = vector.broadcast %broadcast_in_dim3A : f32 to vector<16xf32>
    %mul3A = arith.constant 16 : i32
    %mul3A_1 = arith.muli %arg0, %mul3A : i32
    %add3A = arith.addi %mul3A_1, %arg1 : i32
    %scan3A = arith.constant 0 : i32
    %scan3A_2 = arith.constant 0 : i32
    %scan3A_3 = arith.constant 128 : i32
    %scan3A_4 = arith.addi %scan3A_2, %scan3A_3 : i32
    %scan3A_5 = arith.constant 1 : i32
    %scan3A_6 = scf.for %scan3A_60 = %scan3A_2 to %scan3A_4 step %scan3A_5 iter_args(%scan3A_61 = %scan3A) -> (i32)  : i32 {
      %swap3A = arith.index_cast %scan3A_60 : i32 to index
      %swap3A_62 = arith.constant 0 : index
      %swap3A_63 = tpu.vector_load %arg8[%swap3A, %swap3A_62] {strides = array<i32>} : memref<128x128xf32, #tpu.memory_space<vmem>>, vector<16xf32>,
      tpu.vector_store %arg8[%swap3A, %swap3A_62], %broadcast_in_dim3A_0 {strides = array<i32>} : memref<128x128xf32, #tpu.memory_space<vmem>>, vector<16xf32>,
      %swap3A_64 = arith.index_cast %scan3A_60 : i32 to index
      %swap3A_65 = arith.constant 16 : index
      %swap3A_66 = tpu.vector_load %arg8[%swap3A_64, %swap3A_65] {strides = array<i32>} : memref<128x128xf32, #tpu.memory_space<vmem>>, vector<16xf32>,
      tpu.vector_store %arg8[%swap3A_64, %swap3A_65], %broadcast_in_dim3A_0 {strides = array<i32>} : memref<128x128xf32, #tpu.memory_space<vmem>>, vector<16xf32>,
      %swap3A_67 = arith.index_cast %scan3A_60 : i32 to index
      %swap3A_68 = arith.constant 32 : index
      %swap3A_69 = tpu.vector_load %arg8[%swap3A_67, %swap3A_68] {strides = array<i32>} : memref<128x128xf32, #tpu.memory_space<vmem>>, vector<16xf32>,
      tpu.vector_store %arg8[%swap3A_67, %swap3A_68], %broadcast_in_dim3A_0 {strides = array<i32>} : memref<128x128xf32, #tpu.memory_space<vmem>>, vector<16xf32>,
      %swap3A_70 = arith.index_cast %scan3A_60 : i32 to index
      %swap3A_71 = arith.constant 48 : index
      %swap3A_72 = tpu.vector_load %arg8[%swap3A_70, %swap3A_71] {strides = array<i32>} : memref<128x128xf32, #tpu.memory_space<vmem>>, vector<16xf32>,
      tpu.vector_store %arg8[%swap3A_70, %swap3A_71], %broadcast_in_dim3A_0 {strides = array<i32>} : memref<128x128xf32, #tpu.memory_space<vmem>>, vector<16xf32>,
      %swap3A_73 = arith.index_cast %scan3A_60 : i32 to index
      %swap3A_74 = arith.constant 64 : index
      %swap3A_75 = tpu.vector_load %arg8[%swap3A_73, %swap3A_74] {strides = array<i32>} : memref<128x128xf32, #tpu.memory_space<vmem>>, vector<16xf32>,
      tpu.vector_store %arg8[%swap3A_73, %swap3A_74], %broadcast_in_dim3A_0 {strides = array<i32>} : memref<128x128xf32, #tpu.memory_space<vmem>>, vector<16xf32>,
      %swap3A_76 = arith.index_cast %scan3A_60 : i32 to index
      %swap3A_77 = arith.constant 80 : index
      %swap3A_78 = tpu.vector_load %arg8[%swap3A_76, %swap3A_77] {strides = array<i32>} : memref<128x128xf32, #tpu.memory_space<vmem>>, vector<16xf32>,
      tpu.vector_store %arg8[%swap3A_76, %swap3A_77], %broadcast_in_dim3A_0 {strides = array<i32>} : memref<128x128xf32, #tpu.memory_space<vmem>>, vector<16xf32>,
      %swap3A_79 = arith.index_cast %scan3A_60 : i32 to index
      %swap3A_80 = arith.constant 96 : index
      %swap3A_81 = tpu.vector_load %arg8[%swap3A_79, %swap3A_80] {strides = array<i32>} : memref<128x128xf32, #tpu.memory_space<vmem>>, vector<16xf32>,
      tpu.vector_store %arg8[%swap3A_79, %swap3A_80], %broadcast_in_dim3A_0 {strides = array<i32>} : memref<128x128xf32, #tpu.memory_space<vmem>>, vector<16xf32>,
      %swap3A_82 = arith.index_cast %scan3A_60 : i32 to index
      %swap3A_83 = arith.constant 112 : index
      %swap3A_84 = tpu.vector_load %arg8[%swap3A_82, %swap3A_83] {strides = array<i32>} : memref<128x128xf32, #tpu.memory_space<vmem>>, vector<16xf32>,
      tpu.vector_store %arg8[%swap3A_82, %swap3A_83], %broadcast_in_dim3A_0 {strides = array<i32>} : memref<128x128xf32, #tpu.memory_space<vmem>>, vector<16xf32>,
      %scan3A_85 = arith.constant 0 : i32
      scf.yield %scan3A_85 : i32
    }
    %scan3A_7 = arith.constant 128 : i32
    %mul3A_8 = arith.constant 640 : i32
    %mul3A_9 = arith.muli %arg1, %mul3A_8 : i32
    %add3A_10 = arith.constant 0 : i32
    %add3A_11 = arith.addi %mul3A_9, %add3A_10 : i32
    "tpu.region"() ({
      %run_scoped3A = tpu.sem_alloc : memref<!tpu.dma_semaphore, #tpu.memory_space<semaphore_mem>>
      %dma_start3A_60 = arith.constant 0 : i32
      %dma_start3A_61 = tpu.memref_slice %arg12[%add3A_11, %dma_start3A_60] : memref<10240x128xf32, #tpu.memory_space<vmem_shared>> -> memref<128x128xf32, #tpu.memory_space<vmem_shared>>
      %dma_start3A_62 = arith.constant 0 : i32
      %dma_start3A_63 = tpu.memref_slice %arg12[%add3A_11, %dma_start3A_62] : memref<10240x128xf32, #tpu.memory_space<vmem_shared>> -> memref<128x128xf32, #tpu.memory_space<vmem_shared>>
      tpu.enqueue_dma source(%arg8 : memref<128x128xf32, #tpu.memory_space<vmem>>) target(%dma_start3A_63 : memref<128x128xf32, #tpu.memory_space<vmem_shared>>) target_semaphore(%run_scoped3A : memref<!tpu.dma_semaphore, #tpu.memory_space<semaphore_mem>>)
      %dma_wait3A = arith.constant 0 : i32
      %dma_wait3A_64 = tpu.memref_slice %arg12[%add3A_11, %dma_wait3A] : memref<10240x128xf32, #tpu.memory_space<vmem_shared>> -> memref<128x128xf32, #tpu.memory_space<vmem_shared>>
      %dma_wait3A_65 = arith.constant 0 : i32
      %dma_wait3A_66 = tpu.memref_slice %arg12[%add3A_11, %dma_wait3A_65] : memref<10240x128xf32, #tpu.memory_space<vmem_shared>> -> memref<128x128xf32, #tpu.memory_space<vmem_shared>>
      tpu.wait_dma2 semaphore(%run_scoped3A : memref<!tpu.dma_semaphore, #tpu.memory_space<semaphore_mem>>) src(%arg8 : memref<128x128xf32, #tpu.memory_space<vmem>>) dst(%dma_wait3A_66 : memref<128x128xf32, #tpu.memory_space<vmem_shared>>)
      tpu.yield
    }) : () -> ()
    %mul3A_12 = arith.constant 640 : i32
    %mul3A_13 = arith.muli %arg1, %mul3A_12 : i32
    %add3A_14 = arith.constant 128 : i32
    %add3A_15 = arith.addi %mul3A_13, %add3A_14 : i32
    "tpu.region"() ({
      %run_scoped3A = tpu.sem_alloc : memref<!tpu.dma_semaphore, #tpu.memory_space<semaphore_mem>>
      %dma_start3A_60 = arith.constant 0 : i32
      %dma_start3A_61 = tpu.memref_slice %arg12[%add3A_15, %dma_start3A_60] : memref<10240x128xf32, #tpu.memory_space<vmem_shared>> -> memref<128x128xf32, #tpu.memory_space<vmem_shared>>
      %dma_start3A_62 = arith.constant 0 : i32
      %dma_start3A_63 = tpu.memref_slice %arg12[%add3A_15, %dma_start3A_62] : memref<10240x128xf32, #tpu.memory_space<vmem_shared>> -> memref<128x128xf32, #tpu.memory_space<vmem_shared>>
      tpu.enqueue_dma source(%arg8 : memref<128x128xf32, #tpu.memory_space<vmem>>) target(%dma_start3A_63 : memref<128x128xf32, #tpu.memory_space<vmem_shared>>) target_semaphore(%run_scoped3A : memref<!tpu.dma_semaphore, #tpu.memory_space<semaphore_mem>>)
      %dma_wait3A = arith.constant 0 : i32
      %dma_wait3A_64 = tpu.memref_slice %arg12[%add3A_15, %dma_wait3A] : memref<10240x128xf32, #tpu.memory_space<vmem_shared>> -> memref<128x128xf32, #tpu.memory_space<vmem_shared>>
      %dma_wait3A_65 = arith.constant 0 : i32
      %dma_wait3A_66 = tpu.memref_slice %arg12[%add3A_15, %dma_wait3A_65] : memref<10240x128xf32, #tpu.memory_space<vmem_shared>> -> memref<128x128xf32, #tpu.memory_space<vmem_shared>>
      tpu.wait_dma2 semaphore(%run_scoped3A : memref<!tpu.dma_semaphore, #tpu.memory_space<semaphore_mem>>) src(%arg8 : memref<128x128xf32, #tpu.memory_space<vmem>>) dst(%dma_wait3A_66 : memref<128x128xf32, #tpu.memory_space<vmem_shared>>)
      tpu.yield
    }) : () -> ()
    %mul3A_16 = arith.constant 640 : i32
    %mul3A_17 = arith.muli %arg1, %mul3A_16 : i32
    %add3A_18 = arith.constant 256 : i32
    %add3A_19 = arith.addi %mul3A_17, %add3A_18 : i32
    "tpu.region"() ({
      %run_scoped3A = tpu.sem_alloc : memref<!tpu.dma_semaphore, #tpu.memory_space<semaphore_mem>>
      %dma_start3A_60 = arith.constant 0 : i32
      %dma_start3A_61 = tpu.memref_slice %arg12[%add3A_19, %dma_start3A_60] : memref<10240x128xf32, #tpu.memory_space<vmem_shared>> -> memref<128x128xf32, #tpu.memory_space<vmem_shared>>
      %dma_start3A_62 = arith.constant 0 : i32
      %dma_start3A_63 = tpu.memref_slice %arg12[%add3A_19, %dma_start3A_62] : memref<10240x128xf32, #tpu.memory_space<vmem_shared>> -> memref<128x128xf32, #tpu.memory_space<vmem_shared>>
      tpu.enqueue_dma source(%arg8 : memref<128x128xf32, #tpu.memory_space<vmem>>) target(%dma_start3A_63 : memref<128x128xf32, #tpu.memory_space<vmem_shared>>) target_semaphore(%run_scoped3A : memref<!tpu.dma_semaphore, #tpu.memory_space<semaphore_mem>>)
      %dma_wait3A = arith.constant 0 : i32
      %dma_wait3A_64 = tpu.memref_slice %arg12[%add3A_19, %dma_wait3A] : memref<10240x128xf32, #tpu.memory_space<vmem_shared>> -> memref<128x128xf32, #tpu.memory_space<vmem_shared>>
      %dma_wait3A_65 = arith.constant 0 : i32
      %dma_wait3A_66 = tpu.memref_slice %arg12[%add3A_19, %dma_wait3A_65] : memref<10240x128xf32, #tpu.memory_space<vmem_shared>> -> memref<128x128xf32, #tpu.memory_space<vmem_shared>>
      tpu.wait_dma2 semaphore(%run_scoped3A : memref<!tpu.dma_semaphore, #tpu.memory_space<semaphore_mem>>) src(%arg8 : memref<128x128xf32, #tpu.memory_space<vmem>>) dst(%dma_wait3A_66 : memref<128x128xf32, #tpu.memory_space<vmem_shared>>)
      tpu.yield
    }) : () -> ()
    %mul3A_20 = arith.constant 640 : i32
    %mul3A_21 = arith.muli %arg1, %mul3A_20 : i32
    %add3A_22 = arith.constant 384 : i32
    %add3A_23 = arith.addi %mul3A_21, %add3A_22 : i32
    "tpu.region"() ({
      %run_scoped3A = tpu.sem_alloc : memref<!tpu.dma_semaphore, #tpu.memory_space<semaphore_mem>>
      %dma_start3A_60 = arith.constant 0 : i32
      %dma_start3A_61 = tpu.memref_slice %arg12[%add3A_23, %dma_start3A_60] : memref<10240x128xf32, #tpu.memory_space<vmem_shared>> -> memref<128x128xf32, #tpu.memory_space<vmem_shared>>
      %dma_start3A_62 = arith.constant 0 : i32
      %dma_start3A_63 = tpu.memref_slice %arg12[%add3A_23, %dma_start3A_62] : memref<10240x128xf32, #tpu.memory_space<vmem_shared>> -> memref<128x128xf32, #tpu.memory_space<vmem_shared>>
      tpu.enqueue_dma source(%arg8 : memref<128x128xf32, #tpu.memory_space<vmem>>) target(%dma_start3A_63 : memref<128x128xf32, #tpu.memory_space<vmem_shared>>) target_semaphore(%run_scoped3A : memref<!tpu.dma_semaphore, #tpu.memory_space<semaphore_mem>>)
      %dma_wait3A = arith.constant 0 : i32
      %dma_wait3A_64 = tpu.memref_slice %arg12[%add3A_23, %dma_wait3A] : memref<10240x128xf32, #tpu.memory_space<vmem_shared>> -> memref<128x128xf32, #tpu.memory_space<vmem_shared>>
      %dma_wait3A_65 = arith.constant 0 : i32
      %dma_wait3A_66 = tpu.memref_slice %arg12[%add3A_23, %dma_wait3A_65] : memref<10240x128xf32, #tpu.memory_space<vmem_shared>> -> memref<128x128xf32, #tpu.memory_space<vmem_shared>>
      tpu.wait_dma2 semaphore(%run_scoped3A : memref<!tpu.dma_semaphore, #tpu.memory_space<semaphore_mem>>) src(%arg8 : memref<128x128xf32, #tpu.memory_space<vmem>>) dst(%dma_wait3A_66 : memref<128x128xf32, #tpu.memory_space<vmem_shared>>)
      tpu.yield
    }) : () -> ()
    %mul3A_24 = arith.constant 640 : i32
    %mul3A_25 = arith.muli %arg1, %mul3A_24 : i32
    %add3A_26 = arith.constant 512 : i32
    %add3A_27 = arith.addi %mul3A_25, %add3A_26 : i32
    "tpu.region"() ({
      %run_scoped3A = tpu.sem_alloc : memref<!tpu.dma_semaphore, #tpu.memory_space<semaphore_mem>>
      %dma_start3A_60 = arith.constant 0 : i32
      %dma_start3A_61 = tpu.memref_slice %arg12[%add3A_27, %dma_start3A_60] : memref<10240x128xf32, #tpu.memory_space<vmem_shared>> -> memref<128x128xf32, #tpu.memory_space<vmem_shared>>
      %dma_start3A_62 = arith.constant 0 : i32
      %dma_start3A_63 = tpu.memref_slice %arg12[%add3A_27, %dma_start3A_62] : memref<10240x128xf32, #tpu.memory_space<vmem_shared>> -> memref<128x128xf32, #tpu.memory_space<vmem_shared>>
      tpu.enqueue_dma source(%arg8 : memref<128x128xf32, #tpu.memory_space<vmem>>) target(%dma_start3A_63 : memref<128x128xf32, #tpu.memory_space<vmem_shared>>) target_semaphore(%run_scoped3A : memref<!tpu.dma_semaphore, #tpu.memory_space<semaphore_mem>>)
      %dma_wait3A = arith.constant 0 : i32
      %dma_wait3A_64 = tpu.memref_slice %arg12[%add3A_27, %dma_wait3A] : memref<10240x128xf32, #tpu.memory_space<vmem_shared>> -> memref<128x128xf32, #tpu.memory_space<vmem_shared>>
      %dma_wait3A_65 = arith.constant 0 : i32
      %dma_wait3A_66 = tpu.memref_slice %arg12[%add3A_27, %dma_wait3A_65] : memref<10240x128xf32, #tpu.memory_space<vmem_shared>> -> memref<128x128xf32, #tpu.memory_space<vmem_shared>>
      tpu.wait_dma2 semaphore(%run_scoped3A : memref<!tpu.dma_semaphore, #tpu.memory_space<semaphore_mem>>) src(%arg8 : memref<128x128xf32, #tpu.memory_space<vmem>>) dst(%dma_wait3A_66 : memref<128x128xf32, #tpu.memory_space<vmem_shared>>)
      tpu.yield
    }) : () -> ()
    %barrier3A = arith.constant 0 : index
    tpu.barrier barrier_id(%barrier3A)
    "tpu.region"() ({
      %run_scoped3A = tpu.sem_alloc : memref<!tpu.dma_semaphore, #tpu.memory_space<semaphore_mem>>
      %dma_start3A_60 = arith.constant 0 : i32
      %dma_start3A_61 = arith.constant 0 : i32
      %dma_start3A_62 = tpu.memref_slice %arg6[%dma_start3A_60, %dma_start3A_61] : memref<40x128xi32, #tpu.memory_space<vmem>> -> memref<40x128xi32, #tpu.memory_space<vmem>>
      %dma_start3A_63 = arith.constant 0 : i32
      %dma_start3A_64 = arith.constant 0 : i32
      %dma_start3A_65 = tpu.memref_slice %arg3[%add3A, %dma_start3A_63, %dma_start3A_64] : memref<32x79x128xi32, #tpu.memory_space<hbm>> -> memref<1x40x128xi32, #tpu.memory_space<hbm>>
      %dma_start3A_66 = tpu.memref_squeeze %dma_start3A_65 : memref<1x40x128xi32, #tpu.memory_space<hbm>> -> memref<40x128xi32, #tpu.memory_space<hbm>>
      %dma_start3A_67 = arith.constant 0 : i32
      %dma_start3A_68 = arith.constant 0 : i32
      %dma_start3A_69 = tpu.memref_slice %arg6[%dma_start3A_67, %dma_start3A_68] : memref<40x128xi32, #tpu.memory_space<vmem>> -> memref<40x128xi32, #tpu.memory_space<vmem>>
      %dma_start3A_70 = arith.constant 0 : i32
      %dma_start3A_71 = arith.constant 0 : i32
      %dma_start3A_72 = tpu.memref_slice %arg3[%add3A, %dma_start3A_70, %dma_start3A_71] : memref<32x79x128xi32, #tpu.memory_space<hbm>> -> memref<1x40x128xi32, #tpu.memory_space<hbm>>
      %dma_start3A_73 = tpu.memref_squeeze %dma_start3A_72 : memref<1x40x128xi32, #tpu.memory_space<hbm>> -> memref<40x128xi32, #tpu.memory_space<hbm>>
      tpu.enqueue_dma source(%dma_start3A_73 : memref<40x128xi32, #tpu.memory_space<hbm>>) target(%dma_start3A_69 : memref<40x128xi32, #tpu.memory_space<vmem>>) target_semaphore(%run_scoped3A : memref<!tpu.dma_semaphore, #tpu.memory_space<semaphore_mem>>)
      %dma_wait3A = arith.constant 0 : i32
      %dma_wait3A_74 = arith.constant 0 : i32
      %dma_wait3A_75 = tpu.memref_slice %arg6[%dma_wait3A, %dma_wait3A_74] : memref<40x128xi32, #tpu.memory_space<vmem>> -> memref<40x128xi32, #tpu.memory_space<vmem>>
      %dma_wait3A_76 = arith.constant 0 : i32
      %dma_wait3A_77 = arith.constant 0 : i32
      %dma_wait3A_78 = tpu.memref_slice %arg3[%add3A, %dma_wait3A_76, %dma_wait3A_77] : memref<32x79x128xi32, #tpu.memory_space<hbm>> -> memref<1x40x128xi32, #tpu.memory_space<hbm>>
      %dma_wait3A_79 = tpu.memref_squeeze %dma_wait3A_78 : memref<1x40x128xi32, #tpu.memory_space<hbm>> -> memref<40x128xi32, #tpu.memory_space<hbm>>
      %dma_wait3A_80 = arith.constant 0 : i32
      %dma_wait3A_81 = arith.constant 0 : i32
      %dma_wait3A_82 = tpu.memref_slice %arg6[%dma_wait3A_80, %dma_wait3A_81] : memref<40x128xi32, #tpu.memory_space<vmem>> -> memref<40x128xi32, #tpu.memory_space<vmem>>
      %dma_wait3A_83 = arith.constant 0 : i32
      %dma_wait3A_84 = arith.constant 0 : i32
      %dma_wait3A_85 = tpu.memref_slice %arg3[%add3A, %dma_wait3A_83, %dma_wait3A_84] : memref<32x79x128xi32, #tpu.memory_space<hbm>> -> memref<1x40x128xi32, #tpu.memory_space<hbm>>
      %dma_wait3A_86 = tpu.memref_squeeze %dma_wait3A_85 : memref<1x40x128xi32, #tpu.memory_space<hbm>> -> memref<40x128xi32, #tpu.memory_space<hbm>>
      tpu.wait_dma2 semaphore(%run_scoped3A : memref<!tpu.dma_semaphore, #tpu.memory_space<semaphore_mem>>) src(%dma_wait3A_86 : memref<40x128xi32, #tpu.memory_space<hbm>>) dst(%dma_wait3A_82 : memref<40x128xi32, #tpu.memory_space<vmem>>)
      tpu.yield
    }) : () -> ()
    "tpu.region"() ({
      %run_scoped3A = tpu.sem_alloc : memref<!tpu.dma_semaphore, #tpu.memory_space<semaphore_mem>>
      %dma_start3A_60 = arith.constant 0 : i32
      %dma_start3A_61 = arith.constant 0 : i32
      %dma_start3A_62 = tpu.memref_slice %arg7[%dma_start3A_60, %dma_start3A_61] : memref<40x128xi32, #tpu.memory_space<vmem>> -> memref<40x128xi32, #tpu.memory_space<vmem>>
      %dma_start3A_63 = arith.constant 0 : i32
      %dma_start3A_64 = arith.constant 0 : i32
      %dma_start3A_65 = tpu.memref_slice %arg4[%add3A, %dma_start3A_63, %dma_start3A_64] : memref<32x79x128xi32, #tpu.memory_space<hbm>> -> memref<1x40x128xi32, #tpu.memory_space<hbm>>
      %dma_start3A_66 = tpu.memref_squeeze %dma_start3A_65 : memref<1x40x128xi32, #tpu.memory_space<hbm>> -> memref<40x128xi32, #tpu.memory_space<hbm>>
      %dma_start3A_67 = arith.constant 0 : i32
      %dma_start3A_68 = arith.constant 0 : i32
      %dma_start3A_69 = tpu.memref_slice %arg7[%dma_start3A_67, %dma_start3A_68] : memref<40x128xi32, #tpu.memory_space<vmem>> -> memref<40x128xi32, #tpu.memory_space<vmem>>
      %dma_start3A_70 = arith.constant 0 : i32
      %dma_start3A_71 = arith.constant 0 : i32
      %dma_start3A_72 = tpu.memref_slice %arg4[%add3A, %dma_start3A_70, %dma_start3A_71] : memref<32x79x128xi32, #tpu.memory_space<hbm>> -> memref<1x40x128xi32, #tpu.memory_space<hbm>>
      %dma_start3A_73 = tpu.memref_squeeze %dma_start3A_72 : memref<1x40x128xi32, #tpu.memory_space<hbm>> -> memref<40x128xi32, #tpu.memory_space<hbm>>
      tpu.enqueue_dma source(%dma_start3A_73 : memref<40x128xi32, #tpu.memory_space<hbm>>) target(%dma_start3A_69 : memref<40x128xi32, #tpu.memory_space<vmem>>) target_semaphore(%run_scoped3A : memref<!tpu.dma_semaphore, #tpu.memory_space<semaphore_mem>>)
      %dma_wait3A = arith.constant 0 : i32
      %dma_wait3A_74 = arith.constant 0 : i32
      %dma_wait3A_75 = tpu.memref_slice %arg7[%dma_wait3A, %dma_wait3A_74] : memref<40x128xi32, #tpu.memory_space<vmem>> -> memref<40x128xi32, #tpu.memory_space<vmem>>
      %dma_wait3A_76 = arith.constant 0 : i32
      %dma_wait3A_77 = arith.constant 0 : i32
      %dma_wait3A_78 = tpu.memref_slice %arg4[%add3A, %dma_wait3A_76, %dma_wait3A_77] : memref<32x79x128xi32, #tpu.memory_space<hbm>> -> memref<1x40x128xi32, #tpu.memory_space<hbm>>
      %dma_wait3A_79 = tpu.memref_squeeze %dma_wait3A_78 : memref<1x40x128xi32, #tpu.memory_space<hbm>> -> memref<40x128xi32, #tpu.memory_space<hbm>>
      %dma_wait3A_80 = arith.constant 0 : i32
      %dma_wait3A_81 = arith.constant 0 : i32
      %dma_wait3A_82 = tpu.memref_slice %arg7[%dma_wait3A_80, %dma_wait3A_81] : memref<40x128xi32, #tpu.memory_space<vmem>> -> memref<40x128xi32, #tpu.memory_space<vmem>>
      %dma_wait3A_83 = arith.constant 0 : i32
      %dma_wait3A_84 = arith.constant 0 : i32
      %dma_wait3A_85 = tpu.memref_slice %arg4[%add3A, %dma_wait3A_83, %dma_wait3A_84] : memref<32x79x128xi32, #tpu.memory_space<hbm>> -> memref<1x40x128xi32, #tpu.memory_space<hbm>>
      %dma_wait3A_86 = tpu.memref_squeeze %dma_wait3A_85 : memref<1x40x128xi32, #tpu.memory_space<hbm>> -> memref<40x128xi32, #tpu.memory_space<hbm>>
      tpu.wait_dma2 semaphore(%run_scoped3A : memref<!tpu.dma_semaphore, #tpu.memory_space<semaphore_mem>>) src(%dma_wait3A_86 : memref<40x128xi32, #tpu.memory_space<hbm>>) dst(%dma_wait3A_82 : memref<40x128xi32, #tpu.memory_space<vmem>>)
      tpu.yield
    }) : () -> ()
    %dma_start3A = arith.constant 0 : i32
    %dma_start3A_28 = arith.constant 0 : i32
    %dma_start3A_29 = tpu.memref_slice %arg6[%dma_start3A, %dma_start3A_28] : memref<40x128xi32, #tpu.memory_space<vmem>> -> memref<1x128xi32, #tpu.memory_space<vmem>>
    %dma_start3A_30 = tpu.memref_squeeze %dma_start3A_29 : memref<1x128xi32, #tpu.memory_space<vmem>> -> memref<128xi32, #tpu.memory_space<vmem>>
    %dma_start3A_31 = arith.constant 0 : i32
    %dma_start3A_32 = arith.constant 0 : i32
    %dma_start3A_33 = tpu.memref_slice %arg2[%dma_start3A_31, %dma_start3A_32] : memref<10240x128xf32, #tpu.memory_space<hbm>> -> memref<10240x128xf32, #tpu.memory_space<hbm>>
    tpu.enqueue_indirect_dma source(%dma_start3A_33 : memref<10240x128xf32, #tpu.memory_space<hbm>>) target(%arg8 : memref<128x128xf32, #tpu.memory_space<vmem>>) offsets(%dma_start3A_30 : memref<128xi32, #tpu.memory_space<vmem>>) semaphore(%arg10 : memref<!tpu.dma_semaphore, #tpu.memory_space<semaphore_mem>>)
    %scan3A_34 = arith.constant 0 : i32
    %scan3A_35 = arith.constant 0 : i32
    %scan3A_36 = arith.constant 20 : i32
    %scan3A_37 = arith.addi %scan3A_35, %scan3A_36 : i32
    %scan3A_38 = arith.constant 1 : i32
    %scan3A_39 = scf.for %scan3A_60 = %scan3A_35 to %scan3A_37 step %scan3A_38 iter_args(%scan3A_61 = %scan3A_34) -> (i32)  : i32 {
      %mul3A_62 = arith.constant 2 : i32
      %mul3A_63 = arith.muli %mul3A_62, %scan3A_60 : i32
      %add3A_64 = arith.constant 1 : i32
      %add3A_65 = arith.addi %mul3A_63, %add3A_64 : i32
      %lt3A = arith.constant 40 : i32
      %lt3A_66 = arith.cmpi slt, %add3A_65, %lt3A : i32
      %convert_element_type3A = arith.extui %lt3A_66 : i1 to i32
      %cond3A = arith.constant 0 : i32
      %cond3A_67 = arith.cmpi ne, %convert_element_type3A, %cond3A : i32
      scf.if %cond3A_67 {
        %dma_start3A_86 = arith.constant 0 : i32
        %dma_start3A_87 = tpu.memref_slice %arg6[%add3A_65, %dma_start3A_86] : memref<40x128xi32, #tpu.memory_space<vmem>> -> memref<1x128xi32, #tpu.memory_space<vmem>>
        %dma_start3A_88 = tpu.memref_squeeze %dma_start3A_87 : memref<1x128xi32, #tpu.memory_space<vmem>> -> memref<128xi32, #tpu.memory_space<vmem>>
        %dma_start3A_89 = arith.constant 0 : i32
        %dma_start3A_90 = arith.constant 0 : i32
        %dma_start3A_91 = tpu.memref_slice %arg2[%dma_start3A_89, %dma_start3A_90] : memref<10240x128xf32, #tpu.memory_space<hbm>> -> memref<10240x128xf32, #tpu.memory_space<hbm>>
        tpu.enqueue_indirect_dma source(%dma_start3A_91 : memref<10240x128xf32, #tpu.memory_space<hbm>>) target(%arg9 : memref<128x128xf32, #tpu.memory_space<vmem>>) offsets(%dma_start3A_88 : memref<128xi32, #tpu.memory_space<vmem>>) semaphore(%arg11 : memref<!tpu.dma_semaphore, #tpu.memory_space<semaphore_mem>>)
      } else {
      }
      %dma_wait3A = arith.constant 0 : i32
      %dma_wait3A_68 = tpu.memref_slice %arg6[%mul3A_63, %dma_wait3A] : memref<40x128xi32, #tpu.memory_space<vmem>> -> memref<1x128xi32, #tpu.memory_space<vmem>>
      %dma_wait3A_69 = tpu.memref_squeeze %dma_wait3A_68 : memref<1x128xi32, #tpu.memory_space<vmem>> -> memref<128xi32, #tpu.memory_space<vmem>>
      %dma_wait3A_70 = arith.constant 0 : i32
      %dma_wait3A_71 = arith.constant 0 : i32
      %dma_wait3A_72 = tpu.memref_slice %arg2[%dma_wait3A_70, %dma_wait3A_71] : memref<10240x128xf32, #tpu.memory_space<hbm>> -> memref<10240x128xf32, #tpu.memory_space<hbm>>
      tpu.wait_indirect_dma semaphore(%arg10 : memref<!tpu.dma_semaphore, #tpu.memory_space<semaphore_mem>>) src(%dma_wait3A_72 : memref<10240x128xf32, #tpu.memory_space<hbm>>) dst(%arg8 : memref<128x128xf32, #tpu.memory_space<vmem>>)
      "tpu.region"() ({
        %run_scoped3A = tpu.sem_alloc : memref<!tpu.dma_semaphore, #tpu.memory_space<semaphore_mem>>
        %dma_start3A_86 = arith.constant 0 : i32
        %dma_start3A_87 = tpu.memref_slice %arg7[%mul3A_63, %dma_start3A_86] : memref<40x128xi32, #tpu.memory_space<vmem>> -> memref<1x128xi32, #tpu.memory_space<vmem>>
        %dma_start3A_88 = tpu.memref_squeeze %dma_start3A_87 : memref<1x128xi32, #tpu.memory_space<vmem>> -> memref<128xi32, #tpu.memory_space<vmem>>
        %dma_start3A_89 = arith.constant 0 : i32
        %dma_start3A_90 = arith.constant 0 : i32
        %dma_start3A_91 = tpu.memref_slice %arg12[%dma_start3A_89, %dma_start3A_90] : memref<10240x128xf32, #tpu.memory_space<vmem_shared>> -> memref<10240x128xf32, #tpu.memory_space<vmem_shared>>
        tpu.enqueue_indirect_dma source(%arg8 : memref<128x128xf32, #tpu.memory_space<vmem>>) target(%dma_start3A_91 : memref<10240x128xf32, #tpu.memory_space<vmem_shared>>) offsets(%dma_start3A_88 : memref<128xi32, #tpu.memory_space<vmem>>) semaphore(%run_scoped3A : memref<!tpu.dma_semaphore, #tpu.memory_space<semaphore_mem>>) {add = true}
        %dma_wait3A_92 = arith.constant 0 : i32
        %dma_wait3A_93 = tpu.memref_slice %arg7[%mul3A_63, %dma_wait3A_92] : memref<40x128xi32, #tpu.memory_space<vmem>> -> memref<1x128xi32, #tpu.memory_space<vmem>>
        %dma_wait3A_94 = tpu.memref_squeeze %dma_wait3A_93 : memref<1x128xi32, #tpu.memory_space<vmem>> -> memref<128xi32, #tpu.memory_space<vmem>>
        %dma_wait3A_95 = arith.constant 0 : i32
        %dma_wait3A_96 = arith.constant 0 : i32
        %dma_wait3A_97 = tpu.memref_slice %arg12[%dma_wait3A_95, %dma_wait3A_96] : memref<10240x128xf32, #tpu.memory_space<vmem_shared>> -> memref<10240x128xf32, #tpu.memory_space<vmem_shared>>
        tpu.wait_indirect_dma semaphore(%run_scoped3A : memref<!tpu.dma_semaphore, #tpu.memory_space<semaphore_mem>>) src(%arg8 : memref<128x128xf32, #tpu.memory_space<vmem>>) dst(%dma_wait3A_97 : memref<10240x128xf32, #tpu.memory_space<vmem_shared>>)
        tpu.yield
      }) : () -> ()
      %add3A_73 = arith.constant 1 : i32
      %add3A_74 = arith.addi %add3A_65, %add3A_73 : i32
      %lt3A_75 = arith.constant 40 : i32
      %lt3A_76 = arith.cmpi slt, %add3A_74, %lt3A_75 : i32
      %convert_element_type3A_77 = arith.extui %lt3A_76 : i1 to i32
      %cond3A_78 = arith.constant 0 : i32
      %cond3A_79 = arith.cmpi ne, %convert_element_type3A_77, %cond3A_78 : i32
      scf.if %cond3A_79 {
        %add3A_86 = arith.constant 1 : i32
        %add3A_87 = arith.addi %add3A_65, %add3A_86 : i32
        %dma_start3A_88 = arith.constant 0 : i32
        %dma_start3A_89 = tpu.memref_slice %arg6[%add3A_87, %dma_start3A_88] : memref<40x128xi32, #tpu.memory_space<vmem>> -> memref<1x128xi32, #tpu.memory_space<vmem>>
        %dma_start3A_90 = tpu.memref_squeeze %dma_start3A_89 : memref<1x128xi32, #tpu.memory_space<vmem>> -> memref<128xi32, #tpu.memory_space<vmem>>
        %dma_start3A_91 = arith.constant 0 : i32
        %dma_start3A_92 = arith.constant 0 : i32
        %dma_start3A_93 = tpu.memref_slice %arg2[%dma_start3A_91, %dma_start3A_92] : memref<10240x128xf32, #tpu.memory_space<hbm>> -> memref<10240x128xf32, #tpu.memory_space<hbm>>
        tpu.enqueue_indirect_dma source(%dma_start3A_93 : memref<10240x128xf32, #tpu.memory_space<hbm>>) target(%arg8 : memref<128x128xf32, #tpu.memory_space<vmem>>) offsets(%dma_start3A_90 : memref<128xi32, #tpu.memory_space<vmem>>) semaphore(%arg10 : memref<!tpu.dma_semaphore, #tpu.memory_space<semaphore_mem>>)
      } else {
      }
      %lt3A_80 = arith.constant 40 : i32
      %lt3A_81 = arith.cmpi slt, %add3A_65, %lt3A_80 : i32
      %convert_element_type3A_82 = arith.extui %lt3A_81 : i1 to i32
      %cond3A_83 = arith.constant 0 : i32
      %cond3A_84 = arith.cmpi ne, %convert_element_type3A_82, %cond3A_83 : i32
      scf.if %cond3A_84 {
        %dma_wait3A_86 = arith.constant 0 : i32
        %dma_wait3A_87 = tpu.memref_slice %arg6[%add3A_65, %dma_wait3A_86] : memref<40x128xi32, #tpu.memory_space<vmem>> -> memref<1x128xi32, #tpu.memory_space<vmem>>
        %dma_wait3A_88 = tpu.memref_squeeze %dma_wait3A_87 : memref<1x128xi32, #tpu.memory_space<vmem>> -> memref<128xi32, #tpu.memory_space<vmem>>
        %dma_wait3A_89 = arith.constant 0 : i32
        %dma_wait3A_90 = arith.constant 0 : i32
        %dma_wait3A_91 = tpu.memref_slice %arg2[%dma_wait3A_89, %dma_wait3A_90] : memref<10240x128xf32, #tpu.memory_space<hbm>> -> memref<10240x128xf32, #tpu.memory_space<hbm>>
        tpu.wait_indirect_dma semaphore(%arg11 : memref<!tpu.dma_semaphore, #tpu.memory_space<semaphore_mem>>) src(%dma_wait3A_91 : memref<10240x128xf32, #tpu.memory_space<hbm>>) dst(%arg9 : memref<128x128xf32, #tpu.memory_space<vmem>>)
        "tpu.region"() ({
          %run_scoped3A = tpu.sem_alloc : memref<!tpu.dma_semaphore, #tpu.memory_space<semaphore_mem>>
          %dma_start3A_92 = arith.constant 0 : i32
          %dma_start3A_93 = tpu.memref_slice %arg7[%add3A_65, %dma_start3A_92] : memref<40x128xi32, #tpu.memory_space<vmem>> -> memref<1x128xi32, #tpu.memory_space<vmem>>
          %dma_start3A_94 = tpu.memref_squeeze %dma_start3A_93 : memref<1x128xi32, #tpu.memory_space<vmem>> -> memref<128xi32, #tpu.memory_space<vmem>>
          %dma_start3A_95 = arith.constant 0 : i32
          %dma_start3A_96 = arith.constant 0 : i32
          %dma_start3A_97 = tpu.memref_slice %arg12[%dma_start3A_95, %dma_start3A_96] : memref<10240x128xf32, #tpu.memory_space<vmem_shared>> -> memref<10240x128xf32, #tpu.memory_space<vmem_shared>>
          tpu.enqueue_indirect_dma source(%arg9 : memref<128x128xf32, #tpu.memory_space<vmem>>) target(%dma_start3A_97 : memref<10240x128xf32, #tpu.memory_space<vmem_shared>>) offsets(%dma_start3A_94 : memref<128xi32, #tpu.memory_space<vmem>>) semaphore(%run_scoped3A : memref<!tpu.dma_semaphore, #tpu.memory_space<semaphore_mem>>) {add = true}
          %dma_wait3A_98 = arith.constant 0 : i32
          %dma_wait3A_99 = tpu.memref_slice %arg7[%add3A_65, %dma_wait3A_98] : memref<40x128xi32, #tpu.memory_space<vmem>> -> memref<1x128xi32, #tpu.memory_space<vmem>>
          %dma_wait3A_100 = tpu.memref_squeeze %dma_wait3A_99 : memref<1x128xi32, #tpu.memory_space<vmem>> -> memref<128xi32, #tpu.memory_space<vmem>>
          %dma_wait3A_101 = arith.constant 0 : i32
          %dma_wait3A_102 = arith.constant 0 : i32
          %dma_wait3A_103 = tpu.memref_slice %arg12[%dma_wait3A_101, %dma_wait3A_102] : memref<10240x128xf32, #tpu.memory_space<vmem_shared>> -> memref<10240x128xf32, #tpu.memory_space<vmem_shared>>
          tpu.wait_indirect_dma semaphore(%run_scoped3A : memref<!tpu.dma_semaphore, #tpu.memory_space<semaphore_mem>>) src(%arg9 : memref<128x128xf32, #tpu.memory_space<vmem>>) dst(%dma_wait3A_103 : memref<10240x128xf32, #tpu.memory_space<vmem_shared>>)
          tpu.yield
        }) : () -> ()
      } else {
      }
      %scan3A_85 = arith.constant 0 : i32
      scf.yield %scan3A_85 : i32
    }
    %scan3A_40 = arith.constant 20 : i32
    "tpu.region"() ({
      %run_scoped3A = tpu.sem_alloc : memref<!tpu.dma_semaphore, #tpu.memory_space<semaphore_mem>>
      %dma_start3A_60 = arith.constant 0 : i32
      %dma_start3A_61 = arith.constant 0 : i32
      %dma_start3A_62 = tpu.memref_slice %arg6[%dma_start3A_60, %dma_start3A_61] : memref<40x128xi32, #tpu.memory_space<vmem>> -> memref<39x128xi32, #tpu.memory_space<vmem>>
      %dma_start3A_63 = arith.constant 40 : i32
      %dma_start3A_64 = arith.constant 0 : i32
      %dma_start3A_65 = tpu.memref_slice %arg3[%add3A, %dma_start3A_63, %dma_start3A_64] : memref<32x79x128xi32, #tpu.memory_space<hbm>> -> memref<1x39x128xi32, #tpu.memory_space<hbm>>
      %dma_start3A_66 = tpu.memref_squeeze %dma_start3A_65 : memref<1x39x128xi32, #tpu.memory_space<hbm>> -> memref<39x128xi32, #tpu.memory_space<hbm>>
      %dma_start3A_67 = arith.constant 0 : i32
      %dma_start3A_68 = arith.constant 0 : i32
      %dma_start3A_69 = tpu.memref_slice %arg6[%dma_start3A_67, %dma_start3A_68] : memref<40x128xi32, #tpu.memory_space<vmem>> -> memref<39x128xi32, #tpu.memory_space<vmem>>
      %dma_start3A_70 = arith.constant 40 : i32
      %dma_start3A_71 = arith.constant 0 : i32
      %dma_start3A_72 = tpu.memref_slice %arg3[%add3A, %dma_start3A_70, %dma_start3A_71] : memref<32x79x128xi32, #tpu.memory_space<hbm>> -> memref<1x39x128xi32, #tpu.memory_space<hbm>>
      %dma_start3A_73 = tpu.memref_squeeze %dma_start3A_72 : memref<1x39x128xi32, #tpu.memory_space<hbm>> -> memref<39x128xi32, #tpu.memory_space<hbm>>
      tpu.enqueue_dma source(%dma_start3A_73 : memref<39x128xi32, #tpu.memory_space<hbm>>) target(%dma_start3A_69 : memref<39x128xi32, #tpu.memory_space<vmem>>) target_semaphore(%run_scoped3A : memref<!tpu.dma_semaphore, #tpu.memory_space<semaphore_mem>>)
      %dma_wait3A = arith.constant 0 : i32
      %dma_wait3A_74 = arith.constant 0 : i32
      %dma_wait3A_75 = tpu.memref_slice %arg6[%dma_wait3A, %dma_wait3A_74] : memref<40x128xi32, #tpu.memory_space<vmem>> -> memref<39x128xi32, #tpu.memory_space<vmem>>
      %dma_wait3A_76 = arith.constant 40 : i32
      %dma_wait3A_77 = arith.constant 0 : i32
      %dma_wait3A_78 = tpu.memref_slice %arg3[%add3A, %dma_wait3A_76, %dma_wait3A_77] : memref<32x79x128xi32, #tpu.memory_space<hbm>> -> memref<1x39x128xi32, #tpu.memory_space<hbm>>
      %dma_wait3A_79 = tpu.memref_squeeze %dma_wait3A_78 : memref<1x39x128xi32, #tpu.memory_space<hbm>> -> memref<39x128xi32, #tpu.memory_space<hbm>>
      %dma_wait3A_80 = arith.constant 0 : i32
      %dma_wait3A_81 = arith.constant 0 : i32
      %dma_wait3A_82 = tpu.memref_slice %arg6[%dma_wait3A_80, %dma_wait3A_81] : memref<40x128xi32, #tpu.memory_space<vmem>> -> memref<39x128xi32, #tpu.memory_space<vmem>>
      %dma_wait3A_83 = arith.constant 40 : i32
      %dma_wait3A_84 = arith.constant 0 : i32
      %dma_wait3A_85 = tpu.memref_slice %arg3[%add3A, %dma_wait3A_83, %dma_wait3A_84] : memref<32x79x128xi32, #tpu.memory_space<hbm>> -> memref<1x39x128xi32, #tpu.memory_space<hbm>>
      %dma_wait3A_86 = tpu.memref_squeeze %dma_wait3A_85 : memref<1x39x128xi32, #tpu.memory_space<hbm>> -> memref<39x128xi32, #tpu.memory_space<hbm>>
      tpu.wait_dma2 semaphore(%run_scoped3A : memref<!tpu.dma_semaphore, #tpu.memory_space<semaphore_mem>>) src(%dma_wait3A_86 : memref<39x128xi32, #tpu.memory_space<hbm>>) dst(%dma_wait3A_82 : memref<39x128xi32, #tpu.memory_space<vmem>>)
      tpu.yield
    }) : () -> ()
    "tpu.region"() ({
      %run_scoped3A = tpu.sem_alloc : memref<!tpu.dma_semaphore, #tpu.memory_space<semaphore_mem>>
      %dma_start3A_60 = arith.constant 0 : i32
      %dma_start3A_61 = arith.constant 0 : i32
      %dma_start3A_62 = tpu.memref_slice %arg7[%dma_start3A_60, %dma_start3A_61] : memref<40x128xi32, #tpu.memory_space<vmem>> -> memref<39x128xi32, #tpu.memory_space<vmem>>
      %dma_start3A_63 = arith.constant 40 : i32
      %dma_start3A_64 = arith.constant 0 : i32
      %dma_start3A_65 = tpu.memref_slice %arg4[%add3A, %dma_start3A_63, %dma_start3A_64] : memref<32x79x128xi32, #tpu.memory_space<hbm>> -> memref<1x39x128xi32, #tpu.memory_space<hbm>>
      %dma_start3A_66 = tpu.memref_squeeze %dma_start3A_65 : memref<1x39x128xi32, #tpu.memory_space<hbm>> -> memref<39x128xi32, #tpu.memory_space<hbm>>
      %dma_start3A_67 = arith.constant 0 : i32
      %dma_start3A_68 = arith.constant 0 : i32
      %dma_start3A_69 = tpu.memref_slice %arg7[%dma_start3A_67, %dma_start3A_68] : memref<40x128xi32, #tpu.memory_space<vmem>> -> memref<39x128xi32, #tpu.memory_space<vmem>>
      %dma_start3A_70 = arith.constant 40 : i32
      %dma_start3A_71 = arith.constant 0 : i32
      %dma_start3A_72 = tpu.memref_slice %arg4[%add3A, %dma_start3A_70, %dma_start3A_71] : memref<32x79x128xi32, #tpu.memory_space<hbm>> -> memref<1x39x128xi32, #tpu.memory_space<hbm>>
      %dma_start3A_73 = tpu.memref_squeeze %dma_start3A_72 : memref<1x39x128xi32, #tpu.memory_space<hbm>> -> memref<39x128xi32, #tpu.memory_space<hbm>>
      tpu.enqueue_dma source(%dma_start3A_73 : memref<39x128xi32, #tpu.memory_space<hbm>>) target(%dma_start3A_69 : memref<39x128xi32, #tpu.memory_space<vmem>>) target_semaphore(%run_scoped3A : memref<!tpu.dma_semaphore, #tpu.memory_space<semaphore_mem>>)
      %dma_wait3A = arith.constant 0 : i32
      %dma_wait3A_74 = arith.constant 0 : i32
      %dma_wait3A_75 = tpu.memref_slice %arg7[%dma_wait3A, %dma_wait3A_74] : memref<40x128xi32, #tpu.memory_space<vmem>> -> memref<39x128xi32, #tpu.memory_space<vmem>>
      %dma_wait3A_76 = arith.constant 40 : i32
      %dma_wait3A_77 = arith.constant 0 : i32
      %dma_wait3A_78 = tpu.memref_slice %arg4[%add3A, %dma_wait3A_76, %dma_wait3A_77] : memref<32x79x128xi32, #tpu.memory_space<hbm>> -> memref<1x39x128xi32, #tpu.memory_space<hbm>>
      %dma_wait3A_79 = tpu.memref_squeeze %dma_wait3A_78 : memref<1x39x128xi32, #tpu.memory_space<hbm>> -> memref<39x128xi32, #tpu.memory_space<hbm>>
      %dma_wait3A_80 = arith.constant 0 : i32
      %dma_wait3A_81 = arith.constant 0 : i32
      %dma_wait3A_82 = tpu.memref_slice %arg7[%dma_wait3A_80, %dma_wait3A_81] : memref<40x128xi32, #tpu.memory_space<vmem>> -> memref<39x128xi32, #tpu.memory_space<vmem>>
      %dma_wait3A_83 = arith.constant 40 : i32
      %dma_wait3A_84 = arith.constant 0 : i32
      %dma_wait3A_85 = tpu.memref_slice %arg4[%add3A, %dma_wait3A_83, %dma_wait3A_84] : memref<32x79x128xi32, #tpu.memory_space<hbm>> -> memref<1x39x128xi32, #tpu.memory_space<hbm>>
      %dma_wait3A_86 = tpu.memref_squeeze %dma_wait3A_85 : memref<1x39x128xi32, #tpu.memory_space<hbm>> -> memref<39x128xi32, #tpu.memory_space<hbm>>
      tpu.wait_dma2 semaphore(%run_scoped3A : memref<!tpu.dma_semaphore, #tpu.memory_space<semaphore_mem>>) src(%dma_wait3A_86 : memref<39x128xi32, #tpu.memory_space<hbm>>) dst(%dma_wait3A_82 : memref<39x128xi32, #tpu.memory_space<vmem>>)
      tpu.yield
    }) : () -> ()
    %dma_start3A_41 = arith.constant 0 : i32
    %dma_start3A_42 = arith.constant 0 : i32
    %dma_start3A_43 = tpu.memref_slice %arg6[%dma_start3A_41, %dma_start3A_42] : memref<40x128xi32, #tpu.memory_space<vmem>> -> memref<1x128xi32, #tpu.memory_space<vmem>>
    %dma_start3A_44 = tpu.memref_squeeze %dma_start3A_43 : memref<1x128xi32, #tpu.memory_space<vmem>> -> memref<128xi32, #tpu.memory_space<vmem>>
    %dma_start3A_45 = arith.constant 0 : i32
    %dma_start3A_46 = arith.constant 0 : i32
    %dma_start3A_47 = tpu.memref_slice %arg2[%dma_start3A_45, %dma_start3A_46] : memref<10240x128xf32, #tpu.memory_space<hbm>> -> memref<10240x128xf32, #tpu.memory_space<hbm>>
    tpu.enqueue_indirect_dma source(%dma_start3A_47 : memref<10240x128xf32, #tpu.memory_space<hbm>>) target(%arg8 : memref<128x128xf32, #tpu.memory_space<vmem>>) offsets(%dma_start3A_44 : memref<128xi32, #tpu.memory_space<vmem>>) semaphore(%arg10 : memref<!tpu.dma_semaphore, #tpu.memory_space<semaphore_mem>>)
    %scan3A_48 = arith.constant 0 : i32
    %scan3A_49 = arith.constant 0 : i32
    %scan3A_50 = arith.constant 20 : i32
    %scan3A_51 = arith.addi %scan3A_49, %scan3A_50 : i32
    %scan3A_52 = arith.constant 1 : i32
    %scan3A_53 = scf.for %scan3A_60 = %scan3A_49 to %scan3A_51 step %scan3A_52 iter_args(%scan3A_61 = %scan3A_48) -> (i32)  : i32 {
      %mul3A_62 = arith.constant 2 : i32
      %mul3A_63 = arith.muli %mul3A_62, %scan3A_60 : i32
      %add3A_64 = arith.constant 1 : i32
      %add3A_65 = arith.addi %mul3A_63, %add3A_64 : i32
      %lt3A = arith.constant 39 : i32
      %lt3A_66 = arith.cmpi slt, %add3A_65, %lt3A : i32
      %convert_element_type3A = arith.extui %lt3A_66 : i1 to i32
      %cond3A = arith.constant 0 : i32
      %cond3A_67 = arith.cmpi ne, %convert_element_type3A, %cond3A : i32
      scf.if %cond3A_67 {
        %dma_start3A_86 = arith.constant 0 : i32
        %dma_start3A_87 = tpu.memref_slice %arg6[%add3A_65, %dma_start3A_86] : memref<40x128xi32, #tpu.memory_space<vmem>> -> memref<1x128xi32, #tpu.memory_space<vmem>>
        %dma_start3A_88 = tpu.memref_squeeze %dma_start3A_87 : memref<1x128xi32, #tpu.memory_space<vmem>> -> memref<128xi32, #tpu.memory_space<vmem>>
        %dma_start3A_89 = arith.constant 0 : i32
        %dma_start3A_90 = arith.constant 0 : i32
        %dma_start3A_91 = tpu.memref_slice %arg2[%dma_start3A_89, %dma_start3A_90] : memref<10240x128xf32, #tpu.memory_space<hbm>> -> memref<10240x128xf32, #tpu.memory_space<hbm>>
        tpu.enqueue_indirect_dma source(%dma_start3A_91 : memref<10240x128xf32, #tpu.memory_space<hbm>>) target(%arg9 : memref<128x128xf32, #tpu.memory_space<vmem>>) offsets(%dma_start3A_88 : memref<128xi32, #tpu.memory_space<vmem>>) semaphore(%arg11 : memref<!tpu.dma_semaphore, #tpu.memory_space<semaphore_mem>>)
      } else {
      }
      %dma_wait3A = arith.constant 0 : i32
      %dma_wait3A_68 = tpu.memref_slice %arg6[%mul3A_63, %dma_wait3A] : memref<40x128xi32, #tpu.memory_space<vmem>> -> memref<1x128xi32, #tpu.memory_space<vmem>>
      %dma_wait3A_69 = tpu.memref_squeeze %dma_wait3A_68 : memref<1x128xi32, #tpu.memory_space<vmem>> -> memref<128xi32, #tpu.memory_space<vmem>>
      %dma_wait3A_70 = arith.constant 0 : i32
      %dma_wait3A_71 = arith.constant 0 : i32
      %dma_wait3A_72 = tpu.memref_slice %arg2[%dma_wait3A_70, %dma_wait3A_71] : memref<10240x128xf32, #tpu.memory_space<hbm>> -> memref<10240x128xf32, #tpu.memory_space<hbm>>
      tpu.wait_indirect_dma semaphore(%arg10 : memref<!tpu.dma_semaphore, #tpu.memory_space<semaphore_mem>>) src(%dma_wait3A_72 : memref<10240x128xf32, #tpu.memory_space<hbm>>) dst(%arg8 : memref<128x128xf32, #tpu.memory_space<vmem>>)
      "tpu.region"() ({
        %run_scoped3A = tpu.sem_alloc : memref<!tpu.dma_semaphore, #tpu.memory_space<semaphore_mem>>
        %dma_start3A_86 = arith.constant 0 : i32
        %dma_start3A_87 = tpu.memref_slice %arg7[%mul3A_63, %dma_start3A_86] : memref<40x128xi32, #tpu.memory_space<vmem>> -> memref<1x128xi32, #tpu.memory_space<vmem>>
        %dma_start3A_88 = tpu.memref_squeeze %dma_start3A_87 : memref<1x128xi32, #tpu.memory_space<vmem>> -> memref<128xi32, #tpu.memory_space<vmem>>
        %dma_start3A_89 = arith.constant 0 : i32
        %dma_start3A_90 = arith.constant 0 : i32
        %dma_start3A_91 = tpu.memref_slice %arg12[%dma_start3A_89, %dma_start3A_90] : memref<10240x128xf32, #tpu.memory_space<vmem_shared>> -> memref<10240x128xf32, #tpu.memory_space<vmem_shared>>
        tpu.enqueue_indirect_dma source(%arg8 : memref<128x128xf32, #tpu.memory_space<vmem>>) target(%dma_start3A_91 : memref<10240x128xf32, #tpu.memory_space<vmem_shared>>) offsets(%dma_start3A_88 : memref<128xi32, #tpu.memory_space<vmem>>) semaphore(%run_scoped3A : memref<!tpu.dma_semaphore, #tpu.memory_space<semaphore_mem>>) {add = true}
        %dma_wait3A_92 = arith.constant 0 : i32
        %dma_wait3A_93 = tpu.memref_slice %arg7[%mul3A_63, %dma_wait3A_92] : memref<40x128xi32, #tpu.memory_space<vmem>> -> memref<1x128xi32, #tpu.memory_space<vmem>>
        %dma_wait3A_94 = tpu.memref_squeeze %dma_wait3A_93 : memref<1x128xi32, #tpu.memory_space<vmem>> -> memref<128xi32, #tpu.memory_space<vmem>>
        %dma_wait3A_95 = arith.constant 0 : i32
        %dma_wait3A_96 = arith.constant 0 : i32
        %dma_wait3A_97 = tpu.memref_slice %arg12[%dma_wait3A_95, %dma_wait3A_96] : memref<10240x128xf32, #tpu.memory_space<vmem_shared>> -> memref<10240x128xf32, #tpu.memory_space<vmem_shared>>
        tpu.wait_indirect_dma semaphore(%run_scoped3A : memref<!tpu.dma_semaphore, #tpu.memory_space<semaphore_mem>>) src(%arg8 : memref<128x128xf32, #tpu.memory_space<vmem>>) dst(%dma_wait3A_97 : memref<10240x128xf32, #tpu.memory_space<vmem_shared>>)
        tpu.yield
      }) : () -> ()
      %add3A_73 = arith.constant 1 : i32
      %add3A_74 = arith.addi %add3A_65, %add3A_73 : i32
      %lt3A_75 = arith.constant 39 : i32
      %lt3A_76 = arith.cmpi slt, %add3A_74, %lt3A_75 : i32
      %convert_element_type3A_77 = arith.extui %lt3A_76 : i1 to i32
      %cond3A_78 = arith.constant 0 : i32
      %cond3A_79 = arith.cmpi ne, %convert_element_type3A_77, %cond3A_78 : i32
      scf.if %cond3A_79 {
        %add3A_86 = arith.constant 1 : i32
        %add3A_87 = arith.addi %add3A_65, %add3A_86 : i32
        %dma_start3A_88 = arith.constant 0 : i32
        %dma_start3A_89 = tpu.memref_slice %arg6[%add3A_87, %dma_start3A_88] : memref<40x128xi32, #tpu.memory_space<vmem>> -> memref<1x128xi32, #tpu.memory_space<vmem>>
        %dma_start3A_90 = tpu.memref_squeeze %dma_start3A_89 : memref<1x128xi32, #tpu.memory_space<vmem>> -> memref<128xi32, #tpu.memory_space<vmem>>
        %dma_start3A_91 = arith.constant 0 : i32
        %dma_start3A_92 = arith.constant 0 : i32
        %dma_start3A_93 = tpu.memref_slice %arg2[%dma_start3A_91, %dma_start3A_92] : memref<10240x128xf32, #tpu.memory_space<hbm>> -> memref<10240x128xf32, #tpu.memory_space<hbm>>
        tpu.enqueue_indirect_dma source(%dma_start3A_93 : memref<10240x128xf32, #tpu.memory_space<hbm>>) target(%arg8 : memref<128x128xf32, #tpu.memory_space<vmem>>) offsets(%dma_start3A_90 : memref<128xi32, #tpu.memory_space<vmem>>) semaphore(%arg10 : memref<!tpu.dma_semaphore, #tpu.memory_space<semaphore_mem>>)
      } else {
      }
      %lt3A_80 = arith.constant 39 : i32
      %lt3A_81 = arith.cmpi slt, %add3A_65, %lt3A_80 : i32
      %convert_element_type3A_82 = arith.extui %lt3A_81 : i1 to i32
      %cond3A_83 = arith.constant 0 : i32
      %cond3A_84 = arith.cmpi ne, %convert_element_type3A_82, %cond3A_83 : i32
      scf.if %cond3A_84 {
        %dma_wait3A_86 = arith.constant 0 : i32
        %dma_wait3A_87 = tpu.memref_slice %arg6[%add3A_65, %dma_wait3A_86] : memref<40x128xi32, #tpu.memory_space<vmem>> -> memref<1x128xi32, #tpu.memory_space<vmem>>
        %dma_wait3A_88 = tpu.memref_squeeze %dma_wait3A_87 : memref<1x128xi32, #tpu.memory_space<vmem>> -> memref<128xi32, #tpu.memory_space<vmem>>
        %dma_wait3A_89 = arith.constant 0 : i32
        %dma_wait3A_90 = arith.constant 0 : i32
        %dma_wait3A_91 = tpu.memref_slice %arg2[%dma_wait3A_89, %dma_wait3A_90] : memref<10240x128xf32, #tpu.memory_space<hbm>> -> memref<10240x128xf32, #tpu.memory_space<hbm>>
        tpu.wait_indirect_dma semaphore(%arg11 : memref<!tpu.dma_semaphore, #tpu.memory_space<semaphore_mem>>) src(%dma_wait3A_91 : memref<10240x128xf32, #tpu.memory_space<hbm>>) dst(%arg9 : memref<128x128xf32, #tpu.memory_space<vmem>>)
        "tpu.region"() ({
          %run_scoped3A = tpu.sem_alloc : memref<!tpu.dma_semaphore, #tpu.memory_space<semaphore_mem>>
          %dma_start3A_92 = arith.constant 0 : i32
          %dma_start3A_93 = tpu.memref_slice %arg7[%add3A_65, %dma_start3A_92] : memref<40x128xi32, #tpu.memory_space<vmem>> -> memref<1x128xi32, #tpu.memory_space<vmem>>
          %dma_start3A_94 = tpu.memref_squeeze %dma_start3A_93 : memref<1x128xi32, #tpu.memory_space<vmem>> -> memref<128xi32, #tpu.memory_space<vmem>>
          %dma_start3A_95 = arith.constant 0 : i32
          %dma_start3A_96 = arith.constant 0 : i32
          %dma_start3A_97 = tpu.memref_slice %arg12[%dma_start3A_95, %dma_start3A_96] : memref<10240x128xf32, #tpu.memory_space<vmem_shared>> -> memref<10240x128xf32, #tpu.memory_space<vmem_shared>>
          tpu.enqueue_indirect_dma source(%arg9 : memref<128x128xf32, #tpu.memory_space<vmem>>) target(%dma_start3A_97 : memref<10240x128xf32, #tpu.memory_space<vmem_shared>>) offsets(%dma_start3A_94 : memref<128xi32, #tpu.memory_space<vmem>>) semaphore(%run_scoped3A : memref<!tpu.dma_semaphore, #tpu.memory_space<semaphore_mem>>) {add = true}
          %dma_wait3A_98 = arith.constant 0 : i32
          %dma_wait3A_99 = tpu.memref_slice %arg7[%add3A_65, %dma_wait3A_98] : memref<40x128xi32, #tpu.memory_space<vmem>> -> memref<1x128xi32, #tpu.memory_space<vmem>>
          %dma_wait3A_100 = tpu.memref_squeeze %dma_wait3A_99 : memref<1x128xi32, #tpu.memory_space<vmem>> -> memref<128xi32, #tpu.memory_space<vmem>>
          %dma_wait3A_101 = arith.constant 0 : i32
          %dma_wait3A_102 = arith.constant 0 : i32
          %dma_wait3A_103 = tpu.memref_slice %arg12[%dma_wait3A_101, %dma_wait3A_102] : memref<10240x128xf32, #tpu.memory_space<vmem_shared>> -> memref<10240x128xf32, #tpu.memory_space<vmem_shared>>
          tpu.wait_indirect_dma semaphore(%run_scoped3A : memref<!tpu.dma_semaphore, #tpu.memory_space<semaphore_mem>>) src(%arg9 : memref<128x128xf32, #tpu.memory_space<vmem>>) dst(%dma_wait3A_103 : memref<10240x128xf32, #tpu.memory_space<vmem_shared>>)
          tpu.yield
        }) : () -> ()
      } else {
      }
      %scan3A_85 = arith.constant 0 : i32
      scf.yield %scan3A_85 : i32
    }
    %scan3A_54 = arith.constant 20 : i32
    %barrier3A_55 = arith.constant 0 : index
    tpu.barrier barrier_id(%barrier3A_55)
    %mul3A_56 = arith.constant 640 : i32
    %mul3A_57 = arith.muli %arg1, %mul3A_56 : i32
    %mul3A_58 = arith.constant 640 : i32
    %mul3A_59 = arith.muli %arg1, %mul3A_58 : i32
    "tpu.region"() ({
      %run_scoped3A = tpu.sem_alloc : memref<!tpu.dma_semaphore, #tpu.memory_space<semaphore_mem>>
      %dma_start3A_60 = arith.constant 0 : i32
      %dma_start3A_61 = tpu.memref_slice %arg5[%arg0, %mul3A_59, %dma_start3A_60] : memref<2x10240x128xf32, #tpu.memory_space<hbm>> -> memref<1x640x128xf32, #tpu.memory_space<hbm>>
      %dma_start3A_62 = tpu.memref_squeeze %dma_start3A_61 : memref<1x640x128xf32, #tpu.memory_space<hbm>> -> memref<640x128xf32, #tpu.memory_space<hbm>>
      %dma_start3A_63 = arith.constant 0 : i32
      %dma_start3A_64 = tpu.memref_slice %arg12[%mul3A_57, %dma_start3A_63] : memref<10240x128xf32, #tpu.memory_space<vmem_shared>> -> memref<640x128xf32, #tpu.memory_space<vmem_shared>>
      tpu.enqueue_dma source(%dma_start3A_64 : memref<640x128xf32, #tpu.memory_space<vmem_shared>>) target(%dma_start3A_62 : memref<640x128xf32, #tpu.memory_space<hbm>>) target_semaphore(%run_scoped3A : memref<!tpu.dma_semaphore, #tpu.memory_space<semaphore_mem>>)
      %dma_wait3A = arith.constant 0 : i32
      %dma_wait3A_65 = tpu.memref_slice %arg5[%arg0, %mul3A_59, %dma_wait3A] : memref<2x10240x128xf32, #tpu.memory_space<hbm>> -> memref<1x640x128xf32, #tpu.memory_space<hbm>>
      %dma_wait3A_66 = tpu.memref_squeeze %dma_wait3A_65 : memref<1x640x128xf32, #tpu.memory_space<hbm>> -> memref<640x128xf32, #tpu.memory_space<hbm>>
      %dma_wait3A_67 = arith.constant 0 : i32
      %dma_wait3A_68 = tpu.memref_slice %arg12[%mul3A_57, %dma_wait3A_67] : memref<10240x128xf32, #tpu.memory_space<vmem_shared>> -> memref<640x128xf32, #tpu.memory_space<vmem_shared>>
      tpu.wait_dma2 semaphore(%run_scoped3A : memref<!tpu.dma_semaphore, #tpu.memory_space<semaphore_mem>>) src(%dma_wait3A_68 : memref<640x128xf32, #tpu.memory_space<vmem_shared>>) dst(%dma_wait3A_66 : memref<640x128xf32, #tpu.memory_space<hbm>>)
      tpu.yield
    }) : () -> ()
    return
  }
}

#map = affine_map<(d0, d1) -> (0, 0, 0)>
#map1 = affine_map<(d0, d1) -> (0)>
module attributes {stable_mosaic.version = 14 : i64} {
  func.func @body(%arg0: i32, %arg1: i32, %arg2: memref<32x79x128xi32, #tpu.memory_space<hbm>>, %arg3: memref<32x79x128xi32, #tpu.memory_space<hbm>>, %arg4: memref<20480xf32, #tpu.memory_space<hbm>>, %arg5: memref<32x79x128xi32, #tpu.memory_space<hbm>>, %arg6: memref<79x128xi32, #tpu.memory_space<vmem>>, %arg7: memref<79x128xi32, #tpu.memory_space<vmem>>, %arg8: memref<79x128xi32, #tpu.memory_space<vmem>>, %arg9: memref<10240xf32, #tpu.memory_space<vmem>>, %arg10: memref<16x640xf32, #tpu.memory_space<vmem>>, %arg11: memref<640xf32, #tpu.memory_space<vmem>>, %arg12: memref<16x10240xf32, #tpu.memory_space<vmem_shared>>) attributes {dimension_semantics = [#tpu.dimension_semantics<core_parallel>, #tpu.dimension_semantics<subcore_parallel>], iteration_bounds = array<i64: 2, 16>, scalar_prefetch = 0 : i64, scratch_operands = 7 : i64, tpu.core_type = #tpu.core_type<sc_vector_subcore>, window_params = [{transform_indices = #map}, {transform_indices = #map}, {transform_indices = #map1}, {transform_indices = #map}]} {
    %broadcast_in_dim3A = arith.constant 0.000000e+00 : f32
    %broadcast_in_dim3A_0 = vector.broadcast %broadcast_in_dim3A : f32 to vector<16xf32>
    %broadcast_in_dim3A_1 = arith.constant 1.000000e+00 : f32
    %broadcast_in_dim3A_2 = vector.broadcast %broadcast_in_dim3A_1 : f32 to vector<16xf32>
    %mul3A = arith.constant 16 : i32
    %mul3A_3 = arith.muli %arg0, %mul3A : i32
    %add3A = arith.addi %mul3A_3, %arg1 : i32
    "tpu.region"() ({
      %run_scoped3A = tpu.sem_alloc : memref<!tpu.dma_semaphore, #tpu.memory_space<semaphore_mem>>
      %dma_start3A = arith.constant 0 : i32
      %dma_start3A_31 = arith.constant 0 : i32
      %dma_start3A_32 = tpu.memref_slice %arg2[%add3A, %dma_start3A, %dma_start3A_31] : memref<32x79x128xi32, #tpu.memory_space<hbm>> -> memref<1x79x128xi32, #tpu.memory_space<hbm>>
      %dma_start3A_33 = tpu.memref_squeeze %dma_start3A_32 : memref<1x79x128xi32, #tpu.memory_space<hbm>> -> memref<79x128xi32, #tpu.memory_space<hbm>>
      %dma_start3A_34 = arith.constant 0 : i32
      %dma_start3A_35 = arith.constant 0 : i32
      %dma_start3A_36 = tpu.memref_slice %arg2[%add3A, %dma_start3A_34, %dma_start3A_35] : memref<32x79x128xi32, #tpu.memory_space<hbm>> -> memref<1x79x128xi32, #tpu.memory_space<hbm>>
      %dma_start3A_37 = tpu.memref_squeeze %dma_start3A_36 : memref<1x79x128xi32, #tpu.memory_space<hbm>> -> memref<79x128xi32, #tpu.memory_space<hbm>>
      tpu.enqueue_dma source(%dma_start3A_37 : memref<79x128xi32, #tpu.memory_space<hbm>>) target(%arg6 : memref<79x128xi32, #tpu.memory_space<vmem>>) target_semaphore(%run_scoped3A : memref<!tpu.dma_semaphore, #tpu.memory_space<semaphore_mem>>)
      %dma_wait3A = arith.constant 0 : i32
      %dma_wait3A_38 = arith.constant 0 : i32
      %dma_wait3A_39 = tpu.memref_slice %arg2[%add3A, %dma_wait3A, %dma_wait3A_38] : memref<32x79x128xi32, #tpu.memory_space<hbm>> -> memref<1x79x128xi32, #tpu.memory_space<hbm>>
      %dma_wait3A_40 = tpu.memref_squeeze %dma_wait3A_39 : memref<1x79x128xi32, #tpu.memory_space<hbm>> -> memref<79x128xi32, #tpu.memory_space<hbm>>
      %dma_wait3A_41 = arith.constant 0 : i32
      %dma_wait3A_42 = arith.constant 0 : i32
      %dma_wait3A_43 = tpu.memref_slice %arg2[%add3A, %dma_wait3A_41, %dma_wait3A_42] : memref<32x79x128xi32, #tpu.memory_space<hbm>> -> memref<1x79x128xi32, #tpu.memory_space<hbm>>
      %dma_wait3A_44 = tpu.memref_squeeze %dma_wait3A_43 : memref<1x79x128xi32, #tpu.memory_space<hbm>> -> memref<79x128xi32, #tpu.memory_space<hbm>>
      tpu.wait_dma2 semaphore(%run_scoped3A : memref<!tpu.dma_semaphore, #tpu.memory_space<semaphore_mem>>) src(%dma_wait3A_44 : memref<79x128xi32, #tpu.memory_space<hbm>>) dst(%arg6 : memref<79x128xi32, #tpu.memory_space<vmem>>)
      tpu.yield
    }) : () -> ()
    "tpu.region"() ({
      %run_scoped3A = tpu.sem_alloc : memref<!tpu.dma_semaphore, #tpu.memory_space<semaphore_mem>>
      %dma_start3A = arith.constant 0 : i32
      %dma_start3A_31 = arith.constant 0 : i32
      %dma_start3A_32 = tpu.memref_slice %arg3[%add3A, %dma_start3A, %dma_start3A_31] : memref<32x79x128xi32, #tpu.memory_space<hbm>> -> memref<1x79x128xi32, #tpu.memory_space<hbm>>
      %dma_start3A_33 = tpu.memref_squeeze %dma_start3A_32 : memref<1x79x128xi32, #tpu.memory_space<hbm>> -> memref<79x128xi32, #tpu.memory_space<hbm>>
      %dma_start3A_34 = arith.constant 0 : i32
      %dma_start3A_35 = arith.constant 0 : i32
      %dma_start3A_36 = tpu.memref_slice %arg3[%add3A, %dma_start3A_34, %dma_start3A_35] : memref<32x79x128xi32, #tpu.memory_space<hbm>> -> memref<1x79x128xi32, #tpu.memory_space<hbm>>
      %dma_start3A_37 = tpu.memref_squeeze %dma_start3A_36 : memref<1x79x128xi32, #tpu.memory_space<hbm>> -> memref<79x128xi32, #tpu.memory_space<hbm>>
      tpu.enqueue_dma source(%dma_start3A_37 : memref<79x128xi32, #tpu.memory_space<hbm>>) target(%arg7 : memref<79x128xi32, #tpu.memory_space<vmem>>) target_semaphore(%run_scoped3A : memref<!tpu.dma_semaphore, #tpu.memory_space<semaphore_mem>>)
      %dma_wait3A = arith.constant 0 : i32
      %dma_wait3A_38 = arith.constant 0 : i32
      %dma_wait3A_39 = tpu.memref_slice %arg3[%add3A, %dma_wait3A, %dma_wait3A_38] : memref<32x79x128xi32, #tpu.memory_space<hbm>> -> memref<1x79x128xi32, #tpu.memory_space<hbm>>
      %dma_wait3A_40 = tpu.memref_squeeze %dma_wait3A_39 : memref<1x79x128xi32, #tpu.memory_space<hbm>> -> memref<79x128xi32, #tpu.memory_space<hbm>>
      %dma_wait3A_41 = arith.constant 0 : i32
      %dma_wait3A_42 = arith.constant 0 : i32
      %dma_wait3A_43 = tpu.memref_slice %arg3[%add3A, %dma_wait3A_41, %dma_wait3A_42] : memref<32x79x128xi32, #tpu.memory_space<hbm>> -> memref<1x79x128xi32, #tpu.memory_space<hbm>>
      %dma_wait3A_44 = tpu.memref_squeeze %dma_wait3A_43 : memref<1x79x128xi32, #tpu.memory_space<hbm>> -> memref<79x128xi32, #tpu.memory_space<hbm>>
      tpu.wait_dma2 semaphore(%run_scoped3A : memref<!tpu.dma_semaphore, #tpu.memory_space<semaphore_mem>>) src(%dma_wait3A_44 : memref<79x128xi32, #tpu.memory_space<hbm>>) dst(%arg7 : memref<79x128xi32, #tpu.memory_space<vmem>>)
      tpu.yield
    }) : () -> ()
    %scan3A = arith.constant 0 : i32
    %scan3A_4 = arith.constant 0 : i32
    %scan3A_5 = arith.constant 640 : i32
    %scan3A_6 = arith.addi %scan3A_4, %scan3A_5 : i32
    %scan3A_7 = arith.constant 1 : i32
    %scan3A_8 = scf.for %scan3A_31 = %scan3A_4 to %scan3A_6 step %scan3A_7 iter_args(%scan3A_32 = %scan3A) -> (i32)  : i32 {
      %mul3A_33 = arith.constant 16 : i32
      %mul3A_34 = arith.muli %scan3A_31, %mul3A_33 : i32
      %swap3A = arith.index_cast %mul3A_34 : i32 to index
      %swap3A_35 = tpu.vector_load %arg9[%swap3A] {strides = array<i32>} : memref<10240xf32, #tpu.memory_space<vmem>>, vector<16xf32>,
      tpu.vector_store %arg9[%swap3A], %broadcast_in_dim3A_0 {strides = array<i32>} : memref<10240xf32, #tpu.memory_space<vmem>>, vector<16xf32>,
      %scan3A_36 = arith.constant 0 : i32
      scf.yield %scan3A_36 : i32
    }
    %scan3A_9 = arith.constant 640 : i32
    %scan3A_10 = arith.constant 0 : i32
    %scan3A_11 = arith.constant 0 : i32
    %scan3A_12 = arith.constant 79 : i32
    %scan3A_13 = arith.addi %scan3A_11, %scan3A_12 : i32
    %scan3A_14 = arith.constant 1 : i32
    %scan3A_15 = scf.for %scan3A_31 = %scan3A_11 to %scan3A_13 step %scan3A_14 iter_args(%scan3A_32 = %scan3A_10) -> (i32)  : i32 {
      %get3A = arith.index_cast %scan3A_31 : i32 to index
      %get3A_33 = arith.constant 0 : index
      %get3A_34 = tpu.vector_load %arg6[%get3A, %get3A_33] {strides = array<i32>} : memref<79x128xi32, #tpu.memory_space<vmem>>, vector<16xi32>,
      %get3A_35 = arith.index_cast %scan3A_31 : i32 to index
      %get3A_36 = arith.constant 0 : index
      %get3A_37 = tpu.vector_load %arg7[%get3A_35, %get3A_36] {strides = array<i32>} : memref<79x128xi32, #tpu.memory_space<vmem>>, vector<16xi32>,
      %ne3A = arith.cmpi ne, %get3A_34, %get3A_37 : vector<16xi32>
      %jit3A = arith.constant 10000 : i32
      %broadcast_in_dim3A_38 = vector.broadcast %jit3A : i32 to vector<16xi32>
      %select_n3A = arith.select %ne3A, %get3A_34, %broadcast_in_dim3A_38 : vector<16xi1>, vector<16xi32>
      %swap3A = arith.index_cast %scan3A_31 : i32 to index
      %swap3A_39 = arith.constant 0 : index
      %swap3A_40 = tpu.vector_load %arg8[%swap3A, %swap3A_39] {strides = array<i32>} : memref<79x128xi32, #tpu.memory_space<vmem>>, vector<16xi32>,
      tpu.vector_store %arg8[%swap3A, %swap3A_39], %select_n3A {strides = array<i32>} : memref<79x128xi32, #tpu.memory_space<vmem>>, vector<16xi32>,
      tpu.vector_store_idx %arg9[%get3A_34], %broadcast_in_dim3A_2 masked %ne3A {add = true} : memref<10240xf32, #tpu.memory_space<vmem>>[vector<16xi32>], vector<16xf32>, vector<16xi1>
      %get3A_41 = arith.index_cast %scan3A_31 : i32 to index
      %get3A_42 = arith.constant 16 : index
      %get3A_43 = tpu.vector_load %arg6[%get3A_41, %get3A_42] {strides = array<i32>} : memref<79x128xi32, #tpu.memory_space<vmem>>, vector<16xi32>,
      %get3A_44 = arith.index_cast %scan3A_31 : i32 to index
      %get3A_45 = arith.constant 16 : index
      %get3A_46 = tpu.vector_load %arg7[%get3A_44, %get3A_45] {strides = array<i32>} : memref<79x128xi32, #tpu.memory_space<vmem>>, vector<16xi32>,
      %ne3A_47 = arith.cmpi ne, %get3A_43, %get3A_46 : vector<16xi32>
      %jit3A_48 = arith.constant 10000 : i32
      %broadcast_in_dim3A_49 = vector.broadcast %jit3A_48 : i32 to vector<16xi32>
      %select_n3A_50 = arith.select %ne3A_47, %get3A_43, %broadcast_in_dim3A_49 : vector<16xi1>, vector<16xi32>
      %swap3A_51 = arith.index_cast %scan3A_31 : i32 to index
      %swap3A_52 = arith.constant 16 : index
      %swap3A_53 = tpu.vector_load %arg8[%swap3A_51, %swap3A_52] {strides = array<i32>} : memref<79x128xi32, #tpu.memory_space<vmem>>, vector<16xi32>,
      tpu.vector_store %arg8[%swap3A_51, %swap3A_52], %select_n3A_50 {strides = array<i32>} : memref<79x128xi32, #tpu.memory_space<vmem>>, vector<16xi32>,
      tpu.vector_store_idx %arg9[%get3A_43], %broadcast_in_dim3A_2 masked %ne3A_47 {add = true} : memref<10240xf32, #tpu.memory_space<vmem>>[vector<16xi32>], vector<16xf32>, vector<16xi1>
      %get3A_54 = arith.index_cast %scan3A_31 : i32 to index
      %get3A_55 = arith.constant 32 : index
      %get3A_56 = tpu.vector_load %arg6[%get3A_54, %get3A_55] {strides = array<i32>} : memref<79x128xi32, #tpu.memory_space<vmem>>, vector<16xi32>,
      %get3A_57 = arith.index_cast %scan3A_31 : i32 to index
      %get3A_58 = arith.constant 32 : index
      %get3A_59 = tpu.vector_load %arg7[%get3A_57, %get3A_58] {strides = array<i32>} : memref<79x128xi32, #tpu.memory_space<vmem>>, vector<16xi32>,
      %ne3A_60 = arith.cmpi ne, %get3A_56, %get3A_59 : vector<16xi32>
      %jit3A_61 = arith.constant 10000 : i32
      %broadcast_in_dim3A_62 = vector.broadcast %jit3A_61 : i32 to vector<16xi32>
      %select_n3A_63 = arith.select %ne3A_60, %get3A_56, %broadcast_in_dim3A_62 : vector<16xi1>, vector<16xi32>
      %swap3A_64 = arith.index_cast %scan3A_31 : i32 to index
      %swap3A_65 = arith.constant 32 : index
      %swap3A_66 = tpu.vector_load %arg8[%swap3A_64, %swap3A_65] {strides = array<i32>} : memref<79x128xi32, #tpu.memory_space<vmem>>, vector<16xi32>,
      tpu.vector_store %arg8[%swap3A_64, %swap3A_65], %select_n3A_63 {strides = array<i32>} : memref<79x128xi32, #tpu.memory_space<vmem>>, vector<16xi32>,
      tpu.vector_store_idx %arg9[%get3A_56], %broadcast_in_dim3A_2 masked %ne3A_60 {add = true} : memref<10240xf32, #tpu.memory_space<vmem>>[vector<16xi32>], vector<16xf32>, vector<16xi1>
      %get3A_67 = arith.index_cast %scan3A_31 : i32 to index
      %get3A_68 = arith.constant 48 : index
      %get3A_69 = tpu.vector_load %arg6[%get3A_67, %get3A_68] {strides = array<i32>} : memref<79x128xi32, #tpu.memory_space<vmem>>, vector<16xi32>,
      %get3A_70 = arith.index_cast %scan3A_31 : i32 to index
      %get3A_71 = arith.constant 48 : index
      %get3A_72 = tpu.vector_load %arg7[%get3A_70, %get3A_71] {strides = array<i32>} : memref<79x128xi32, #tpu.memory_space<vmem>>, vector<16xi32>,
      %ne3A_73 = arith.cmpi ne, %get3A_69, %get3A_72 : vector<16xi32>
      %jit3A_74 = arith.constant 10000 : i32
      %broadcast_in_dim3A_75 = vector.broadcast %jit3A_74 : i32 to vector<16xi32>
      %select_n3A_76 = arith.select %ne3A_73, %get3A_69, %broadcast_in_dim3A_75 : vector<16xi1>, vector<16xi32>
      %swap3A_77 = arith.index_cast %scan3A_31 : i32 to index
      %swap3A_78 = arith.constant 48 : index
      %swap3A_79 = tpu.vector_load %arg8[%swap3A_77, %swap3A_78] {strides = array<i32>} : memref<79x128xi32, #tpu.memory_space<vmem>>, vector<16xi32>,
      tpu.vector_store %arg8[%swap3A_77, %swap3A_78], %select_n3A_76 {strides = array<i32>} : memref<79x128xi32, #tpu.memory_space<vmem>>, vector<16xi32>,
      tpu.vector_store_idx %arg9[%get3A_69], %broadcast_in_dim3A_2 masked %ne3A_73 {add = true} : memref<10240xf32, #tpu.memory_space<vmem>>[vector<16xi32>], vector<16xf32>, vector<16xi1>
      %get3A_80 = arith.index_cast %scan3A_31 : i32 to index
      %get3A_81 = arith.constant 64 : index
      %get3A_82 = tpu.vector_load %arg6[%get3A_80, %get3A_81] {strides = array<i32>} : memref<79x128xi32, #tpu.memory_space<vmem>>, vector<16xi32>,
      %get3A_83 = arith.index_cast %scan3A_31 : i32 to index
      %get3A_84 = arith.constant 64 : index
      %get3A_85 = tpu.vector_load %arg7[%get3A_83, %get3A_84] {strides = array<i32>} : memref<79x128xi32, #tpu.memory_space<vmem>>, vector<16xi32>,
      %ne3A_86 = arith.cmpi ne, %get3A_82, %get3A_85 : vector<16xi32>
      %jit3A_87 = arith.constant 10000 : i32
      %broadcast_in_dim3A_88 = vector.broadcast %jit3A_87 : i32 to vector<16xi32>
      %select_n3A_89 = arith.select %ne3A_86, %get3A_82, %broadcast_in_dim3A_88 : vector<16xi1>, vector<16xi32>
      %swap3A_90 = arith.index_cast %scan3A_31 : i32 to index
      %swap3A_91 = arith.constant 64 : index
      %swap3A_92 = tpu.vector_load %arg8[%swap3A_90, %swap3A_91] {strides = array<i32>} : memref<79x128xi32, #tpu.memory_space<vmem>>, vector<16xi32>,
      tpu.vector_store %arg8[%swap3A_90, %swap3A_91], %select_n3A_89 {strides = array<i32>} : memref<79x128xi32, #tpu.memory_space<vmem>>, vector<16xi32>,
      tpu.vector_store_idx %arg9[%get3A_82], %broadcast_in_dim3A_2 masked %ne3A_86 {add = true} : memref<10240xf32, #tpu.memory_space<vmem>>[vector<16xi32>], vector<16xf32>, vector<16xi1>
      %get3A_93 = arith.index_cast %scan3A_31 : i32 to index
      %get3A_94 = arith.constant 80 : index
      %get3A_95 = tpu.vector_load %arg6[%get3A_93, %get3A_94] {strides = array<i32>} : memref<79x128xi32, #tpu.memory_space<vmem>>, vector<16xi32>,
      %get3A_96 = arith.index_cast %scan3A_31 : i32 to index
      %get3A_97 = arith.constant 80 : index
      %get3A_98 = tpu.vector_load %arg7[%get3A_96, %get3A_97] {strides = array<i32>} : memref<79x128xi32, #tpu.memory_space<vmem>>, vector<16xi32>,
      %ne3A_99 = arith.cmpi ne, %get3A_95, %get3A_98 : vector<16xi32>
      %jit3A_100 = arith.constant 10000 : i32
      %broadcast_in_dim3A_101 = vector.broadcast %jit3A_100 : i32 to vector<16xi32>
      %select_n3A_102 = arith.select %ne3A_99, %get3A_95, %broadcast_in_dim3A_101 : vector<16xi1>, vector<16xi32>
      %swap3A_103 = arith.index_cast %scan3A_31 : i32 to index
      %swap3A_104 = arith.constant 80 : index
      %swap3A_105 = tpu.vector_load %arg8[%swap3A_103, %swap3A_104] {strides = array<i32>} : memref<79x128xi32, #tpu.memory_space<vmem>>, vector<16xi32>,
      tpu.vector_store %arg8[%swap3A_103, %swap3A_104], %select_n3A_102 {strides = array<i32>} : memref<79x128xi32, #tpu.memory_space<vmem>>, vector<16xi32>,
      tpu.vector_store_idx %arg9[%get3A_95], %broadcast_in_dim3A_2 masked %ne3A_99 {add = true} : memref<10240xf32, #tpu.memory_space<vmem>>[vector<16xi32>], vector<16xf32>, vector<16xi1>
      %get3A_106 = arith.index_cast %scan3A_31 : i32 to index
      %get3A_107 = arith.constant 96 : index
      %get3A_108 = tpu.vector_load %arg6[%get3A_106, %get3A_107] {strides = array<i32>} : memref<79x128xi32, #tpu.memory_space<vmem>>, vector<16xi32>,
      %get3A_109 = arith.index_cast %scan3A_31 : i32 to index
      %get3A_110 = arith.constant 96 : index
      %get3A_111 = tpu.vector_load %arg7[%get3A_109, %get3A_110] {strides = array<i32>} : memref<79x128xi32, #tpu.memory_space<vmem>>, vector<16xi32>,
      %ne3A_112 = arith.cmpi ne, %get3A_108, %get3A_111 : vector<16xi32>
      %jit3A_113 = arith.constant 10000 : i32
      %broadcast_in_dim3A_114 = vector.broadcast %jit3A_113 : i32 to vector<16xi32>
      %select_n3A_115 = arith.select %ne3A_112, %get3A_108, %broadcast_in_dim3A_114 : vector<16xi1>, vector<16xi32>
      %swap3A_116 = arith.index_cast %scan3A_31 : i32 to index
      %swap3A_117 = arith.constant 96 : index
      %swap3A_118 = tpu.vector_load %arg8[%swap3A_116, %swap3A_117] {strides = array<i32>} : memref<79x128xi32, #tpu.memory_space<vmem>>, vector<16xi32>,
      tpu.vector_store %arg8[%swap3A_116, %swap3A_117], %select_n3A_115 {strides = array<i32>} : memref<79x128xi32, #tpu.memory_space<vmem>>, vector<16xi32>,
      tpu.vector_store_idx %arg9[%get3A_108], %broadcast_in_dim3A_2 masked %ne3A_112 {add = true} : memref<10240xf32, #tpu.memory_space<vmem>>[vector<16xi32>], vector<16xf32>, vector<16xi1>
      %get3A_119 = arith.index_cast %scan3A_31 : i32 to index
      %get3A_120 = arith.constant 112 : index
      %get3A_121 = tpu.vector_load %arg6[%get3A_119, %get3A_120] {strides = array<i32>} : memref<79x128xi32, #tpu.memory_space<vmem>>, vector<16xi32>,
      %get3A_122 = arith.index_cast %scan3A_31 : i32 to index
      %get3A_123 = arith.constant 112 : index
      %get3A_124 = tpu.vector_load %arg7[%get3A_122, %get3A_123] {strides = array<i32>} : memref<79x128xi32, #tpu.memory_space<vmem>>, vector<16xi32>,
      %ne3A_125 = arith.cmpi ne, %get3A_121, %get3A_124 : vector<16xi32>
      %jit3A_126 = arith.constant 10000 : i32
      %broadcast_in_dim3A_127 = vector.broadcast %jit3A_126 : i32 to vector<16xi32>
      %select_n3A_128 = arith.select %ne3A_125, %get3A_121, %broadcast_in_dim3A_127 : vector<16xi1>, vector<16xi32>
      %swap3A_129 = arith.index_cast %scan3A_31 : i32 to index
      %swap3A_130 = arith.constant 112 : index
      %swap3A_131 = tpu.vector_load %arg8[%swap3A_129, %swap3A_130] {strides = array<i32>} : memref<79x128xi32, #tpu.memory_space<vmem>>, vector<16xi32>,
      tpu.vector_store %arg8[%swap3A_129, %swap3A_130], %select_n3A_128 {strides = array<i32>} : memref<79x128xi32, #tpu.memory_space<vmem>>, vector<16xi32>,
      tpu.vector_store_idx %arg9[%get3A_121], %broadcast_in_dim3A_2 masked %ne3A_125 {add = true} : memref<10240xf32, #tpu.memory_space<vmem>>[vector<16xi32>], vector<16xf32>, vector<16xi1>
      %scan3A_132 = arith.constant 0 : i32
      scf.yield %scan3A_132 : i32
    }
    %scan3A_16 = arith.constant 79 : i32
    "tpu.region"() ({
      %run_scoped3A = tpu.sem_alloc : memref<!tpu.dma_semaphore, #tpu.memory_space<semaphore_mem>>
      %dma_start3A = arith.constant 0 : i32
      %dma_start3A_31 = arith.constant 0 : i32
      %dma_start3A_32 = tpu.memref_slice %arg5[%add3A, %dma_start3A, %dma_start3A_31] : memref<32x79x128xi32, #tpu.memory_space<hbm>> -> memref<1x79x128xi32, #tpu.memory_space<hbm>>
      %dma_start3A_33 = tpu.memref_squeeze %dma_start3A_32 : memref<1x79x128xi32, #tpu.memory_space<hbm>> -> memref<79x128xi32, #tpu.memory_space<hbm>>
      %dma_start3A_34 = arith.constant 0 : i32
      %dma_start3A_35 = arith.constant 0 : i32
      %dma_start3A_36 = tpu.memref_slice %arg5[%add3A, %dma_start3A_34, %dma_start3A_35] : memref<32x79x128xi32, #tpu.memory_space<hbm>> -> memref<1x79x128xi32, #tpu.memory_space<hbm>>
      %dma_start3A_37 = tpu.memref_squeeze %dma_start3A_36 : memref<1x79x128xi32, #tpu.memory_space<hbm>> -> memref<79x128xi32, #tpu.memory_space<hbm>>
      tpu.enqueue_dma source(%arg8 : memref<79x128xi32, #tpu.memory_space<vmem>>) target(%dma_start3A_37 : memref<79x128xi32, #tpu.memory_space<hbm>>) target_semaphore(%run_scoped3A : memref<!tpu.dma_semaphore, #tpu.memory_space<semaphore_mem>>)
      %dma_wait3A = arith.constant 0 : i32
      %dma_wait3A_38 = arith.constant 0 : i32
      %dma_wait3A_39 = tpu.memref_slice %arg5[%add3A, %dma_wait3A, %dma_wait3A_38] : memref<32x79x128xi32, #tpu.memory_space<hbm>> -> memref<1x79x128xi32, #tpu.memory_space<hbm>>
      %dma_wait3A_40 = tpu.memref_squeeze %dma_wait3A_39 : memref<1x79x128xi32, #tpu.memory_space<hbm>> -> memref<79x128xi32, #tpu.memory_space<hbm>>
      %dma_wait3A_41 = arith.constant 0 : i32
      %dma_wait3A_42 = arith.constant 0 : i32
      %dma_wait3A_43 = tpu.memref_slice %arg5[%add3A, %dma_wait3A_41, %dma_wait3A_42] : memref<32x79x128xi32, #tpu.memory_space<hbm>> -> memref<1x79x128xi32, #tpu.memory_space<hbm>>
      %dma_wait3A_44 = tpu.memref_squeeze %dma_wait3A_43 : memref<1x79x128xi32, #tpu.memory_space<hbm>> -> memref<79x128xi32, #tpu.memory_space<hbm>>
      tpu.wait_dma2 semaphore(%run_scoped3A : memref<!tpu.dma_semaphore, #tpu.memory_space<semaphore_mem>>) src(%arg8 : memref<79x128xi32, #tpu.memory_space<vmem>>) dst(%dma_wait3A_44 : memref<79x128xi32, #tpu.memory_space<hbm>>)
      tpu.yield
    }) : () -> ()
    "tpu.region"() ({
      %run_scoped3A = tpu.sem_alloc : memref<!tpu.dma_semaphore, #tpu.memory_space<semaphore_mem>>
      %dma_start3A = arith.constant 0 : i32
      %dma_start3A_31 = tpu.memref_slice %arg12[%arg1, %dma_start3A] : memref<16x10240xf32, #tpu.memory_space<vmem_shared>> -> memref<1x10240xf32, #tpu.memory_space<vmem_shared>>
      %dma_start3A_32 = tpu.memref_squeeze %dma_start3A_31 : memref<1x10240xf32, #tpu.memory_space<vmem_shared>> -> memref<10240xf32, #tpu.memory_space<vmem_shared>>
      %dma_start3A_33 = arith.constant 0 : i32
      %dma_start3A_34 = tpu.memref_slice %arg12[%arg1, %dma_start3A_33] : memref<16x10240xf32, #tpu.memory_space<vmem_shared>> -> memref<1x10240xf32, #tpu.memory_space<vmem_shared>>
      %dma_start3A_35 = tpu.memref_squeeze %dma_start3A_34 : memref<1x10240xf32, #tpu.memory_space<vmem_shared>> -> memref<10240xf32, #tpu.memory_space<vmem_shared>>
      tpu.enqueue_dma source(%arg9 : memref<10240xf32, #tpu.memory_space<vmem>>) target(%dma_start3A_35 : memref<10240xf32, #tpu.memory_space<vmem_shared>>) target_semaphore(%run_scoped3A : memref<!tpu.dma_semaphore, #tpu.memory_space<semaphore_mem>>)
      %dma_wait3A = arith.constant 0 : i32
      %dma_wait3A_36 = tpu.memref_slice %arg12[%arg1, %dma_wait3A] : memref<16x10240xf32, #tpu.memory_space<vmem_shared>> -> memref<1x10240xf32, #tpu.memory_space<vmem_shared>>
      %dma_wait3A_37 = tpu.memref_squeeze %dma_wait3A_36 : memref<1x10240xf32, #tpu.memory_space<vmem_shared>> -> memref<10240xf32, #tpu.memory_space<vmem_shared>>
      %dma_wait3A_38 = arith.constant 0 : i32
      %dma_wait3A_39 = tpu.memref_slice %arg12[%arg1, %dma_wait3A_38] : memref<16x10240xf32, #tpu.memory_space<vmem_shared>> -> memref<1x10240xf32, #tpu.memory_space<vmem_shared>>
      %dma_wait3A_40 = tpu.memref_squeeze %dma_wait3A_39 : memref<1x10240xf32, #tpu.memory_space<vmem_shared>> -> memref<10240xf32, #tpu.memory_space<vmem_shared>>
      tpu.wait_dma2 semaphore(%run_scoped3A : memref<!tpu.dma_semaphore, #tpu.memory_space<semaphore_mem>>) src(%arg9 : memref<10240xf32, #tpu.memory_space<vmem>>) dst(%dma_wait3A_40 : memref<10240xf32, #tpu.memory_space<vmem_shared>>)
      tpu.yield
    }) : () -> ()
    %barrier3A = arith.constant 0 : index
    tpu.barrier barrier_id(%barrier3A)
    %mul3A_17 = arith.constant 640 : i32
    %mul3A_18 = arith.muli %arg1, %mul3A_17 : i32
    "tpu.region"() ({
      %run_scoped3A = tpu.sem_alloc : memref<!tpu.dma_semaphore, #tpu.memory_space<semaphore_mem>>
      %dma_start3A = arith.constant 0 : i32
      %dma_start3A_31 = tpu.memref_slice %arg12[%dma_start3A, %mul3A_18] : memref<16x10240xf32, #tpu.memory_space<vmem_shared>> -> memref<16x640xf32, #tpu.memory_space<vmem_shared>>
      %dma_start3A_32 = arith.constant 0 : i32
      %dma_start3A_33 = tpu.memref_slice %arg12[%dma_start3A_32, %mul3A_18] : memref<16x10240xf32, #tpu.memory_space<vmem_shared>> -> memref<16x640xf32, #tpu.memory_space<vmem_shared>>
      tpu.enqueue_dma source(%dma_start3A_33 : memref<16x640xf32, #tpu.memory_space<vmem_shared>>) target(%arg10 : memref<16x640xf32, #tpu.memory_space<vmem>>) target_semaphore(%run_scoped3A : memref<!tpu.dma_semaphore, #tpu.memory_space<semaphore_mem>>)
      %dma_wait3A = arith.constant 0 : i32
      %dma_wait3A_34 = tpu.memref_slice %arg12[%dma_wait3A, %mul3A_18] : memref<16x10240xf32, #tpu.memory_space<vmem_shared>> -> memref<16x640xf32, #tpu.memory_space<vmem_shared>>
      %dma_wait3A_35 = arith.constant 0 : i32
      %dma_wait3A_36 = tpu.memref_slice %arg12[%dma_wait3A_35, %mul3A_18] : memref<16x10240xf32, #tpu.memory_space<vmem_shared>> -> memref<16x640xf32, #tpu.memory_space<vmem_shared>>
      tpu.wait_dma2 semaphore(%run_scoped3A : memref<!tpu.dma_semaphore, #tpu.memory_space<semaphore_mem>>) src(%dma_wait3A_36 : memref<16x640xf32, #tpu.memory_space<vmem_shared>>) dst(%arg10 : memref<16x640xf32, #tpu.memory_space<vmem>>)
      tpu.yield
    }) : () -> ()
    %scan3A_19 = arith.constant 0 : i32
    %scan3A_20 = arith.constant 0 : i32
    %scan3A_21 = arith.constant 40 : i32
    %scan3A_22 = arith.addi %scan3A_20, %scan3A_21 : i32
    %scan3A_23 = arith.constant 1 : i32
    %scan3A_24 = scf.for %scan3A_31 = %scan3A_20 to %scan3A_22 step %scan3A_23 iter_args(%scan3A_32 = %scan3A_19) -> (i32)  : i32 {
      %mul3A_33 = arith.constant 16 : i32
      %mul3A_34 = arith.muli %scan3A_31, %mul3A_33 : i32
      %get3A = arith.constant 0 : i32
      %get3A_35 = arith.index_cast %get3A : i32 to index
      %get3A_36 = arith.index_cast %mul3A_34 : i32 to index
      %get3A_37 = tpu.vector_load %arg10[%get3A_35, %get3A_36] {strides = array<i32>} : memref<16x640xf32, #tpu.memory_space<vmem>>, vector<16xf32>,
      %mul3A_38 = arith.constant 16 : i32
      %mul3A_39 = arith.muli %scan3A_31, %mul3A_38 : i32
      %get3A_40 = arith.constant 1 : i32
      %get3A_41 = arith.index_cast %get3A_40 : i32 to index
      %get3A_42 = arith.index_cast %mul3A_39 : i32 to index
      %get3A_43 = tpu.vector_load %arg10[%get3A_41, %get3A_42] {strides = array<i32>} : memref<16x640xf32, #tpu.memory_space<vmem>>, vector<16xf32>,
      %add3A_44 = arith.addf %get3A_37, %get3A_43 : vector<16xf32>
      %mul3A_45 = arith.constant 16 : i32
      %mul3A_46 = arith.muli %scan3A_31, %mul3A_45 : i32
      %get3A_47 = arith.constant 2 : i32
      %get3A_48 = arith.index_cast %get3A_47 : i32 to index
      %get3A_49 = arith.index_cast %mul3A_46 : i32 to index
      %get3A_50 = tpu.vector_load %arg10[%get3A_48, %get3A_49] {strides = array<i32>} : memref<16x640xf32, #tpu.memory_space<vmem>>, vector<16xf32>,
      %add3A_51 = arith.addf %add3A_44, %get3A_50 : vector<16xf32>
      %mul3A_52 = arith.constant 16 : i32
      %mul3A_53 = arith.muli %scan3A_31, %mul3A_52 : i32
      %get3A_54 = arith.constant 3 : i32
      %get3A_55 = arith.index_cast %get3A_54 : i32 to index
      %get3A_56 = arith.index_cast %mul3A_53 : i32 to index
      %get3A_57 = tpu.vector_load %arg10[%get3A_55, %get3A_56] {strides = array<i32>} : memref<16x640xf32, #tpu.memory_space<vmem>>, vector<16xf32>,
      %add3A_58 = arith.addf %add3A_51, %get3A_57 : vector<16xf32>
      %mul3A_59 = arith.constant 16 : i32
      %mul3A_60 = arith.muli %scan3A_31, %mul3A_59 : i32
      %get3A_61 = arith.constant 4 : i32
      %get3A_62 = arith.index_cast %get3A_61 : i32 to index
      %get3A_63 = arith.index_cast %mul3A_60 : i32 to index
      %get3A_64 = tpu.vector_load %arg10[%get3A_62, %get3A_63] {strides = array<i32>} : memref<16x640xf32, #tpu.memory_space<vmem>>, vector<16xf32>,
      %add3A_65 = arith.addf %add3A_58, %get3A_64 : vector<16xf32>
      %mul3A_66 = arith.constant 16 : i32
      %mul3A_67 = arith.muli %scan3A_31, %mul3A_66 : i32
      %get3A_68 = arith.constant 5 : i32
      %get3A_69 = arith.index_cast %get3A_68 : i32 to index
      %get3A_70 = arith.index_cast %mul3A_67 : i32 to index
      %get3A_71 = tpu.vector_load %arg10[%get3A_69, %get3A_70] {strides = array<i32>} : memref<16x640xf32, #tpu.memory_space<vmem>>, vector<16xf32>,
      %add3A_72 = arith.addf %add3A_65, %get3A_71 : vector<16xf32>
      %mul3A_73 = arith.constant 16 : i32
      %mul3A_74 = arith.muli %scan3A_31, %mul3A_73 : i32
      %get3A_75 = arith.constant 6 : i32
      %get3A_76 = arith.index_cast %get3A_75 : i32 to index
      %get3A_77 = arith.index_cast %mul3A_74 : i32 to index
      %get3A_78 = tpu.vector_load %arg10[%get3A_76, %get3A_77] {strides = array<i32>} : memref<16x640xf32, #tpu.memory_space<vmem>>, vector<16xf32>,
      %add3A_79 = arith.addf %add3A_72, %get3A_78 : vector<16xf32>
      %mul3A_80 = arith.constant 16 : i32
      %mul3A_81 = arith.muli %scan3A_31, %mul3A_80 : i32
      %get3A_82 = arith.constant 7 : i32
      %get3A_83 = arith.index_cast %get3A_82 : i32 to index
      %get3A_84 = arith.index_cast %mul3A_81 : i32 to index
      %get3A_85 = tpu.vector_load %arg10[%get3A_83, %get3A_84] {strides = array<i32>} : memref<16x640xf32, #tpu.memory_space<vmem>>, vector<16xf32>,
      %add3A_86 = arith.addf %add3A_79, %get3A_85 : vector<16xf32>
      %mul3A_87 = arith.constant 16 : i32
      %mul3A_88 = arith.muli %scan3A_31, %mul3A_87 : i32
      %get3A_89 = arith.constant 8 : i32
      %get3A_90 = arith.index_cast %get3A_89 : i32 to index
      %get3A_91 = arith.index_cast %mul3A_88 : i32 to index
      %get3A_92 = tpu.vector_load %arg10[%get3A_90, %get3A_91] {strides = array<i32>} : memref<16x640xf32, #tpu.memory_space<vmem>>, vector<16xf32>,
      %add3A_93 = arith.addf %add3A_86, %get3A_92 : vector<16xf32>
      %mul3A_94 = arith.constant 16 : i32
      %mul3A_95 = arith.muli %scan3A_31, %mul3A_94 : i32
      %get3A_96 = arith.constant 9 : i32
      %get3A_97 = arith.index_cast %get3A_96 : i32 to index
      %get3A_98 = arith.index_cast %mul3A_95 : i32 to index
      %get3A_99 = tpu.vector_load %arg10[%get3A_97, %get3A_98] {strides = array<i32>} : memref<16x640xf32, #tpu.memory_space<vmem>>, vector<16xf32>,
      %add3A_100 = arith.addf %add3A_93, %get3A_99 : vector<16xf32>
      %mul3A_101 = arith.constant 16 : i32
      %mul3A_102 = arith.muli %scan3A_31, %mul3A_101 : i32
      %get3A_103 = arith.constant 10 : i32
      %get3A_104 = arith.index_cast %get3A_103 : i32 to index
      %get3A_105 = arith.index_cast %mul3A_102 : i32 to index
      %get3A_106 = tpu.vector_load %arg10[%get3A_104, %get3A_105] {strides = array<i32>} : memref<16x640xf32, #tpu.memory_space<vmem>>, vector<16xf32>,
      %add3A_107 = arith.addf %add3A_100, %get3A_106 : vector<16xf32>
      %mul3A_108 = arith.constant 16 : i32
      %mul3A_109 = arith.muli %scan3A_31, %mul3A_108 : i32
      %get3A_110 = arith.constant 11 : i32
      %get3A_111 = arith.index_cast %get3A_110 : i32 to index
      %get3A_112 = arith.index_cast %mul3A_109 : i32 to index
      %get3A_113 = tpu.vector_load %arg10[%get3A_111, %get3A_112] {strides = array<i32>} : memref<16x640xf32, #tpu.memory_space<vmem>>, vector<16xf32>,
      %add3A_114 = arith.addf %add3A_107, %get3A_113 : vector<16xf32>
      %mul3A_115 = arith.constant 16 : i32
      %mul3A_116 = arith.muli %scan3A_31, %mul3A_115 : i32
      %get3A_117 = arith.constant 12 : i32
      %get3A_118 = arith.index_cast %get3A_117 : i32 to index
      %get3A_119 = arith.index_cast %mul3A_116 : i32 to index
      %get3A_120 = tpu.vector_load %arg10[%get3A_118, %get3A_119] {strides = array<i32>} : memref<16x640xf32, #tpu.memory_space<vmem>>, vector<16xf32>,
      %add3A_121 = arith.addf %add3A_114, %get3A_120 : vector<16xf32>
      %mul3A_122 = arith.constant 16 : i32
      %mul3A_123 = arith.muli %scan3A_31, %mul3A_122 : i32
      %get3A_124 = arith.constant 13 : i32
      %get3A_125 = arith.index_cast %get3A_124 : i32 to index
      %get3A_126 = arith.index_cast %mul3A_123 : i32 to index
      %get3A_127 = tpu.vector_load %arg10[%get3A_125, %get3A_126] {strides = array<i32>} : memref<16x640xf32, #tpu.memory_space<vmem>>, vector<16xf32>,
      %add3A_128 = arith.addf %add3A_121, %get3A_127 : vector<16xf32>
      %mul3A_129 = arith.constant 16 : i32
      %mul3A_130 = arith.muli %scan3A_31, %mul3A_129 : i32
      %get3A_131 = arith.constant 14 : i32
      %get3A_132 = arith.index_cast %get3A_131 : i32 to index
      %get3A_133 = arith.index_cast %mul3A_130 : i32 to index
      %get3A_134 = tpu.vector_load %arg10[%get3A_132, %get3A_133] {strides = array<i32>} : memref<16x640xf32, #tpu.memory_space<vmem>>, vector<16xf32>,
      %add3A_135 = arith.addf %add3A_128, %get3A_134 : vector<16xf32>
      %mul3A_136 = arith.constant 16 : i32
      %mul3A_137 = arith.muli %scan3A_31, %mul3A_136 : i32
      %get3A_138 = arith.constant 15 : i32
      %get3A_139 = arith.index_cast %get3A_138 : i32 to index
      %get3A_140 = arith.index_cast %mul3A_137 : i32 to index
      %get3A_141 = tpu.vector_load %arg10[%get3A_139, %get3A_140] {strides = array<i32>} : memref<16x640xf32, #tpu.memory_space<vmem>>, vector<16xf32>,
      %add3A_142 = arith.addf %add3A_135, %get3A_141 : vector<16xf32>
      %mul3A_143 = arith.constant 16 : i32
      %mul3A_144 = arith.muli %scan3A_31, %mul3A_143 : i32
      %swap3A = arith.index_cast %mul3A_144 : i32 to index
      %swap3A_145 = tpu.vector_load %arg11[%swap3A] {strides = array<i32>} : memref<640xf32, #tpu.memory_space<vmem>>, vector<16xf32>,
      tpu.vector_store %arg11[%swap3A], %add3A_142 {strides = array<i32>} : memref<640xf32, #tpu.memory_space<vmem>>, vector<16xf32>,
      %scan3A_146 = arith.constant 0 : i32
      scf.yield %scan3A_146 : i32
    }
    %scan3A_25 = arith.constant 40 : i32
    %mul3A_26 = arith.constant 10240 : i32
    %mul3A_27 = arith.muli %arg0, %mul3A_26 : i32
    %mul3A_28 = arith.constant 640 : i32
    %mul3A_29 = arith.muli %arg1, %mul3A_28 : i32
    %add3A_30 = arith.addi %mul3A_27, %mul3A_29 : i32
    "tpu.region"() ({
      %run_scoped3A = tpu.sem_alloc : memref<!tpu.dma_semaphore, #tpu.memory_space<semaphore_mem>>
      %dma_start3A = tpu.memref_slice %arg4[%add3A_30] : memref<20480xf32, #tpu.memory_space<hbm>> -> memref<640xf32, #tpu.memory_space<hbm>>
      %dma_start3A_31 = tpu.memref_slice %arg4[%add3A_30] : memref<20480xf32, #tpu.memory_space<hbm>> -> memref<640xf32, #tpu.memory_space<hbm>>
      tpu.enqueue_dma source(%arg11 : memref<640xf32, #tpu.memory_space<vmem>>) target(%dma_start3A_31 : memref<640xf32, #tpu.memory_space<hbm>>) target_semaphore(%run_scoped3A : memref<!tpu.dma_semaphore, #tpu.memory_space<semaphore_mem>>)
      %dma_wait3A = tpu.memref_slice %arg4[%add3A_30] : memref<20480xf32, #tpu.memory_space<hbm>> -> memref<640xf32, #tpu.memory_space<hbm>>
      %dma_wait3A_32 = tpu.memref_slice %arg4[%add3A_30] : memref<20480xf32, #tpu.memory_space<hbm>> -> memref<640xf32, #tpu.memory_space<hbm>>
      tpu.wait_dma2 semaphore(%run_scoped3A : memref<!tpu.dma_semaphore, #tpu.memory_space<semaphore_mem>>) src(%arg11 : memref<640xf32, #tpu.memory_space<vmem>>) dst(%dma_wait3A_32 : memref<640xf32, #tpu.memory_space<hbm>>)
      tpu.yield
    }) : () -> ()
    return
  }
}

#map = affine_map<(d0, d1) -> (0, 0)>
#map1 = affine_map<(d0, d1) -> (0, 0, 0)>
module attributes {stable_mosaic.version = 14 : i64} {
  func.func @body(%arg0: i32, %arg1: i32, %arg2: memref<10240x128xf32, #tpu.memory_space<hbm>>, %arg3: memref<32x79x128xi32, #tpu.memory_space<hbm>>, %arg4: memref<32x79x128xi32, #tpu.memory_space<hbm>>, %arg5: memref<2x10240x128xf32, #tpu.memory_space<hbm>>, %arg6: memref<40x128xi32, #tpu.memory_space<vmem>>, %arg7: memref<40x128xi32, #tpu.memory_space<vmem>>, %arg8: memref<128x128xf32, #tpu.memory_space<vmem>>, %arg9: memref<128x128xf32, #tpu.memory_space<vmem>>, %arg10: memref<!tpu.dma_semaphore, #tpu.memory_space<semaphore_mem>>, %arg11: memref<!tpu.dma_semaphore, #tpu.memory_space<semaphore_mem>>, %arg12: memref<10240x128xf32, #tpu.memory_space<vmem_shared>>) attributes {dimension_semantics = [#tpu.dimension_semantics<core_parallel>, #tpu.dimension_semantics<subcore_parallel>], iteration_bounds = array<i64: 2, 16>, scalar_prefetch = 0 : i64, scratch_operands = 7 : i64, tpu.core_type = #tpu.core_type<sc_vector_subcore>, window_params = [{transform_indices = #map}, {transform_indices = #map1}, {transform_indices = #map1}, {transform_indices = #map1}]} {
    %broadcast_in_dim3A = arith.constant 0.000000e+00 : f32
    %broadcast_in_dim3A_0 = vector.broadcast %broadcast_in_dim3A : f32 to vector<16xf32>
    %mul3A = arith.constant 16 : i32
    %mul3A_1 = arith.muli %arg0, %mul3A : i32
    %add3A = arith.addi %mul3A_1, %arg1 : i32
    %scan3A = arith.constant 0 : i32
    %scan3A_2 = arith.constant 0 : i32
    %scan3A_3 = arith.constant 128 : i32
    %scan3A_4 = arith.addi %scan3A_2, %scan3A_3 : i32
    %scan3A_5 = arith.constant 1 : i32
    %scan3A_6 = scf.for %scan3A_60 = %scan3A_2 to %scan3A_4 step %scan3A_5 iter_args(%scan3A_61 = %scan3A) -> (i32)  : i32 {
      %swap3A = arith.index_cast %scan3A_60 : i32 to index
      %swap3A_62 = arith.constant 0 : index
      %swap3A_63 = tpu.vector_load %arg8[%swap3A, %swap3A_62] {strides = array<i32>} : memref<128x128xf32, #tpu.memory_space<vmem>>, vector<16xf32>,
      tpu.vector_store %arg8[%swap3A, %swap3A_62], %broadcast_in_dim3A_0 {strides = array<i32>} : memref<128x128xf32, #tpu.memory_space<vmem>>, vector<16xf32>,
      %swap3A_64 = arith.index_cast %scan3A_60 : i32 to index
      %swap3A_65 = arith.constant 16 : index
      %swap3A_66 = tpu.vector_load %arg8[%swap3A_64, %swap3A_65] {strides = array<i32>} : memref<128x128xf32, #tpu.memory_space<vmem>>, vector<16xf32>,
      tpu.vector_store %arg8[%swap3A_64, %swap3A_65], %broadcast_in_dim3A_0 {strides = array<i32>} : memref<128x128xf32, #tpu.memory_space<vmem>>, vector<16xf32>,
      %swap3A_67 = arith.index_cast %scan3A_60 : i32 to index
      %swap3A_68 = arith.constant 32 : index
      %swap3A_69 = tpu.vector_load %arg8[%swap3A_67, %swap3A_68] {strides = array<i32>} : memref<128x128xf32, #tpu.memory_space<vmem>>, vector<16xf32>,
      tpu.vector_store %arg8[%swap3A_67, %swap3A_68], %broadcast_in_dim3A_0 {strides = array<i32>} : memref<128x128xf32, #tpu.memory_space<vmem>>, vector<16xf32>,
      %swap3A_70 = arith.index_cast %scan3A_60 : i32 to index
      %swap3A_71 = arith.constant 48 : index
      %swap3A_72 = tpu.vector_load %arg8[%swap3A_70, %swap3A_71] {strides = array<i32>} : memref<128x128xf32, #tpu.memory_space<vmem>>, vector<16xf32>,
      tpu.vector_store %arg8[%swap3A_70, %swap3A_71], %broadcast_in_dim3A_0 {strides = array<i32>} : memref<128x128xf32, #tpu.memory_space<vmem>>, vector<16xf32>,
      %swap3A_73 = arith.index_cast %scan3A_60 : i32 to index
      %swap3A_74 = arith.constant 64 : index
      %swap3A_75 = tpu.vector_load %arg8[%swap3A_73, %swap3A_74] {strides = array<i32>} : memref<128x128xf32, #tpu.memory_space<vmem>>, vector<16xf32>,
      tpu.vector_store %arg8[%swap3A_73, %swap3A_74], %broadcast_in_dim3A_0 {strides = array<i32>} : memref<128x128xf32, #tpu.memory_space<vmem>>, vector<16xf32>,
      %swap3A_76 = arith.index_cast %scan3A_60 : i32 to index
      %swap3A_77 = arith.constant 80 : index
      %swap3A_78 = tpu.vector_load %arg8[%swap3A_76, %swap3A_77] {strides = array<i32>} : memref<128x128xf32, #tpu.memory_space<vmem>>, vector<16xf32>,
      tpu.vector_store %arg8[%swap3A_76, %swap3A_77], %broadcast_in_dim3A_0 {strides = array<i32>} : memref<128x128xf32, #tpu.memory_space<vmem>>, vector<16xf32>,
      %swap3A_79 = arith.index_cast %scan3A_60 : i32 to index
      %swap3A_80 = arith.constant 96 : index
      %swap3A_81 = tpu.vector_load %arg8[%swap3A_79, %swap3A_80] {strides = array<i32>} : memref<128x128xf32, #tpu.memory_space<vmem>>, vector<16xf32>,
      tpu.vector_store %arg8[%swap3A_79, %swap3A_80], %broadcast_in_dim3A_0 {strides = array<i32>} : memref<128x128xf32, #tpu.memory_space<vmem>>, vector<16xf32>,
      %swap3A_82 = arith.index_cast %scan3A_60 : i32 to index
      %swap3A_83 = arith.constant 112 : index
      %swap3A_84 = tpu.vector_load %arg8[%swap3A_82, %swap3A_83] {strides = array<i32>} : memref<128x128xf32, #tpu.memory_space<vmem>>, vector<16xf32>,
      tpu.vector_store %arg8[%swap3A_82, %swap3A_83], %broadcast_in_dim3A_0 {strides = array<i32>} : memref<128x128xf32, #tpu.memory_space<vmem>>, vector<16xf32>,
      %scan3A_85 = arith.constant 0 : i32
      scf.yield %scan3A_85 : i32
    }
    %scan3A_7 = arith.constant 128 : i32
    %mul3A_8 = arith.constant 640 : i32
    %mul3A_9 = arith.muli %arg1, %mul3A_8 : i32
    %add3A_10 = arith.constant 0 : i32
    %add3A_11 = arith.addi %mul3A_9, %add3A_10 : i32
    "tpu.region"() ({
      %run_scoped3A = tpu.sem_alloc : memref<!tpu.dma_semaphore, #tpu.memory_space<semaphore_mem>>
      %dma_start3A_60 = arith.constant 0 : i32
      %dma_start3A_61 = tpu.memref_slice %arg12[%add3A_11, %dma_start3A_60] : memref<10240x128xf32, #tpu.memory_space<vmem_shared>> -> memref<128x128xf32, #tpu.memory_space<vmem_shared>>
      %dma_start3A_62 = arith.constant 0 : i32
      %dma_start3A_63 = tpu.memref_slice %arg12[%add3A_11, %dma_start3A_62] : memref<10240x128xf32, #tpu.memory_space<vmem_shared>> -> memref<128x128xf32, #tpu.memory_space<vmem_shared>>
      tpu.enqueue_dma source(%arg8 : memref<128x128xf32, #tpu.memory_space<vmem>>) target(%dma_start3A_63 : memref<128x128xf32, #tpu.memory_space<vmem_shared>>) target_semaphore(%run_scoped3A : memref<!tpu.dma_semaphore, #tpu.memory_space<semaphore_mem>>)
      %dma_wait3A = arith.constant 0 : i32
      %dma_wait3A_64 = tpu.memref_slice %arg12[%add3A_11, %dma_wait3A] : memref<10240x128xf32, #tpu.memory_space<vmem_shared>> -> memref<128x128xf32, #tpu.memory_space<vmem_shared>>
      %dma_wait3A_65 = arith.constant 0 : i32
      %dma_wait3A_66 = tpu.memref_slice %arg12[%add3A_11, %dma_wait3A_65] : memref<10240x128xf32, #tpu.memory_space<vmem_shared>> -> memref<128x128xf32, #tpu.memory_space<vmem_shared>>
      tpu.wait_dma2 semaphore(%run_scoped3A : memref<!tpu.dma_semaphore, #tpu.memory_space<semaphore_mem>>) src(%arg8 : memref<128x128xf32, #tpu.memory_space<vmem>>) dst(%dma_wait3A_66 : memref<128x128xf32, #tpu.memory_space<vmem_shared>>)
      tpu.yield
    }) : () -> ()
    %mul3A_12 = arith.constant 640 : i32
    %mul3A_13 = arith.muli %arg1, %mul3A_12 : i32
    %add3A_14 = arith.constant 128 : i32
    %add3A_15 = arith.addi %mul3A_13, %add3A_14 : i32
    "tpu.region"() ({
      %run_scoped3A = tpu.sem_alloc : memref<!tpu.dma_semaphore, #tpu.memory_space<semaphore_mem>>
      %dma_start3A_60 = arith.constant 0 : i32
      %dma_start3A_61 = tpu.memref_slice %arg12[%add3A_15, %dma_start3A_60] : memref<10240x128xf32, #tpu.memory_space<vmem_shared>> -> memref<128x128xf32, #tpu.memory_space<vmem_shared>>
      %dma_start3A_62 = arith.constant 0 : i32
      %dma_start3A_63 = tpu.memref_slice %arg12[%add3A_15, %dma_start3A_62] : memref<10240x128xf32, #tpu.memory_space<vmem_shared>> -> memref<128x128xf32, #tpu.memory_space<vmem_shared>>
      tpu.enqueue_dma source(%arg8 : memref<128x128xf32, #tpu.memory_space<vmem>>) target(%dma_start3A_63 : memref<128x128xf32, #tpu.memory_space<vmem_shared>>) target_semaphore(%run_scoped3A : memref<!tpu.dma_semaphore, #tpu.memory_space<semaphore_mem>>)
      %dma_wait3A = arith.constant 0 : i32
      %dma_wait3A_64 = tpu.memref_slice %arg12[%add3A_15, %dma_wait3A] : memref<10240x128xf32, #tpu.memory_space<vmem_shared>> -> memref<128x128xf32, #tpu.memory_space<vmem_shared>>
      %dma_wait3A_65 = arith.constant 0 : i32
      %dma_wait3A_66 = tpu.memref_slice %arg12[%add3A_15, %dma_wait3A_65] : memref<10240x128xf32, #tpu.memory_space<vmem_shared>> -> memref<128x128xf32, #tpu.memory_space<vmem_shared>>
      tpu.wait_dma2 semaphore(%run_scoped3A : memref<!tpu.dma_semaphore, #tpu.memory_space<semaphore_mem>>) src(%arg8 : memref<128x128xf32, #tpu.memory_space<vmem>>) dst(%dma_wait3A_66 : memref<128x128xf32, #tpu.memory_space<vmem_shared>>)
      tpu.yield
    }) : () -> ()
    %mul3A_16 = arith.constant 640 : i32
    %mul3A_17 = arith.muli %arg1, %mul3A_16 : i32
    %add3A_18 = arith.constant 256 : i32
    %add3A_19 = arith.addi %mul3A_17, %add3A_18 : i32
    "tpu.region"() ({
      %run_scoped3A = tpu.sem_alloc : memref<!tpu.dma_semaphore, #tpu.memory_space<semaphore_mem>>
      %dma_start3A_60 = arith.constant 0 : i32
      %dma_start3A_61 = tpu.memref_slice %arg12[%add3A_19, %dma_start3A_60] : memref<10240x128xf32, #tpu.memory_space<vmem_shared>> -> memref<128x128xf32, #tpu.memory_space<vmem_shared>>
      %dma_start3A_62 = arith.constant 0 : i32
      %dma_start3A_63 = tpu.memref_slice %arg12[%add3A_19, %dma_start3A_62] : memref<10240x128xf32, #tpu.memory_space<vmem_shared>> -> memref<128x128xf32, #tpu.memory_space<vmem_shared>>
      tpu.enqueue_dma source(%arg8 : memref<128x128xf32, #tpu.memory_space<vmem>>) target(%dma_start3A_63 : memref<128x128xf32, #tpu.memory_space<vmem_shared>>) target_semaphore(%run_scoped3A : memref<!tpu.dma_semaphore, #tpu.memory_space<semaphore_mem>>)
      %dma_wait3A = arith.constant 0 : i32
      %dma_wait3A_64 = tpu.memref_slice %arg12[%add3A_19, %dma_wait3A] : memref<10240x128xf32, #tpu.memory_space<vmem_shared>> -> memref<128x128xf32, #tpu.memory_space<vmem_shared>>
      %dma_wait3A_65 = arith.constant 0 : i32
      %dma_wait3A_66 = tpu.memref_slice %arg12[%add3A_19, %dma_wait3A_65] : memref<10240x128xf32, #tpu.memory_space<vmem_shared>> -> memref<128x128xf32, #tpu.memory_space<vmem_shared>>
      tpu.wait_dma2 semaphore(%run_scoped3A : memref<!tpu.dma_semaphore, #tpu.memory_space<semaphore_mem>>) src(%arg8 : memref<128x128xf32, #tpu.memory_space<vmem>>) dst(%dma_wait3A_66 : memref<128x128xf32, #tpu.memory_space<vmem_shared>>)
      tpu.yield
    }) : () -> ()
    %mul3A_20 = arith.constant 640 : i32
    %mul3A_21 = arith.muli %arg1, %mul3A_20 : i32
    %add3A_22 = arith.constant 384 : i32
    %add3A_23 = arith.addi %mul3A_21, %add3A_22 : i32
    "tpu.region"() ({
      %run_scoped3A = tpu.sem_alloc : memref<!tpu.dma_semaphore, #tpu.memory_space<semaphore_mem>>
      %dma_start3A_60 = arith.constant 0 : i32
      %dma_start3A_61 = tpu.memref_slice %arg12[%add3A_23, %dma_start3A_60] : memref<10240x128xf32, #tpu.memory_space<vmem_shared>> -> memref<128x128xf32, #tpu.memory_space<vmem_shared>>
      %dma_start3A_62 = arith.constant 0 : i32
      %dma_start3A_63 = tpu.memref_slice %arg12[%add3A_23, %dma_start3A_62] : memref<10240x128xf32, #tpu.memory_space<vmem_shared>> -> memref<128x128xf32, #tpu.memory_space<vmem_shared>>
      tpu.enqueue_dma source(%arg8 : memref<128x128xf32, #tpu.memory_space<vmem>>) target(%dma_start3A_63 : memref<128x128xf32, #tpu.memory_space<vmem_shared>>) target_semaphore(%run_scoped3A : memref<!tpu.dma_semaphore, #tpu.memory_space<semaphore_mem>>)
      %dma_wait3A = arith.constant 0 : i32
      %dma_wait3A_64 = tpu.memref_slice %arg12[%add3A_23, %dma_wait3A] : memref<10240x128xf32, #tpu.memory_space<vmem_shared>> -> memref<128x128xf32, #tpu.memory_space<vmem_shared>>
      %dma_wait3A_65 = arith.constant 0 : i32
      %dma_wait3A_66 = tpu.memref_slice %arg12[%add3A_23, %dma_wait3A_65] : memref<10240x128xf32, #tpu.memory_space<vmem_shared>> -> memref<128x128xf32, #tpu.memory_space<vmem_shared>>
      tpu.wait_dma2 semaphore(%run_scoped3A : memref<!tpu.dma_semaphore, #tpu.memory_space<semaphore_mem>>) src(%arg8 : memref<128x128xf32, #tpu.memory_space<vmem>>) dst(%dma_wait3A_66 : memref<128x128xf32, #tpu.memory_space<vmem_shared>>)
      tpu.yield
    }) : () -> ()
    %mul3A_24 = arith.constant 640 : i32
    %mul3A_25 = arith.muli %arg1, %mul3A_24 : i32
    %add3A_26 = arith.constant 512 : i32
    %add3A_27 = arith.addi %mul3A_25, %add3A_26 : i32
    "tpu.region"() ({
      %run_scoped3A = tpu.sem_alloc : memref<!tpu.dma_semaphore, #tpu.memory_space<semaphore_mem>>
      %dma_start3A_60 = arith.constant 0 : i32
      %dma_start3A_61 = tpu.memref_slice %arg12[%add3A_27, %dma_start3A_60] : memref<10240x128xf32, #tpu.memory_space<vmem_shared>> -> memref<128x128xf32, #tpu.memory_space<vmem_shared>>
      %dma_start3A_62 = arith.constant 0 : i32
      %dma_start3A_63 = tpu.memref_slice %arg12[%add3A_27, %dma_start3A_62] : memref<10240x128xf32, #tpu.memory_space<vmem_shared>> -> memref<128x128xf32, #tpu.memory_space<vmem_shared>>
      tpu.enqueue_dma source(%arg8 : memref<128x128xf32, #tpu.memory_space<vmem>>) target(%dma_start3A_63 : memref<128x128xf32, #tpu.memory_space<vmem_shared>>) target_semaphore(%run_scoped3A : memref<!tpu.dma_semaphore, #tpu.memory_space<semaphore_mem>>)
      %dma_wait3A = arith.constant 0 : i32
      %dma_wait3A_64 = tpu.memref_slice %arg12[%add3A_27, %dma_wait3A] : memref<10240x128xf32, #tpu.memory_space<vmem_shared>> -> memref<128x128xf32, #tpu.memory_space<vmem_shared>>
      %dma_wait3A_65 = arith.constant 0 : i32
      %dma_wait3A_66 = tpu.memref_slice %arg12[%add3A_27, %dma_wait3A_65] : memref<10240x128xf32, #tpu.memory_space<vmem_shared>> -> memref<128x128xf32, #tpu.memory_space<vmem_shared>>
      tpu.wait_dma2 semaphore(%run_scoped3A : memref<!tpu.dma_semaphore, #tpu.memory_space<semaphore_mem>>) src(%arg8 : memref<128x128xf32, #tpu.memory_space<vmem>>) dst(%dma_wait3A_66 : memref<128x128xf32, #tpu.memory_space<vmem_shared>>)
      tpu.yield
    }) : () -> ()
    %barrier3A = arith.constant 0 : index
    tpu.barrier barrier_id(%barrier3A)
    "tpu.region"() ({
      %run_scoped3A = tpu.sem_alloc : memref<!tpu.dma_semaphore, #tpu.memory_space<semaphore_mem>>
      %dma_start3A_60 = arith.constant 0 : i32
      %dma_start3A_61 = arith.constant 0 : i32
      %dma_start3A_62 = tpu.memref_slice %arg6[%dma_start3A_60, %dma_start3A_61] : memref<40x128xi32, #tpu.memory_space<vmem>> -> memref<40x128xi32, #tpu.memory_space<vmem>>
      %dma_start3A_63 = arith.constant 0 : i32
      %dma_start3A_64 = arith.constant 0 : i32
      %dma_start3A_65 = tpu.memref_slice %arg3[%add3A, %dma_start3A_63, %dma_start3A_64] : memref<32x79x128xi32, #tpu.memory_space<hbm>> -> memref<1x40x128xi32, #tpu.memory_space<hbm>>
      %dma_start3A_66 = tpu.memref_squeeze %dma_start3A_65 : memref<1x40x128xi32, #tpu.memory_space<hbm>> -> memref<40x128xi32, #tpu.memory_space<hbm>>
      %dma_start3A_67 = arith.constant 0 : i32
      %dma_start3A_68 = arith.constant 0 : i32
      %dma_start3A_69 = tpu.memref_slice %arg6[%dma_start3A_67, %dma_start3A_68] : memref<40x128xi32, #tpu.memory_space<vmem>> -> memref<40x128xi32, #tpu.memory_space<vmem>>
      %dma_start3A_70 = arith.constant 0 : i32
      %dma_start3A_71 = arith.constant 0 : i32
      %dma_start3A_72 = tpu.memref_slice %arg3[%add3A, %dma_start3A_70, %dma_start3A_71] : memref<32x79x128xi32, #tpu.memory_space<hbm>> -> memref<1x40x128xi32, #tpu.memory_space<hbm>>
      %dma_start3A_73 = tpu.memref_squeeze %dma_start3A_72 : memref<1x40x128xi32, #tpu.memory_space<hbm>> -> memref<40x128xi32, #tpu.memory_space<hbm>>
      tpu.enqueue_dma source(%dma_start3A_73 : memref<40x128xi32, #tpu.memory_space<hbm>>) target(%dma_start3A_69 : memref<40x128xi32, #tpu.memory_space<vmem>>) target_semaphore(%run_scoped3A : memref<!tpu.dma_semaphore, #tpu.memory_space<semaphore_mem>>)
      %dma_wait3A = arith.constant 0 : i32
      %dma_wait3A_74 = arith.constant 0 : i32
      %dma_wait3A_75 = tpu.memref_slice %arg6[%dma_wait3A, %dma_wait3A_74] : memref<40x128xi32, #tpu.memory_space<vmem>> -> memref<40x128xi32, #tpu.memory_space<vmem>>
      %dma_wait3A_76 = arith.constant 0 : i32
      %dma_wait3A_77 = arith.constant 0 : i32
      %dma_wait3A_78 = tpu.memref_slice %arg3[%add3A, %dma_wait3A_76, %dma_wait3A_77] : memref<32x79x128xi32, #tpu.memory_space<hbm>> -> memref<1x40x128xi32, #tpu.memory_space<hbm>>
      %dma_wait3A_79 = tpu.memref_squeeze %dma_wait3A_78 : memref<1x40x128xi32, #tpu.memory_space<hbm>> -> memref<40x128xi32, #tpu.memory_space<hbm>>
      %dma_wait3A_80 = arith.constant 0 : i32
      %dma_wait3A_81 = arith.constant 0 : i32
      %dma_wait3A_82 = tpu.memref_slice %arg6[%dma_wait3A_80, %dma_wait3A_81] : memref<40x128xi32, #tpu.memory_space<vmem>> -> memref<40x128xi32, #tpu.memory_space<vmem>>
      %dma_wait3A_83 = arith.constant 0 : i32
      %dma_wait3A_84 = arith.constant 0 : i32
      %dma_wait3A_85 = tpu.memref_slice %arg3[%add3A, %dma_wait3A_83, %dma_wait3A_84] : memref<32x79x128xi32, #tpu.memory_space<hbm>> -> memref<1x40x128xi32, #tpu.memory_space<hbm>>
      %dma_wait3A_86 = tpu.memref_squeeze %dma_wait3A_85 : memref<1x40x128xi32, #tpu.memory_space<hbm>> -> memref<40x128xi32, #tpu.memory_space<hbm>>
      tpu.wait_dma2 semaphore(%run_scoped3A : memref<!tpu.dma_semaphore, #tpu.memory_space<semaphore_mem>>) src(%dma_wait3A_86 : memref<40x128xi32, #tpu.memory_space<hbm>>) dst(%dma_wait3A_82 : memref<40x128xi32, #tpu.memory_space<vmem>>)
      tpu.yield
    }) : () -> ()
    "tpu.region"() ({
      %run_scoped3A = tpu.sem_alloc : memref<!tpu.dma_semaphore, #tpu.memory_space<semaphore_mem>>
      %dma_start3A_60 = arith.constant 0 : i32
      %dma_start3A_61 = arith.constant 0 : i32
      %dma_start3A_62 = tpu.memref_slice %arg7[%dma_start3A_60, %dma_start3A_61] : memref<40x128xi32, #tpu.memory_space<vmem>> -> memref<40x128xi32, #tpu.memory_space<vmem>>
      %dma_start3A_63 = arith.constant 0 : i32
      %dma_start3A_64 = arith.constant 0 : i32
      %dma_start3A_65 = tpu.memref_slice %arg4[%add3A, %dma_start3A_63, %dma_start3A_64] : memref<32x79x128xi32, #tpu.memory_space<hbm>> -> memref<1x40x128xi32, #tpu.memory_space<hbm>>
      %dma_start3A_66 = tpu.memref_squeeze %dma_start3A_65 : memref<1x40x128xi32, #tpu.memory_space<hbm>> -> memref<40x128xi32, #tpu.memory_space<hbm>>
      %dma_start3A_67 = arith.constant 0 : i32
      %dma_start3A_68 = arith.constant 0 : i32
      %dma_start3A_69 = tpu.memref_slice %arg7[%dma_start3A_67, %dma_start3A_68] : memref<40x128xi32, #tpu.memory_space<vmem>> -> memref<40x128xi32, #tpu.memory_space<vmem>>
      %dma_start3A_70 = arith.constant 0 : i32
      %dma_start3A_71 = arith.constant 0 : i32
      %dma_start3A_72 = tpu.memref_slice %arg4[%add3A, %dma_start3A_70, %dma_start3A_71] : memref<32x79x128xi32, #tpu.memory_space<hbm>> -> memref<1x40x128xi32, #tpu.memory_space<hbm>>
      %dma_start3A_73 = tpu.memref_squeeze %dma_start3A_72 : memref<1x40x128xi32, #tpu.memory_space<hbm>> -> memref<40x128xi32, #tpu.memory_space<hbm>>
      tpu.enqueue_dma source(%dma_start3A_73 : memref<40x128xi32, #tpu.memory_space<hbm>>) target(%dma_start3A_69 : memref<40x128xi32, #tpu.memory_space<vmem>>) target_semaphore(%run_scoped3A : memref<!tpu.dma_semaphore, #tpu.memory_space<semaphore_mem>>)
      %dma_wait3A = arith.constant 0 : i32
      %dma_wait3A_74 = arith.constant 0 : i32
      %dma_wait3A_75 = tpu.memref_slice %arg7[%dma_wait3A, %dma_wait3A_74] : memref<40x128xi32, #tpu.memory_space<vmem>> -> memref<40x128xi32, #tpu.memory_space<vmem>>
      %dma_wait3A_76 = arith.constant 0 : i32
      %dma_wait3A_77 = arith.constant 0 : i32
      %dma_wait3A_78 = tpu.memref_slice %arg4[%add3A, %dma_wait3A_76, %dma_wait3A_77] : memref<32x79x128xi32, #tpu.memory_space<hbm>> -> memref<1x40x128xi32, #tpu.memory_space<hbm>>
      %dma_wait3A_79 = tpu.memref_squeeze %dma_wait3A_78 : memref<1x40x128xi32, #tpu.memory_space<hbm>> -> memref<40x128xi32, #tpu.memory_space<hbm>>
      %dma_wait3A_80 = arith.constant 0 : i32
      %dma_wait3A_81 = arith.constant 0 : i32
      %dma_wait3A_82 = tpu.memref_slice %arg7[%dma_wait3A_80, %dma_wait3A_81] : memref<40x128xi32, #tpu.memory_space<vmem>> -> memref<40x128xi32, #tpu.memory_space<vmem>>
      %dma_wait3A_83 = arith.constant 0 : i32
      %dma_wait3A_84 = arith.constant 0 : i32
      %dma_wait3A_85 = tpu.memref_slice %arg4[%add3A, %dma_wait3A_83, %dma_wait3A_84] : memref<32x79x128xi32, #tpu.memory_space<hbm>> -> memref<1x40x128xi32, #tpu.memory_space<hbm>>
      %dma_wait3A_86 = tpu.memref_squeeze %dma_wait3A_85 : memref<1x40x128xi32, #tpu.memory_space<hbm>> -> memref<40x128xi32, #tpu.memory_space<hbm>>
      tpu.wait_dma2 semaphore(%run_scoped3A : memref<!tpu.dma_semaphore, #tpu.memory_space<semaphore_mem>>) src(%dma_wait3A_86 : memref<40x128xi32, #tpu.memory_space<hbm>>) dst(%dma_wait3A_82 : memref<40x128xi32, #tpu.memory_space<vmem>>)
      tpu.yield
    }) : () -> ()
    %dma_start3A = arith.constant 0 : i32
    %dma_start3A_28 = arith.constant 0 : i32
    %dma_start3A_29 = tpu.memref_slice %arg6[%dma_start3A, %dma_start3A_28] : memref<40x128xi32, #tpu.memory_space<vmem>> -> memref<1x128xi32, #tpu.memory_space<vmem>>
    %dma_start3A_30 = tpu.memref_squeeze %dma_start3A_29 : memref<1x128xi32, #tpu.memory_space<vmem>> -> memref<128xi32, #tpu.memory_space<vmem>>
    %dma_start3A_31 = arith.constant 0 : i32
    %dma_start3A_32 = arith.constant 0 : i32
    %dma_start3A_33 = tpu.memref_slice %arg2[%dma_start3A_31, %dma_start3A_32] : memref<10240x128xf32, #tpu.memory_space<hbm>> -> memref<10240x128xf32, #tpu.memory_space<hbm>>
    tpu.enqueue_indirect_dma source(%dma_start3A_33 : memref<10240x128xf32, #tpu.memory_space<hbm>>) target(%arg8 : memref<128x128xf32, #tpu.memory_space<vmem>>) offsets(%dma_start3A_30 : memref<128xi32, #tpu.memory_space<vmem>>) semaphore(%arg10 : memref<!tpu.dma_semaphore, #tpu.memory_space<semaphore_mem>>)
    %scan3A_34 = arith.constant 0 : i32
    %scan3A_35 = arith.constant 0 : i32
    %scan3A_36 = arith.constant 20 : i32
    %scan3A_37 = arith.addi %scan3A_35, %scan3A_36 : i32
    %scan3A_38 = arith.constant 1 : i32
    %scan3A_39 = scf.for %scan3A_60 = %scan3A_35 to %scan3A_37 step %scan3A_38 iter_args(%scan3A_61 = %scan3A_34) -> (i32)  : i32 {
      %mul3A_62 = arith.constant 2 : i32
      %mul3A_63 = arith.muli %mul3A_62, %scan3A_60 : i32
      %add3A_64 = arith.constant 1 : i32
      %add3A_65 = arith.addi %mul3A_63, %add3A_64 : i32
      %lt3A = arith.constant 40 : i32
      %lt3A_66 = arith.cmpi slt, %add3A_65, %lt3A : i32
      %convert_element_type3A = arith.extui %lt3A_66 : i1 to i32
      %cond3A = arith.constant 0 : i32
      %cond3A_67 = arith.cmpi ne, %convert_element_type3A, %cond3A : i32
      scf.if %cond3A_67 {
        %dma_start3A_86 = arith.constant 0 : i32
        %dma_start3A_87 = tpu.memref_slice %arg6[%add3A_65, %dma_start3A_86] : memref<40x128xi32, #tpu.memory_space<vmem>> -> memref<1x128xi32, #tpu.memory_space<vmem>>
        %dma_start3A_88 = tpu.memref_squeeze %dma_start3A_87 : memref<1x128xi32, #tpu.memory_space<vmem>> -> memref<128xi32, #tpu.memory_space<vmem>>
        %dma_start3A_89 = arith.constant 0 : i32
        %dma_start3A_90 = arith.constant 0 : i32
        %dma_start3A_91 = tpu.memref_slice %arg2[%dma_start3A_89, %dma_start3A_90] : memref<10240x128xf32, #tpu.memory_space<hbm>> -> memref<10240x128xf32, #tpu.memory_space<hbm>>
        tpu.enqueue_indirect_dma source(%dma_start3A_91 : memref<10240x128xf32, #tpu.memory_space<hbm>>) target(%arg9 : memref<128x128xf32, #tpu.memory_space<vmem>>) offsets(%dma_start3A_88 : memref<128xi32, #tpu.memory_space<vmem>>) semaphore(%arg11 : memref<!tpu.dma_semaphore, #tpu.memory_space<semaphore_mem>>)
      } else {
      }
      %dma_wait3A = arith.constant 0 : i32
      %dma_wait3A_68 = tpu.memref_slice %arg6[%mul3A_63, %dma_wait3A] : memref<40x128xi32, #tpu.memory_space<vmem>> -> memref<1x128xi32, #tpu.memory_space<vmem>>
      %dma_wait3A_69 = tpu.memref_squeeze %dma_wait3A_68 : memref<1x128xi32, #tpu.memory_space<vmem>> -> memref<128xi32, #tpu.memory_space<vmem>>
      %dma_wait3A_70 = arith.constant 0 : i32
      %dma_wait3A_71 = arith.constant 0 : i32
      %dma_wait3A_72 = tpu.memref_slice %arg2[%dma_wait3A_70, %dma_wait3A_71] : memref<10240x128xf32, #tpu.memory_space<hbm>> -> memref<10240x128xf32, #tpu.memory_space<hbm>>
      tpu.wait_indirect_dma semaphore(%arg10 : memref<!tpu.dma_semaphore, #tpu.memory_space<semaphore_mem>>) src(%dma_wait3A_72 : memref<10240x128xf32, #tpu.memory_space<hbm>>) dst(%arg8 : memref<128x128xf32, #tpu.memory_space<vmem>>)
      "tpu.region"() ({
        %run_scoped3A = tpu.sem_alloc : memref<!tpu.dma_semaphore, #tpu.memory_space<semaphore_mem>>
        %dma_start3A_86 = arith.constant 0 : i32
        %dma_start3A_87 = tpu.memref_slice %arg7[%mul3A_63, %dma_start3A_86] : memref<40x128xi32, #tpu.memory_space<vmem>> -> memref<1x128xi32, #tpu.memory_space<vmem>>
        %dma_start3A_88 = tpu.memref_squeeze %dma_start3A_87 : memref<1x128xi32, #tpu.memory_space<vmem>> -> memref<128xi32, #tpu.memory_space<vmem>>
        %dma_start3A_89 = arith.constant 0 : i32
        %dma_start3A_90 = arith.constant 0 : i32
        %dma_start3A_91 = tpu.memref_slice %arg12[%dma_start3A_89, %dma_start3A_90] : memref<10240x128xf32, #tpu.memory_space<vmem_shared>> -> memref<10240x128xf32, #tpu.memory_space<vmem_shared>>
        tpu.enqueue_indirect_dma source(%arg8 : memref<128x128xf32, #tpu.memory_space<vmem>>) target(%dma_start3A_91 : memref<10240x128xf32, #tpu.memory_space<vmem_shared>>) offsets(%dma_start3A_88 : memref<128xi32, #tpu.memory_space<vmem>>) semaphore(%run_scoped3A : memref<!tpu.dma_semaphore, #tpu.memory_space<semaphore_mem>>) {add = true}
        %dma_wait3A_92 = arith.constant 0 : i32
        %dma_wait3A_93 = tpu.memref_slice %arg7[%mul3A_63, %dma_wait3A_92] : memref<40x128xi32, #tpu.memory_space<vmem>> -> memref<1x128xi32, #tpu.memory_space<vmem>>
        %dma_wait3A_94 = tpu.memref_squeeze %dma_wait3A_93 : memref<1x128xi32, #tpu.memory_space<vmem>> -> memref<128xi32, #tpu.memory_space<vmem>>
        %dma_wait3A_95 = arith.constant 0 : i32
        %dma_wait3A_96 = arith.constant 0 : i32
        %dma_wait3A_97 = tpu.memref_slice %arg12[%dma_wait3A_95, %dma_wait3A_96] : memref<10240x128xf32, #tpu.memory_space<vmem_shared>> -> memref<10240x128xf32, #tpu.memory_space<vmem_shared>>
        tpu.wait_indirect_dma semaphore(%run_scoped3A : memref<!tpu.dma_semaphore, #tpu.memory_space<semaphore_mem>>) src(%arg8 : memref<128x128xf32, #tpu.memory_space<vmem>>) dst(%dma_wait3A_97 : memref<10240x128xf32, #tpu.memory_space<vmem_shared>>)
        tpu.yield
      }) : () -> ()
      %add3A_73 = arith.constant 1 : i32
      %add3A_74 = arith.addi %add3A_65, %add3A_73 : i32
      %lt3A_75 = arith.constant 40 : i32
      %lt3A_76 = arith.cmpi slt, %add3A_74, %lt3A_75 : i32
      %convert_element_type3A_77 = arith.extui %lt3A_76 : i1 to i32
      %cond3A_78 = arith.constant 0 : i32
      %cond3A_79 = arith.cmpi ne, %convert_element_type3A_77, %cond3A_78 : i32
      scf.if %cond3A_79 {
        %add3A_86 = arith.constant 1 : i32
        %add3A_87 = arith.addi %add3A_65, %add3A_86 : i32
        %dma_start3A_88 = arith.constant 0 : i32
        %dma_start3A_89 = tpu.memref_slice %arg6[%add3A_87, %dma_start3A_88] : memref<40x128xi32, #tpu.memory_space<vmem>> -> memref<1x128xi32, #tpu.memory_space<vmem>>
        %dma_start3A_90 = tpu.memref_squeeze %dma_start3A_89 : memref<1x128xi32, #tpu.memory_space<vmem>> -> memref<128xi32, #tpu.memory_space<vmem>>
        %dma_start3A_91 = arith.constant 0 : i32
        %dma_start3A_92 = arith.constant 0 : i32
        %dma_start3A_93 = tpu.memref_slice %arg2[%dma_start3A_91, %dma_start3A_92] : memref<10240x128xf32, #tpu.memory_space<hbm>> -> memref<10240x128xf32, #tpu.memory_space<hbm>>
        tpu.enqueue_indirect_dma source(%dma_start3A_93 : memref<10240x128xf32, #tpu.memory_space<hbm>>) target(%arg8 : memref<128x128xf32, #tpu.memory_space<vmem>>) offsets(%dma_start3A_90 : memref<128xi32, #tpu.memory_space<vmem>>) semaphore(%arg10 : memref<!tpu.dma_semaphore, #tpu.memory_space<semaphore_mem>>)
      } else {
      }
      %lt3A_80 = arith.constant 40 : i32
      %lt3A_81 = arith.cmpi slt, %add3A_65, %lt3A_80 : i32
      %convert_element_type3A_82 = arith.extui %lt3A_81 : i1 to i32
      %cond3A_83 = arith.constant 0 : i32
      %cond3A_84 = arith.cmpi ne, %convert_element_type3A_82, %cond3A_83 : i32
      scf.if %cond3A_84 {
        %dma_wait3A_86 = arith.constant 0 : i32
        %dma_wait3A_87 = tpu.memref_slice %arg6[%add3A_65, %dma_wait3A_86] : memref<40x128xi32, #tpu.memory_space<vmem>> -> memref<1x128xi32, #tpu.memory_space<vmem>>
        %dma_wait3A_88 = tpu.memref_squeeze %dma_wait3A_87 : memref<1x128xi32, #tpu.memory_space<vmem>> -> memref<128xi32, #tpu.memory_space<vmem>>
        %dma_wait3A_89 = arith.constant 0 : i32
        %dma_wait3A_90 = arith.constant 0 : i32
        %dma_wait3A_91 = tpu.memref_slice %arg2[%dma_wait3A_89, %dma_wait3A_90] : memref<10240x128xf32, #tpu.memory_space<hbm>> -> memref<10240x128xf32, #tpu.memory_space<hbm>>
        tpu.wait_indirect_dma semaphore(%arg11 : memref<!tpu.dma_semaphore, #tpu.memory_space<semaphore_mem>>) src(%dma_wait3A_91 : memref<10240x128xf32, #tpu.memory_space<hbm>>) dst(%arg9 : memref<128x128xf32, #tpu.memory_space<vmem>>)
        "tpu.region"() ({
          %run_scoped3A = tpu.sem_alloc : memref<!tpu.dma_semaphore, #tpu.memory_space<semaphore_mem>>
          %dma_start3A_92 = arith.constant 0 : i32
          %dma_start3A_93 = tpu.memref_slice %arg7[%add3A_65, %dma_start3A_92] : memref<40x128xi32, #tpu.memory_space<vmem>> -> memref<1x128xi32, #tpu.memory_space<vmem>>
          %dma_start3A_94 = tpu.memref_squeeze %dma_start3A_93 : memref<1x128xi32, #tpu.memory_space<vmem>> -> memref<128xi32, #tpu.memory_space<vmem>>
          %dma_start3A_95 = arith.constant 0 : i32
          %dma_start3A_96 = arith.constant 0 : i32
          %dma_start3A_97 = tpu.memref_slice %arg12[%dma_start3A_95, %dma_start3A_96] : memref<10240x128xf32, #tpu.memory_space<vmem_shared>> -> memref<10240x128xf32, #tpu.memory_space<vmem_shared>>
          tpu.enqueue_indirect_dma source(%arg9 : memref<128x128xf32, #tpu.memory_space<vmem>>) target(%dma_start3A_97 : memref<10240x128xf32, #tpu.memory_space<vmem_shared>>) offsets(%dma_start3A_94 : memref<128xi32, #tpu.memory_space<vmem>>) semaphore(%run_scoped3A : memref<!tpu.dma_semaphore, #tpu.memory_space<semaphore_mem>>) {add = true}
          %dma_wait3A_98 = arith.constant 0 : i32
          %dma_wait3A_99 = tpu.memref_slice %arg7[%add3A_65, %dma_wait3A_98] : memref<40x128xi32, #tpu.memory_space<vmem>> -> memref<1x128xi32, #tpu.memory_space<vmem>>
          %dma_wait3A_100 = tpu.memref_squeeze %dma_wait3A_99 : memref<1x128xi32, #tpu.memory_space<vmem>> -> memref<128xi32, #tpu.memory_space<vmem>>
          %dma_wait3A_101 = arith.constant 0 : i32
          %dma_wait3A_102 = arith.constant 0 : i32
          %dma_wait3A_103 = tpu.memref_slice %arg12[%dma_wait3A_101, %dma_wait3A_102] : memref<10240x128xf32, #tpu.memory_space<vmem_shared>> -> memref<10240x128xf32, #tpu.memory_space<vmem_shared>>
          tpu.wait_indirect_dma semaphore(%run_scoped3A : memref<!tpu.dma_semaphore, #tpu.memory_space<semaphore_mem>>) src(%arg9 : memref<128x128xf32, #tpu.memory_space<vmem>>) dst(%dma_wait3A_103 : memref<10240x128xf32, #tpu.memory_space<vmem_shared>>)
          tpu.yield
        }) : () -> ()
      } else {
      }
      %scan3A_85 = arith.constant 0 : i32
      scf.yield %scan3A_85 : i32
    }
    %scan3A_40 = arith.constant 20 : i32
    "tpu.region"() ({
      %run_scoped3A = tpu.sem_alloc : memref<!tpu.dma_semaphore, #tpu.memory_space<semaphore_mem>>
      %dma_start3A_60 = arith.constant 0 : i32
      %dma_start3A_61 = arith.constant 0 : i32
      %dma_start3A_62 = tpu.memref_slice %arg6[%dma_start3A_60, %dma_start3A_61] : memref<40x128xi32, #tpu.memory_space<vmem>> -> memref<39x128xi32, #tpu.memory_space<vmem>>
      %dma_start3A_63 = arith.constant 40 : i32
      %dma_start3A_64 = arith.constant 0 : i32
      %dma_start3A_65 = tpu.memref_slice %arg3[%add3A, %dma_start3A_63, %dma_start3A_64] : memref<32x79x128xi32, #tpu.memory_space<hbm>> -> memref<1x39x128xi32, #tpu.memory_space<hbm>>
      %dma_start3A_66 = tpu.memref_squeeze %dma_start3A_65 : memref<1x39x128xi32, #tpu.memory_space<hbm>> -> memref<39x128xi32, #tpu.memory_space<hbm>>
      %dma_start3A_67 = arith.constant 0 : i32
      %dma_start3A_68 = arith.constant 0 : i32
      %dma_start3A_69 = tpu.memref_slice %arg6[%dma_start3A_67, %dma_start3A_68] : memref<40x128xi32, #tpu.memory_space<vmem>> -> memref<39x128xi32, #tpu.memory_space<vmem>>
      %dma_start3A_70 = arith.constant 40 : i32
      %dma_start3A_71 = arith.constant 0 : i32
      %dma_start3A_72 = tpu.memref_slice %arg3[%add3A, %dma_start3A_70, %dma_start3A_71] : memref<32x79x128xi32, #tpu.memory_space<hbm>> -> memref<1x39x128xi32, #tpu.memory_space<hbm>>
      %dma_start3A_73 = tpu.memref_squeeze %dma_start3A_72 : memref<1x39x128xi32, #tpu.memory_space<hbm>> -> memref<39x128xi32, #tpu.memory_space<hbm>>
      tpu.enqueue_dma source(%dma_start3A_73 : memref<39x128xi32, #tpu.memory_space<hbm>>) target(%dma_start3A_69 : memref<39x128xi32, #tpu.memory_space<vmem>>) target_semaphore(%run_scoped3A : memref<!tpu.dma_semaphore, #tpu.memory_space<semaphore_mem>>)
      %dma_wait3A = arith.constant 0 : i32
      %dma_wait3A_74 = arith.constant 0 : i32
      %dma_wait3A_75 = tpu.memref_slice %arg6[%dma_wait3A, %dma_wait3A_74] : memref<40x128xi32, #tpu.memory_space<vmem>> -> memref<39x128xi32, #tpu.memory_space<vmem>>
      %dma_wait3A_76 = arith.constant 40 : i32
      %dma_wait3A_77 = arith.constant 0 : i32
      %dma_wait3A_78 = tpu.memref_slice %arg3[%add3A, %dma_wait3A_76, %dma_wait3A_77] : memref<32x79x128xi32, #tpu.memory_space<hbm>> -> memref<1x39x128xi32, #tpu.memory_space<hbm>>
      %dma_wait3A_79 = tpu.memref_squeeze %dma_wait3A_78 : memref<1x39x128xi32, #tpu.memory_space<hbm>> -> memref<39x128xi32, #tpu.memory_space<hbm>>
      %dma_wait3A_80 = arith.constant 0 : i32
      %dma_wait3A_81 = arith.constant 0 : i32
      %dma_wait3A_82 = tpu.memref_slice %arg6[%dma_wait3A_80, %dma_wait3A_81] : memref<40x128xi32, #tpu.memory_space<vmem>> -> memref<39x128xi32, #tpu.memory_space<vmem>>
      %dma_wait3A_83 = arith.constant 40 : i32
      %dma_wait3A_84 = arith.constant 0 : i32
      %dma_wait3A_85 = tpu.memref_slice %arg3[%add3A, %dma_wait3A_83, %dma_wait3A_84] : memref<32x79x128xi32, #tpu.memory_space<hbm>> -> memref<1x39x128xi32, #tpu.memory_space<hbm>>
      %dma_wait3A_86 = tpu.memref_squeeze %dma_wait3A_85 : memref<1x39x128xi32, #tpu.memory_space<hbm>> -> memref<39x128xi32, #tpu.memory_space<hbm>>
      tpu.wait_dma2 semaphore(%run_scoped3A : memref<!tpu.dma_semaphore, #tpu.memory_space<semaphore_mem>>) src(%dma_wait3A_86 : memref<39x128xi32, #tpu.memory_space<hbm>>) dst(%dma_wait3A_82 : memref<39x128xi32, #tpu.memory_space<vmem>>)
      tpu.yield
    }) : () -> ()
    "tpu.region"() ({
      %run_scoped3A = tpu.sem_alloc : memref<!tpu.dma_semaphore, #tpu.memory_space<semaphore_mem>>
      %dma_start3A_60 = arith.constant 0 : i32
      %dma_start3A_61 = arith.constant 0 : i32
      %dma_start3A_62 = tpu.memref_slice %arg7[%dma_start3A_60, %dma_start3A_61] : memref<40x128xi32, #tpu.memory_space<vmem>> -> memref<39x128xi32, #tpu.memory_space<vmem>>
      %dma_start3A_63 = arith.constant 40 : i32
      %dma_start3A_64 = arith.constant 0 : i32
      %dma_start3A_65 = tpu.memref_slice %arg4[%add3A, %dma_start3A_63, %dma_start3A_64] : memref<32x79x128xi32, #tpu.memory_space<hbm>> -> memref<1x39x128xi32, #tpu.memory_space<hbm>>
      %dma_start3A_66 = tpu.memref_squeeze %dma_start3A_65 : memref<1x39x128xi32, #tpu.memory_space<hbm>> -> memref<39x128xi32, #tpu.memory_space<hbm>>
      %dma_start3A_67 = arith.constant 0 : i32
      %dma_start3A_68 = arith.constant 0 : i32
      %dma_start3A_69 = tpu.memref_slice %arg7[%dma_start3A_67, %dma_start3A_68] : memref<40x128xi32, #tpu.memory_space<vmem>> -> memref<39x128xi32, #tpu.memory_space<vmem>>
      %dma_start3A_70 = arith.constant 40 : i32
      %dma_start3A_71 = arith.constant 0 : i32
      %dma_start3A_72 = tpu.memref_slice %arg4[%add3A, %dma_start3A_70, %dma_start3A_71] : memref<32x79x128xi32, #tpu.memory_space<hbm>> -> memref<1x39x128xi32, #tpu.memory_space<hbm>>
      %dma_start3A_73 = tpu.memref_squeeze %dma_start3A_72 : memref<1x39x128xi32, #tpu.memory_space<hbm>> -> memref<39x128xi32, #tpu.memory_space<hbm>>
      tpu.enqueue_dma source(%dma_start3A_73 : memref<39x128xi32, #tpu.memory_space<hbm>>) target(%dma_start3A_69 : memref<39x128xi32, #tpu.memory_space<vmem>>) target_semaphore(%run_scoped3A : memref<!tpu.dma_semaphore, #tpu.memory_space<semaphore_mem>>)
      %dma_wait3A = arith.constant 0 : i32
      %dma_wait3A_74 = arith.constant 0 : i32
      %dma_wait3A_75 = tpu.memref_slice %arg7[%dma_wait3A, %dma_wait3A_74] : memref<40x128xi32, #tpu.memory_space<vmem>> -> memref<39x128xi32, #tpu.memory_space<vmem>>
      %dma_wait3A_76 = arith.constant 40 : i32
      %dma_wait3A_77 = arith.constant 0 : i32
      %dma_wait3A_78 = tpu.memref_slice %arg4[%add3A, %dma_wait3A_76, %dma_wait3A_77] : memref<32x79x128xi32, #tpu.memory_space<hbm>> -> memref<1x39x128xi32, #tpu.memory_space<hbm>>
      %dma_wait3A_79 = tpu.memref_squeeze %dma_wait3A_78 : memref<1x39x128xi32, #tpu.memory_space<hbm>> -> memref<39x128xi32, #tpu.memory_space<hbm>>
      %dma_wait3A_80 = arith.constant 0 : i32
      %dma_wait3A_81 = arith.constant 0 : i32
      %dma_wait3A_82 = tpu.memref_slice %arg7[%dma_wait3A_80, %dma_wait3A_81] : memref<40x128xi32, #tpu.memory_space<vmem>> -> memref<39x128xi32, #tpu.memory_space<vmem>>
      %dma_wait3A_83 = arith.constant 40 : i32
      %dma_wait3A_84 = arith.constant 0 : i32
      %dma_wait3A_85 = tpu.memref_slice %arg4[%add3A, %dma_wait3A_83, %dma_wait3A_84] : memref<32x79x128xi32, #tpu.memory_space<hbm>> -> memref<1x39x128xi32, #tpu.memory_space<hbm>>
      %dma_wait3A_86 = tpu.memref_squeeze %dma_wait3A_85 : memref<1x39x128xi32, #tpu.memory_space<hbm>> -> memref<39x128xi32, #tpu.memory_space<hbm>>
      tpu.wait_dma2 semaphore(%run_scoped3A : memref<!tpu.dma_semaphore, #tpu.memory_space<semaphore_mem>>) src(%dma_wait3A_86 : memref<39x128xi32, #tpu.memory_space<hbm>>) dst(%dma_wait3A_82 : memref<39x128xi32, #tpu.memory_space<vmem>>)
      tpu.yield
    }) : () -> ()
    %dma_start3A_41 = arith.constant 0 : i32
    %dma_start3A_42 = arith.constant 0 : i32
    %dma_start3A_43 = tpu.memref_slice %arg6[%dma_start3A_41, %dma_start3A_42] : memref<40x128xi32, #tpu.memory_space<vmem>> -> memref<1x128xi32, #tpu.memory_space<vmem>>
    %dma_start3A_44 = tpu.memref_squeeze %dma_start3A_43 : memref<1x128xi32, #tpu.memory_space<vmem>> -> memref<128xi32, #tpu.memory_space<vmem>>
    %dma_start3A_45 = arith.constant 0 : i32
    %dma_start3A_46 = arith.constant 0 : i32
    %dma_start3A_47 = tpu.memref_slice %arg2[%dma_start3A_45, %dma_start3A_46] : memref<10240x128xf32, #tpu.memory_space<hbm>> -> memref<10240x128xf32, #tpu.memory_space<hbm>>
    tpu.enqueue_indirect_dma source(%dma_start3A_47 : memref<10240x128xf32, #tpu.memory_space<hbm>>) target(%arg8 : memref<128x128xf32, #tpu.memory_space<vmem>>) offsets(%dma_start3A_44 : memref<128xi32, #tpu.memory_space<vmem>>) semaphore(%arg10 : memref<!tpu.dma_semaphore, #tpu.memory_space<semaphore_mem>>)
    %scan3A_48 = arith.constant 0 : i32
    %scan3A_49 = arith.constant 0 : i32
    %scan3A_50 = arith.constant 20 : i32
    %scan3A_51 = arith.addi %scan3A_49, %scan3A_50 : i32
    %scan3A_52 = arith.constant 1 : i32
    %scan3A_53 = scf.for %scan3A_60 = %scan3A_49 to %scan3A_51 step %scan3A_52 iter_args(%scan3A_61 = %scan3A_48) -> (i32)  : i32 {
      %mul3A_62 = arith.constant 2 : i32
      %mul3A_63 = arith.muli %mul3A_62, %scan3A_60 : i32
      %add3A_64 = arith.constant 1 : i32
      %add3A_65 = arith.addi %mul3A_63, %add3A_64 : i32
      %lt3A = arith.constant 39 : i32
      %lt3A_66 = arith.cmpi slt, %add3A_65, %lt3A : i32
      %convert_element_type3A = arith.extui %lt3A_66 : i1 to i32
      %cond3A = arith.constant 0 : i32
      %cond3A_67 = arith.cmpi ne, %convert_element_type3A, %cond3A : i32
      scf.if %cond3A_67 {
        %dma_start3A_86 = arith.constant 0 : i32
        %dma_start3A_87 = tpu.memref_slice %arg6[%add3A_65, %dma_start3A_86] : memref<40x128xi32, #tpu.memory_space<vmem>> -> memref<1x128xi32, #tpu.memory_space<vmem>>
        %dma_start3A_88 = tpu.memref_squeeze %dma_start3A_87 : memref<1x128xi32, #tpu.memory_space<vmem>> -> memref<128xi32, #tpu.memory_space<vmem>>
        %dma_start3A_89 = arith.constant 0 : i32
        %dma_start3A_90 = arith.constant 0 : i32
        %dma_start3A_91 = tpu.memref_slice %arg2[%dma_start3A_89, %dma_start3A_90] : memref<10240x128xf32, #tpu.memory_space<hbm>> -> memref<10240x128xf32, #tpu.memory_space<hbm>>
        tpu.enqueue_indirect_dma source(%dma_start3A_91 : memref<10240x128xf32, #tpu.memory_space<hbm>>) target(%arg9 : memref<128x128xf32, #tpu.memory_space<vmem>>) offsets(%dma_start3A_88 : memref<128xi32, #tpu.memory_space<vmem>>) semaphore(%arg11 : memref<!tpu.dma_semaphore, #tpu.memory_space<semaphore_mem>>)
      } else {
      }
      %dma_wait3A = arith.constant 0 : i32
      %dma_wait3A_68 = tpu.memref_slice %arg6[%mul3A_63, %dma_wait3A] : memref<40x128xi32, #tpu.memory_space<vmem>> -> memref<1x128xi32, #tpu.memory_space<vmem>>
      %dma_wait3A_69 = tpu.memref_squeeze %dma_wait3A_68 : memref<1x128xi32, #tpu.memory_space<vmem>> -> memref<128xi32, #tpu.memory_space<vmem>>
      %dma_wait3A_70 = arith.constant 0 : i32
      %dma_wait3A_71 = arith.constant 0 : i32
      %dma_wait3A_72 = tpu.memref_slice %arg2[%dma_wait3A_70, %dma_wait3A_71] : memref<10240x128xf32, #tpu.memory_space<hbm>> -> memref<10240x128xf32, #tpu.memory_space<hbm>>
      tpu.wait_indirect_dma semaphore(%arg10 : memref<!tpu.dma_semaphore, #tpu.memory_space<semaphore_mem>>) src(%dma_wait3A_72 : memref<10240x128xf32, #tpu.memory_space<hbm>>) dst(%arg8 : memref<128x128xf32, #tpu.memory_space<vmem>>)
      "tpu.region"() ({
        %run_scoped3A = tpu.sem_alloc : memref<!tpu.dma_semaphore, #tpu.memory_space<semaphore_mem>>
        %dma_start3A_86 = arith.constant 0 : i32
        %dma_start3A_87 = tpu.memref_slice %arg7[%mul3A_63, %dma_start3A_86] : memref<40x128xi32, #tpu.memory_space<vmem>> -> memref<1x128xi32, #tpu.memory_space<vmem>>
        %dma_start3A_88 = tpu.memref_squeeze %dma_start3A_87 : memref<1x128xi32, #tpu.memory_space<vmem>> -> memref<128xi32, #tpu.memory_space<vmem>>
        %dma_start3A_89 = arith.constant 0 : i32
        %dma_start3A_90 = arith.constant 0 : i32
        %dma_start3A_91 = tpu.memref_slice %arg12[%dma_start3A_89, %dma_start3A_90] : memref<10240x128xf32, #tpu.memory_space<vmem_shared>> -> memref<10240x128xf32, #tpu.memory_space<vmem_shared>>
        tpu.enqueue_indirect_dma source(%arg8 : memref<128x128xf32, #tpu.memory_space<vmem>>) target(%dma_start3A_91 : memref<10240x128xf32, #tpu.memory_space<vmem_shared>>) offsets(%dma_start3A_88 : memref<128xi32, #tpu.memory_space<vmem>>) semaphore(%run_scoped3A : memref<!tpu.dma_semaphore, #tpu.memory_space<semaphore_mem>>) {add = true}
        %dma_wait3A_92 = arith.constant 0 : i32
        %dma_wait3A_93 = tpu.memref_slice %arg7[%mul3A_63, %dma_wait3A_92] : memref<40x128xi32, #tpu.memory_space<vmem>> -> memref<1x128xi32, #tpu.memory_space<vmem>>
        %dma_wait3A_94 = tpu.memref_squeeze %dma_wait3A_93 : memref<1x128xi32, #tpu.memory_space<vmem>> -> memref<128xi32, #tpu.memory_space<vmem>>
        %dma_wait3A_95 = arith.constant 0 : i32
        %dma_wait3A_96 = arith.constant 0 : i32
        %dma_wait3A_97 = tpu.memref_slice %arg12[%dma_wait3A_95, %dma_wait3A_96] : memref<10240x128xf32, #tpu.memory_space<vmem_shared>> -> memref<10240x128xf32, #tpu.memory_space<vmem_shared>>
        tpu.wait_indirect_dma semaphore(%run_scoped3A : memref<!tpu.dma_semaphore, #tpu.memory_space<semaphore_mem>>) src(%arg8 : memref<128x128xf32, #tpu.memory_space<vmem>>) dst(%dma_wait3A_97 : memref<10240x128xf32, #tpu.memory_space<vmem_shared>>)
        tpu.yield
      }) : () -> ()
      %add3A_73 = arith.constant 1 : i32
      %add3A_74 = arith.addi %add3A_65, %add3A_73 : i32
      %lt3A_75 = arith.constant 39 : i32
      %lt3A_76 = arith.cmpi slt, %add3A_74, %lt3A_75 : i32
      %convert_element_type3A_77 = arith.extui %lt3A_76 : i1 to i32
      %cond3A_78 = arith.constant 0 : i32
      %cond3A_79 = arith.cmpi ne, %convert_element_type3A_77, %cond3A_78 : i32
      scf.if %cond3A_79 {
        %add3A_86 = arith.constant 1 : i32
        %add3A_87 = arith.addi %add3A_65, %add3A_86 : i32
        %dma_start3A_88 = arith.constant 0 : i32
        %dma_start3A_89 = tpu.memref_slice %arg6[%add3A_87, %dma_start3A_88] : memref<40x128xi32, #tpu.memory_space<vmem>> -> memref<1x128xi32, #tpu.memory_space<vmem>>
        %dma_start3A_90 = tpu.memref_squeeze %dma_start3A_89 : memref<1x128xi32, #tpu.memory_space<vmem>> -> memref<128xi32, #tpu.memory_space<vmem>>
        %dma_start3A_91 = arith.constant 0 : i32
        %dma_start3A_92 = arith.constant 0 : i32
        %dma_start3A_93 = tpu.memref_slice %arg2[%dma_start3A_91, %dma_start3A_92] : memref<10240x128xf32, #tpu.memory_space<hbm>> -> memref<10240x128xf32, #tpu.memory_space<hbm>>
        tpu.enqueue_indirect_dma source(%dma_start3A_93 : memref<10240x128xf32, #tpu.memory_space<hbm>>) target(%arg8 : memref<128x128xf32, #tpu.memory_space<vmem>>) offsets(%dma_start3A_90 : memref<128xi32, #tpu.memory_space<vmem>>) semaphore(%arg10 : memref<!tpu.dma_semaphore, #tpu.memory_space<semaphore_mem>>)
      } else {
      }
      %lt3A_80 = arith.constant 39 : i32
      %lt3A_81 = arith.cmpi slt, %add3A_65, %lt3A_80 : i32
      %convert_element_type3A_82 = arith.extui %lt3A_81 : i1 to i32
      %cond3A_83 = arith.constant 0 : i32
      %cond3A_84 = arith.cmpi ne, %convert_element_type3A_82, %cond3A_83 : i32
      scf.if %cond3A_84 {
        %dma_wait3A_86 = arith.constant 0 : i32
        %dma_wait3A_87 = tpu.memref_slice %arg6[%add3A_65, %dma_wait3A_86] : memref<40x128xi32, #tpu.memory_space<vmem>> -> memref<1x128xi32, #tpu.memory_space<vmem>>
        %dma_wait3A_88 = tpu.memref_squeeze %dma_wait3A_87 : memref<1x128xi32, #tpu.memory_space<vmem>> -> memref<128xi32, #tpu.memory_space<vmem>>
        %dma_wait3A_89 = arith.constant 0 : i32
        %dma_wait3A_90 = arith.constant 0 : i32
        %dma_wait3A_91 = tpu.memref_slice %arg2[%dma_wait3A_89, %dma_wait3A_90] : memref<10240x128xf32, #tpu.memory_space<hbm>> -> memref<10240x128xf32, #tpu.memory_space<hbm>>
        tpu.wait_indirect_dma semaphore(%arg11 : memref<!tpu.dma_semaphore, #tpu.memory_space<semaphore_mem>>) src(%dma_wait3A_91 : memref<10240x128xf32, #tpu.memory_space<hbm>>) dst(%arg9 : memref<128x128xf32, #tpu.memory_space<vmem>>)
        "tpu.region"() ({
          %run_scoped3A = tpu.sem_alloc : memref<!tpu.dma_semaphore, #tpu.memory_space<semaphore_mem>>
          %dma_start3A_92 = arith.constant 0 : i32
          %dma_start3A_93 = tpu.memref_slice %arg7[%add3A_65, %dma_start3A_92] : memref<40x128xi32, #tpu.memory_space<vmem>> -> memref<1x128xi32, #tpu.memory_space<vmem>>
          %dma_start3A_94 = tpu.memref_squeeze %dma_start3A_93 : memref<1x128xi32, #tpu.memory_space<vmem>> -> memref<128xi32, #tpu.memory_space<vmem>>
          %dma_start3A_95 = arith.constant 0 : i32
          %dma_start3A_96 = arith.constant 0 : i32
          %dma_start3A_97 = tpu.memref_slice %arg12[%dma_start3A_95, %dma_start3A_96] : memref<10240x128xf32, #tpu.memory_space<vmem_shared>> -> memref<10240x128xf32, #tpu.memory_space<vmem_shared>>
          tpu.enqueue_indirect_dma source(%arg9 : memref<128x128xf32, #tpu.memory_space<vmem>>) target(%dma_start3A_97 : memref<10240x128xf32, #tpu.memory_space<vmem_shared>>) offsets(%dma_start3A_94 : memref<128xi32, #tpu.memory_space<vmem>>) semaphore(%run_scoped3A : memref<!tpu.dma_semaphore, #tpu.memory_space<semaphore_mem>>) {add = true}
          %dma_wait3A_98 = arith.constant 0 : i32
          %dma_wait3A_99 = tpu.memref_slice %arg7[%add3A_65, %dma_wait3A_98] : memref<40x128xi32, #tpu.memory_space<vmem>> -> memref<1x128xi32, #tpu.memory_space<vmem>>
          %dma_wait3A_100 = tpu.memref_squeeze %dma_wait3A_99 : memref<1x128xi32, #tpu.memory_space<vmem>> -> memref<128xi32, #tpu.memory_space<vmem>>
          %dma_wait3A_101 = arith.constant 0 : i32
          %dma_wait3A_102 = arith.constant 0 : i32
          %dma_wait3A_103 = tpu.memref_slice %arg12[%dma_wait3A_101, %dma_wait3A_102] : memref<10240x128xf32, #tpu.memory_space<vmem_shared>> -> memref<10240x128xf32, #tpu.memory_space<vmem_shared>>
          tpu.wait_indirect_dma semaphore(%run_scoped3A : memref<!tpu.dma_semaphore, #tpu.memory_space<semaphore_mem>>) src(%arg9 : memref<128x128xf32, #tpu.memory_space<vmem>>) dst(%dma_wait3A_103 : memref<10240x128xf32, #tpu.memory_space<vmem_shared>>)
          tpu.yield
        }) : () -> ()
      } else {
      }
      %scan3A_85 = arith.constant 0 : i32
      scf.yield %scan3A_85 : i32
    }
    %scan3A_54 = arith.constant 20 : i32
    %barrier3A_55 = arith.constant 0 : index
    tpu.barrier barrier_id(%barrier3A_55)
    %mul3A_56 = arith.constant 640 : i32
    %mul3A_57 = arith.muli %arg1, %mul3A_56 : i32
    %mul3A_58 = arith.constant 640 : i32
    %mul3A_59 = arith.muli %arg1, %mul3A_58 : i32
    "tpu.region"() ({
      %run_scoped3A = tpu.sem_alloc : memref<!tpu.dma_semaphore, #tpu.memory_space<semaphore_mem>>
      %dma_start3A_60 = arith.constant 0 : i32
      %dma_start3A_61 = tpu.memref_slice %arg5[%arg0, %mul3A_59, %dma_start3A_60] : memref<2x10240x128xf32, #tpu.memory_space<hbm>> -> memref<1x640x128xf32, #tpu.memory_space<hbm>>
      %dma_start3A_62 = tpu.memref_squeeze %dma_start3A_61 : memref<1x640x128xf32, #tpu.memory_space<hbm>> -> memref<640x128xf32, #tpu.memory_space<hbm>>
      %dma_start3A_63 = arith.constant 0 : i32
      %dma_start3A_64 = tpu.memref_slice %arg12[%mul3A_57, %dma_start3A_63] : memref<10240x128xf32, #tpu.memory_space<vmem_shared>> -> memref<640x128xf32, #tpu.memory_space<vmem_shared>>
      tpu.enqueue_dma source(%dma_start3A_64 : memref<640x128xf32, #tpu.memory_space<vmem_shared>>) target(%dma_start3A_62 : memref<640x128xf32, #tpu.memory_space<hbm>>) target_semaphore(%run_scoped3A : memref<!tpu.dma_semaphore, #tpu.memory_space<semaphore_mem>>)
      %dma_wait3A = arith.constant 0 : i32
      %dma_wait3A_65 = tpu.memref_slice %arg5[%arg0, %mul3A_59, %dma_wait3A] : memref<2x10240x128xf32, #tpu.memory_space<hbm>> -> memref<1x640x128xf32, #tpu.memory_space<hbm>>
      %dma_wait3A_66 = tpu.memref_squeeze %dma_wait3A_65 : memref<1x640x128xf32, #tpu.memory_space<hbm>> -> memref<640x128xf32, #tpu.memory_space<hbm>>
      %dma_wait3A_67 = arith.constant 0 : i32
      %dma_wait3A_68 = tpu.memref_slice %arg12[%mul3A_57, %dma_wait3A_67] : memref<10240x128xf32, #tpu.memory_space<vmem_shared>> -> memref<640x128xf32, #tpu.memory_space<vmem_shared>>
      tpu.wait_dma2 semaphore(%run_scoped3A : memref<!tpu.dma_semaphore, #tpu.memory_space<semaphore_mem>>) src(%dma_wait3A_68 : memref<640x128xf32, #tpu.memory_space<vmem_shared>>) dst(%dma_wait3A_66 : memref<640x128xf32, #tpu.memory_space<hbm>>)
      tpu.yield
    }) : () -> ()
    return
  }
}

#map = affine_map<(d0, d1) -> (0, 0)>
#map1 = affine_map<(d0, d1) -> (0, 0, 0)>
module attributes {stable_mosaic.version = 14 : i64} {
  func.func @body(%arg0: i32, %arg1: i32, %arg2: memref<10240x128xf32, #tpu.memory_space<hbm>>, %arg3: memref<32x79x128xi32, #tpu.memory_space<hbm>>, %arg4: memref<32x79x128xi32, #tpu.memory_space<hbm>>, %arg5: memref<2x10240x128xf32, #tpu.memory_space<hbm>>, %arg6: memref<40x128xi32, #tpu.memory_space<vmem>>, %arg7: memref<40x128xi32, #tpu.memory_space<vmem>>, %arg8: memref<128x128xf32, #tpu.memory_space<vmem>>, %arg9: memref<128x128xf32, #tpu.memory_space<vmem>>, %arg10: memref<!tpu.dma_semaphore, #tpu.memory_space<semaphore_mem>>, %arg11: memref<!tpu.dma_semaphore, #tpu.memory_space<semaphore_mem>>, %arg12: memref<10240x128xf32, #tpu.memory_space<vmem_shared>>) attributes {dimension_semantics = [#tpu.dimension_semantics<core_parallel>, #tpu.dimension_semantics<subcore_parallel>], iteration_bounds = array<i64: 2, 16>, scalar_prefetch = 0 : i64, scratch_operands = 7 : i64, tpu.core_type = #tpu.core_type<sc_vector_subcore>, window_params = [{transform_indices = #map}, {transform_indices = #map1}, {transform_indices = #map1}, {transform_indices = #map1}]} {
    %broadcast_in_dim3A = arith.constant 0.000000e+00 : f32
    %broadcast_in_dim3A_0 = vector.broadcast %broadcast_in_dim3A : f32 to vector<16xf32>
    %mul3A = arith.constant 16 : i32
    %mul3A_1 = arith.muli %arg0, %mul3A : i32
    %add3A = arith.addi %mul3A_1, %arg1 : i32
    %scan3A = arith.constant 0 : i32
    %scan3A_2 = arith.constant 0 : i32
    %scan3A_3 = arith.constant 128 : i32
    %scan3A_4 = arith.addi %scan3A_2, %scan3A_3 : i32
    %scan3A_5 = arith.constant 1 : i32
    %scan3A_6 = scf.for %scan3A_60 = %scan3A_2 to %scan3A_4 step %scan3A_5 iter_args(%scan3A_61 = %scan3A) -> (i32)  : i32 {
      %swap3A = arith.index_cast %scan3A_60 : i32 to index
      %swap3A_62 = arith.constant 0 : index
      %swap3A_63 = tpu.vector_load %arg8[%swap3A, %swap3A_62] {strides = array<i32>} : memref<128x128xf32, #tpu.memory_space<vmem>>, vector<16xf32>,
      tpu.vector_store %arg8[%swap3A, %swap3A_62], %broadcast_in_dim3A_0 {strides = array<i32>} : memref<128x128xf32, #tpu.memory_space<vmem>>, vector<16xf32>,
      %swap3A_64 = arith.index_cast %scan3A_60 : i32 to index
      %swap3A_65 = arith.constant 16 : index
      %swap3A_66 = tpu.vector_load %arg8[%swap3A_64, %swap3A_65] {strides = array<i32>} : memref<128x128xf32, #tpu.memory_space<vmem>>, vector<16xf32>,
      tpu.vector_store %arg8[%swap3A_64, %swap3A_65], %broadcast_in_dim3A_0 {strides = array<i32>} : memref<128x128xf32, #tpu.memory_space<vmem>>, vector<16xf32>,
      %swap3A_67 = arith.index_cast %scan3A_60 : i32 to index
      %swap3A_68 = arith.constant 32 : index
      %swap3A_69 = tpu.vector_load %arg8[%swap3A_67, %swap3A_68] {strides = array<i32>} : memref<128x128xf32, #tpu.memory_space<vmem>>, vector<16xf32>,
      tpu.vector_store %arg8[%swap3A_67, %swap3A_68], %broadcast_in_dim3A_0 {strides = array<i32>} : memref<128x128xf32, #tpu.memory_space<vmem>>, vector<16xf32>,
      %swap3A_70 = arith.index_cast %scan3A_60 : i32 to index
      %swap3A_71 = arith.constant 48 : index
      %swap3A_72 = tpu.vector_load %arg8[%swap3A_70, %swap3A_71] {strides = array<i32>} : memref<128x128xf32, #tpu.memory_space<vmem>>, vector<16xf32>,
      tpu.vector_store %arg8[%swap3A_70, %swap3A_71], %broadcast_in_dim3A_0 {strides = array<i32>} : memref<128x128xf32, #tpu.memory_space<vmem>>, vector<16xf32>,
      %swap3A_73 = arith.index_cast %scan3A_60 : i32 to index
      %swap3A_74 = arith.constant 64 : index
      %swap3A_75 = tpu.vector_load %arg8[%swap3A_73, %swap3A_74] {strides = array<i32>} : memref<128x128xf32, #tpu.memory_space<vmem>>, vector<16xf32>,
      tpu.vector_store %arg8[%swap3A_73, %swap3A_74], %broadcast_in_dim3A_0 {strides = array<i32>} : memref<128x128xf32, #tpu.memory_space<vmem>>, vector<16xf32>,
      %swap3A_76 = arith.index_cast %scan3A_60 : i32 to index
      %swap3A_77 = arith.constant 80 : index
      %swap3A_78 = tpu.vector_load %arg8[%swap3A_76, %swap3A_77] {strides = array<i32>} : memref<128x128xf32, #tpu.memory_space<vmem>>, vector<16xf32>,
      tpu.vector_store %arg8[%swap3A_76, %swap3A_77], %broadcast_in_dim3A_0 {strides = array<i32>} : memref<128x128xf32, #tpu.memory_space<vmem>>, vector<16xf32>,
      %swap3A_79 = arith.index_cast %scan3A_60 : i32 to index
      %swap3A_80 = arith.constant 96 : index
      %swap3A_81 = tpu.vector_load %arg8[%swap3A_79, %swap3A_80] {strides = array<i32>} : memref<128x128xf32, #tpu.memory_space<vmem>>, vector<16xf32>,
      tpu.vector_store %arg8[%swap3A_79, %swap3A_80], %broadcast_in_dim3A_0 {strides = array<i32>} : memref<128x128xf32, #tpu.memory_space<vmem>>, vector<16xf32>,
      %swap3A_82 = arith.index_cast %scan3A_60 : i32 to index
      %swap3A_83 = arith.constant 112 : index
      %swap3A_84 = tpu.vector_load %arg8[%swap3A_82, %swap3A_83] {strides = array<i32>} : memref<128x128xf32, #tpu.memory_space<vmem>>, vector<16xf32>,
      tpu.vector_store %arg8[%swap3A_82, %swap3A_83], %broadcast_in_dim3A_0 {strides = array<i32>} : memref<128x128xf32, #tpu.memory_space<vmem>>, vector<16xf32>,
      %scan3A_85 = arith.constant 0 : i32
      scf.yield %scan3A_85 : i32
    }
    %scan3A_7 = arith.constant 128 : i32
    %mul3A_8 = arith.constant 640 : i32
    %mul3A_9 = arith.muli %arg1, %mul3A_8 : i32
    %add3A_10 = arith.constant 0 : i32
    %add3A_11 = arith.addi %mul3A_9, %add3A_10 : i32
    "tpu.region"() ({
      %run_scoped3A = tpu.sem_alloc : memref<!tpu.dma_semaphore, #tpu.memory_space<semaphore_mem>>
      %dma_start3A_60 = arith.constant 0 : i32
      %dma_start3A_61 = tpu.memref_slice %arg12[%add3A_11, %dma_start3A_60] : memref<10240x128xf32, #tpu.memory_space<vmem_shared>> -> memref<128x128xf32, #tpu.memory_space<vmem_shared>>
      %dma_start3A_62 = arith.constant 0 : i32
      %dma_start3A_63 = tpu.memref_slice %arg12[%add3A_11, %dma_start3A_62] : memref<10240x128xf32, #tpu.memory_space<vmem_shared>> -> memref<128x128xf32, #tpu.memory_space<vmem_shared>>
      tpu.enqueue_dma source(%arg8 : memref<128x128xf32, #tpu.memory_space<vmem>>) target(%dma_start3A_63 : memref<128x128xf32, #tpu.memory_space<vmem_shared>>) target_semaphore(%run_scoped3A : memref<!tpu.dma_semaphore, #tpu.memory_space<semaphore_mem>>)
      %dma_wait3A = arith.constant 0 : i32
      %dma_wait3A_64 = tpu.memref_slice %arg12[%add3A_11, %dma_wait3A] : memref<10240x128xf32, #tpu.memory_space<vmem_shared>> -> memref<128x128xf32, #tpu.memory_space<vmem_shared>>
      %dma_wait3A_65 = arith.constant 0 : i32
      %dma_wait3A_66 = tpu.memref_slice %arg12[%add3A_11, %dma_wait3A_65] : memref<10240x128xf32, #tpu.memory_space<vmem_shared>> -> memref<128x128xf32, #tpu.memory_space<vmem_shared>>
      tpu.wait_dma2 semaphore(%run_scoped3A : memref<!tpu.dma_semaphore, #tpu.memory_space<semaphore_mem>>) src(%arg8 : memref<128x128xf32, #tpu.memory_space<vmem>>) dst(%dma_wait3A_66 : memref<128x128xf32, #tpu.memory_space<vmem_shared>>)
      tpu.yield
    }) : () -> ()
    %mul3A_12 = arith.constant 640 : i32
    %mul3A_13 = arith.muli %arg1, %mul3A_12 : i32
    %add3A_14 = arith.constant 128 : i32
    %add3A_15 = arith.addi %mul3A_13, %add3A_14 : i32
    "tpu.region"() ({
      %run_scoped3A = tpu.sem_alloc : memref<!tpu.dma_semaphore, #tpu.memory_space<semaphore_mem>>
      %dma_start3A_60 = arith.constant 0 : i32
      %dma_start3A_61 = tpu.memref_slice %arg12[%add3A_15, %dma_start3A_60] : memref<10240x128xf32, #tpu.memory_space<vmem_shared>> -> memref<128x128xf32, #tpu.memory_space<vmem_shared>>
      %dma_start3A_62 = arith.constant 0 : i32
      %dma_start3A_63 = tpu.memref_slice %arg12[%add3A_15, %dma_start3A_62] : memref<10240x128xf32, #tpu.memory_space<vmem_shared>> -> memref<128x128xf32, #tpu.memory_space<vmem_shared>>
      tpu.enqueue_dma source(%arg8 : memref<128x128xf32, #tpu.memory_space<vmem>>) target(%dma_start3A_63 : memref<128x128xf32, #tpu.memory_space<vmem_shared>>) target_semaphore(%run_scoped3A : memref<!tpu.dma_semaphore, #tpu.memory_space<semaphore_mem>>)
      %dma_wait3A = arith.constant 0 : i32
      %dma_wait3A_64 = tpu.memref_slice %arg12[%add3A_15, %dma_wait3A] : memref<10240x128xf32, #tpu.memory_space<vmem_shared>> -> memref<128x128xf32, #tpu.memory_space<vmem_shared>>
      %dma_wait3A_65 = arith.constant 0 : i32
      %dma_wait3A_66 = tpu.memref_slice %arg12[%add3A_15, %dma_wait3A_65] : memref<10240x128xf32, #tpu.memory_space<vmem_shared>> -> memref<128x128xf32, #tpu.memory_space<vmem_shared>>
      tpu.wait_dma2 semaphore(%run_scoped3A : memref<!tpu.dma_semaphore, #tpu.memory_space<semaphore_mem>>) src(%arg8 : memref<128x128xf32, #tpu.memory_space<vmem>>) dst(%dma_wait3A_66 : memref<128x128xf32, #tpu.memory_space<vmem_shared>>)
      tpu.yield
    }) : () -> ()
    %mul3A_16 = arith.constant 640 : i32
    %mul3A_17 = arith.muli %arg1, %mul3A_16 : i32
    %add3A_18 = arith.constant 256 : i32
    %add3A_19 = arith.addi %mul3A_17, %add3A_18 : i32
    "tpu.region"() ({
      %run_scoped3A = tpu.sem_alloc : memref<!tpu.dma_semaphore, #tpu.memory_space<semaphore_mem>>
      %dma_start3A_60 = arith.constant 0 : i32
      %dma_start3A_61 = tpu.memref_slice %arg12[%add3A_19, %dma_start3A_60] : memref<10240x128xf32, #tpu.memory_space<vmem_shared>> -> memref<128x128xf32, #tpu.memory_space<vmem_shared>>
      %dma_start3A_62 = arith.constant 0 : i32
      %dma_start3A_63 = tpu.memref_slice %arg12[%add3A_19, %dma_start3A_62] : memref<10240x128xf32, #tpu.memory_space<vmem_shared>> -> memref<128x128xf32, #tpu.memory_space<vmem_shared>>
      tpu.enqueue_dma source(%arg8 : memref<128x128xf32, #tpu.memory_space<vmem>>) target(%dma_start3A_63 : memref<128x128xf32, #tpu.memory_space<vmem_shared>>) target_semaphore(%run_scoped3A : memref<!tpu.dma_semaphore, #tpu.memory_space<semaphore_mem>>)
      %dma_wait3A = arith.constant 0 : i32
      %dma_wait3A_64 = tpu.memref_slice %arg12[%add3A_19, %dma_wait3A] : memref<10240x128xf32, #tpu.memory_space<vmem_shared>> -> memref<128x128xf32, #tpu.memory_space<vmem_shared>>
      %dma_wait3A_65 = arith.constant 0 : i32
      %dma_wait3A_66 = tpu.memref_slice %arg12[%add3A_19, %dma_wait3A_65] : memref<10240x128xf32, #tpu.memory_space<vmem_shared>> -> memref<128x128xf32, #tpu.memory_space<vmem_shared>>
      tpu.wait_dma2 semaphore(%run_scoped3A : memref<!tpu.dma_semaphore, #tpu.memory_space<semaphore_mem>>) src(%arg8 : memref<128x128xf32, #tpu.memory_space<vmem>>) dst(%dma_wait3A_66 : memref<128x128xf32, #tpu.memory_space<vmem_shared>>)
      tpu.yield
    }) : () -> ()
    %mul3A_20 = arith.constant 640 : i32
    %mul3A_21 = arith.muli %arg1, %mul3A_20 : i32
    %add3A_22 = arith.constant 384 : i32
    %add3A_23 = arith.addi %mul3A_21, %add3A_22 : i32
    "tpu.region"() ({
      %run_scoped3A = tpu.sem_alloc : memref<!tpu.dma_semaphore, #tpu.memory_space<semaphore_mem>>
      %dma_start3A_60 = arith.constant 0 : i32
      %dma_start3A_61 = tpu.memref_slice %arg12[%add3A_23, %dma_start3A_60] : memref<10240x128xf32, #tpu.memory_space<vmem_shared>> -> memref<128x128xf32, #tpu.memory_space<vmem_shared>>
      %dma_start3A_62 = arith.constant 0 : i32
      %dma_start3A_63 = tpu.memref_slice %arg12[%add3A_23, %dma_start3A_62] : memref<10240x128xf32, #tpu.memory_space<vmem_shared>> -> memref<128x128xf32, #tpu.memory_space<vmem_shared>>
      tpu.enqueue_dma source(%arg8 : memref<128x128xf32, #tpu.memory_space<vmem>>) target(%dma_start3A_63 : memref<128x128xf32, #tpu.memory_space<vmem_shared>>) target_semaphore(%run_scoped3A : memref<!tpu.dma_semaphore, #tpu.memory_space<semaphore_mem>>)
      %dma_wait3A = arith.constant 0 : i32
      %dma_wait3A_64 = tpu.memref_slice %arg12[%add3A_23, %dma_wait3A] : memref<10240x128xf32, #tpu.memory_space<vmem_shared>> -> memref<128x128xf32, #tpu.memory_space<vmem_shared>>
      %dma_wait3A_65 = arith.constant 0 : i32
      %dma_wait3A_66 = tpu.memref_slice %arg12[%add3A_23, %dma_wait3A_65] : memref<10240x128xf32, #tpu.memory_space<vmem_shared>> -> memref<128x128xf32, #tpu.memory_space<vmem_shared>>
      tpu.wait_dma2 semaphore(%run_scoped3A : memref<!tpu.dma_semaphore, #tpu.memory_space<semaphore_mem>>) src(%arg8 : memref<128x128xf32, #tpu.memory_space<vmem>>) dst(%dma_wait3A_66 : memref<128x128xf32, #tpu.memory_space<vmem_shared>>)
      tpu.yield
    }) : () -> ()
    %mul3A_24 = arith.constant 640 : i32
    %mul3A_25 = arith.muli %arg1, %mul3A_24 : i32
    %add3A_26 = arith.constant 512 : i32
    %add3A_27 = arith.addi %mul3A_25, %add3A_26 : i32
    "tpu.region"() ({
      %run_scoped3A = tpu.sem_alloc : memref<!tpu.dma_semaphore, #tpu.memory_space<semaphore_mem>>
      %dma_start3A_60 = arith.constant 0 : i32
      %dma_start3A_61 = tpu.memref_slice %arg12[%add3A_27, %dma_start3A_60] : memref<10240x128xf32, #tpu.memory_space<vmem_shared>> -> memref<128x128xf32, #tpu.memory_space<vmem_shared>>
      %dma_start3A_62 = arith.constant 0 : i32
      %dma_start3A_63 = tpu.memref_slice %arg12[%add3A_27, %dma_start3A_62] : memref<10240x128xf32, #tpu.memory_space<vmem_shared>> -> memref<128x128xf32, #tpu.memory_space<vmem_shared>>
      tpu.enqueue_dma source(%arg8 : memref<128x128xf32, #tpu.memory_space<vmem>>) target(%dma_start3A_63 : memref<128x128xf32, #tpu.memory_space<vmem_shared>>) target_semaphore(%run_scoped3A : memref<!tpu.dma_semaphore, #tpu.memory_space<semaphore_mem>>)
      %dma_wait3A = arith.constant 0 : i32
      %dma_wait3A_64 = tpu.memref_slice %arg12[%add3A_27, %dma_wait3A] : memref<10240x128xf32, #tpu.memory_space<vmem_shared>> -> memref<128x128xf32, #tpu.memory_space<vmem_shared>>
      %dma_wait3A_65 = arith.constant 0 : i32
      %dma_wait3A_66 = tpu.memref_slice %arg12[%add3A_27, %dma_wait3A_65] : memref<10240x128xf32, #tpu.memory_space<vmem_shared>> -> memref<128x128xf32, #tpu.memory_space<vmem_shared>>
      tpu.wait_dma2 semaphore(%run_scoped3A : memref<!tpu.dma_semaphore, #tpu.memory_space<semaphore_mem>>) src(%arg8 : memref<128x128xf32, #tpu.memory_space<vmem>>) dst(%dma_wait3A_66 : memref<128x128xf32, #tpu.memory_space<vmem_shared>>)
      tpu.yield
    }) : () -> ()
    %barrier3A = arith.constant 0 : index
    tpu.barrier barrier_id(%barrier3A)
    "tpu.region"() ({
      %run_scoped3A = tpu.sem_alloc : memref<!tpu.dma_semaphore, #tpu.memory_space<semaphore_mem>>
      %dma_start3A_60 = arith.constant 0 : i32
      %dma_start3A_61 = arith.constant 0 : i32
      %dma_start3A_62 = tpu.memref_slice %arg6[%dma_start3A_60, %dma_start3A_61] : memref<40x128xi32, #tpu.memory_space<vmem>> -> memref<40x128xi32, #tpu.memory_space<vmem>>
      %dma_start3A_63 = arith.constant 0 : i32
      %dma_start3A_64 = arith.constant 0 : i32
      %dma_start3A_65 = tpu.memref_slice %arg3[%add3A, %dma_start3A_63, %dma_start3A_64] : memref<32x79x128xi32, #tpu.memory_space<hbm>> -> memref<1x40x128xi32, #tpu.memory_space<hbm>>
      %dma_start3A_66 = tpu.memref_squeeze %dma_start3A_65 : memref<1x40x128xi32, #tpu.memory_space<hbm>> -> memref<40x128xi32, #tpu.memory_space<hbm>>
      %dma_start3A_67 = arith.constant 0 : i32
      %dma_start3A_68 = arith.constant 0 : i32
      %dma_start3A_69 = tpu.memref_slice %arg6[%dma_start3A_67, %dma_start3A_68] : memref<40x128xi32, #tpu.memory_space<vmem>> -> memref<40x128xi32, #tpu.memory_space<vmem>>
      %dma_start3A_70 = arith.constant 0 : i32
      %dma_start3A_71 = arith.constant 0 : i32
      %dma_start3A_72 = tpu.memref_slice %arg3[%add3A, %dma_start3A_70, %dma_start3A_71] : memref<32x79x128xi32, #tpu.memory_space<hbm>> -> memref<1x40x128xi32, #tpu.memory_space<hbm>>
      %dma_start3A_73 = tpu.memref_squeeze %dma_start3A_72 : memref<1x40x128xi32, #tpu.memory_space<hbm>> -> memref<40x128xi32, #tpu.memory_space<hbm>>
      tpu.enqueue_dma source(%dma_start3A_73 : memref<40x128xi32, #tpu.memory_space<hbm>>) target(%dma_start3A_69 : memref<40x128xi32, #tpu.memory_space<vmem>>) target_semaphore(%run_scoped3A : memref<!tpu.dma_semaphore, #tpu.memory_space<semaphore_mem>>)
      %dma_wait3A = arith.constant 0 : i32
      %dma_wait3A_74 = arith.constant 0 : i32
      %dma_wait3A_75 = tpu.memref_slice %arg6[%dma_wait3A, %dma_wait3A_74] : memref<40x128xi32, #tpu.memory_space<vmem>> -> memref<40x128xi32, #tpu.memory_space<vmem>>
      %dma_wait3A_76 = arith.constant 0 : i32
      %dma_wait3A_77 = arith.constant 0 : i32
      %dma_wait3A_78 = tpu.memref_slice %arg3[%add3A, %dma_wait3A_76, %dma_wait3A_77] : memref<32x79x128xi32, #tpu.memory_space<hbm>> -> memref<1x40x128xi32, #tpu.memory_space<hbm>>
      %dma_wait3A_79 = tpu.memref_squeeze %dma_wait3A_78 : memref<1x40x128xi32, #tpu.memory_space<hbm>> -> memref<40x128xi32, #tpu.memory_space<hbm>>
      %dma_wait3A_80 = arith.constant 0 : i32
      %dma_wait3A_81 = arith.constant 0 : i32
      %dma_wait3A_82 = tpu.memref_slice %arg6[%dma_wait3A_80, %dma_wait3A_81] : memref<40x128xi32, #tpu.memory_space<vmem>> -> memref<40x128xi32, #tpu.memory_space<vmem>>
      %dma_wait3A_83 = arith.constant 0 : i32
      %dma_wait3A_84 = arith.constant 0 : i32
      %dma_wait3A_85 = tpu.memref_slice %arg3[%add3A, %dma_wait3A_83, %dma_wait3A_84] : memref<32x79x128xi32, #tpu.memory_space<hbm>> -> memref<1x40x128xi32, #tpu.memory_space<hbm>>
      %dma_wait3A_86 = tpu.memref_squeeze %dma_wait3A_85 : memref<1x40x128xi32, #tpu.memory_space<hbm>> -> memref<40x128xi32, #tpu.memory_space<hbm>>
      tpu.wait_dma2 semaphore(%run_scoped3A : memref<!tpu.dma_semaphore, #tpu.memory_space<semaphore_mem>>) src(%dma_wait3A_86 : memref<40x128xi32, #tpu.memory_space<hbm>>) dst(%dma_wait3A_82 : memref<40x128xi32, #tpu.memory_space<vmem>>)
      tpu.yield
    }) : () -> ()
    "tpu.region"() ({
      %run_scoped3A = tpu.sem_alloc : memref<!tpu.dma_semaphore, #tpu.memory_space<semaphore_mem>>
      %dma_start3A_60 = arith.constant 0 : i32
      %dma_start3A_61 = arith.constant 0 : i32
      %dma_start3A_62 = tpu.memref_slice %arg7[%dma_start3A_60, %dma_start3A_61] : memref<40x128xi32, #tpu.memory_space<vmem>> -> memref<40x128xi32, #tpu.memory_space<vmem>>
      %dma_start3A_63 = arith.constant 0 : i32
      %dma_start3A_64 = arith.constant 0 : i32
      %dma_start3A_65 = tpu.memref_slice %arg4[%add3A, %dma_start3A_63, %dma_start3A_64] : memref<32x79x128xi32, #tpu.memory_space<hbm>> -> memref<1x40x128xi32, #tpu.memory_space<hbm>>
      %dma_start3A_66 = tpu.memref_squeeze %dma_start3A_65 : memref<1x40x128xi32, #tpu.memory_space<hbm>> -> memref<40x128xi32, #tpu.memory_space<hbm>>
      %dma_start3A_67 = arith.constant 0 : i32
      %dma_start3A_68 = arith.constant 0 : i32
      %dma_start3A_69 = tpu.memref_slice %arg7[%dma_start3A_67, %dma_start3A_68] : memref<40x128xi32, #tpu.memory_space<vmem>> -> memref<40x128xi32, #tpu.memory_space<vmem>>
      %dma_start3A_70 = arith.constant 0 : i32
      %dma_start3A_71 = arith.constant 0 : i32
      %dma_start3A_72 = tpu.memref_slice %arg4[%add3A, %dma_start3A_70, %dma_start3A_71] : memref<32x79x128xi32, #tpu.memory_space<hbm>> -> memref<1x40x128xi32, #tpu.memory_space<hbm>>
      %dma_start3A_73 = tpu.memref_squeeze %dma_start3A_72 : memref<1x40x128xi32, #tpu.memory_space<hbm>> -> memref<40x128xi32, #tpu.memory_space<hbm>>
      tpu.enqueue_dma source(%dma_start3A_73 : memref<40x128xi32, #tpu.memory_space<hbm>>) target(%dma_start3A_69 : memref<40x128xi32, #tpu.memory_space<vmem>>) target_semaphore(%run_scoped3A : memref<!tpu.dma_semaphore, #tpu.memory_space<semaphore_mem>>)
      %dma_wait3A = arith.constant 0 : i32
      %dma_wait3A_74 = arith.constant 0 : i32
      %dma_wait3A_75 = tpu.memref_slice %arg7[%dma_wait3A, %dma_wait3A_74] : memref<40x128xi32, #tpu.memory_space<vmem>> -> memref<40x128xi32, #tpu.memory_space<vmem>>
      %dma_wait3A_76 = arith.constant 0 : i32
      %dma_wait3A_77 = arith.constant 0 : i32
      %dma_wait3A_78 = tpu.memref_slice %arg4[%add3A, %dma_wait3A_76, %dma_wait3A_77] : memref<32x79x128xi32, #tpu.memory_space<hbm>> -> memref<1x40x128xi32, #tpu.memory_space<hbm>>
      %dma_wait3A_79 = tpu.memref_squeeze %dma_wait3A_78 : memref<1x40x128xi32, #tpu.memory_space<hbm>> -> memref<40x128xi32, #tpu.memory_space<hbm>>
      %dma_wait3A_80 = arith.constant 0 : i32
      %dma_wait3A_81 = arith.constant 0 : i32
      %dma_wait3A_82 = tpu.memref_slice %arg7[%dma_wait3A_80, %dma_wait3A_81] : memref<40x128xi32, #tpu.memory_space<vmem>> -> memref<40x128xi32, #tpu.memory_space<vmem>>
      %dma_wait3A_83 = arith.constant 0 : i32
      %dma_wait3A_84 = arith.constant 0 : i32
      %dma_wait3A_85 = tpu.memref_slice %arg4[%add3A, %dma_wait3A_83, %dma_wait3A_84] : memref<32x79x128xi32, #tpu.memory_space<hbm>> -> memref<1x40x128xi32, #tpu.memory_space<hbm>>
      %dma_wait3A_86 = tpu.memref_squeeze %dma_wait3A_85 : memref<1x40x128xi32, #tpu.memory_space<hbm>> -> memref<40x128xi32, #tpu.memory_space<hbm>>
      tpu.wait_dma2 semaphore(%run_scoped3A : memref<!tpu.dma_semaphore, #tpu.memory_space<semaphore_mem>>) src(%dma_wait3A_86 : memref<40x128xi32, #tpu.memory_space<hbm>>) dst(%dma_wait3A_82 : memref<40x128xi32, #tpu.memory_space<vmem>>)
      tpu.yield
    }) : () -> ()
    %dma_start3A = arith.constant 0 : i32
    %dma_start3A_28 = arith.constant 0 : i32
    %dma_start3A_29 = tpu.memref_slice %arg6[%dma_start3A, %dma_start3A_28] : memref<40x128xi32, #tpu.memory_space<vmem>> -> memref<1x128xi32, #tpu.memory_space<vmem>>
    %dma_start3A_30 = tpu.memref_squeeze %dma_start3A_29 : memref<1x128xi32, #tpu.memory_space<vmem>> -> memref<128xi32, #tpu.memory_space<vmem>>
    %dma_start3A_31 = arith.constant 0 : i32
    %dma_start3A_32 = arith.constant 0 : i32
    %dma_start3A_33 = tpu.memref_slice %arg2[%dma_start3A_31, %dma_start3A_32] : memref<10240x128xf32, #tpu.memory_space<hbm>> -> memref<10240x128xf32, #tpu.memory_space<hbm>>
    tpu.enqueue_indirect_dma source(%dma_start3A_33 : memref<10240x128xf32, #tpu.memory_space<hbm>>) target(%arg8 : memref<128x128xf32, #tpu.memory_space<vmem>>) offsets(%dma_start3A_30 : memref<128xi32, #tpu.memory_space<vmem>>) semaphore(%arg10 : memref<!tpu.dma_semaphore, #tpu.memory_space<semaphore_mem>>)
    %scan3A_34 = arith.constant 0 : i32
    %scan3A_35 = arith.constant 0 : i32
    %scan3A_36 = arith.constant 20 : i32
    %scan3A_37 = arith.addi %scan3A_35, %scan3A_36 : i32
    %scan3A_38 = arith.constant 1 : i32
    %scan3A_39 = scf.for %scan3A_60 = %scan3A_35 to %scan3A_37 step %scan3A_38 iter_args(%scan3A_61 = %scan3A_34) -> (i32)  : i32 {
      %mul3A_62 = arith.constant 2 : i32
      %mul3A_63 = arith.muli %mul3A_62, %scan3A_60 : i32
      %add3A_64 = arith.constant 1 : i32
      %add3A_65 = arith.addi %mul3A_63, %add3A_64 : i32
      %lt3A = arith.constant 40 : i32
      %lt3A_66 = arith.cmpi slt, %add3A_65, %lt3A : i32
      %convert_element_type3A = arith.extui %lt3A_66 : i1 to i32
      %cond3A = arith.constant 0 : i32
      %cond3A_67 = arith.cmpi ne, %convert_element_type3A, %cond3A : i32
      scf.if %cond3A_67 {
        %dma_start3A_86 = arith.constant 0 : i32
        %dma_start3A_87 = tpu.memref_slice %arg6[%add3A_65, %dma_start3A_86] : memref<40x128xi32, #tpu.memory_space<vmem>> -> memref<1x128xi32, #tpu.memory_space<vmem>>
        %dma_start3A_88 = tpu.memref_squeeze %dma_start3A_87 : memref<1x128xi32, #tpu.memory_space<vmem>> -> memref<128xi32, #tpu.memory_space<vmem>>
        %dma_start3A_89 = arith.constant 0 : i32
        %dma_start3A_90 = arith.constant 0 : i32
        %dma_start3A_91 = tpu.memref_slice %arg2[%dma_start3A_89, %dma_start3A_90] : memref<10240x128xf32, #tpu.memory_space<hbm>> -> memref<10240x128xf32, #tpu.memory_space<hbm>>
        tpu.enqueue_indirect_dma source(%dma_start3A_91 : memref<10240x128xf32, #tpu.memory_space<hbm>>) target(%arg9 : memref<128x128xf32, #tpu.memory_space<vmem>>) offsets(%dma_start3A_88 : memref<128xi32, #tpu.memory_space<vmem>>) semaphore(%arg11 : memref<!tpu.dma_semaphore, #tpu.memory_space<semaphore_mem>>)
      } else {
      }
      %dma_wait3A = arith.constant 0 : i32
      %dma_wait3A_68 = tpu.memref_slice %arg6[%mul3A_63, %dma_wait3A] : memref<40x128xi32, #tpu.memory_space<vmem>> -> memref<1x128xi32, #tpu.memory_space<vmem>>
      %dma_wait3A_69 = tpu.memref_squeeze %dma_wait3A_68 : memref<1x128xi32, #tpu.memory_space<vmem>> -> memref<128xi32, #tpu.memory_space<vmem>>
      %dma_wait3A_70 = arith.constant 0 : i32
      %dma_wait3A_71 = arith.constant 0 : i32
      %dma_wait3A_72 = tpu.memref_slice %arg2[%dma_wait3A_70, %dma_wait3A_71] : memref<10240x128xf32, #tpu.memory_space<hbm>> -> memref<10240x128xf32, #tpu.memory_space<hbm>>
      tpu.wait_indirect_dma semaphore(%arg10 : memref<!tpu.dma_semaphore, #tpu.memory_space<semaphore_mem>>) src(%dma_wait3A_72 : memref<10240x128xf32, #tpu.memory_space<hbm>>) dst(%arg8 : memref<128x128xf32, #tpu.memory_space<vmem>>)
      "tpu.region"() ({
        %run_scoped3A = tpu.sem_alloc : memref<!tpu.dma_semaphore, #tpu.memory_space<semaphore_mem>>
        %dma_start3A_86 = arith.constant 0 : i32
        %dma_start3A_87 = tpu.memref_slice %arg7[%mul3A_63, %dma_start3A_86] : memref<40x128xi32, #tpu.memory_space<vmem>> -> memref<1x128xi32, #tpu.memory_space<vmem>>
        %dma_start3A_88 = tpu.memref_squeeze %dma_start3A_87 : memref<1x128xi32, #tpu.memory_space<vmem>> -> memref<128xi32, #tpu.memory_space<vmem>>
        %dma_start3A_89 = arith.constant 0 : i32
        %dma_start3A_90 = arith.constant 0 : i32
        %dma_start3A_91 = tpu.memref_slice %arg12[%dma_start3A_89, %dma_start3A_90] : memref<10240x128xf32, #tpu.memory_space<vmem_shared>> -> memref<10240x128xf32, #tpu.memory_space<vmem_shared>>
        tpu.enqueue_indirect_dma source(%arg8 : memref<128x128xf32, #tpu.memory_space<vmem>>) target(%dma_start3A_91 : memref<10240x128xf32, #tpu.memory_space<vmem_shared>>) offsets(%dma_start3A_88 : memref<128xi32, #tpu.memory_space<vmem>>) semaphore(%run_scoped3A : memref<!tpu.dma_semaphore, #tpu.memory_space<semaphore_mem>>) {add = true}
        %dma_wait3A_92 = arith.constant 0 : i32
        %dma_wait3A_93 = tpu.memref_slice %arg7[%mul3A_63, %dma_wait3A_92] : memref<40x128xi32, #tpu.memory_space<vmem>> -> memref<1x128xi32, #tpu.memory_space<vmem>>
        %dma_wait3A_94 = tpu.memref_squeeze %dma_wait3A_93 : memref<1x128xi32, #tpu.memory_space<vmem>> -> memref<128xi32, #tpu.memory_space<vmem>>
        %dma_wait3A_95 = arith.constant 0 : i32
        %dma_wait3A_96 = arith.constant 0 : i32
        %dma_wait3A_97 = tpu.memref_slice %arg12[%dma_wait3A_95, %dma_wait3A_96] : memref<10240x128xf32, #tpu.memory_space<vmem_shared>> -> memref<10240x128xf32, #tpu.memory_space<vmem_shared>>
        tpu.wait_indirect_dma semaphore(%run_scoped3A : memref<!tpu.dma_semaphore, #tpu.memory_space<semaphore_mem>>) src(%arg8 : memref<128x128xf32, #tpu.memory_space<vmem>>) dst(%dma_wait3A_97 : memref<10240x128xf32, #tpu.memory_space<vmem_shared>>)
        tpu.yield
      }) : () -> ()
      %add3A_73 = arith.constant 1 : i32
      %add3A_74 = arith.addi %add3A_65, %add3A_73 : i32
      %lt3A_75 = arith.constant 40 : i32
      %lt3A_76 = arith.cmpi slt, %add3A_74, %lt3A_75 : i32
      %convert_element_type3A_77 = arith.extui %lt3A_76 : i1 to i32
      %cond3A_78 = arith.constant 0 : i32
      %cond3A_79 = arith.cmpi ne, %convert_element_type3A_77, %cond3A_78 : i32
      scf.if %cond3A_79 {
        %add3A_86 = arith.constant 1 : i32
        %add3A_87 = arith.addi %add3A_65, %add3A_86 : i32
        %dma_start3A_88 = arith.constant 0 : i32
        %dma_start3A_89 = tpu.memref_slice %arg6[%add3A_87, %dma_start3A_88] : memref<40x128xi32, #tpu.memory_space<vmem>> -> memref<1x128xi32, #tpu.memory_space<vmem>>
        %dma_start3A_90 = tpu.memref_squeeze %dma_start3A_89 : memref<1x128xi32, #tpu.memory_space<vmem>> -> memref<128xi32, #tpu.memory_space<vmem>>
        %dma_start3A_91 = arith.constant 0 : i32
        %dma_start3A_92 = arith.constant 0 : i32
        %dma_start3A_93 = tpu.memref_slice %arg2[%dma_start3A_91, %dma_start3A_92] : memref<10240x128xf32, #tpu.memory_space<hbm>> -> memref<10240x128xf32, #tpu.memory_space<hbm>>
        tpu.enqueue_indirect_dma source(%dma_start3A_93 : memref<10240x128xf32, #tpu.memory_space<hbm>>) target(%arg8 : memref<128x128xf32, #tpu.memory_space<vmem>>) offsets(%dma_start3A_90 : memref<128xi32, #tpu.memory_space<vmem>>) semaphore(%arg10 : memref<!tpu.dma_semaphore, #tpu.memory_space<semaphore_mem>>)
      } else {
      }
      %lt3A_80 = arith.constant 40 : i32
      %lt3A_81 = arith.cmpi slt, %add3A_65, %lt3A_80 : i32
      %convert_element_type3A_82 = arith.extui %lt3A_81 : i1 to i32
      %cond3A_83 = arith.constant 0 : i32
      %cond3A_84 = arith.cmpi ne, %convert_element_type3A_82, %cond3A_83 : i32
      scf.if %cond3A_84 {
        %dma_wait3A_86 = arith.constant 0 : i32
        %dma_wait3A_87 = tpu.memref_slice %arg6[%add3A_65, %dma_wait3A_86] : memref<40x128xi32, #tpu.memory_space<vmem>> -> memref<1x128xi32, #tpu.memory_space<vmem>>
        %dma_wait3A_88 = tpu.memref_squeeze %dma_wait3A_87 : memref<1x128xi32, #tpu.memory_space<vmem>> -> memref<128xi32, #tpu.memory_space<vmem>>
        %dma_wait3A_89 = arith.constant 0 : i32
        %dma_wait3A_90 = arith.constant 0 : i32
        %dma_wait3A_91 = tpu.memref_slice %arg2[%dma_wait3A_89, %dma_wait3A_90] : memref<10240x128xf32, #tpu.memory_space<hbm>> -> memref<10240x128xf32, #tpu.memory_space<hbm>>
        tpu.wait_indirect_dma semaphore(%arg11 : memref<!tpu.dma_semaphore, #tpu.memory_space<semaphore_mem>>) src(%dma_wait3A_91 : memref<10240x128xf32, #tpu.memory_space<hbm>>) dst(%arg9 : memref<128x128xf32, #tpu.memory_space<vmem>>)
        "tpu.region"() ({
          %run_scoped3A = tpu.sem_alloc : memref<!tpu.dma_semaphore, #tpu.memory_space<semaphore_mem>>
          %dma_start3A_92 = arith.constant 0 : i32
          %dma_start3A_93 = tpu.memref_slice %arg7[%add3A_65, %dma_start3A_92] : memref<40x128xi32, #tpu.memory_space<vmem>> -> memref<1x128xi32, #tpu.memory_space<vmem>>
          %dma_start3A_94 = tpu.memref_squeeze %dma_start3A_93 : memref<1x128xi32, #tpu.memory_space<vmem>> -> memref<128xi32, #tpu.memory_space<vmem>>
          %dma_start3A_95 = arith.constant 0 : i32
          %dma_start3A_96 = arith.constant 0 : i32
          %dma_start3A_97 = tpu.memref_slice %arg12[%dma_start3A_95, %dma_start3A_96] : memref<10240x128xf32, #tpu.memory_space<vmem_shared>> -> memref<10240x128xf32, #tpu.memory_space<vmem_shared>>
          tpu.enqueue_indirect_dma source(%arg9 : memref<128x128xf32, #tpu.memory_space<vmem>>) target(%dma_start3A_97 : memref<10240x128xf32, #tpu.memory_space<vmem_shared>>) offsets(%dma_start3A_94 : memref<128xi32, #tpu.memory_space<vmem>>) semaphore(%run_scoped3A : memref<!tpu.dma_semaphore, #tpu.memory_space<semaphore_mem>>) {add = true}
          %dma_wait3A_98 = arith.constant 0 : i32
          %dma_wait3A_99 = tpu.memref_slice %arg7[%add3A_65, %dma_wait3A_98] : memref<40x128xi32, #tpu.memory_space<vmem>> -> memref<1x128xi32, #tpu.memory_space<vmem>>
          %dma_wait3A_100 = tpu.memref_squeeze %dma_wait3A_99 : memref<1x128xi32, #tpu.memory_space<vmem>> -> memref<128xi32, #tpu.memory_space<vmem>>
          %dma_wait3A_101 = arith.constant 0 : i32
          %dma_wait3A_102 = arith.constant 0 : i32
          %dma_wait3A_103 = tpu.memref_slice %arg12[%dma_wait3A_101, %dma_wait3A_102] : memref<10240x128xf32, #tpu.memory_space<vmem_shared>> -> memref<10240x128xf32, #tpu.memory_space<vmem_shared>>
          tpu.wait_indirect_dma semaphore(%run_scoped3A : memref<!tpu.dma_semaphore, #tpu.memory_space<semaphore_mem>>) src(%arg9 : memref<128x128xf32, #tpu.memory_space<vmem>>) dst(%dma_wait3A_103 : memref<10240x128xf32, #tpu.memory_space<vmem_shared>>)
          tpu.yield
        }) : () -> ()
      } else {
      }
      %scan3A_85 = arith.constant 0 : i32
      scf.yield %scan3A_85 : i32
    }
    %scan3A_40 = arith.constant 20 : i32
    "tpu.region"() ({
      %run_scoped3A = tpu.sem_alloc : memref<!tpu.dma_semaphore, #tpu.memory_space<semaphore_mem>>
      %dma_start3A_60 = arith.constant 0 : i32
      %dma_start3A_61 = arith.constant 0 : i32
      %dma_start3A_62 = tpu.memref_slice %arg6[%dma_start3A_60, %dma_start3A_61] : memref<40x128xi32, #tpu.memory_space<vmem>> -> memref<39x128xi32, #tpu.memory_space<vmem>>
      %dma_start3A_63 = arith.constant 40 : i32
      %dma_start3A_64 = arith.constant 0 : i32
      %dma_start3A_65 = tpu.memref_slice %arg3[%add3A, %dma_start3A_63, %dma_start3A_64] : memref<32x79x128xi32, #tpu.memory_space<hbm>> -> memref<1x39x128xi32, #tpu.memory_space<hbm>>
      %dma_start3A_66 = tpu.memref_squeeze %dma_start3A_65 : memref<1x39x128xi32, #tpu.memory_space<hbm>> -> memref<39x128xi32, #tpu.memory_space<hbm>>
      %dma_start3A_67 = arith.constant 0 : i32
      %dma_start3A_68 = arith.constant 0 : i32
      %dma_start3A_69 = tpu.memref_slice %arg6[%dma_start3A_67, %dma_start3A_68] : memref<40x128xi32, #tpu.memory_space<vmem>> -> memref<39x128xi32, #tpu.memory_space<vmem>>
      %dma_start3A_70 = arith.constant 40 : i32
      %dma_start3A_71 = arith.constant 0 : i32
      %dma_start3A_72 = tpu.memref_slice %arg3[%add3A, %dma_start3A_70, %dma_start3A_71] : memref<32x79x128xi32, #tpu.memory_space<hbm>> -> memref<1x39x128xi32, #tpu.memory_space<hbm>>
      %dma_start3A_73 = tpu.memref_squeeze %dma_start3A_72 : memref<1x39x128xi32, #tpu.memory_space<hbm>> -> memref<39x128xi32, #tpu.memory_space<hbm>>
      tpu.enqueue_dma source(%dma_start3A_73 : memref<39x128xi32, #tpu.memory_space<hbm>>) target(%dma_start3A_69 : memref<39x128xi32, #tpu.memory_space<vmem>>) target_semaphore(%run_scoped3A : memref<!tpu.dma_semaphore, #tpu.memory_space<semaphore_mem>>)
      %dma_wait3A = arith.constant 0 : i32
      %dma_wait3A_74 = arith.constant 0 : i32
      %dma_wait3A_75 = tpu.memref_slice %arg6[%dma_wait3A, %dma_wait3A_74] : memref<40x128xi32, #tpu.memory_space<vmem>> -> memref<39x128xi32, #tpu.memory_space<vmem>>
      %dma_wait3A_76 = arith.constant 40 : i32
      %dma_wait3A_77 = arith.constant 0 : i32
      %dma_wait3A_78 = tpu.memref_slice %arg3[%add3A, %dma_wait3A_76, %dma_wait3A_77] : memref<32x79x128xi32, #tpu.memory_space<hbm>> -> memref<1x39x128xi32, #tpu.memory_space<hbm>>
      %dma_wait3A_79 = tpu.memref_squeeze %dma_wait3A_78 : memref<1x39x128xi32, #tpu.memory_space<hbm>> -> memref<39x128xi32, #tpu.memory_space<hbm>>
      %dma_wait3A_80 = arith.constant 0 : i32
      %dma_wait3A_81 = arith.constant 0 : i32
      %dma_wait3A_82 = tpu.memref_slice %arg6[%dma_wait3A_80, %dma_wait3A_81] : memref<40x128xi32, #tpu.memory_space<vmem>> -> memref<39x128xi32, #tpu.memory_space<vmem>>
      %dma_wait3A_83 = arith.constant 40 : i32
      %dma_wait3A_84 = arith.constant 0 : i32
      %dma_wait3A_85 = tpu.memref_slice %arg3[%add3A, %dma_wait3A_83, %dma_wait3A_84] : memref<32x79x128xi32, #tpu.memory_space<hbm>> -> memref<1x39x128xi32, #tpu.memory_space<hbm>>
      %dma_wait3A_86 = tpu.memref_squeeze %dma_wait3A_85 : memref<1x39x128xi32, #tpu.memory_space<hbm>> -> memref<39x128xi32, #tpu.memory_space<hbm>>
      tpu.wait_dma2 semaphore(%run_scoped3A : memref<!tpu.dma_semaphore, #tpu.memory_space<semaphore_mem>>) src(%dma_wait3A_86 : memref<39x128xi32, #tpu.memory_space<hbm>>) dst(%dma_wait3A_82 : memref<39x128xi32, #tpu.memory_space<vmem>>)
      tpu.yield
    }) : () -> ()
    "tpu.region"() ({
      %run_scoped3A = tpu.sem_alloc : memref<!tpu.dma_semaphore, #tpu.memory_space<semaphore_mem>>
      %dma_start3A_60 = arith.constant 0 : i32
      %dma_start3A_61 = arith.constant 0 : i32
      %dma_start3A_62 = tpu.memref_slice %arg7[%dma_start3A_60, %dma_start3A_61] : memref<40x128xi32, #tpu.memory_space<vmem>> -> memref<39x128xi32, #tpu.memory_space<vmem>>
      %dma_start3A_63 = arith.constant 40 : i32
      %dma_start3A_64 = arith.constant 0 : i32
      %dma_start3A_65 = tpu.memref_slice %arg4[%add3A, %dma_start3A_63, %dma_start3A_64] : memref<32x79x128xi32, #tpu.memory_space<hbm>> -> memref<1x39x128xi32, #tpu.memory_space<hbm>>
      %dma_start3A_66 = tpu.memref_squeeze %dma_start3A_65 : memref<1x39x128xi32, #tpu.memory_space<hbm>> -> memref<39x128xi32, #tpu.memory_space<hbm>>
      %dma_start3A_67 = arith.constant 0 : i32
      %dma_start3A_68 = arith.constant 0 : i32
      %dma_start3A_69 = tpu.memref_slice %arg7[%dma_start3A_67, %dma_start3A_68] : memref<40x128xi32, #tpu.memory_space<vmem>> -> memref<39x128xi32, #tpu.memory_space<vmem>>
      %dma_start3A_70 = arith.constant 40 : i32
      %dma_start3A_71 = arith.constant 0 : i32
      %dma_start3A_72 = tpu.memref_slice %arg4[%add3A, %dma_start3A_70, %dma_start3A_71] : memref<32x79x128xi32, #tpu.memory_space<hbm>> -> memref<1x39x128xi32, #tpu.memory_space<hbm>>
      %dma_start3A_73 = tpu.memref_squeeze %dma_start3A_72 : memref<1x39x128xi32, #tpu.memory_space<hbm>> -> memref<39x128xi32, #tpu.memory_space<hbm>>
      tpu.enqueue_dma source(%dma_start3A_73 : memref<39x128xi32, #tpu.memory_space<hbm>>) target(%dma_start3A_69 : memref<39x128xi32, #tpu.memory_space<vmem>>) target_semaphore(%run_scoped3A : memref<!tpu.dma_semaphore, #tpu.memory_space<semaphore_mem>>)
      %dma_wait3A = arith.constant 0 : i32
      %dma_wait3A_74 = arith.constant 0 : i32
      %dma_wait3A_75 = tpu.memref_slice %arg7[%dma_wait3A, %dma_wait3A_74] : memref<40x128xi32, #tpu.memory_space<vmem>> -> memref<39x128xi32, #tpu.memory_space<vmem>>
      %dma_wait3A_76 = arith.constant 40 : i32
      %dma_wait3A_77 = arith.constant 0 : i32
      %dma_wait3A_78 = tpu.memref_slice %arg4[%add3A, %dma_wait3A_76, %dma_wait3A_77] : memref<32x79x128xi32, #tpu.memory_space<hbm>> -> memref<1x39x128xi32, #tpu.memory_space<hbm>>
      %dma_wait3A_79 = tpu.memref_squeeze %dma_wait3A_78 : memref<1x39x128xi32, #tpu.memory_space<hbm>> -> memref<39x128xi32, #tpu.memory_space<hbm>>
      %dma_wait3A_80 = arith.constant 0 : i32
      %dma_wait3A_81 = arith.constant 0 : i32
      %dma_wait3A_82 = tpu.memref_slice %arg7[%dma_wait3A_80, %dma_wait3A_81] : memref<40x128xi32, #tpu.memory_space<vmem>> -> memref<39x128xi32, #tpu.memory_space<vmem>>
      %dma_wait3A_83 = arith.constant 40 : i32
      %dma_wait3A_84 = arith.constant 0 : i32
      %dma_wait3A_85 = tpu.memref_slice %arg4[%add3A, %dma_wait3A_83, %dma_wait3A_84] : memref<32x79x128xi32, #tpu.memory_space<hbm>> -> memref<1x39x128xi32, #tpu.memory_space<hbm>>
      %dma_wait3A_86 = tpu.memref_squeeze %dma_wait3A_85 : memref<1x39x128xi32, #tpu.memory_space<hbm>> -> memref<39x128xi32, #tpu.memory_space<hbm>>
      tpu.wait_dma2 semaphore(%run_scoped3A : memref<!tpu.dma_semaphore, #tpu.memory_space<semaphore_mem>>) src(%dma_wait3A_86 : memref<39x128xi32, #tpu.memory_space<hbm>>) dst(%dma_wait3A_82 : memref<39x128xi32, #tpu.memory_space<vmem>>)
      tpu.yield
    }) : () -> ()
    %dma_start3A_41 = arith.constant 0 : i32
    %dma_start3A_42 = arith.constant 0 : i32
    %dma_start3A_43 = tpu.memref_slice %arg6[%dma_start3A_41, %dma_start3A_42] : memref<40x128xi32, #tpu.memory_space<vmem>> -> memref<1x128xi32, #tpu.memory_space<vmem>>
    %dma_start3A_44 = tpu.memref_squeeze %dma_start3A_43 : memref<1x128xi32, #tpu.memory_space<vmem>> -> memref<128xi32, #tpu.memory_space<vmem>>
    %dma_start3A_45 = arith.constant 0 : i32
    %dma_start3A_46 = arith.constant 0 : i32
    %dma_start3A_47 = tpu.memref_slice %arg2[%dma_start3A_45, %dma_start3A_46] : memref<10240x128xf32, #tpu.memory_space<hbm>> -> memref<10240x128xf32, #tpu.memory_space<hbm>>
    tpu.enqueue_indirect_dma source(%dma_start3A_47 : memref<10240x128xf32, #tpu.memory_space<hbm>>) target(%arg8 : memref<128x128xf32, #tpu.memory_space<vmem>>) offsets(%dma_start3A_44 : memref<128xi32, #tpu.memory_space<vmem>>) semaphore(%arg10 : memref<!tpu.dma_semaphore, #tpu.memory_space<semaphore_mem>>)
    %scan3A_48 = arith.constant 0 : i32
    %scan3A_49 = arith.constant 0 : i32
    %scan3A_50 = arith.constant 20 : i32
    %scan3A_51 = arith.addi %scan3A_49, %scan3A_50 : i32
    %scan3A_52 = arith.constant 1 : i32
    %scan3A_53 = scf.for %scan3A_60 = %scan3A_49 to %scan3A_51 step %scan3A_52 iter_args(%scan3A_61 = %scan3A_48) -> (i32)  : i32 {
      %mul3A_62 = arith.constant 2 : i32
      %mul3A_63 = arith.muli %mul3A_62, %scan3A_60 : i32
      %add3A_64 = arith.constant 1 : i32
      %add3A_65 = arith.addi %mul3A_63, %add3A_64 : i32
      %lt3A = arith.constant 39 : i32
      %lt3A_66 = arith.cmpi slt, %add3A_65, %lt3A : i32
      %convert_element_type3A = arith.extui %lt3A_66 : i1 to i32
      %cond3A = arith.constant 0 : i32
      %cond3A_67 = arith.cmpi ne, %convert_element_type3A, %cond3A : i32
      scf.if %cond3A_67 {
        %dma_start3A_86 = arith.constant 0 : i32
        %dma_start3A_87 = tpu.memref_slice %arg6[%add3A_65, %dma_start3A_86] : memref<40x128xi32, #tpu.memory_space<vmem>> -> memref<1x128xi32, #tpu.memory_space<vmem>>
        %dma_start3A_88 = tpu.memref_squeeze %dma_start3A_87 : memref<1x128xi32, #tpu.memory_space<vmem>> -> memref<128xi32, #tpu.memory_space<vmem>>
        %dma_start3A_89 = arith.constant 0 : i32
        %dma_start3A_90 = arith.constant 0 : i32
        %dma_start3A_91 = tpu.memref_slice %arg2[%dma_start3A_89, %dma_start3A_90] : memref<10240x128xf32, #tpu.memory_space<hbm>> -> memref<10240x128xf32, #tpu.memory_space<hbm>>
        tpu.enqueue_indirect_dma source(%dma_start3A_91 : memref<10240x128xf32, #tpu.memory_space<hbm>>) target(%arg9 : memref<128x128xf32, #tpu.memory_space<vmem>>) offsets(%dma_start3A_88 : memref<128xi32, #tpu.memory_space<vmem>>) semaphore(%arg11 : memref<!tpu.dma_semaphore, #tpu.memory_space<semaphore_mem>>)
      } else {
      }
      %dma_wait3A = arith.constant 0 : i32
      %dma_wait3A_68 = tpu.memref_slice %arg6[%mul3A_63, %dma_wait3A] : memref<40x128xi32, #tpu.memory_space<vmem>> -> memref<1x128xi32, #tpu.memory_space<vmem>>
      %dma_wait3A_69 = tpu.memref_squeeze %dma_wait3A_68 : memref<1x128xi32, #tpu.memory_space<vmem>> -> memref<128xi32, #tpu.memory_space<vmem>>
      %dma_wait3A_70 = arith.constant 0 : i32
      %dma_wait3A_71 = arith.constant 0 : i32
      %dma_wait3A_72 = tpu.memref_slice %arg2[%dma_wait3A_70, %dma_wait3A_71] : memref<10240x128xf32, #tpu.memory_space<hbm>> -> memref<10240x128xf32, #tpu.memory_space<hbm>>
      tpu.wait_indirect_dma semaphore(%arg10 : memref<!tpu.dma_semaphore, #tpu.memory_space<semaphore_mem>>) src(%dma_wait3A_72 : memref<10240x128xf32, #tpu.memory_space<hbm>>) dst(%arg8 : memref<128x128xf32, #tpu.memory_space<vmem>>)
      "tpu.region"() ({
        %run_scoped3A = tpu.sem_alloc : memref<!tpu.dma_semaphore, #tpu.memory_space<semaphore_mem>>
        %dma_start3A_86 = arith.constant 0 : i32
        %dma_start3A_87 = tpu.memref_slice %arg7[%mul3A_63, %dma_start3A_86] : memref<40x128xi32, #tpu.memory_space<vmem>> -> memref<1x128xi32, #tpu.memory_space<vmem>>
        %dma_start3A_88 = tpu.memref_squeeze %dma_start3A_87 : memref<1x128xi32, #tpu.memory_space<vmem>> -> memref<128xi32, #tpu.memory_space<vmem>>
        %dma_start3A_89 = arith.constant 0 : i32
        %dma_start3A_90 = arith.constant 0 : i32
        %dma_start3A_91 = tpu.memref_slice %arg12[%dma_start3A_89, %dma_start3A_90] : memref<10240x128xf32, #tpu.memory_space<vmem_shared>> -> memref<10240x128xf32, #tpu.memory_space<vmem_shared>>
        tpu.enqueue_indirect_dma source(%arg8 : memref<128x128xf32, #tpu.memory_space<vmem>>) target(%dma_start3A_91 : memref<10240x128xf32, #tpu.memory_space<vmem_shared>>) offsets(%dma_start3A_88 : memref<128xi32, #tpu.memory_space<vmem>>) semaphore(%run_scoped3A : memref<!tpu.dma_semaphore, #tpu.memory_space<semaphore_mem>>) {add = true}
        %dma_wait3A_92 = arith.constant 0 : i32
        %dma_wait3A_93 = tpu.memref_slice %arg7[%mul3A_63, %dma_wait3A_92] : memref<40x128xi32, #tpu.memory_space<vmem>> -> memref<1x128xi32, #tpu.memory_space<vmem>>
        %dma_wait3A_94 = tpu.memref_squeeze %dma_wait3A_93 : memref<1x128xi32, #tpu.memory_space<vmem>> -> memref<128xi32, #tpu.memory_space<vmem>>
        %dma_wait3A_95 = arith.constant 0 : i32
        %dma_wait3A_96 = arith.constant 0 : i32
        %dma_wait3A_97 = tpu.memref_slice %arg12[%dma_wait3A_95, %dma_wait3A_96] : memref<10240x128xf32, #tpu.memory_space<vmem_shared>> -> memref<10240x128xf32, #tpu.memory_space<vmem_shared>>
        tpu.wait_indirect_dma semaphore(%run_scoped3A : memref<!tpu.dma_semaphore, #tpu.memory_space<semaphore_mem>>) src(%arg8 : memref<128x128xf32, #tpu.memory_space<vmem>>) dst(%dma_wait3A_97 : memref<10240x128xf32, #tpu.memory_space<vmem_shared>>)
        tpu.yield
      }) : () -> ()
      %add3A_73 = arith.constant 1 : i32
      %add3A_74 = arith.addi %add3A_65, %add3A_73 : i32
      %lt3A_75 = arith.constant 39 : i32
      %lt3A_76 = arith.cmpi slt, %add3A_74, %lt3A_75 : i32
      %convert_element_type3A_77 = arith.extui %lt3A_76 : i1 to i32
      %cond3A_78 = arith.constant 0 : i32
      %cond3A_79 = arith.cmpi ne, %convert_element_type3A_77, %cond3A_78 : i32
      scf.if %cond3A_79 {
        %add3A_86 = arith.constant 1 : i32
        %add3A_87 = arith.addi %add3A_65, %add3A_86 : i32
        %dma_start3A_88 = arith.constant 0 : i32
        %dma_start3A_89 = tpu.memref_slice %arg6[%add3A_87, %dma_start3A_88] : memref<40x128xi32, #tpu.memory_space<vmem>> -> memref<1x128xi32, #tpu.memory_space<vmem>>
        %dma_start3A_90 = tpu.memref_squeeze %dma_start3A_89 : memref<1x128xi32, #tpu.memory_space<vmem>> -> memref<128xi32, #tpu.memory_space<vmem>>
        %dma_start3A_91 = arith.constant 0 : i32
        %dma_start3A_92 = arith.constant 0 : i32
        %dma_start3A_93 = tpu.memref_slice %arg2[%dma_start3A_91, %dma_start3A_92] : memref<10240x128xf32, #tpu.memory_space<hbm>> -> memref<10240x128xf32, #tpu.memory_space<hbm>>
        tpu.enqueue_indirect_dma source(%dma_start3A_93 : memref<10240x128xf32, #tpu.memory_space<hbm>>) target(%arg8 : memref<128x128xf32, #tpu.memory_space<vmem>>) offsets(%dma_start3A_90 : memref<128xi32, #tpu.memory_space<vmem>>) semaphore(%arg10 : memref<!tpu.dma_semaphore, #tpu.memory_space<semaphore_mem>>)
      } else {
      }
      %lt3A_80 = arith.constant 39 : i32
      %lt3A_81 = arith.cmpi slt, %add3A_65, %lt3A_80 : i32
      %convert_element_type3A_82 = arith.extui %lt3A_81 : i1 to i32
      %cond3A_83 = arith.constant 0 : i32
      %cond3A_84 = arith.cmpi ne, %convert_element_type3A_82, %cond3A_83 : i32
      scf.if %cond3A_84 {
        %dma_wait3A_86 = arith.constant 0 : i32
        %dma_wait3A_87 = tpu.memref_slice %arg6[%add3A_65, %dma_wait3A_86] : memref<40x128xi32, #tpu.memory_space<vmem>> -> memref<1x128xi32, #tpu.memory_space<vmem>>
        %dma_wait3A_88 = tpu.memref_squeeze %dma_wait3A_87 : memref<1x128xi32, #tpu.memory_space<vmem>> -> memref<128xi32, #tpu.memory_space<vmem>>
        %dma_wait3A_89 = arith.constant 0 : i32
        %dma_wait3A_90 = arith.constant 0 : i32
        %dma_wait3A_91 = tpu.memref_slice %arg2[%dma_wait3A_89, %dma_wait3A_90] : memref<10240x128xf32, #tpu.memory_space<hbm>> -> memref<10240x128xf32, #tpu.memory_space<hbm>>
        tpu.wait_indirect_dma semaphore(%arg11 : memref<!tpu.dma_semaphore, #tpu.memory_space<semaphore_mem>>) src(%dma_wait3A_91 : memref<10240x128xf32, #tpu.memory_space<hbm>>) dst(%arg9 : memref<128x128xf32, #tpu.memory_space<vmem>>)
        "tpu.region"() ({
          %run_scoped3A = tpu.sem_alloc : memref<!tpu.dma_semaphore, #tpu.memory_space<semaphore_mem>>
          %dma_start3A_92 = arith.constant 0 : i32
          %dma_start3A_93 = tpu.memref_slice %arg7[%add3A_65, %dma_start3A_92] : memref<40x128xi32, #tpu.memory_space<vmem>> -> memref<1x128xi32, #tpu.memory_space<vmem>>
          %dma_start3A_94 = tpu.memref_squeeze %dma_start3A_93 : memref<1x128xi32, #tpu.memory_space<vmem>> -> memref<128xi32, #tpu.memory_space<vmem>>
          %dma_start3A_95 = arith.constant 0 : i32
          %dma_start3A_96 = arith.constant 0 : i32
          %dma_start3A_97 = tpu.memref_slice %arg12[%dma_start3A_95, %dma_start3A_96] : memref<10240x128xf32, #tpu.memory_space<vmem_shared>> -> memref<10240x128xf32, #tpu.memory_space<vmem_shared>>
          tpu.enqueue_indirect_dma source(%arg9 : memref<128x128xf32, #tpu.memory_space<vmem>>) target(%dma_start3A_97 : memref<10240x128xf32, #tpu.memory_space<vmem_shared>>) offsets(%dma_start3A_94 : memref<128xi32, #tpu.memory_space<vmem>>) semaphore(%run_scoped3A : memref<!tpu.dma_semaphore, #tpu.memory_space<semaphore_mem>>) {add = true}
          %dma_wait3A_98 = arith.constant 0 : i32
          %dma_wait3A_99 = tpu.memref_slice %arg7[%add3A_65, %dma_wait3A_98] : memref<40x128xi32, #tpu.memory_space<vmem>> -> memref<1x128xi32, #tpu.memory_space<vmem>>
          %dma_wait3A_100 = tpu.memref_squeeze %dma_wait3A_99 : memref<1x128xi32, #tpu.memory_space<vmem>> -> memref<128xi32, #tpu.memory_space<vmem>>
          %dma_wait3A_101 = arith.constant 0 : i32
          %dma_wait3A_102 = arith.constant 0 : i32
          %dma_wait3A_103 = tpu.memref_slice %arg12[%dma_wait3A_101, %dma_wait3A_102] : memref<10240x128xf32, #tpu.memory_space<vmem_shared>> -> memref<10240x128xf32, #tpu.memory_space<vmem_shared>>
          tpu.wait_indirect_dma semaphore(%run_scoped3A : memref<!tpu.dma_semaphore, #tpu.memory_space<semaphore_mem>>) src(%arg9 : memref<128x128xf32, #tpu.memory_space<vmem>>) dst(%dma_wait3A_103 : memref<10240x128xf32, #tpu.memory_space<vmem_shared>>)
          tpu.yield
        }) : () -> ()
      } else {
      }
      %scan3A_85 = arith.constant 0 : i32
      scf.yield %scan3A_85 : i32
    }
    %scan3A_54 = arith.constant 20 : i32
    %barrier3A_55 = arith.constant 0 : index
    tpu.barrier barrier_id(%barrier3A_55)
    %mul3A_56 = arith.constant 640 : i32
    %mul3A_57 = arith.muli %arg1, %mul3A_56 : i32
    %mul3A_58 = arith.constant 640 : i32
    %mul3A_59 = arith.muli %arg1, %mul3A_58 : i32
    "tpu.region"() ({
      %run_scoped3A = tpu.sem_alloc : memref<!tpu.dma_semaphore, #tpu.memory_space<semaphore_mem>>
      %dma_start3A_60 = arith.constant 0 : i32
      %dma_start3A_61 = tpu.memref_slice %arg5[%arg0, %mul3A_59, %dma_start3A_60] : memref<2x10240x128xf32, #tpu.memory_space<hbm>> -> memref<1x640x128xf32, #tpu.memory_space<hbm>>
      %dma_start3A_62 = tpu.memref_squeeze %dma_start3A_61 : memref<1x640x128xf32, #tpu.memory_space<hbm>> -> memref<640x128xf32, #tpu.memory_space<hbm>>
      %dma_start3A_63 = arith.constant 0 : i32
      %dma_start3A_64 = tpu.memref_slice %arg12[%mul3A_57, %dma_start3A_63] : memref<10240x128xf32, #tpu.memory_space<vmem_shared>> -> memref<640x128xf32, #tpu.memory_space<vmem_shared>>
      tpu.enqueue_dma source(%dma_start3A_64 : memref<640x128xf32, #tpu.memory_space<vmem_shared>>) target(%dma_start3A_62 : memref<640x128xf32, #tpu.memory_space<hbm>>) target_semaphore(%run_scoped3A : memref<!tpu.dma_semaphore, #tpu.memory_space<semaphore_mem>>)
      %dma_wait3A = arith.constant 0 : i32
      %dma_wait3A_65 = tpu.memref_slice %arg5[%arg0, %mul3A_59, %dma_wait3A] : memref<2x10240x128xf32, #tpu.memory_space<hbm>> -> memref<1x640x128xf32, #tpu.memory_space<hbm>>
      %dma_wait3A_66 = tpu.memref_squeeze %dma_wait3A_65 : memref<1x640x128xf32, #tpu.memory_space<hbm>> -> memref<640x128xf32, #tpu.memory_space<hbm>>
      %dma_wait3A_67 = arith.constant 0 : i32
      %dma_wait3A_68 = tpu.memref_slice %arg12[%mul3A_57, %dma_wait3A_67] : memref<10240x128xf32, #tpu.memory_space<vmem_shared>> -> memref<640x128xf32, #tpu.memory_space<vmem_shared>>
      tpu.wait_dma2 semaphore(%run_scoped3A : memref<!tpu.dma_semaphore, #tpu.memory_space<semaphore_mem>>) src(%dma_wait3A_68 : memref<640x128xf32, #tpu.memory_space<vmem_shared>>) dst(%dma_wait3A_66 : memref<640x128xf32, #tpu.memory_space<hbm>>)
      tpu.yield
    }) : () -> ()
    return
  }
}

#map = affine_map<(d0, d1) -> (0, 0)>
#map1 = affine_map<(d0, d1) -> (0, 0, 0)>
module attributes {stable_mosaic.version = 14 : i64} {
  func.func @body(%arg0: i32, %arg1: i32, %arg2: memref<10240x128xf32, #tpu.memory_space<hbm>>, %arg3: memref<32x79x128xi32, #tpu.memory_space<hbm>>, %arg4: memref<32x79x128xi32, #tpu.memory_space<hbm>>, %arg5: memref<2x10240x128xf32, #tpu.memory_space<hbm>>, %arg6: memref<40x128xi32, #tpu.memory_space<vmem>>, %arg7: memref<40x128xi32, #tpu.memory_space<vmem>>, %arg8: memref<128x128xf32, #tpu.memory_space<vmem>>, %arg9: memref<128x128xf32, #tpu.memory_space<vmem>>, %arg10: memref<!tpu.dma_semaphore, #tpu.memory_space<semaphore_mem>>, %arg11: memref<!tpu.dma_semaphore, #tpu.memory_space<semaphore_mem>>, %arg12: memref<10240x128xf32, #tpu.memory_space<vmem_shared>>) attributes {dimension_semantics = [#tpu.dimension_semantics<core_parallel>, #tpu.dimension_semantics<subcore_parallel>], iteration_bounds = array<i64: 2, 16>, scalar_prefetch = 0 : i64, scratch_operands = 7 : i64, tpu.core_type = #tpu.core_type<sc_vector_subcore>, window_params = [{transform_indices = #map}, {transform_indices = #map1}, {transform_indices = #map1}, {transform_indices = #map1}]} {
    %broadcast_in_dim3A = arith.constant 0.000000e+00 : f32
    %broadcast_in_dim3A_0 = vector.broadcast %broadcast_in_dim3A : f32 to vector<16xf32>
    %mul3A = arith.constant 16 : i32
    %mul3A_1 = arith.muli %arg0, %mul3A : i32
    %add3A = arith.addi %mul3A_1, %arg1 : i32
    %scan3A = arith.constant 0 : i32
    %scan3A_2 = arith.constant 0 : i32
    %scan3A_3 = arith.constant 128 : i32
    %scan3A_4 = arith.addi %scan3A_2, %scan3A_3 : i32
    %scan3A_5 = arith.constant 1 : i32
    %scan3A_6 = scf.for %scan3A_60 = %scan3A_2 to %scan3A_4 step %scan3A_5 iter_args(%scan3A_61 = %scan3A) -> (i32)  : i32 {
      %swap3A = arith.index_cast %scan3A_60 : i32 to index
      %swap3A_62 = arith.constant 0 : index
      %swap3A_63 = tpu.vector_load %arg8[%swap3A, %swap3A_62] {strides = array<i32>} : memref<128x128xf32, #tpu.memory_space<vmem>>, vector<16xf32>,
      tpu.vector_store %arg8[%swap3A, %swap3A_62], %broadcast_in_dim3A_0 {strides = array<i32>} : memref<128x128xf32, #tpu.memory_space<vmem>>, vector<16xf32>,
      %swap3A_64 = arith.index_cast %scan3A_60 : i32 to index
      %swap3A_65 = arith.constant 16 : index
      %swap3A_66 = tpu.vector_load %arg8[%swap3A_64, %swap3A_65] {strides = array<i32>} : memref<128x128xf32, #tpu.memory_space<vmem>>, vector<16xf32>,
      tpu.vector_store %arg8[%swap3A_64, %swap3A_65], %broadcast_in_dim3A_0 {strides = array<i32>} : memref<128x128xf32, #tpu.memory_space<vmem>>, vector<16xf32>,
      %swap3A_67 = arith.index_cast %scan3A_60 : i32 to index
      %swap3A_68 = arith.constant 32 : index
      %swap3A_69 = tpu.vector_load %arg8[%swap3A_67, %swap3A_68] {strides = array<i32>} : memref<128x128xf32, #tpu.memory_space<vmem>>, vector<16xf32>,
      tpu.vector_store %arg8[%swap3A_67, %swap3A_68], %broadcast_in_dim3A_0 {strides = array<i32>} : memref<128x128xf32, #tpu.memory_space<vmem>>, vector<16xf32>,
      %swap3A_70 = arith.index_cast %scan3A_60 : i32 to index
      %swap3A_71 = arith.constant 48 : index
      %swap3A_72 = tpu.vector_load %arg8[%swap3A_70, %swap3A_71] {strides = array<i32>} : memref<128x128xf32, #tpu.memory_space<vmem>>, vector<16xf32>,
      tpu.vector_store %arg8[%swap3A_70, %swap3A_71], %broadcast_in_dim3A_0 {strides = array<i32>} : memref<128x128xf32, #tpu.memory_space<vmem>>, vector<16xf32>,
      %swap3A_73 = arith.index_cast %scan3A_60 : i32 to index
      %swap3A_74 = arith.constant 64 : index
      %swap3A_75 = tpu.vector_load %arg8[%swap3A_73, %swap3A_74] {strides = array<i32>} : memref<128x128xf32, #tpu.memory_space<vmem>>, vector<16xf32>,
      tpu.vector_store %arg8[%swap3A_73, %swap3A_74], %broadcast_in_dim3A_0 {strides = array<i32>} : memref<128x128xf32, #tpu.memory_space<vmem>>, vector<16xf32>,
      %swap3A_76 = arith.index_cast %scan3A_60 : i32 to index
      %swap3A_77 = arith.constant 80 : index
      %swap3A_78 = tpu.vector_load %arg8[%swap3A_76, %swap3A_77] {strides = array<i32>} : memref<128x128xf32, #tpu.memory_space<vmem>>, vector<16xf32>,
      tpu.vector_store %arg8[%swap3A_76, %swap3A_77], %broadcast_in_dim3A_0 {strides = array<i32>} : memref<128x128xf32, #tpu.memory_space<vmem>>, vector<16xf32>,
      %swap3A_79 = arith.index_cast %scan3A_60 : i32 to index
      %swap3A_80 = arith.constant 96 : index
      %swap3A_81 = tpu.vector_load %arg8[%swap3A_79, %swap3A_80] {strides = array<i32>} : memref<128x128xf32, #tpu.memory_space<vmem>>, vector<16xf32>,
      tpu.vector_store %arg8[%swap3A_79, %swap3A_80], %broadcast_in_dim3A_0 {strides = array<i32>} : memref<128x128xf32, #tpu.memory_space<vmem>>, vector<16xf32>,
      %swap3A_82 = arith.index_cast %scan3A_60 : i32 to index
      %swap3A_83 = arith.constant 112 : index
      %swap3A_84 = tpu.vector_load %arg8[%swap3A_82, %swap3A_83] {strides = array<i32>} : memref<128x128xf32, #tpu.memory_space<vmem>>, vector<16xf32>,
      tpu.vector_store %arg8[%swap3A_82, %swap3A_83], %broadcast_in_dim3A_0 {strides = array<i32>} : memref<128x128xf32, #tpu.memory_space<vmem>>, vector<16xf32>,
      %scan3A_85 = arith.constant 0 : i32
      scf.yield %scan3A_85 : i32
    }
    %scan3A_7 = arith.constant 128 : i32
    %mul3A_8 = arith.constant 640 : i32
    %mul3A_9 = arith.muli %arg1, %mul3A_8 : i32
    %add3A_10 = arith.constant 0 : i32
    %add3A_11 = arith.addi %mul3A_9, %add3A_10 : i32
    "tpu.region"() ({
      %run_scoped3A = tpu.sem_alloc : memref<!tpu.dma_semaphore, #tpu.memory_space<semaphore_mem>>
      %dma_start3A_60 = arith.constant 0 : i32
      %dma_start3A_61 = tpu.memref_slice %arg12[%add3A_11, %dma_start3A_60] : memref<10240x128xf32, #tpu.memory_space<vmem_shared>> -> memref<128x128xf32, #tpu.memory_space<vmem_shared>>
      %dma_start3A_62 = arith.constant 0 : i32
      %dma_start3A_63 = tpu.memref_slice %arg12[%add3A_11, %dma_start3A_62] : memref<10240x128xf32, #tpu.memory_space<vmem_shared>> -> memref<128x128xf32, #tpu.memory_space<vmem_shared>>
      tpu.enqueue_dma source(%arg8 : memref<128x128xf32, #tpu.memory_space<vmem>>) target(%dma_start3A_63 : memref<128x128xf32, #tpu.memory_space<vmem_shared>>) target_semaphore(%run_scoped3A : memref<!tpu.dma_semaphore, #tpu.memory_space<semaphore_mem>>)
      %dma_wait3A = arith.constant 0 : i32
      %dma_wait3A_64 = tpu.memref_slice %arg12[%add3A_11, %dma_wait3A] : memref<10240x128xf32, #tpu.memory_space<vmem_shared>> -> memref<128x128xf32, #tpu.memory_space<vmem_shared>>
      %dma_wait3A_65 = arith.constant 0 : i32
      %dma_wait3A_66 = tpu.memref_slice %arg12[%add3A_11, %dma_wait3A_65] : memref<10240x128xf32, #tpu.memory_space<vmem_shared>> -> memref<128x128xf32, #tpu.memory_space<vmem_shared>>
      tpu.wait_dma2 semaphore(%run_scoped3A : memref<!tpu.dma_semaphore, #tpu.memory_space<semaphore_mem>>) src(%arg8 : memref<128x128xf32, #tpu.memory_space<vmem>>) dst(%dma_wait3A_66 : memref<128x128xf32, #tpu.memory_space<vmem_shared>>)
      tpu.yield
    }) : () -> ()
    %mul3A_12 = arith.constant 640 : i32
    %mul3A_13 = arith.muli %arg1, %mul3A_12 : i32
    %add3A_14 = arith.constant 128 : i32
    %add3A_15 = arith.addi %mul3A_13, %add3A_14 : i32
    "tpu.region"() ({
      %run_scoped3A = tpu.sem_alloc : memref<!tpu.dma_semaphore, #tpu.memory_space<semaphore_mem>>
      %dma_start3A_60 = arith.constant 0 : i32
      %dma_start3A_61 = tpu.memref_slice %arg12[%add3A_15, %dma_start3A_60] : memref<10240x128xf32, #tpu.memory_space<vmem_shared>> -> memref<128x128xf32, #tpu.memory_space<vmem_shared>>
      %dma_start3A_62 = arith.constant 0 : i32
      %dma_start3A_63 = tpu.memref_slice %arg12[%add3A_15, %dma_start3A_62] : memref<10240x128xf32, #tpu.memory_space<vmem_shared>> -> memref<128x128xf32, #tpu.memory_space<vmem_shared>>
      tpu.enqueue_dma source(%arg8 : memref<128x128xf32, #tpu.memory_space<vmem>>) target(%dma_start3A_63 : memref<128x128xf32, #tpu.memory_space<vmem_shared>>) target_semaphore(%run_scoped3A : memref<!tpu.dma_semaphore, #tpu.memory_space<semaphore_mem>>)
      %dma_wait3A = arith.constant 0 : i32
      %dma_wait3A_64 = tpu.memref_slice %arg12[%add3A_15, %dma_wait3A] : memref<10240x128xf32, #tpu.memory_space<vmem_shared>> -> memref<128x128xf32, #tpu.memory_space<vmem_shared>>
      %dma_wait3A_65 = arith.constant 0 : i32
      %dma_wait3A_66 = tpu.memref_slice %arg12[%add3A_15, %dma_wait3A_65] : memref<10240x128xf32, #tpu.memory_space<vmem_shared>> -> memref<128x128xf32, #tpu.memory_space<vmem_shared>>
      tpu.wait_dma2 semaphore(%run_scoped3A : memref<!tpu.dma_semaphore, #tpu.memory_space<semaphore_mem>>) src(%arg8 : memref<128x128xf32, #tpu.memory_space<vmem>>) dst(%dma_wait3A_66 : memref<128x128xf32, #tpu.memory_space<vmem_shared>>)
      tpu.yield
    }) : () -> ()
    %mul3A_16 = arith.constant 640 : i32
    %mul3A_17 = arith.muli %arg1, %mul3A_16 : i32
    %add3A_18 = arith.constant 256 : i32
    %add3A_19 = arith.addi %mul3A_17, %add3A_18 : i32
    "tpu.region"() ({
      %run_scoped3A = tpu.sem_alloc : memref<!tpu.dma_semaphore, #tpu.memory_space<semaphore_mem>>
      %dma_start3A_60 = arith.constant 0 : i32
      %dma_start3A_61 = tpu.memref_slice %arg12[%add3A_19, %dma_start3A_60] : memref<10240x128xf32, #tpu.memory_space<vmem_shared>> -> memref<128x128xf32, #tpu.memory_space<vmem_shared>>
      %dma_start3A_62 = arith.constant 0 : i32
      %dma_start3A_63 = tpu.memref_slice %arg12[%add3A_19, %dma_start3A_62] : memref<10240x128xf32, #tpu.memory_space<vmem_shared>> -> memref<128x128xf32, #tpu.memory_space<vmem_shared>>
      tpu.enqueue_dma source(%arg8 : memref<128x128xf32, #tpu.memory_space<vmem>>) target(%dma_start3A_63 : memref<128x128xf32, #tpu.memory_space<vmem_shared>>) target_semaphore(%run_scoped3A : memref<!tpu.dma_semaphore, #tpu.memory_space<semaphore_mem>>)
      %dma_wait3A = arith.constant 0 : i32
      %dma_wait3A_64 = tpu.memref_slice %arg12[%add3A_19, %dma_wait3A] : memref<10240x128xf32, #tpu.memory_space<vmem_shared>> -> memref<128x128xf32, #tpu.memory_space<vmem_shared>>
      %dma_wait3A_65 = arith.constant 0 : i32
      %dma_wait3A_66 = tpu.memref_slice %arg12[%add3A_19, %dma_wait3A_65] : memref<10240x128xf32, #tpu.memory_space<vmem_shared>> -> memref<128x128xf32, #tpu.memory_space<vmem_shared>>
      tpu.wait_dma2 semaphore(%run_scoped3A : memref<!tpu.dma_semaphore, #tpu.memory_space<semaphore_mem>>) src(%arg8 : memref<128x128xf32, #tpu.memory_space<vmem>>) dst(%dma_wait3A_66 : memref<128x128xf32, #tpu.memory_space<vmem_shared>>)
      tpu.yield
    }) : () -> ()
    %mul3A_20 = arith.constant 640 : i32
    %mul3A_21 = arith.muli %arg1, %mul3A_20 : i32
    %add3A_22 = arith.constant 384 : i32
    %add3A_23 = arith.addi %mul3A_21, %add3A_22 : i32
    "tpu.region"() ({
      %run_scoped3A = tpu.sem_alloc : memref<!tpu.dma_semaphore, #tpu.memory_space<semaphore_mem>>
      %dma_start3A_60 = arith.constant 0 : i32
      %dma_start3A_61 = tpu.memref_slice %arg12[%add3A_23, %dma_start3A_60] : memref<10240x128xf32, #tpu.memory_space<vmem_shared>> -> memref<128x128xf32, #tpu.memory_space<vmem_shared>>
      %dma_start3A_62 = arith.constant 0 : i32
      %dma_start3A_63 = tpu.memref_slice %arg12[%add3A_23, %dma_start3A_62] : memref<10240x128xf32, #tpu.memory_space<vmem_shared>> -> memref<128x128xf32, #tpu.memory_space<vmem_shared>>
      tpu.enqueue_dma source(%arg8 : memref<128x128xf32, #tpu.memory_space<vmem>>) target(%dma_start3A_63 : memref<128x128xf32, #tpu.memory_space<vmem_shared>>) target_semaphore(%run_scoped3A : memref<!tpu.dma_semaphore, #tpu.memory_space<semaphore_mem>>)
      %dma_wait3A = arith.constant 0 : i32
      %dma_wait3A_64 = tpu.memref_slice %arg12[%add3A_23, %dma_wait3A] : memref<10240x128xf32, #tpu.memory_space<vmem_shared>> -> memref<128x128xf32, #tpu.memory_space<vmem_shared>>
      %dma_wait3A_65 = arith.constant 0 : i32
      %dma_wait3A_66 = tpu.memref_slice %arg12[%add3A_23, %dma_wait3A_65] : memref<10240x128xf32, #tpu.memory_space<vmem_shared>> -> memref<128x128xf32, #tpu.memory_space<vmem_shared>>
      tpu.wait_dma2 semaphore(%run_scoped3A : memref<!tpu.dma_semaphore, #tpu.memory_space<semaphore_mem>>) src(%arg8 : memref<128x128xf32, #tpu.memory_space<vmem>>) dst(%dma_wait3A_66 : memref<128x128xf32, #tpu.memory_space<vmem_shared>>)
      tpu.yield
    }) : () -> ()
    %mul3A_24 = arith.constant 640 : i32
    %mul3A_25 = arith.muli %arg1, %mul3A_24 : i32
    %add3A_26 = arith.constant 512 : i32
    %add3A_27 = arith.addi %mul3A_25, %add3A_26 : i32
    "tpu.region"() ({
      %run_scoped3A = tpu.sem_alloc : memref<!tpu.dma_semaphore, #tpu.memory_space<semaphore_mem>>
      %dma_start3A_60 = arith.constant 0 : i32
      %dma_start3A_61 = tpu.memref_slice %arg12[%add3A_27, %dma_start3A_60] : memref<10240x128xf32, #tpu.memory_space<vmem_shared>> -> memref<128x128xf32, #tpu.memory_space<vmem_shared>>
      %dma_start3A_62 = arith.constant 0 : i32
      %dma_start3A_63 = tpu.memref_slice %arg12[%add3A_27, %dma_start3A_62] : memref<10240x128xf32, #tpu.memory_space<vmem_shared>> -> memref<128x128xf32, #tpu.memory_space<vmem_shared>>
      tpu.enqueue_dma source(%arg8 : memref<128x128xf32, #tpu.memory_space<vmem>>) target(%dma_start3A_63 : memref<128x128xf32, #tpu.memory_space<vmem_shared>>) target_semaphore(%run_scoped3A : memref<!tpu.dma_semaphore, #tpu.memory_space<semaphore_mem>>)
      %dma_wait3A = arith.constant 0 : i32
      %dma_wait3A_64 = tpu.memref_slice %arg12[%add3A_27, %dma_wait3A] : memref<10240x128xf32, #tpu.memory_space<vmem_shared>> -> memref<128x128xf32, #tpu.memory_space<vmem_shared>>
      %dma_wait3A_65 = arith.constant 0 : i32
      %dma_wait3A_66 = tpu.memref_slice %arg12[%add3A_27, %dma_wait3A_65] : memref<10240x128xf32, #tpu.memory_space<vmem_shared>> -> memref<128x128xf32, #tpu.memory_space<vmem_shared>>
      tpu.wait_dma2 semaphore(%run_scoped3A : memref<!tpu.dma_semaphore, #tpu.memory_space<semaphore_mem>>) src(%arg8 : memref<128x128xf32, #tpu.memory_space<vmem>>) dst(%dma_wait3A_66 : memref<128x128xf32, #tpu.memory_space<vmem_shared>>)
      tpu.yield
    }) : () -> ()
    %barrier3A = arith.constant 0 : index
    tpu.barrier barrier_id(%barrier3A)
    "tpu.region"() ({
      %run_scoped3A = tpu.sem_alloc : memref<!tpu.dma_semaphore, #tpu.memory_space<semaphore_mem>>
      %dma_start3A_60 = arith.constant 0 : i32
      %dma_start3A_61 = arith.constant 0 : i32
      %dma_start3A_62 = tpu.memref_slice %arg6[%dma_start3A_60, %dma_start3A_61] : memref<40x128xi32, #tpu.memory_space<vmem>> -> memref<40x128xi32, #tpu.memory_space<vmem>>
      %dma_start3A_63 = arith.constant 0 : i32
      %dma_start3A_64 = arith.constant 0 : i32
      %dma_start3A_65 = tpu.memref_slice %arg3[%add3A, %dma_start3A_63, %dma_start3A_64] : memref<32x79x128xi32, #tpu.memory_space<hbm>> -> memref<1x40x128xi32, #tpu.memory_space<hbm>>
      %dma_start3A_66 = tpu.memref_squeeze %dma_start3A_65 : memref<1x40x128xi32, #tpu.memory_space<hbm>> -> memref<40x128xi32, #tpu.memory_space<hbm>>
      %dma_start3A_67 = arith.constant 0 : i32
      %dma_start3A_68 = arith.constant 0 : i32
      %dma_start3A_69 = tpu.memref_slice %arg6[%dma_start3A_67, %dma_start3A_68] : memref<40x128xi32, #tpu.memory_space<vmem>> -> memref<40x128xi32, #tpu.memory_space<vmem>>
      %dma_start3A_70 = arith.constant 0 : i32
      %dma_start3A_71 = arith.constant 0 : i32
      %dma_start3A_72 = tpu.memref_slice %arg3[%add3A, %dma_start3A_70, %dma_start3A_71] : memref<32x79x128xi32, #tpu.memory_space<hbm>> -> memref<1x40x128xi32, #tpu.memory_space<hbm>>
      %dma_start3A_73 = tpu.memref_squeeze %dma_start3A_72 : memref<1x40x128xi32, #tpu.memory_space<hbm>> -> memref<40x128xi32, #tpu.memory_space<hbm>>
      tpu.enqueue_dma source(%dma_start3A_73 : memref<40x128xi32, #tpu.memory_space<hbm>>) target(%dma_start3A_69 : memref<40x128xi32, #tpu.memory_space<vmem>>) target_semaphore(%run_scoped3A : memref<!tpu.dma_semaphore, #tpu.memory_space<semaphore_mem>>)
      %dma_wait3A = arith.constant 0 : i32
      %dma_wait3A_74 = arith.constant 0 : i32
      %dma_wait3A_75 = tpu.memref_slice %arg6[%dma_wait3A, %dma_wait3A_74] : memref<40x128xi32, #tpu.memory_space<vmem>> -> memref<40x128xi32, #tpu.memory_space<vmem>>
      %dma_wait3A_76 = arith.constant 0 : i32
      %dma_wait3A_77 = arith.constant 0 : i32
      %dma_wait3A_78 = tpu.memref_slice %arg3[%add3A, %dma_wait3A_76, %dma_wait3A_77] : memref<32x79x128xi32, #tpu.memory_space<hbm>> -> memref<1x40x128xi32, #tpu.memory_space<hbm>>
      %dma_wait3A_79 = tpu.memref_squeeze %dma_wait3A_78 : memref<1x40x128xi32, #tpu.memory_space<hbm>> -> memref<40x128xi32, #tpu.memory_space<hbm>>
      %dma_wait3A_80 = arith.constant 0 : i32
      %dma_wait3A_81 = arith.constant 0 : i32
      %dma_wait3A_82 = tpu.memref_slice %arg6[%dma_wait3A_80, %dma_wait3A_81] : memref<40x128xi32, #tpu.memory_space<vmem>> -> memref<40x128xi32, #tpu.memory_space<vmem>>
      %dma_wait3A_83 = arith.constant 0 : i32
      %dma_wait3A_84 = arith.constant 0 : i32
      %dma_wait3A_85 = tpu.memref_slice %arg3[%add3A, %dma_wait3A_83, %dma_wait3A_84] : memref<32x79x128xi32, #tpu.memory_space<hbm>> -> memref<1x40x128xi32, #tpu.memory_space<hbm>>
      %dma_wait3A_86 = tpu.memref_squeeze %dma_wait3A_85 : memref<1x40x128xi32, #tpu.memory_space<hbm>> -> memref<40x128xi32, #tpu.memory_space<hbm>>
      tpu.wait_dma2 semaphore(%run_scoped3A : memref<!tpu.dma_semaphore, #tpu.memory_space<semaphore_mem>>) src(%dma_wait3A_86 : memref<40x128xi32, #tpu.memory_space<hbm>>) dst(%dma_wait3A_82 : memref<40x128xi32, #tpu.memory_space<vmem>>)
      tpu.yield
    }) : () -> ()
    "tpu.region"() ({
      %run_scoped3A = tpu.sem_alloc : memref<!tpu.dma_semaphore, #tpu.memory_space<semaphore_mem>>
      %dma_start3A_60 = arith.constant 0 : i32
      %dma_start3A_61 = arith.constant 0 : i32
      %dma_start3A_62 = tpu.memref_slice %arg7[%dma_start3A_60, %dma_start3A_61] : memref<40x128xi32, #tpu.memory_space<vmem>> -> memref<40x128xi32, #tpu.memory_space<vmem>>
      %dma_start3A_63 = arith.constant 0 : i32
      %dma_start3A_64 = arith.constant 0 : i32
      %dma_start3A_65 = tpu.memref_slice %arg4[%add3A, %dma_start3A_63, %dma_start3A_64] : memref<32x79x128xi32, #tpu.memory_space<hbm>> -> memref<1x40x128xi32, #tpu.memory_space<hbm>>
      %dma_start3A_66 = tpu.memref_squeeze %dma_start3A_65 : memref<1x40x128xi32, #tpu.memory_space<hbm>> -> memref<40x128xi32, #tpu.memory_space<hbm>>
      %dma_start3A_67 = arith.constant 0 : i32
      %dma_start3A_68 = arith.constant 0 : i32
      %dma_start3A_69 = tpu.memref_slice %arg7[%dma_start3A_67, %dma_start3A_68] : memref<40x128xi32, #tpu.memory_space<vmem>> -> memref<40x128xi32, #tpu.memory_space<vmem>>
      %dma_start3A_70 = arith.constant 0 : i32
      %dma_start3A_71 = arith.constant 0 : i32
      %dma_start3A_72 = tpu.memref_slice %arg4[%add3A, %dma_start3A_70, %dma_start3A_71] : memref<32x79x128xi32, #tpu.memory_space<hbm>> -> memref<1x40x128xi32, #tpu.memory_space<hbm>>
      %dma_start3A_73 = tpu.memref_squeeze %dma_start3A_72 : memref<1x40x128xi32, #tpu.memory_space<hbm>> -> memref<40x128xi32, #tpu.memory_space<hbm>>
      tpu.enqueue_dma source(%dma_start3A_73 : memref<40x128xi32, #tpu.memory_space<hbm>>) target(%dma_start3A_69 : memref<40x128xi32, #tpu.memory_space<vmem>>) target_semaphore(%run_scoped3A : memref<!tpu.dma_semaphore, #tpu.memory_space<semaphore_mem>>)
      %dma_wait3A = arith.constant 0 : i32
      %dma_wait3A_74 = arith.constant 0 : i32
      %dma_wait3A_75 = tpu.memref_slice %arg7[%dma_wait3A, %dma_wait3A_74] : memref<40x128xi32, #tpu.memory_space<vmem>> -> memref<40x128xi32, #tpu.memory_space<vmem>>
      %dma_wait3A_76 = arith.constant 0 : i32
      %dma_wait3A_77 = arith.constant 0 : i32
      %dma_wait3A_78 = tpu.memref_slice %arg4[%add3A, %dma_wait3A_76, %dma_wait3A_77] : memref<32x79x128xi32, #tpu.memory_space<hbm>> -> memref<1x40x128xi32, #tpu.memory_space<hbm>>
      %dma_wait3A_79 = tpu.memref_squeeze %dma_wait3A_78 : memref<1x40x128xi32, #tpu.memory_space<hbm>> -> memref<40x128xi32, #tpu.memory_space<hbm>>
      %dma_wait3A_80 = arith.constant 0 : i32
      %dma_wait3A_81 = arith.constant 0 : i32
      %dma_wait3A_82 = tpu.memref_slice %arg7[%dma_wait3A_80, %dma_wait3A_81] : memref<40x128xi32, #tpu.memory_space<vmem>> -> memref<40x128xi32, #tpu.memory_space<vmem>>
      %dma_wait3A_83 = arith.constant 0 : i32
      %dma_wait3A_84 = arith.constant 0 : i32
      %dma_wait3A_85 = tpu.memref_slice %arg4[%add3A, %dma_wait3A_83, %dma_wait3A_84] : memref<32x79x128xi32, #tpu.memory_space<hbm>> -> memref<1x40x128xi32, #tpu.memory_space<hbm>>
      %dma_wait3A_86 = tpu.memref_squeeze %dma_wait3A_85 : memref<1x40x128xi32, #tpu.memory_space<hbm>> -> memref<40x128xi32, #tpu.memory_space<hbm>>
      tpu.wait_dma2 semaphore(%run_scoped3A : memref<!tpu.dma_semaphore, #tpu.memory_space<semaphore_mem>>) src(%dma_wait3A_86 : memref<40x128xi32, #tpu.memory_space<hbm>>) dst(%dma_wait3A_82 : memref<40x128xi32, #tpu.memory_space<vmem>>)
      tpu.yield
    }) : () -> ()
    %dma_start3A = arith.constant 0 : i32
    %dma_start3A_28 = arith.constant 0 : i32
    %dma_start3A_29 = tpu.memref_slice %arg6[%dma_start3A, %dma_start3A_28] : memref<40x128xi32, #tpu.memory_space<vmem>> -> memref<1x128xi32, #tpu.memory_space<vmem>>
    %dma_start3A_30 = tpu.memref_squeeze %dma_start3A_29 : memref<1x128xi32, #tpu.memory_space<vmem>> -> memref<128xi32, #tpu.memory_space<vmem>>
    %dma_start3A_31 = arith.constant 0 : i32
    %dma_start3A_32 = arith.constant 0 : i32
    %dma_start3A_33 = tpu.memref_slice %arg2[%dma_start3A_31, %dma_start3A_32] : memref<10240x128xf32, #tpu.memory_space<hbm>> -> memref<10240x128xf32, #tpu.memory_space<hbm>>
    tpu.enqueue_indirect_dma source(%dma_start3A_33 : memref<10240x128xf32, #tpu.memory_space<hbm>>) target(%arg8 : memref<128x128xf32, #tpu.memory_space<vmem>>) offsets(%dma_start3A_30 : memref<128xi32, #tpu.memory_space<vmem>>) semaphore(%arg10 : memref<!tpu.dma_semaphore, #tpu.memory_space<semaphore_mem>>)
    %scan3A_34 = arith.constant 0 : i32
    %scan3A_35 = arith.constant 0 : i32
    %scan3A_36 = arith.constant 20 : i32
    %scan3A_37 = arith.addi %scan3A_35, %scan3A_36 : i32
    %scan3A_38 = arith.constant 1 : i32
    %scan3A_39 = scf.for %scan3A_60 = %scan3A_35 to %scan3A_37 step %scan3A_38 iter_args(%scan3A_61 = %scan3A_34) -> (i32)  : i32 {
      %mul3A_62 = arith.constant 2 : i32
      %mul3A_63 = arith.muli %mul3A_62, %scan3A_60 : i32
      %add3A_64 = arith.constant 1 : i32
      %add3A_65 = arith.addi %mul3A_63, %add3A_64 : i32
      %lt3A = arith.constant 40 : i32
      %lt3A_66 = arith.cmpi slt, %add3A_65, %lt3A : i32
      %convert_element_type3A = arith.extui %lt3A_66 : i1 to i32
      %cond3A = arith.constant 0 : i32
      %cond3A_67 = arith.cmpi ne, %convert_element_type3A, %cond3A : i32
      scf.if %cond3A_67 {
        %dma_start3A_86 = arith.constant 0 : i32
        %dma_start3A_87 = tpu.memref_slice %arg6[%add3A_65, %dma_start3A_86] : memref<40x128xi32, #tpu.memory_space<vmem>> -> memref<1x128xi32, #tpu.memory_space<vmem>>
        %dma_start3A_88 = tpu.memref_squeeze %dma_start3A_87 : memref<1x128xi32, #tpu.memory_space<vmem>> -> memref<128xi32, #tpu.memory_space<vmem>>
        %dma_start3A_89 = arith.constant 0 : i32
        %dma_start3A_90 = arith.constant 0 : i32
        %dma_start3A_91 = tpu.memref_slice %arg2[%dma_start3A_89, %dma_start3A_90] : memref<10240x128xf32, #tpu.memory_space<hbm>> -> memref<10240x128xf32, #tpu.memory_space<hbm>>
        tpu.enqueue_indirect_dma source(%dma_start3A_91 : memref<10240x128xf32, #tpu.memory_space<hbm>>) target(%arg9 : memref<128x128xf32, #tpu.memory_space<vmem>>) offsets(%dma_start3A_88 : memref<128xi32, #tpu.memory_space<vmem>>) semaphore(%arg11 : memref<!tpu.dma_semaphore, #tpu.memory_space<semaphore_mem>>)
      } else {
      }
      %dma_wait3A = arith.constant 0 : i32
      %dma_wait3A_68 = tpu.memref_slice %arg6[%mul3A_63, %dma_wait3A] : memref<40x128xi32, #tpu.memory_space<vmem>> -> memref<1x128xi32, #tpu.memory_space<vmem>>
      %dma_wait3A_69 = tpu.memref_squeeze %dma_wait3A_68 : memref<1x128xi32, #tpu.memory_space<vmem>> -> memref<128xi32, #tpu.memory_space<vmem>>
      %dma_wait3A_70 = arith.constant 0 : i32
      %dma_wait3A_71 = arith.constant 0 : i32
      %dma_wait3A_72 = tpu.memref_slice %arg2[%dma_wait3A_70, %dma_wait3A_71] : memref<10240x128xf32, #tpu.memory_space<hbm>> -> memref<10240x128xf32, #tpu.memory_space<hbm>>
      tpu.wait_indirect_dma semaphore(%arg10 : memref<!tpu.dma_semaphore, #tpu.memory_space<semaphore_mem>>) src(%dma_wait3A_72 : memref<10240x128xf32, #tpu.memory_space<hbm>>) dst(%arg8 : memref<128x128xf32, #tpu.memory_space<vmem>>)
      "tpu.region"() ({
        %run_scoped3A = tpu.sem_alloc : memref<!tpu.dma_semaphore, #tpu.memory_space<semaphore_mem>>
        %dma_start3A_86 = arith.constant 0 : i32
        %dma_start3A_87 = tpu.memref_slice %arg7[%mul3A_63, %dma_start3A_86] : memref<40x128xi32, #tpu.memory_space<vmem>> -> memref<1x128xi32, #tpu.memory_space<vmem>>
        %dma_start3A_88 = tpu.memref_squeeze %dma_start3A_87 : memref<1x128xi32, #tpu.memory_space<vmem>> -> memref<128xi32, #tpu.memory_space<vmem>>
        %dma_start3A_89 = arith.constant 0 : i32
        %dma_start3A_90 = arith.constant 0 : i32
        %dma_start3A_91 = tpu.memref_slice %arg12[%dma_start3A_89, %dma_start3A_90] : memref<10240x128xf32, #tpu.memory_space<vmem_shared>> -> memref<10240x128xf32, #tpu.memory_space<vmem_shared>>
        tpu.enqueue_indirect_dma source(%arg8 : memref<128x128xf32, #tpu.memory_space<vmem>>) target(%dma_start3A_91 : memref<10240x128xf32, #tpu.memory_space<vmem_shared>>) offsets(%dma_start3A_88 : memref<128xi32, #tpu.memory_space<vmem>>) semaphore(%run_scoped3A : memref<!tpu.dma_semaphore, #tpu.memory_space<semaphore_mem>>) {add = true}
        %dma_wait3A_92 = arith.constant 0 : i32
        %dma_wait3A_93 = tpu.memref_slice %arg7[%mul3A_63, %dma_wait3A_92] : memref<40x128xi32, #tpu.memory_space<vmem>> -> memref<1x128xi32, #tpu.memory_space<vmem>>
        %dma_wait3A_94 = tpu.memref_squeeze %dma_wait3A_93 : memref<1x128xi32, #tpu.memory_space<vmem>> -> memref<128xi32, #tpu.memory_space<vmem>>
        %dma_wait3A_95 = arith.constant 0 : i32
        %dma_wait3A_96 = arith.constant 0 : i32
        %dma_wait3A_97 = tpu.memref_slice %arg12[%dma_wait3A_95, %dma_wait3A_96] : memref<10240x128xf32, #tpu.memory_space<vmem_shared>> -> memref<10240x128xf32, #tpu.memory_space<vmem_shared>>
        tpu.wait_indirect_dma semaphore(%run_scoped3A : memref<!tpu.dma_semaphore, #tpu.memory_space<semaphore_mem>>) src(%arg8 : memref<128x128xf32, #tpu.memory_space<vmem>>) dst(%dma_wait3A_97 : memref<10240x128xf32, #tpu.memory_space<vmem_shared>>)
        tpu.yield
      }) : () -> ()
      %add3A_73 = arith.constant 1 : i32
      %add3A_74 = arith.addi %add3A_65, %add3A_73 : i32
      %lt3A_75 = arith.constant 40 : i32
      %lt3A_76 = arith.cmpi slt, %add3A_74, %lt3A_75 : i32
      %convert_element_type3A_77 = arith.extui %lt3A_76 : i1 to i32
      %cond3A_78 = arith.constant 0 : i32
      %cond3A_79 = arith.cmpi ne, %convert_element_type3A_77, %cond3A_78 : i32
      scf.if %cond3A_79 {
        %add3A_86 = arith.constant 1 : i32
        %add3A_87 = arith.addi %add3A_65, %add3A_86 : i32
        %dma_start3A_88 = arith.constant 0 : i32
        %dma_start3A_89 = tpu.memref_slice %arg6[%add3A_87, %dma_start3A_88] : memref<40x128xi32, #tpu.memory_space<vmem>> -> memref<1x128xi32, #tpu.memory_space<vmem>>
        %dma_start3A_90 = tpu.memref_squeeze %dma_start3A_89 : memref<1x128xi32, #tpu.memory_space<vmem>> -> memref<128xi32, #tpu.memory_space<vmem>>
        %dma_start3A_91 = arith.constant 0 : i32
        %dma_start3A_92 = arith.constant 0 : i32
        %dma_start3A_93 = tpu.memref_slice %arg2[%dma_start3A_91, %dma_start3A_92] : memref<10240x128xf32, #tpu.memory_space<hbm>> -> memref<10240x128xf32, #tpu.memory_space<hbm>>
        tpu.enqueue_indirect_dma source(%dma_start3A_93 : memref<10240x128xf32, #tpu.memory_space<hbm>>) target(%arg8 : memref<128x128xf32, #tpu.memory_space<vmem>>) offsets(%dma_start3A_90 : memref<128xi32, #tpu.memory_space<vmem>>) semaphore(%arg10 : memref<!tpu.dma_semaphore, #tpu.memory_space<semaphore_mem>>)
      } else {
      }
      %lt3A_80 = arith.constant 40 : i32
      %lt3A_81 = arith.cmpi slt, %add3A_65, %lt3A_80 : i32
      %convert_element_type3A_82 = arith.extui %lt3A_81 : i1 to i32
      %cond3A_83 = arith.constant 0 : i32
      %cond3A_84 = arith.cmpi ne, %convert_element_type3A_82, %cond3A_83 : i32
      scf.if %cond3A_84 {
        %dma_wait3A_86 = arith.constant 0 : i32
        %dma_wait3A_87 = tpu.memref_slice %arg6[%add3A_65, %dma_wait3A_86] : memref<40x128xi32, #tpu.memory_space<vmem>> -> memref<1x128xi32, #tpu.memory_space<vmem>>
        %dma_wait3A_88 = tpu.memref_squeeze %dma_wait3A_87 : memref<1x128xi32, #tpu.memory_space<vmem>> -> memref<128xi32, #tpu.memory_space<vmem>>
        %dma_wait3A_89 = arith.constant 0 : i32
        %dma_wait3A_90 = arith.constant 0 : i32
        %dma_wait3A_91 = tpu.memref_slice %arg2[%dma_wait3A_89, %dma_wait3A_90] : memref<10240x128xf32, #tpu.memory_space<hbm>> -> memref<10240x128xf32, #tpu.memory_space<hbm>>
        tpu.wait_indirect_dma semaphore(%arg11 : memref<!tpu.dma_semaphore, #tpu.memory_space<semaphore_mem>>) src(%dma_wait3A_91 : memref<10240x128xf32, #tpu.memory_space<hbm>>) dst(%arg9 : memref<128x128xf32, #tpu.memory_space<vmem>>)
        "tpu.region"() ({
          %run_scoped3A = tpu.sem_alloc : memref<!tpu.dma_semaphore, #tpu.memory_space<semaphore_mem>>
          %dma_start3A_92 = arith.constant 0 : i32
          %dma_start3A_93 = tpu.memref_slice %arg7[%add3A_65, %dma_start3A_92] : memref<40x128xi32, #tpu.memory_space<vmem>> -> memref<1x128xi32, #tpu.memory_space<vmem>>
          %dma_start3A_94 = tpu.memref_squeeze %dma_start3A_93 : memref<1x128xi32, #tpu.memory_space<vmem>> -> memref<128xi32, #tpu.memory_space<vmem>>
          %dma_start3A_95 = arith.constant 0 : i32
          %dma_start3A_96 = arith.constant 0 : i32
          %dma_start3A_97 = tpu.memref_slice %arg12[%dma_start3A_95, %dma_start3A_96] : memref<10240x128xf32, #tpu.memory_space<vmem_shared>> -> memref<10240x128xf32, #tpu.memory_space<vmem_shared>>
          tpu.enqueue_indirect_dma source(%arg9 : memref<128x128xf32, #tpu.memory_space<vmem>>) target(%dma_start3A_97 : memref<10240x128xf32, #tpu.memory_space<vmem_shared>>) offsets(%dma_start3A_94 : memref<128xi32, #tpu.memory_space<vmem>>) semaphore(%run_scoped3A : memref<!tpu.dma_semaphore, #tpu.memory_space<semaphore_mem>>) {add = true}
          %dma_wait3A_98 = arith.constant 0 : i32
          %dma_wait3A_99 = tpu.memref_slice %arg7[%add3A_65, %dma_wait3A_98] : memref<40x128xi32, #tpu.memory_space<vmem>> -> memref<1x128xi32, #tpu.memory_space<vmem>>
          %dma_wait3A_100 = tpu.memref_squeeze %dma_wait3A_99 : memref<1x128xi32, #tpu.memory_space<vmem>> -> memref<128xi32, #tpu.memory_space<vmem>>
          %dma_wait3A_101 = arith.constant 0 : i32
          %dma_wait3A_102 = arith.constant 0 : i32
          %dma_wait3A_103 = tpu.memref_slice %arg12[%dma_wait3A_101, %dma_wait3A_102] : memref<10240x128xf32, #tpu.memory_space<vmem_shared>> -> memref<10240x128xf32, #tpu.memory_space<vmem_shared>>
          tpu.wait_indirect_dma semaphore(%run_scoped3A : memref<!tpu.dma_semaphore, #tpu.memory_space<semaphore_mem>>) src(%arg9 : memref<128x128xf32, #tpu.memory_space<vmem>>) dst(%dma_wait3A_103 : memref<10240x128xf32, #tpu.memory_space<vmem_shared>>)
          tpu.yield
        }) : () -> ()
      } else {
      }
      %scan3A_85 = arith.constant 0 : i32
      scf.yield %scan3A_85 : i32
    }
    %scan3A_40 = arith.constant 20 : i32
    "tpu.region"() ({
      %run_scoped3A = tpu.sem_alloc : memref<!tpu.dma_semaphore, #tpu.memory_space<semaphore_mem>>
      %dma_start3A_60 = arith.constant 0 : i32
      %dma_start3A_61 = arith.constant 0 : i32
      %dma_start3A_62 = tpu.memref_slice %arg6[%dma_start3A_60, %dma_start3A_61] : memref<40x128xi32, #tpu.memory_space<vmem>> -> memref<39x128xi32, #tpu.memory_space<vmem>>
      %dma_start3A_63 = arith.constant 40 : i32
      %dma_start3A_64 = arith.constant 0 : i32
      %dma_start3A_65 = tpu.memref_slice %arg3[%add3A, %dma_start3A_63, %dma_start3A_64] : memref<32x79x128xi32, #tpu.memory_space<hbm>> -> memref<1x39x128xi32, #tpu.memory_space<hbm>>
      %dma_start3A_66 = tpu.memref_squeeze %dma_start3A_65 : memref<1x39x128xi32, #tpu.memory_space<hbm>> -> memref<39x128xi32, #tpu.memory_space<hbm>>
      %dma_start3A_67 = arith.constant 0 : i32
      %dma_start3A_68 = arith.constant 0 : i32
      %dma_start3A_69 = tpu.memref_slice %arg6[%dma_start3A_67, %dma_start3A_68] : memref<40x128xi32, #tpu.memory_space<vmem>> -> memref<39x128xi32, #tpu.memory_space<vmem>>
      %dma_start3A_70 = arith.constant 40 : i32
      %dma_start3A_71 = arith.constant 0 : i32
      %dma_start3A_72 = tpu.memref_slice %arg3[%add3A, %dma_start3A_70, %dma_start3A_71] : memref<32x79x128xi32, #tpu.memory_space<hbm>> -> memref<1x39x128xi32, #tpu.memory_space<hbm>>
      %dma_start3A_73 = tpu.memref_squeeze %dma_start3A_72 : memref<1x39x128xi32, #tpu.memory_space<hbm>> -> memref<39x128xi32, #tpu.memory_space<hbm>>
      tpu.enqueue_dma source(%dma_start3A_73 : memref<39x128xi32, #tpu.memory_space<hbm>>) target(%dma_start3A_69 : memref<39x128xi32, #tpu.memory_space<vmem>>) target_semaphore(%run_scoped3A : memref<!tpu.dma_semaphore, #tpu.memory_space<semaphore_mem>>)
      %dma_wait3A = arith.constant 0 : i32
      %dma_wait3A_74 = arith.constant 0 : i32
      %dma_wait3A_75 = tpu.memref_slice %arg6[%dma_wait3A, %dma_wait3A_74] : memref<40x128xi32, #tpu.memory_space<vmem>> -> memref<39x128xi32, #tpu.memory_space<vmem>>
      %dma_wait3A_76 = arith.constant 40 : i32
      %dma_wait3A_77 = arith.constant 0 : i32
      %dma_wait3A_78 = tpu.memref_slice %arg3[%add3A, %dma_wait3A_76, %dma_wait3A_77] : memref<32x79x128xi32, #tpu.memory_space<hbm>> -> memref<1x39x128xi32, #tpu.memory_space<hbm>>
      %dma_wait3A_79 = tpu.memref_squeeze %dma_wait3A_78 : memref<1x39x128xi32, #tpu.memory_space<hbm>> -> memref<39x128xi32, #tpu.memory_space<hbm>>
      %dma_wait3A_80 = arith.constant 0 : i32
      %dma_wait3A_81 = arith.constant 0 : i32
      %dma_wait3A_82 = tpu.memref_slice %arg6[%dma_wait3A_80, %dma_wait3A_81] : memref<40x128xi32, #tpu.memory_space<vmem>> -> memref<39x128xi32, #tpu.memory_space<vmem>>
      %dma_wait3A_83 = arith.constant 40 : i32
      %dma_wait3A_84 = arith.constant 0 : i32
      %dma_wait3A_85 = tpu.memref_slice %arg3[%add3A, %dma_wait3A_83, %dma_wait3A_84] : memref<32x79x128xi32, #tpu.memory_space<hbm>> -> memref<1x39x128xi32, #tpu.memory_space<hbm>>
      %dma_wait3A_86 = tpu.memref_squeeze %dma_wait3A_85 : memref<1x39x128xi32, #tpu.memory_space<hbm>> -> memref<39x128xi32, #tpu.memory_space<hbm>>
      tpu.wait_dma2 semaphore(%run_scoped3A : memref<!tpu.dma_semaphore, #tpu.memory_space<semaphore_mem>>) src(%dma_wait3A_86 : memref<39x128xi32, #tpu.memory_space<hbm>>) dst(%dma_wait3A_82 : memref<39x128xi32, #tpu.memory_space<vmem>>)
      tpu.yield
    }) : () -> ()
    "tpu.region"() ({
      %run_scoped3A = tpu.sem_alloc : memref<!tpu.dma_semaphore, #tpu.memory_space<semaphore_mem>>
      %dma_start3A_60 = arith.constant 0 : i32
      %dma_start3A_61 = arith.constant 0 : i32
      %dma_start3A_62 = tpu.memref_slice %arg7[%dma_start3A_60, %dma_start3A_61] : memref<40x128xi32, #tpu.memory_space<vmem>> -> memref<39x128xi32, #tpu.memory_space<vmem>>
      %dma_start3A_63 = arith.constant 40 : i32
      %dma_start3A_64 = arith.constant 0 : i32
      %dma_start3A_65 = tpu.memref_slice %arg4[%add3A, %dma_start3A_63, %dma_start3A_64] : memref<32x79x128xi32, #tpu.memory_space<hbm>> -> memref<1x39x128xi32, #tpu.memory_space<hbm>>
      %dma_start3A_66 = tpu.memref_squeeze %dma_start3A_65 : memref<1x39x128xi32, #tpu.memory_space<hbm>> -> memref<39x128xi32, #tpu.memory_space<hbm>>
      %dma_start3A_67 = arith.constant 0 : i32
      %dma_start3A_68 = arith.constant 0 : i32
      %dma_start3A_69 = tpu.memref_slice %arg7[%dma_start3A_67, %dma_start3A_68] : memref<40x128xi32, #tpu.memory_space<vmem>> -> memref<39x128xi32, #tpu.memory_space<vmem>>
      %dma_start3A_70 = arith.constant 40 : i32
      %dma_start3A_71 = arith.constant 0 : i32
      %dma_start3A_72 = tpu.memref_slice %arg4[%add3A, %dma_start3A_70, %dma_start3A_71] : memref<32x79x128xi32, #tpu.memory_space<hbm>> -> memref<1x39x128xi32, #tpu.memory_space<hbm>>
      %dma_start3A_73 = tpu.memref_squeeze %dma_start3A_72 : memref<1x39x128xi32, #tpu.memory_space<hbm>> -> memref<39x128xi32, #tpu.memory_space<hbm>>
      tpu.enqueue_dma source(%dma_start3A_73 : memref<39x128xi32, #tpu.memory_space<hbm>>) target(%dma_start3A_69 : memref<39x128xi32, #tpu.memory_space<vmem>>) target_semaphore(%run_scoped3A : memref<!tpu.dma_semaphore, #tpu.memory_space<semaphore_mem>>)
      %dma_wait3A = arith.constant 0 : i32
      %dma_wait3A_74 = arith.constant 0 : i32
      %dma_wait3A_75 = tpu.memref_slice %arg7[%dma_wait3A, %dma_wait3A_74] : memref<40x128xi32, #tpu.memory_space<vmem>> -> memref<39x128xi32, #tpu.memory_space<vmem>>
      %dma_wait3A_76 = arith.constant 40 : i32
      %dma_wait3A_77 = arith.constant 0 : i32
      %dma_wait3A_78 = tpu.memref_slice %arg4[%add3A, %dma_wait3A_76, %dma_wait3A_77] : memref<32x79x128xi32, #tpu.memory_space<hbm>> -> memref<1x39x128xi32, #tpu.memory_space<hbm>>
      %dma_wait3A_79 = tpu.memref_squeeze %dma_wait3A_78 : memref<1x39x128xi32, #tpu.memory_space<hbm>> -> memref<39x128xi32, #tpu.memory_space<hbm>>
      %dma_wait3A_80 = arith.constant 0 : i32
      %dma_wait3A_81 = arith.constant 0 : i32
      %dma_wait3A_82 = tpu.memref_slice %arg7[%dma_wait3A_80, %dma_wait3A_81] : memref<40x128xi32, #tpu.memory_space<vmem>> -> memref<39x128xi32, #tpu.memory_space<vmem>>
      %dma_wait3A_83 = arith.constant 40 : i32
      %dma_wait3A_84 = arith.constant 0 : i32
      %dma_wait3A_85 = tpu.memref_slice %arg4[%add3A, %dma_wait3A_83, %dma_wait3A_84] : memref<32x79x128xi32, #tpu.memory_space<hbm>> -> memref<1x39x128xi32, #tpu.memory_space<hbm>>
      %dma_wait3A_86 = tpu.memref_squeeze %dma_wait3A_85 : memref<1x39x128xi32, #tpu.memory_space<hbm>> -> memref<39x128xi32, #tpu.memory_space<hbm>>
      tpu.wait_dma2 semaphore(%run_scoped3A : memref<!tpu.dma_semaphore, #tpu.memory_space<semaphore_mem>>) src(%dma_wait3A_86 : memref<39x128xi32, #tpu.memory_space<hbm>>) dst(%dma_wait3A_82 : memref<39x128xi32, #tpu.memory_space<vmem>>)
      tpu.yield
    }) : () -> ()
    %dma_start3A_41 = arith.constant 0 : i32
    %dma_start3A_42 = arith.constant 0 : i32
    %dma_start3A_43 = tpu.memref_slice %arg6[%dma_start3A_41, %dma_start3A_42] : memref<40x128xi32, #tpu.memory_space<vmem>> -> memref<1x128xi32, #tpu.memory_space<vmem>>
    %dma_start3A_44 = tpu.memref_squeeze %dma_start3A_43 : memref<1x128xi32, #tpu.memory_space<vmem>> -> memref<128xi32, #tpu.memory_space<vmem>>
    %dma_start3A_45 = arith.constant 0 : i32
    %dma_start3A_46 = arith.constant 0 : i32
    %dma_start3A_47 = tpu.memref_slice %arg2[%dma_start3A_45, %dma_start3A_46] : memref<10240x128xf32, #tpu.memory_space<hbm>> -> memref<10240x128xf32, #tpu.memory_space<hbm>>
    tpu.enqueue_indirect_dma source(%dma_start3A_47 : memref<10240x128xf32, #tpu.memory_space<hbm>>) target(%arg8 : memref<128x128xf32, #tpu.memory_space<vmem>>) offsets(%dma_start3A_44 : memref<128xi32, #tpu.memory_space<vmem>>) semaphore(%arg10 : memref<!tpu.dma_semaphore, #tpu.memory_space<semaphore_mem>>)
    %scan3A_48 = arith.constant 0 : i32
    %scan3A_49 = arith.constant 0 : i32
    %scan3A_50 = arith.constant 20 : i32
    %scan3A_51 = arith.addi %scan3A_49, %scan3A_50 : i32
    %scan3A_52 = arith.constant 1 : i32
    %scan3A_53 = scf.for %scan3A_60 = %scan3A_49 to %scan3A_51 step %scan3A_52 iter_args(%scan3A_61 = %scan3A_48) -> (i32)  : i32 {
      %mul3A_62 = arith.constant 2 : i32
      %mul3A_63 = arith.muli %mul3A_62, %scan3A_60 : i32
      %add3A_64 = arith.constant 1 : i32
      %add3A_65 = arith.addi %mul3A_63, %add3A_64 : i32
      %lt3A = arith.constant 39 : i32
      %lt3A_66 = arith.cmpi slt, %add3A_65, %lt3A : i32
      %convert_element_type3A = arith.extui %lt3A_66 : i1 to i32
      %cond3A = arith.constant 0 : i32
      %cond3A_67 = arith.cmpi ne, %convert_element_type3A, %cond3A : i32
      scf.if %cond3A_67 {
        %dma_start3A_86 = arith.constant 0 : i32
        %dma_start3A_87 = tpu.memref_slice %arg6[%add3A_65, %dma_start3A_86] : memref<40x128xi32, #tpu.memory_space<vmem>> -> memref<1x128xi32, #tpu.memory_space<vmem>>
        %dma_start3A_88 = tpu.memref_squeeze %dma_start3A_87 : memref<1x128xi32, #tpu.memory_space<vmem>> -> memref<128xi32, #tpu.memory_space<vmem>>
        %dma_start3A_89 = arith.constant 0 : i32
        %dma_start3A_90 = arith.constant 0 : i32
        %dma_start3A_91 = tpu.memref_slice %arg2[%dma_start3A_89, %dma_start3A_90] : memref<10240x128xf32, #tpu.memory_space<hbm>> -> memref<10240x128xf32, #tpu.memory_space<hbm>>
        tpu.enqueue_indirect_dma source(%dma_start3A_91 : memref<10240x128xf32, #tpu.memory_space<hbm>>) target(%arg9 : memref<128x128xf32, #tpu.memory_space<vmem>>) offsets(%dma_start3A_88 : memref<128xi32, #tpu.memory_space<vmem>>) semaphore(%arg11 : memref<!tpu.dma_semaphore, #tpu.memory_space<semaphore_mem>>)
      } else {
      }
      %dma_wait3A = arith.constant 0 : i32
      %dma_wait3A_68 = tpu.memref_slice %arg6[%mul3A_63, %dma_wait3A] : memref<40x128xi32, #tpu.memory_space<vmem>> -> memref<1x128xi32, #tpu.memory_space<vmem>>
      %dma_wait3A_69 = tpu.memref_squeeze %dma_wait3A_68 : memref<1x128xi32, #tpu.memory_space<vmem>> -> memref<128xi32, #tpu.memory_space<vmem>>
      %dma_wait3A_70 = arith.constant 0 : i32
      %dma_wait3A_71 = arith.constant 0 : i32
      %dma_wait3A_72 = tpu.memref_slice %arg2[%dma_wait3A_70, %dma_wait3A_71] : memref<10240x128xf32, #tpu.memory_space<hbm>> -> memref<10240x128xf32, #tpu.memory_space<hbm>>
      tpu.wait_indirect_dma semaphore(%arg10 : memref<!tpu.dma_semaphore, #tpu.memory_space<semaphore_mem>>) src(%dma_wait3A_72 : memref<10240x128xf32, #tpu.memory_space<hbm>>) dst(%arg8 : memref<128x128xf32, #tpu.memory_space<vmem>>)
      "tpu.region"() ({
        %run_scoped3A = tpu.sem_alloc : memref<!tpu.dma_semaphore, #tpu.memory_space<semaphore_mem>>
        %dma_start3A_86 = arith.constant 0 : i32
        %dma_start3A_87 = tpu.memref_slice %arg7[%mul3A_63, %dma_start3A_86] : memref<40x128xi32, #tpu.memory_space<vmem>> -> memref<1x128xi32, #tpu.memory_space<vmem>>
        %dma_start3A_88 = tpu.memref_squeeze %dma_start3A_87 : memref<1x128xi32, #tpu.memory_space<vmem>> -> memref<128xi32, #tpu.memory_space<vmem>>
        %dma_start3A_89 = arith.constant 0 : i32
        %dma_start3A_90 = arith.constant 0 : i32
        %dma_start3A_91 = tpu.memref_slice %arg12[%dma_start3A_89, %dma_start3A_90] : memref<10240x128xf32, #tpu.memory_space<vmem_shared>> -> memref<10240x128xf32, #tpu.memory_space<vmem_shared>>
        tpu.enqueue_indirect_dma source(%arg8 : memref<128x128xf32, #tpu.memory_space<vmem>>) target(%dma_start3A_91 : memref<10240x128xf32, #tpu.memory_space<vmem_shared>>) offsets(%dma_start3A_88 : memref<128xi32, #tpu.memory_space<vmem>>) semaphore(%run_scoped3A : memref<!tpu.dma_semaphore, #tpu.memory_space<semaphore_mem>>) {add = true}
        %dma_wait3A_92 = arith.constant 0 : i32
        %dma_wait3A_93 = tpu.memref_slice %arg7[%mul3A_63, %dma_wait3A_92] : memref<40x128xi32, #tpu.memory_space<vmem>> -> memref<1x128xi32, #tpu.memory_space<vmem>>
        %dma_wait3A_94 = tpu.memref_squeeze %dma_wait3A_93 : memref<1x128xi32, #tpu.memory_space<vmem>> -> memref<128xi32, #tpu.memory_space<vmem>>
        %dma_wait3A_95 = arith.constant 0 : i32
        %dma_wait3A_96 = arith.constant 0 : i32
        %dma_wait3A_97 = tpu.memref_slice %arg12[%dma_wait3A_95, %dma_wait3A_96] : memref<10240x128xf32, #tpu.memory_space<vmem_shared>> -> memref<10240x128xf32, #tpu.memory_space<vmem_shared>>
        tpu.wait_indirect_dma semaphore(%run_scoped3A : memref<!tpu.dma_semaphore, #tpu.memory_space<semaphore_mem>>) src(%arg8 : memref<128x128xf32, #tpu.memory_space<vmem>>) dst(%dma_wait3A_97 : memref<10240x128xf32, #tpu.memory_space<vmem_shared>>)
        tpu.yield
      }) : () -> ()
      %add3A_73 = arith.constant 1 : i32
      %add3A_74 = arith.addi %add3A_65, %add3A_73 : i32
      %lt3A_75 = arith.constant 39 : i32
      %lt3A_76 = arith.cmpi slt, %add3A_74, %lt3A_75 : i32
      %convert_element_type3A_77 = arith.extui %lt3A_76 : i1 to i32
      %cond3A_78 = arith.constant 0 : i32
      %cond3A_79 = arith.cmpi ne, %convert_element_type3A_77, %cond3A_78 : i32
      scf.if %cond3A_79 {
        %add3A_86 = arith.constant 1 : i32
        %add3A_87 = arith.addi %add3A_65, %add3A_86 : i32
        %dma_start3A_88 = arith.constant 0 : i32
        %dma_start3A_89 = tpu.memref_slice %arg6[%add3A_87, %dma_start3A_88] : memref<40x128xi32, #tpu.memory_space<vmem>> -> memref<1x128xi32, #tpu.memory_space<vmem>>
        %dma_start3A_90 = tpu.memref_squeeze %dma_start3A_89 : memref<1x128xi32, #tpu.memory_space<vmem>> -> memref<128xi32, #tpu.memory_space<vmem>>
        %dma_start3A_91 = arith.constant 0 : i32
        %dma_start3A_92 = arith.constant 0 : i32
        %dma_start3A_93 = tpu.memref_slice %arg2[%dma_start3A_91, %dma_start3A_92] : memref<10240x128xf32, #tpu.memory_space<hbm>> -> memref<10240x128xf32, #tpu.memory_space<hbm>>
        tpu.enqueue_indirect_dma source(%dma_start3A_93 : memref<10240x128xf32, #tpu.memory_space<hbm>>) target(%arg8 : memref<128x128xf32, #tpu.memory_space<vmem>>) offsets(%dma_start3A_90 : memref<128xi32, #tpu.memory_space<vmem>>) semaphore(%arg10 : memref<!tpu.dma_semaphore, #tpu.memory_space<semaphore_mem>>)
      } else {
      }
      %lt3A_80 = arith.constant 39 : i32
      %lt3A_81 = arith.cmpi slt, %add3A_65, %lt3A_80 : i32
      %convert_element_type3A_82 = arith.extui %lt3A_81 : i1 to i32
      %cond3A_83 = arith.constant 0 : i32
      %cond3A_84 = arith.cmpi ne, %convert_element_type3A_82, %cond3A_83 : i32
      scf.if %cond3A_84 {
        %dma_wait3A_86 = arith.constant 0 : i32
        %dma_wait3A_87 = tpu.memref_slice %arg6[%add3A_65, %dma_wait3A_86] : memref<40x128xi32, #tpu.memory_space<vmem>> -> memref<1x128xi32, #tpu.memory_space<vmem>>
        %dma_wait3A_88 = tpu.memref_squeeze %dma_wait3A_87 : memref<1x128xi32, #tpu.memory_space<vmem>> -> memref<128xi32, #tpu.memory_space<vmem>>
        %dma_wait3A_89 = arith.constant 0 : i32
        %dma_wait3A_90 = arith.constant 0 : i32
        %dma_wait3A_91 = tpu.memref_slice %arg2[%dma_wait3A_89, %dma_wait3A_90] : memref<10240x128xf32, #tpu.memory_space<hbm>> -> memref<10240x128xf32, #tpu.memory_space<hbm>>
        tpu.wait_indirect_dma semaphore(%arg11 : memref<!tpu.dma_semaphore, #tpu.memory_space<semaphore_mem>>) src(%dma_wait3A_91 : memref<10240x128xf32, #tpu.memory_space<hbm>>) dst(%arg9 : memref<128x128xf32, #tpu.memory_space<vmem>>)
        "tpu.region"() ({
          %run_scoped3A = tpu.sem_alloc : memref<!tpu.dma_semaphore, #tpu.memory_space<semaphore_mem>>
          %dma_start3A_92 = arith.constant 0 : i32
          %dma_start3A_93 = tpu.memref_slice %arg7[%add3A_65, %dma_start3A_92] : memref<40x128xi32, #tpu.memory_space<vmem>> -> memref<1x128xi32, #tpu.memory_space<vmem>>
          %dma_start3A_94 = tpu.memref_squeeze %dma_start3A_93 : memref<1x128xi32, #tpu.memory_space<vmem>> -> memref<128xi32, #tpu.memory_space<vmem>>
          %dma_start3A_95 = arith.constant 0 : i32
          %dma_start3A_96 = arith.constant 0 : i32
          %dma_start3A_97 = tpu.memref_slice %arg12[%dma_start3A_95, %dma_start3A_96] : memref<10240x128xf32, #tpu.memory_space<vmem_shared>> -> memref<10240x128xf32, #tpu.memory_space<vmem_shared>>
          tpu.enqueue_indirect_dma source(%arg9 : memref<128x128xf32, #tpu.memory_space<vmem>>) target(%dma_start3A_97 : memref<10240x128xf32, #tpu.memory_space<vmem_shared>>) offsets(%dma_start3A_94 : memref<128xi32, #tpu.memory_space<vmem>>) semaphore(%run_scoped3A : memref<!tpu.dma_semaphore, #tpu.memory_space<semaphore_mem>>) {add = true}
          %dma_wait3A_98 = arith.constant 0 : i32
          %dma_wait3A_99 = tpu.memref_slice %arg7[%add3A_65, %dma_wait3A_98] : memref<40x128xi32, #tpu.memory_space<vmem>> -> memref<1x128xi32, #tpu.memory_space<vmem>>
          %dma_wait3A_100 = tpu.memref_squeeze %dma_wait3A_99 : memref<1x128xi32, #tpu.memory_space<vmem>> -> memref<128xi32, #tpu.memory_space<vmem>>
          %dma_wait3A_101 = arith.constant 0 : i32
          %dma_wait3A_102 = arith.constant 0 : i32
          %dma_wait3A_103 = tpu.memref_slice %arg12[%dma_wait3A_101, %dma_wait3A_102] : memref<10240x128xf32, #tpu.memory_space<vmem_shared>> -> memref<10240x128xf32, #tpu.memory_space<vmem_shared>>
          tpu.wait_indirect_dma semaphore(%run_scoped3A : memref<!tpu.dma_semaphore, #tpu.memory_space<semaphore_mem>>) src(%arg9 : memref<128x128xf32, #tpu.memory_space<vmem>>) dst(%dma_wait3A_103 : memref<10240x128xf32, #tpu.memory_space<vmem_shared>>)
          tpu.yield
        }) : () -> ()
      } else {
      }
      %scan3A_85 = arith.constant 0 : i32
      scf.yield %scan3A_85 : i32
    }
    %scan3A_54 = arith.constant 20 : i32
    %barrier3A_55 = arith.constant 0 : index
    tpu.barrier barrier_id(%barrier3A_55)
    %mul3A_56 = arith.constant 640 : i32
    %mul3A_57 = arith.muli %arg1, %mul3A_56 : i32
    %mul3A_58 = arith.constant 640 : i32
    %mul3A_59 = arith.muli %arg1, %mul3A_58 : i32
    "tpu.region"() ({
      %run_scoped3A = tpu.sem_alloc : memref<!tpu.dma_semaphore, #tpu.memory_space<semaphore_mem>>
      %dma_start3A_60 = arith.constant 0 : i32
      %dma_start3A_61 = tpu.memref_slice %arg5[%arg0, %mul3A_59, %dma_start3A_60] : memref<2x10240x128xf32, #tpu.memory_space<hbm>> -> memref<1x640x128xf32, #tpu.memory_space<hbm>>
      %dma_start3A_62 = tpu.memref_squeeze %dma_start3A_61 : memref<1x640x128xf32, #tpu.memory_space<hbm>> -> memref<640x128xf32, #tpu.memory_space<hbm>>
      %dma_start3A_63 = arith.constant 0 : i32
      %dma_start3A_64 = tpu.memref_slice %arg12[%mul3A_57, %dma_start3A_63] : memref<10240x128xf32, #tpu.memory_space<vmem_shared>> -> memref<640x128xf32, #tpu.memory_space<vmem_shared>>
      tpu.enqueue_dma source(%dma_start3A_64 : memref<640x128xf32, #tpu.memory_space<vmem_shared>>) target(%dma_start3A_62 : memref<640x128xf32, #tpu.memory_space<hbm>>) target_semaphore(%run_scoped3A : memref<!tpu.dma_semaphore, #tpu.memory_space<semaphore_mem>>)
      %dma_wait3A = arith.constant 0 : i32
      %dma_wait3A_65 = tpu.memref_slice %arg5[%arg0, %mul3A_59, %dma_wait3A] : memref<2x10240x128xf32, #tpu.memory_space<hbm>> -> memref<1x640x128xf32, #tpu.memory_space<hbm>>
      %dma_wait3A_66 = tpu.memref_squeeze %dma_wait3A_65 : memref<1x640x128xf32, #tpu.memory_space<hbm>> -> memref<640x128xf32, #tpu.memory_space<hbm>>
      %dma_wait3A_67 = arith.constant 0 : i32
      %dma_wait3A_68 = tpu.memref_slice %arg12[%mul3A_57, %dma_wait3A_67] : memref<10240x128xf32, #tpu.memory_space<vmem_shared>> -> memref<640x128xf32, #tpu.memory_space<vmem_shared>>
      tpu.wait_dma2 semaphore(%run_scoped3A : memref<!tpu.dma_semaphore, #tpu.memory_space<semaphore_mem>>) src(%dma_wait3A_68 : memref<640x128xf32, #tpu.memory_space<vmem_shared>>) dst(%dma_wait3A_66 : memref<640x128xf32, #tpu.memory_space<hbm>>)
      tpu.yield
    }) : () -> ()
    return
  }
}

module attributes {stable_mosaic.version = 14 : i64} {
  func.func @body(%arg0: i32, %arg1: memref<2x512xf32, #tpu.memory_space<vmem>>, %arg2: memref<512x128xf32, #tpu.memory_space<vmem>>, %arg3: memref<512x128xf32, #tpu.memory_space<vmem>>, %arg4: memref<512x128xf32, #tpu.memory_space<vmem>>) attributes {dimension_semantics = [#tpu.dimension_semantics<arbitrary>], iteration_bounds = array<i64: 20>, scalar_prefetch = 0 : i64, scratch_operands = 0 : i64, tpu.core_type = #tpu.core_type<tc>, window_params = [{transform_indices = @transform_0, window_bounds = array<i64: 2, 512>}, {transform_indices = @transform_1, window_bounds = array<i64: 512, 128>}, {transform_indices = @transform_2, window_bounds = array<i64: 512, 128>}, {transform_indices = @transform_3, window_bounds = array<i64: 512, 128>}]} {
    %get3A = arith.constant 0 : index
    %get3A_0 = arith.constant 0 : index
    %get3A_1 = vector.load %arg1[%get3A, %get3A_0] : memref<2x512xf32, #tpu.memory_space<vmem>>, vector<1x512xf32>
    %get3A_2 = vector.shape_cast %get3A_1 : vector<1x512xf32> to vector<512xf32>
    %get3A_3 = arith.constant 1 : index
    %get3A_4 = arith.constant 0 : index
    %get3A_5 = vector.load %arg1[%get3A_3, %get3A_4] : memref<2x512xf32, #tpu.memory_space<vmem>>, vector<1x512xf32>
    %get3A_6 = vector.shape_cast %get3A_5 : vector<1x512xf32> to vector<512xf32>
    %add3A = arith.addf %get3A_2, %get3A_6 : vector<512xf32>
    %gt3A = arith.constant 0.000000e+00 : f32
    %gt3A_7 = vector.broadcast %gt3A : f32 to vector<512xf32>
    %gt3A_8 = arith.cmpf ogt, %add3A, %gt3A_7 : vector<512xf32>
    %rsqrt3A = math.rsqrt %add3A : vector<512xf32>
    %jit3A = arith.constant 0.000000e+00 : f32
    %broadcast_in_dim3A = vector.broadcast %jit3A : f32 to vector<512xf32>
    %select_n3A = arith.select %gt3A_8, %rsqrt3A, %broadcast_in_dim3A : vector<512xi1>, vector<512xf32>
    %broadcast_in_dim3A_9 = vector.shape_cast %select_n3A : vector<512xf32> to vector<512x1xf32>
    %broadcast_in_dim3A_10 = vector.shape_cast %broadcast_in_dim3A_9 : vector<512x1xf32> to vector<512x1xf32>
    %broadcast_in_dim3A_11 = vector.broadcast %broadcast_in_dim3A_10 : vector<512x1xf32> to vector<512x128xf32>
    %swap3A = arith.constant 0 : index
    %swap3A_12 = arith.constant 0 : index
    %swap3A_13 = vector.load %arg3[%swap3A, %swap3A_12] : memref<512x128xf32, #tpu.memory_space<vmem>>, vector<512x128xf32>
    tpu.vector_store %arg3[%swap3A, %swap3A_12], %broadcast_in_dim3A_11 {strides = array<i32>} : memref<512x128xf32, #tpu.memory_space<vmem>>, vector<512x128xf32>,
    %get3A_14 = arith.constant 0 : index
    %get3A_15 = arith.constant 0 : index
    %get3A_16 = vector.load %arg2[%get3A_14, %get3A_15] : memref<512x128xf32, #tpu.memory_space<vmem>>, vector<512x128xf32>
    %mul3A = arith.mulf %broadcast_in_dim3A_11, %get3A_16 : vector<512x128xf32>
    %swap3A_17 = arith.constant 0 : index
    %swap3A_18 = arith.constant 0 : index
    %swap3A_19 = vector.load %arg4[%swap3A_17, %swap3A_18] : memref<512x128xf32, #tpu.memory_space<vmem>>, vector<512x128xf32>
    tpu.vector_store %arg4[%swap3A_17, %swap3A_18], %mul3A {strides = array<i32>} : memref<512x128xf32, #tpu.memory_space<vmem>>, vector<512x128xf32>,
    return
  }
  func.func @transform_0(%arg0: i32) -> (i32, i32) {
    %c0_i32 = arith.constant 0 : i32
    %c0_i32_0 = arith.constant 0 : i32
    return %c0_i32, %arg0 : i32, i32
  }
  func.func @transform_1(%arg0: i32) -> (i32, i32) {
    %c0_i32 = arith.constant 0 : i32
    %c0_i32_0 = arith.constant 0 : i32
    return %arg0, %c0_i32 : i32, i32
  }
  func.func @transform_2(%arg0: i32) -> (i32, i32) {
    %c0_i32 = arith.constant 0 : i32
    %c0_i32_0 = arith.constant 0 : i32
    return %arg0, %c0_i32 : i32, i32
  }
  func.func @transform_3(%arg0: i32) -> (i32, i32) {
    %c0_i32 = arith.constant 0 : i32
    %c0_i32_0 = arith.constant 0 : i32
    return %arg0, %c0_i32 : i32, i32
  }
}

module attributes {stable_mosaic.version = 14 : i64} {
  func.func @body(%arg0: i32, %arg1: memref<2x512x128xf32, #tpu.memory_space<vmem>>, %arg2: memref<512x128xf32, #tpu.memory_space<vmem>>, %arg3: memref<512x128xf32, #tpu.memory_space<vmem>>, %arg4: memref<512x128xf32, #tpu.memory_space<vmem>>) attributes {dimension_semantics = [#tpu.dimension_semantics<arbitrary>], iteration_bounds = array<i64: 20>, scalar_prefetch = 0 : i64, scratch_operands = 0 : i64, tpu.core_type = #tpu.core_type<tc>, window_params = [{transform_indices = @transform_0, window_bounds = array<i64: 2, 512, 128>}, {transform_indices = @transform_1, window_bounds = array<i64: 512, 128>}, {transform_indices = @transform_2, window_bounds = array<i64: 512, 128>}, {transform_indices = @transform_3, window_bounds = array<i64: 512, 128>}]} {
    %get3A = arith.constant 0 : index
    %get3A_0 = arith.constant 0 : index
    %get3A_1 = arith.constant 0 : index
    %get3A_2 = vector.load %arg1[%get3A, %get3A_0, %get3A_1] : memref<2x512x128xf32, #tpu.memory_space<vmem>>, vector<1x512x128xf32>
    %get3A_3 = vector.shape_cast %get3A_2 : vector<1x512x128xf32> to vector<512x128xf32>
    %get3A_4 = arith.constant 1 : index
    %get3A_5 = arith.constant 0 : index
    %get3A_6 = arith.constant 0 : index
    %get3A_7 = vector.load %arg1[%get3A_4, %get3A_5, %get3A_6] : memref<2x512x128xf32, #tpu.memory_space<vmem>>, vector<1x512x128xf32>
    %get3A_8 = vector.shape_cast %get3A_7 : vector<1x512x128xf32> to vector<512x128xf32>
    %add3A = arith.addf %get3A_3, %get3A_8 : vector<512x128xf32>
    %get3A_9 = arith.constant 0 : index
    %get3A_10 = arith.constant 0 : index
    %get3A_11 = vector.load %arg2[%get3A_9, %get3A_10] : memref<512x128xf32, #tpu.memory_space<vmem>>, vector<512x128xf32>
    %neg3A = arith.constant 0.000000e+00 : f32
    %neg3A_12 = vector.broadcast %neg3A : f32 to vector<512x128xf32>
    %neg3A_13 = arith.subf %neg3A_12, %get3A_11 : vector<512x128xf32>
    %mul3A = arith.mulf %neg3A_13, %add3A : vector<512x128xf32>
    %swap3A = arith.constant 0 : index
    %swap3A_14 = arith.constant 0 : index
    %swap3A_15 = vector.load %arg3[%swap3A, %swap3A_14] : memref<512x128xf32, #tpu.memory_space<vmem>>, vector<512x128xf32>
    tpu.vector_store %arg3[%swap3A, %swap3A_14], %mul3A {strides = array<i32>} : memref<512x128xf32, #tpu.memory_space<vmem>>, vector<512x128xf32>,
    %mul3A_16 = arith.mulf %get3A_11, %mul3A : vector<512x128xf32>
    %swap3A_17 = arith.constant 0 : index
    %swap3A_18 = arith.constant 0 : index
    %swap3A_19 = vector.load %arg4[%swap3A_17, %swap3A_18] : memref<512x128xf32, #tpu.memory_space<vmem>>, vector<512x128xf32>
    tpu.vector_store %arg4[%swap3A_17, %swap3A_18], %mul3A_16 {strides = array<i32>} : memref<512x128xf32, #tpu.memory_space<vmem>>, vector<512x128xf32>,
    return
  }
  func.func @transform_0(%arg0: i32) -> (i32, i32, i32) {
    %c0_i32 = arith.constant 0 : i32
    %c0_i32_0 = arith.constant 0 : i32
    %c0_i32_1 = arith.constant 0 : i32
    return %c0_i32, %arg0, %c0_i32_0 : i32, i32, i32
  }
  func.func @transform_1(%arg0: i32) -> (i32, i32) {
    %c0_i32 = arith.constant 0 : i32
    %c0_i32_0 = arith.constant 0 : i32
    return %arg0, %c0_i32 : i32, i32
  }
  func.func @transform_2(%arg0: i32) -> (i32, i32) {
    %c0_i32 = arith.constant 0 : i32
    %c0_i32_0 = arith.constant 0 : i32
    return %arg0, %c0_i32 : i32, i32
  }
  func.func @transform_3(%arg0: i32) -> (i32, i32) {
    %c0_i32 = arith.constant 0 : i32
    %c0_i32_0 = arith.constant 0 : i32
    return %arg0, %c0_i32 : i32, i32
  }
}

module attributes {stable_mosaic.version = 14 : i64} {
  func.func @body(%arg0: i32, %arg1: memref<2x512x128xf32, #tpu.memory_space<vmem>>, %arg2: memref<512x128xf32, #tpu.memory_space<vmem>>, %arg3: memref<512x128xf32, #tpu.memory_space<vmem>>, %arg4: memref<512x128xf32, #tpu.memory_space<vmem>>, %arg5: memref<512x128xf32, #tpu.memory_space<vmem>>) attributes {dimension_semantics = [#tpu.dimension_semantics<arbitrary>], iteration_bounds = array<i64: 20>, scalar_prefetch = 0 : i64, scratch_operands = 0 : i64, tpu.core_type = #tpu.core_type<tc>, window_params = [{transform_indices = @transform_0, window_bounds = array<i64: 2, 512, 128>}, {transform_indices = @transform_1, window_bounds = array<i64: 512, 128>}, {transform_indices = @transform_2, window_bounds = array<i64: 512, 128>}, {transform_indices = @transform_3, window_bounds = array<i64: 512, 128>}, {transform_indices = @transform_4, window_bounds = array<i64: 512, 128>}]} {
    %get3A = arith.constant 0 : index
    %get3A_0 = arith.constant 0 : index
    %get3A_1 = arith.constant 0 : index
    %get3A_2 = vector.load %arg1[%get3A, %get3A_0, %get3A_1] : memref<2x512x128xf32, #tpu.memory_space<vmem>>, vector<1x512x128xf32>
    %get3A_3 = vector.shape_cast %get3A_2 : vector<1x512x128xf32> to vector<512x128xf32>
    %get3A_4 = arith.constant 1 : index
    %get3A_5 = arith.constant 0 : index
    %get3A_6 = arith.constant 0 : index
    %get3A_7 = vector.load %arg1[%get3A_4, %get3A_5, %get3A_6] : memref<2x512x128xf32, #tpu.memory_space<vmem>>, vector<1x512x128xf32>
    %get3A_8 = vector.shape_cast %get3A_7 : vector<1x512x128xf32> to vector<512x128xf32>
    %add3A = arith.addf %get3A_3, %get3A_8 : vector<512x128xf32>
    %get3A_9 = arith.constant 0 : index
    %get3A_10 = arith.constant 0 : index
    %get3A_11 = vector.load %arg2[%get3A_9, %get3A_10] : memref<512x128xf32, #tpu.memory_space<vmem>>, vector<512x128xf32>
    %mul3A = arith.constant -2.000000e+00 : f32
    %mul3A_12 = vector.broadcast %mul3A : f32 to vector<512x128xf32>
    %mul3A_13 = arith.mulf %mul3A_12, %get3A_11 : vector<512x128xf32>
    %mul3A_14 = arith.mulf %mul3A_13, %add3A : vector<512x128xf32>
    %get3A_15 = arith.constant 0 : index
    %get3A_16 = arith.constant 0 : index
    %get3A_17 = vector.load %arg3[%get3A_15, %get3A_16] : memref<512x128xf32, #tpu.memory_space<vmem>>, vector<512x128xf32>
    %sub3A = arith.subf %mul3A_14, %get3A_17 : vector<512x128xf32>
    %swap3A = arith.constant 0 : index
    %swap3A_18 = arith.constant 0 : index
    %swap3A_19 = vector.load %arg4[%swap3A, %swap3A_18] : memref<512x128xf32, #tpu.memory_space<vmem>>, vector<512x128xf32>
    tpu.vector_store %arg4[%swap3A, %swap3A_18], %sub3A {strides = array<i32>} : memref<512x128xf32, #tpu.memory_space<vmem>>, vector<512x128xf32>,
    %mul3A_20 = arith.mulf %get3A_11, %sub3A : vector<512x128xf32>
    %swap3A_21 = arith.constant 0 : index
    %swap3A_22 = arith.constant 0 : index
    %swap3A_23 = vector.load %arg5[%swap3A_21, %swap3A_22] : memref<512x128xf32, #tpu.memory_space<vmem>>, vector<512x128xf32>
    tpu.vector_store %arg5[%swap3A_21, %swap3A_22], %mul3A_20 {strides = array<i32>} : memref<512x128xf32, #tpu.memory_space<vmem>>, vector<512x128xf32>,
    return
  }
  func.func @transform_0(%arg0: i32) -> (i32, i32, i32) {
    %c0_i32 = arith.constant 0 : i32
    %c0_i32_0 = arith.constant 0 : i32
    %c0_i32_1 = arith.constant 0 : i32
    return %c0_i32, %arg0, %c0_i32_0 : i32, i32, i32
  }
  func.func @transform_1(%arg0: i32) -> (i32, i32) {
    %c0_i32 = arith.constant 0 : i32
    %c0_i32_0 = arith.constant 0 : i32
    return %arg0, %c0_i32 : i32, i32
  }
  func.func @transform_2(%arg0: i32) -> (i32, i32) {
    %c0_i32 = arith.constant 0 : i32
    %c0_i32_0 = arith.constant 0 : i32
    return %arg0, %c0_i32 : i32, i32
  }
  func.func @transform_3(%arg0: i32) -> (i32, i32) {
    %c0_i32 = arith.constant 0 : i32
    %c0_i32_0 = arith.constant 0 : i32
    return %arg0, %c0_i32 : i32, i32
  }
  func.func @transform_4(%arg0: i32) -> (i32, i32) {
    %c0_i32 = arith.constant 0 : i32
    %c0_i32_0 = arith.constant 0 : i32
    return %arg0, %c0_i32 : i32, i32
  }
}

module attributes {stable_mosaic.version = 14 : i64} {
  func.func @body(%arg0: i32, %arg1: memref<2x512x128xf32, #tpu.memory_space<vmem>>, %arg2: memref<512x128xf32, #tpu.memory_space<vmem>>, %arg3: memref<512x128xf32, #tpu.memory_space<vmem>>, %arg4: memref<512x128xf32, #tpu.memory_space<vmem>>, %arg5: memref<512x128xf32, #tpu.memory_space<vmem>>) attributes {dimension_semantics = [#tpu.dimension_semantics<arbitrary>], iteration_bounds = array<i64: 20>, scalar_prefetch = 0 : i64, scratch_operands = 0 : i64, tpu.core_type = #tpu.core_type<tc>, window_params = [{transform_indices = @transform_0, window_bounds = array<i64: 2, 512, 128>}, {transform_indices = @transform_1, window_bounds = array<i64: 512, 128>}, {transform_indices = @transform_2, window_bounds = array<i64: 512, 128>}, {transform_indices = @transform_3, window_bounds = array<i64: 512, 128>}, {transform_indices = @transform_4, window_bounds = array<i64: 512, 128>}]} {
    %get3A = arith.constant 0 : index
    %get3A_0 = arith.constant 0 : index
    %get3A_1 = arith.constant 0 : index
    %get3A_2 = vector.load %arg1[%get3A, %get3A_0, %get3A_1] : memref<2x512x128xf32, #tpu.memory_space<vmem>>, vector<1x512x128xf32>
    %get3A_3 = vector.shape_cast %get3A_2 : vector<1x512x128xf32> to vector<512x128xf32>
    %get3A_4 = arith.constant 1 : index
    %get3A_5 = arith.constant 0 : index
    %get3A_6 = arith.constant 0 : index
    %get3A_7 = vector.load %arg1[%get3A_4, %get3A_5, %get3A_6] : memref<2x512x128xf32, #tpu.memory_space<vmem>>, vector<1x512x128xf32>
    %get3A_8 = vector.shape_cast %get3A_7 : vector<1x512x128xf32> to vector<512x128xf32>
    %add3A = arith.addf %get3A_3, %get3A_8 : vector<512x128xf32>
    %get3A_9 = arith.constant 0 : index
    %get3A_10 = arith.constant 0 : index
    %get3A_11 = vector.load %arg2[%get3A_9, %get3A_10] : memref<512x128xf32, #tpu.memory_space<vmem>>, vector<512x128xf32>
    %mul3A = arith.constant -2.000000e+00 : f32
    %mul3A_12 = vector.broadcast %mul3A : f32 to vector<512x128xf32>
    %mul3A_13 = arith.mulf %mul3A_12, %get3A_11 : vector<512x128xf32>
    %mul3A_14 = arith.mulf %mul3A_13, %add3A : vector<512x128xf32>
    %get3A_15 = arith.constant 0 : index
    %get3A_16 = arith.constant 0 : index
    %get3A_17 = vector.load %arg3[%get3A_15, %get3A_16] : memref<512x128xf32, #tpu.memory_space<vmem>>, vector<512x128xf32>
    %sub3A = arith.subf %mul3A_14, %get3A_17 : vector<512x128xf32>
    %swap3A = arith.constant 0 : index
    %swap3A_18 = arith.constant 0 : index
    %swap3A_19 = vector.load %arg4[%swap3A, %swap3A_18] : memref<512x128xf32, #tpu.memory_space<vmem>>, vector<512x128xf32>
    tpu.vector_store %arg4[%swap3A, %swap3A_18], %sub3A {strides = array<i32>} : memref<512x128xf32, #tpu.memory_space<vmem>>, vector<512x128xf32>,
    %mul3A_20 = arith.mulf %get3A_11, %sub3A : vector<512x128xf32>
    %swap3A_21 = arith.constant 0 : index
    %swap3A_22 = arith.constant 0 : index
    %swap3A_23 = vector.load %arg5[%swap3A_21, %swap3A_22] : memref<512x128xf32, #tpu.memory_space<vmem>>, vector<512x128xf32>
    tpu.vector_store %arg5[%swap3A_21, %swap3A_22], %mul3A_20 {strides = array<i32>} : memref<512x128xf32, #tpu.memory_space<vmem>>, vector<512x128xf32>,
    return
  }
  func.func @transform_0(%arg0: i32) -> (i32, i32, i32) {
    %c0_i32 = arith.constant 0 : i32
    %c0_i32_0 = arith.constant 0 : i32
    %c0_i32_1 = arith.constant 0 : i32
    return %c0_i32, %arg0, %c0_i32_0 : i32, i32, i32
  }
  func.func @transform_1(%arg0: i32) -> (i32, i32) {
    %c0_i32 = arith.constant 0 : i32
    %c0_i32_0 = arith.constant 0 : i32
    return %arg0, %c0_i32 : i32, i32
  }
  func.func @transform_2(%arg0: i32) -> (i32, i32) {
    %c0_i32 = arith.constant 0 : i32
    %c0_i32_0 = arith.constant 0 : i32
    return %arg0, %c0_i32 : i32, i32
  }
  func.func @transform_3(%arg0: i32) -> (i32, i32) {
    %c0_i32 = arith.constant 0 : i32
    %c0_i32_0 = arith.constant 0 : i32
    return %arg0, %c0_i32 : i32, i32
  }
  func.func @transform_4(%arg0: i32) -> (i32, i32) {
    %c0_i32 = arith.constant 0 : i32
    %c0_i32_0 = arith.constant 0 : i32
    return %arg0, %c0_i32 : i32, i32
  }
}

module attributes {stable_mosaic.version = 14 : i64} {
  func.func @body(%arg0: i32, %arg1: memref<1024x128xf32, #tpu.memory_space<vmem>>, %arg2: memref<1024x128xf32, #tpu.memory_space<vmem>>, %arg3: memref<1024x128xf32, #tpu.memory_space<vmem>>, %arg4: memref<1024x128xf32, #tpu.memory_space<vmem>>, %arg5: memref<1024x128xf32, #tpu.memory_space<vmem>>, %arg6: memref<5x128x128xf32, #tpu.memory_space<vmem>>, %arg7: memref<1x128xf32, #tpu.memory_space<vmem>>, %arg8: memref<1024x128xf32, #tpu.memory_space<vmem>>) attributes {dimension_semantics = [#tpu.dimension_semantics<arbitrary>], iteration_bounds = array<i64: 10>, scalar_prefetch = 0 : i64, scratch_operands = 0 : i64, tpu.core_type = #tpu.core_type<tc>, window_params = [{transform_indices = @transform_0, window_bounds = array<i64: 1024, 128>}, {transform_indices = @transform_1, window_bounds = array<i64: 1024, 128>}, {transform_indices = @transform_2, window_bounds = array<i64: 1024, 128>}, {transform_indices = @transform_3, window_bounds = array<i64: 1024, 128>}, {transform_indices = @transform_4, window_bounds = array<i64: 1024, 128>}, {pipeline_mode = #tpu.pipeline_mode<synchronous>, transform_indices = @transform_5, window_bounds = array<i64: 5, 128, 128>}, {pipeline_mode = #tpu.pipeline_mode<synchronous>, transform_indices = @transform_6, window_bounds = array<i64: 1, 128>}, {transform_indices = @transform_7, window_bounds = array<i64: 1024, 128>}]} {
    %get3A = arith.constant 0 : index
    %get3A_0 = arith.constant 0 : index
    %get3A_1 = vector.load %arg7[%get3A, %get3A_0] : memref<1x128xf32, #tpu.memory_space<vmem>>, vector<1x128xf32>
    %get3A_2 = arith.constant 0 : index
    %get3A_3 = arith.constant 0 : index
    %get3A_4 = vector.load %arg1[%get3A_2, %get3A_3] : memref<1024x128xf32, #tpu.memory_space<vmem>>, vector<1024x128xf32>
    %get3A_5 = arith.constant 0 : index
    %get3A_6 = arith.constant 0 : index
    %get3A_7 = arith.constant 0 : index
    %get3A_8 = vector.load %arg6[%get3A_5, %get3A_6, %get3A_7] : memref<5x128x128xf32, #tpu.memory_space<vmem>>, vector<1x128x128xf32>
    %get3A_9 = vector.shape_cast %get3A_8 : vector<1x128x128xf32> to vector<128x128xf32>
    %dot_general3A = arith.constant dense<0.000000e+00> : vector<1024x128xf32>
    %dot_general3A_10 = tpu.matmul %get3A_4, %get3A_9, %dot_general3A {dimension_numbers = #tpu.dot_dimension_numbers<[1], [0], [0], [1], [0, 0, 1, 1], [], []>, transpose_lhs_hint = false} : vector<1024x128xf32>, vector<128x128xf32>, vector<1024x128xf32> -> vector<1024x128xf32>
    %add3A = vector.broadcast %get3A_1 : vector<1x128xf32> to vector<1024x128xf32>
    %add3A_11 = arith.addf %add3A, %dot_general3A_10 : vector<1024x128xf32>
    %get3A_12 = arith.constant 0 : index
    %get3A_13 = arith.constant 0 : index
    %get3A_14 = vector.load %arg2[%get3A_12, %get3A_13] : memref<1024x128xf32, #tpu.memory_space<vmem>>, vector<1024x128xf32>
    %get3A_15 = arith.constant 1 : index
    %get3A_16 = arith.constant 0 : index
    %get3A_17 = arith.constant 0 : index
    %get3A_18 = vector.load %arg6[%get3A_15, %get3A_16, %get3A_17] : memref<5x128x128xf32, #tpu.memory_space<vmem>>, vector<1x128x128xf32>
    %get3A_19 = vector.shape_cast %get3A_18 : vector<1x128x128xf32> to vector<128x128xf32>
    %dot_general3A_20 = arith.constant dense<0.000000e+00> : vector<1024x128xf32>
    %dot_general3A_21 = tpu.matmul %get3A_14, %get3A_19, %dot_general3A_20 {dimension_numbers = #tpu.dot_dimension_numbers<[1], [0], [0], [1], [0, 0, 1, 1], [], []>, transpose_lhs_hint = false} : vector<1024x128xf32>, vector<128x128xf32>, vector<1024x128xf32> -> vector<1024x128xf32>
    %add3A_22 = arith.addf %add3A_11, %dot_general3A_21 : vector<1024x128xf32>
    %get3A_23 = arith.constant 0 : index
    %get3A_24 = arith.constant 0 : index
    %get3A_25 = vector.load %arg3[%get3A_23, %get3A_24] : memref<1024x128xf32, #tpu.memory_space<vmem>>, vector<1024x128xf32>
    %get3A_26 = arith.constant 2 : index
    %get3A_27 = arith.constant 0 : index
    %get3A_28 = arith.constant 0 : index
    %get3A_29 = vector.load %arg6[%get3A_26, %get3A_27, %get3A_28] : memref<5x128x128xf32, #tpu.memory_space<vmem>>, vector<1x128x128xf32>
    %get3A_30 = vector.shape_cast %get3A_29 : vector<1x128x128xf32> to vector<128x128xf32>
    %dot_general3A_31 = arith.constant dense<0.000000e+00> : vector<1024x128xf32>
    %dot_general3A_32 = tpu.matmul %get3A_25, %get3A_30, %dot_general3A_31 {dimension_numbers = #tpu.dot_dimension_numbers<[1], [0], [0], [1], [0, 0, 1, 1], [], []>, transpose_lhs_hint = false} : vector<1024x128xf32>, vector<128x128xf32>, vector<1024x128xf32> -> vector<1024x128xf32>
    %add3A_33 = arith.addf %add3A_22, %dot_general3A_32 : vector<1024x128xf32>
    %get3A_34 = arith.constant 0 : index
    %get3A_35 = arith.constant 0 : index
    %get3A_36 = vector.load %arg4[%get3A_34, %get3A_35] : memref<1024x128xf32, #tpu.memory_space<vmem>>, vector<1024x128xf32>
    %get3A_37 = arith.constant 3 : index
    %get3A_38 = arith.constant 0 : index
    %get3A_39 = arith.constant 0 : index
    %get3A_40 = vector.load %arg6[%get3A_37, %get3A_38, %get3A_39] : memref<5x128x128xf32, #tpu.memory_space<vmem>>, vector<1x128x128xf32>
    %get3A_41 = vector.shape_cast %get3A_40 : vector<1x128x128xf32> to vector<128x128xf32>
    %dot_general3A_42 = arith.constant dense<0.000000e+00> : vector<1024x128xf32>
    %dot_general3A_43 = tpu.matmul %get3A_36, %get3A_41, %dot_general3A_42 {dimension_numbers = #tpu.dot_dimension_numbers<[1], [0], [0], [1], [0, 0, 1, 1], [], []>, transpose_lhs_hint = false} : vector<1024x128xf32>, vector<128x128xf32>, vector<1024x128xf32> -> vector<1024x128xf32>
    %add3A_44 = arith.addf %add3A_33, %dot_general3A_43 : vector<1024x128xf32>
    %get3A_45 = arith.constant 0 : index
    %get3A_46 = arith.constant 0 : index
    %get3A_47 = vector.load %arg5[%get3A_45, %get3A_46] : memref<1024x128xf32, #tpu.memory_space<vmem>>, vector<1024x128xf32>
    %get3A_48 = arith.constant 4 : index
    %get3A_49 = arith.constant 0 : index
    %get3A_50 = arith.constant 0 : index
    %get3A_51 = vector.load %arg6[%get3A_48, %get3A_49, %get3A_50] : memref<5x128x128xf32, #tpu.memory_space<vmem>>, vector<1x128x128xf32>
    %get3A_52 = vector.shape_cast %get3A_51 : vector<1x128x128xf32> to vector<128x128xf32>
    %dot_general3A_53 = arith.constant dense<0.000000e+00> : vector<1024x128xf32>
    %dot_general3A_54 = tpu.matmul %get3A_47, %get3A_52, %dot_general3A_53 {dimension_numbers = #tpu.dot_dimension_numbers<[1], [0], [0], [1], [0, 0, 1, 1], [], []>, transpose_lhs_hint = false} : vector<1024x128xf32>, vector<128x128xf32>, vector<1024x128xf32> -> vector<1024x128xf32>
    %add3A_55 = arith.addf %add3A_44, %dot_general3A_54 : vector<1024x128xf32>
    %max3A = arith.constant 0.000000e+00 : f32
    %max3A_56 = vector.broadcast %max3A : f32 to vector<1024x128xf32>
    %max3A_57 = arith.maximumf %add3A_55, %max3A_56 : vector<1024x128xf32>
    %swap3A = arith.constant 0 : index
    %swap3A_58 = arith.constant 0 : index
    %swap3A_59 = vector.load %arg8[%swap3A, %swap3A_58] : memref<1024x128xf32, #tpu.memory_space<vmem>>, vector<1024x128xf32>
    tpu.vector_store %arg8[%swap3A, %swap3A_58], %max3A_57 {strides = array<i32>} : memref<1024x128xf32, #tpu.memory_space<vmem>>, vector<1024x128xf32>,
    return
  }
  func.func @transform_0(%arg0: i32) -> (i32, i32) {
    %c0_i32 = arith.constant 0 : i32
    %c0_i32_0 = arith.constant 0 : i32
    return %arg0, %c0_i32 : i32, i32
  }
  func.func @transform_1(%arg0: i32) -> (i32, i32) {
    %c0_i32 = arith.constant 0 : i32
    %c0_i32_0 = arith.constant 0 : i32
    return %arg0, %c0_i32 : i32, i32
  }
  func.func @transform_2(%arg0: i32) -> (i32, i32) {
    %c0_i32 = arith.constant 0 : i32
    %c0_i32_0 = arith.constant 0 : i32
    return %arg0, %c0_i32 : i32, i32
  }
  func.func @transform_3(%arg0: i32) -> (i32, i32) {
    %c0_i32 = arith.constant 0 : i32
    %c0_i32_0 = arith.constant 0 : i32
    return %arg0, %c0_i32 : i32, i32
  }
  func.func @transform_4(%arg0: i32) -> (i32, i32) {
    %c0_i32 = arith.constant 0 : i32
    %c0_i32_0 = arith.constant 0 : i32
    return %arg0, %c0_i32 : i32, i32
  }
  func.func @transform_5(%arg0: i32) -> (i32, i32, i32) {
    %c0_i32 = arith.constant 0 : i32
    %c0_i32_0 = arith.constant 0 : i32
    %c0_i32_1 = arith.constant 0 : i32
    %c0_i32_2 = arith.constant 0 : i32
    return %c0_i32, %c0_i32_0, %c0_i32_1 : i32, i32, i32
  }
  func.func @transform_6(%arg0: i32) -> (i32, i32) {
    %c0_i32 = arith.constant 0 : i32
    %c0_i32_0 = arith.constant 0 : i32
    %c0_i32_1 = arith.constant 0 : i32
    return %c0_i32, %c0_i32_0 : i32, i32
  }
  func.func @transform_7(%arg0: i32) -> (i32, i32) {
    %c0_i32 = arith.constant 0 : i32
    %c0_i32_0 = arith.constant 0 : i32
    return %arg0, %c0_i32 : i32, i32
  }
}

</mosaic_0001>

<sc_bundles>
// kernel: kernel.13.cloned.1.call-start
scs
__scs_entry_jumppad:
0x0: {  	(pc) =	sbr.rel $0x88, $3  }
0x1: {  	(tag) =	ssettag $0x0;
	lr =	simm.s32 $0x1  }
0x2: {  	[smem:$0x3F9D] =	sst lr;
	_ =	strace $0xD0000000  }
0x3: {  	_ = 	snop  }
0x4: {  	_ = 	snop  }
0x5: {  	_ = 	snop  }
0x6: {  	_ = 	snop  }
0x7: {  	_ = 	snop  }
__scs_overlays_trampoline_lowered:
0x8: {  	[smem:$0x3FAC] =	sst s0  }
0x9: {  	[smem:$0x3FAD] =	sst s1  }
0xa: {  	[smem:$0x3FAE] =	sst s2  }
0xb: {  	[smem:$0x3FAF] =	sst s3  }
0xc: {  	[smem:$0x3FB0] =	sst s4  }
0xd: {  	[smem:$0x3FB1] =	sst s5  }
0xe: {  	[smem:$0x3FB2] =	sst s6  }
0xf: {  	[smem:$0x3FB3] =	sst s7  }
0x10: {  	[smem:$0x3FB4] =	sst s8  }
0x11: {  	[smem:$0x3FB5] =	sst s9;
	s0 =	simm.s32 @!p0 $0x0  }
0x12: {  	s1 =	sld [smem:$0x3F9B];
	s0 =	simm.s32 @p0 $0x1  }
0x13: {  	[smem:$0x3FB6] =	sst s0;
	s0 =	simm.s32 @!p1 $0x0  }
0x14: {  	s2 =	sld [smem:$0x3F9A];
	s0 =	simm.s32 @p1 $0x1  }
0x15: {  	[smem:$0x3FB7] =	sst s0;
	s0 =	simm.s32 @!p2 $0x0  }
0x16: {  	s3 =	sld [smem:$0x3FDB];
	s0 =	simm.s32 @p2 $0x1  }
0x17: {  	s4 =	simm.s32 $0x1BF5;
	[smem:$0x3FB9] =	sst s0  }
0x18: {  	s0 =	sld [smem:$0x3F9C];
	_ =	swait.ge [sflag:s4], $0x0  }
0x19: {  	s7 =	sld [smem:$0x3F9D]  }
0x1a: {  	s8 =	sadd.s32 $0xFFFFE003, lr  }
0x1b: {  	s9 =	sadd.s32 $0xFFFFFEF7, lr;
	s5 =	simm.s32 $0xFFFFFFFF;
	p2 =	slt.u32 s8, $0xFFFFF086  }
0x1c: {  	p1 =	slt.u32 s9, $0xF7A;
	s5 =	simm.s32 @!p2 $0x0  }
0x1d: {  	s5 =	simm.s32 @p1 $0x1;
	p0 =	seq.s32 s7, s2  }
0x1e: {  	s7 =	smul.u32 @!p0 $0xF7A, s2;
	p2 =	seq.s32 @!p0 s5, $0x0  }
0x1f: {  	s9 =	smul.u32 $0xF7A, s1;
	s8 =	simm.s32 @!p0 $0x1BF5;
	p2 =	por !p2, p0  }
0x20: {  	[sflag:s8] =	ssyncset.s32 @!p0 $0xFFFFF086;
	s6 =	sadd.s32 @!p0 s3, s7;
	s7 =	simm.s32 @!p0 $0x108  }
0x21: {  	s3 =	sadd.s32 s3, s9;
	s6 =	sadd.s32 @!p0 $0x88, s6;
	s7 =	simm.s32 @p2 $0x1082  }
0x22: {  	[simem:s7], [sflag:s8] =	dma.local @!p0 [hbm:s6], $0xF7A  }
0x23: {  	s9 =	sor.u32 $0xD0000000, s2;
	s6 =	simm.s32 $0x108;
	_ =	swait.ge @!p0 [sflag:s8], $0x0  }
0x24: {  	s3 =	sadd.s32 $0x88, s3;
	s6 =	simm.s32 @!p1 $0x1082;
	[sflag:s4] =	ssyncset.s32 $0xFFFFF086  }
0x25: {  	[simem:s6], [sflag:s4] =	dma.local [hbm:s3], $0xF7A  }
0x26: {  	[smem:$0x3F9D] =	sst s1;
	(tag) =	ssettag s2;
	_ =	strace s9  }
0x27: {  	s1 =	sld [smem:$0x3FAD]  }
0x28: {  	s2 =	sld [smem:$0x3FAE]  }
0x29: {  	s4 =	sld [smem:$0x3FB0]  }
0x2a: {  	p0 =	seq.s32 s5, $0x0;
	s5 =	sld [smem:$0x3FB1]  }
0x2b: {  	s6 =	sld [smem:$0x3FB2]  }
0x2c: {  	s7 =	sld [smem:$0x3FB3]  }
0x2d: {  	s3 =	simm.s32 $0x108;
	s8 =	sld [smem:$0x3FB4]  }
0x2e: {  	s3 =	simm.s32 @!p0 $0x1082;
	s9 =	sld [smem:$0x3FB5]  }
0x2f: {  	lr =	sadd.s32 s0, s3;
	s0 =	sld [smem:$0x3FAC]  }
0x30: {  	s3 =	sld [smem:$0x3FAF]  }
0x31: {  	[smem:$0x3FB8] =	sst s10  }
0x32: {  	s10 =	sld [smem:$0x3FB6];
	_ =	sdelay $0x3  }
0x33: {  	p0 =	seq.s32 s10, $0x1;
	s10 =	sld [smem:$0x3FB8];
	_ =	sdelay $0x3  }
0x34: {  	[smem:$0x3FB8] =	sst s10  }
0x35: {  	s10 =	sld [smem:$0x3FB7];
	_ =	sdelay $0x3  }
0x36: {  	p1 =	seq.s32 s10, $0x1;
	s10 =	sld [smem:$0x3FB8];
	_ =	sdelay $0x3  }
0x37: {  	[smem:$0x3FB8] =	sst s10  }
0x38: {  	s10 =	sld [smem:$0x3FB9]  }
0x39: {  	_ = 	snop;
	(pc) =	sbr.ind lr, $3  }
0x3a: {  	_ = 	snop  }
0x3b: {  	_ = 	snop  }
0x3c: {  	p2 =	seq.s32 s10, $0x1;
	s10 =	sld [smem:$0x3FB8]  }
0x3d: {  	_ =	shalt  }
0x3e: {  	_ =	shalt  }
0x3f: {  	_ =	shalt  }
0x40: {  	_ =	shalt  }
0x41: {  	_ =	shalt  }
0x42: {  	_ =	shalt  }
0x43: {  	_ =	shalt  }
0x44: {  	_ =	shalt  }
0x45: {  	_ =	shalt  }
0x46: {  	_ =	shalt  }
0x47: {  	_ =	shalt  }
0x48: {  	_ =	shalt  }
0x49: {  	_ =	shalt  }
0x4a: {  	_ =	shalt  }
0x4b: {  	_ =	shalt  }
0x4c: {  	_ =	shalt  }
0x4d: {  	_ =	shalt  }
0x4e: {  	_ =	shalt  }
0x4f: {  	_ =	shalt  }
0x50: {  	_ =	shalt  }
0x51: {  	_ =	shalt  }
0x52: {  	_ =	shalt  }
0x53: {  	_ =	shalt  }
0x54: {  	_ =	shalt  }
0x55: {  	_ =	shalt  }
0x56: {  	_ =	shalt  }
0x57: {  	_ =	shalt  }
0x58: {  	_ =	shalt  }
0x59: {  	_ =	shalt  }
0x5a: {  	_ =	shalt  }
0x5b: {  	_ =	shalt  }
0x5c: {  	_ =	shalt  }
0x5d: {  	_ =	shalt  }
0x5e: {  	_ =	shalt  }
0x5f: {  	_ =	shalt  }
0x60: {  	_ =	shalt  }
0x61: {  	_ =	shalt  }
0x62: {  	_ =	shalt  }
0x63: {  	_ =	shalt  }
0x64: {  	_ =	shalt  }
0x65: {  	_ =	shalt  }
0x66: {  	_ =	shalt  }
0x67: {  	_ =	shalt  }
0x68: {  	_ =	shalt  }
0x69: {  	_ =	shalt  }
0x6a: {  	_ =	shalt  }
0x6b: {  	_ =	shalt  }
0x6c: {  	_ =	shalt  }
0x6d: {  	_ =	shalt  }
0x6e: {  	_ =	shalt  }
0x6f: {  	_ =	shalt  }
0x70: {  	_ =	shalt  }
0x71: {  	_ =	shalt  }
0x72: {  	_ =	shalt  }
0x73: {  	_ =	shalt  }
0x74: {  	_ =	shalt  }
0x75: {  	_ =	shalt  }
0x76: {  	_ =	shalt  }
0x77: {  	_ =	shalt  }
0x78: {  	_ =	shalt  }
0x79: {  	_ =	shalt  }
0x7a: {  	_ =	shalt  }
0x7b: {  	_ =	shalt  }
0x7c: {  	_ =	shalt  }
0x7d: {  	_ =	shalt  }
0x7e: {  	_ =	shalt  }
0x7f: {  	_ =	shalt  }
0x80: {  	_ =	shalt  }
0x81: {  	_ =	shalt  }
0x82: {  	_ =	shalt  }
0x83: {  	_ =	shalt  }
0x84: {  	_ =	shalt  }
0x85: {  	_ =	shalt  }
0x86: {  	_ =	shalt  }
0x87: {  	_ =	shalt  }
.Lfunc_end0:
.L_simem_size_0:
called_computation_lowered:
.L_overlay_start_0:
0x88: {  	s2 =	sld [smem:$0x3FD9]  }
0x89: {  	s3 =	sld [smem:$0x3FFE];
	_ =	sdelay $0x1  }
0x8a: {  	s1 =	srdreg.scid  }
0x8b: {  	s0 =	sand.u32 $0x1, s1  }
0x8c: {  	s17 =	sshll.u32 s0, $0xA;
	s2 =	sadd.s32 s3, s2  }
0x8d: {  	s2 =	sadd.s32 s2, s17  }
0x8e: {  	[smem:$0x3FC4] =	sst s2  }
0x8f: {  	_ = 	snop  }
0x90: {  	s2 =	sld [smem:$0x3FD0];
	(tm) =	ssettm $0x1  }
0x91: {  	s18 =	sld [smem:$0x3FFB];
	_ =	sdelay $0x3  }
0x92: {  	_ =	strace s18  }
0x93: {  	s3 =	sld [smem:$0x3FFC];
	_ =	sdelay $0x3  }
0x94: {  	_ =	strace s3  }
0x95: {  	s3 =	sld [smem:$0x3FFD];
	_ =	sdelay $0x3  }
0x96: {  	_ =	strace s3  }
0x97: {  	_ =	strace $0x8FFFFFFF  }
0x98: {  	s19 =	sld [smem:$0x3FDB];
	_ =	sdelay $0x1  }
0x99: {  	s4 =	simm.s32 $_scs_section_size  }
0x9a: {  	s5 =	simm.s32 $_size__tile_overlayer_lowered;
	s6 =	simm.s32 $_tile_overlayer_lowered  }
0x9b: {  	s22 =	simm.s32 $0x1BFF;
	s21 =	sshll.u32 s6, $0x1;
	s3 =	sadd.s32 s4, s19  }
0x9c: {  	s7 =	simm.s32 $0x0;
	s20 =	sshll.u32 s5, $0x1;
	s5 =	sadd.s32 s21, s3  }
0x9d: {  	[timem:s7], [sflag:s22] =	dma.local [hbm:s5], s20  }
0x9e: {  	_ =	swait.ge [sflag:s22], s20  }
0x9f: {  	s4 =	ssub.s32 $0x0, s20;
	[sflag:s22] =	ssyncset.done $0x0  }
0xa0: {  	[sflag:s22] =	ssyncadd.s32 s4;
	_ =	sdelay $0x1  }
0xa1: {  	s23 =	simm.s32 $0x1B8B  }
0xa2: {  	_ =	swait.ge [sflag:s23], $0x1  }
0xa3: {  	[sflag:s23] =	ssyncset.done $0x0  }
0xa4: {  	s25 =	simm.s32 $0x1B8E;
	s24 =	sld [smem:$0x3FFE];
	[sflag:s23] =	ssyncadd.s32 $0xFFFFFFFF  }
0xa5: {  	s26 =	simm.s32 $execute0_lowered;
	[smem:$0x3FD2] =	sst s25  }
0xa6: {  	s5 =	sshll.u32 s26, $0x1;
	_ =	strace $0x80000046;
	[dreg:$0x1] =	wrdreg $0xFFFFFFFF  }
0xa7: {  	s28 =	simm.s32 $_size_execute0_lowered;
	s3 =	sadd.s32 s3, s5;
	[dreg:$0x0] =	wrdreg $0x0  }
0xa8: {  	s5 =	sshll.u32 s28, $0x1;
	[dreg:$0x2] =	wrdreg s3  }
0xa9: {  	[dreg:$0x3] =	wrdreg s5  }
0xaa: {  	[dreg:$0x4] =	wrdreg $0xC0  }
0xab: {  	_ =	task [dreg:s7], $0x5FFFF  }
0xac: {  	[dreg:$0x1] =	wrdreg $0xFFFFFFFF  }
0xad: {  	[dreg:$0x0] =	wrdreg $0x60  }
0xae: {  	[dreg:$0x2] =	wrdreg s2  }
0xaf: {  	[dreg:$0x3] =	wrdreg s24  }
0xb0: {  	[dreg:$0x4] =	wrdreg $0xCA800  }
0xb1: {  	[dreg:$0x5] =	wrdreg $0x9  }
0xb2: {  	_ =	task.clear_ibuf [dreg:s7], $0x6FFFF;
	_ =	strace $0x90000046  }
0xb3: {  	s29 =	simm.s32 $0x9;
	_ =	strace $0x80000048  }
0xb4: {  	_ =	swait.ge [sflag:s29], $0x1  }
0xb5: {  	[sflag:s29] =	ssyncadd.s32 $0xFFFFFFFF  }
0xb6: {  	_ =	strace $0x90000048  }
0xb7: {  	_ =	sfence  }
0xb8: {  	s30 =	sld [smem:$0x0];
	_ =	sdelay $0x2  }
0xb9: {  	s31 =	sshll.u32 s1, $0xD;
	s1 =	sshrl.u32 s1, $0x2  }
0xba: {  	s3 =	sand.u32 $0x4000, s31;
	s1 =	sadd.s32 s1, s30  }
0xbb: {  	s0 =	sor.u32 s3, s0;
	s1 =	sshll.u32 s1, $0x11  }
0xbc: {  	s0 =	sor.u32 s1, s0  }
0xbd: {  	s0 =	sadd.s32 $0x8F2B, s0  }
0xbe: {  	[sflag:s0] =	ssyncadd.remote.s32 $0x1  }
0xbf: {  	_ =	sfence.sel $0xFFFF  }
0xc0: {  	[dreg:$0x0] =	wrdreg $0xFFFFFFFF;
	(pc) =	sbr.abs _section_cstart, $3  }
0xc1: {  	[dreg:$0x1] =	wrdreg $0xFFFFFFFF  }
0xc2: {  	_ =	task.clear_ibuf [dreg:s7], $0x2FFFF;
	_ =	strace $0x9FFFFFFF  }
0xc3: {  	(tm) =	ssettm $0x7FFFFFFF  }
tec
execute0_lowered:
.L_overlay_start_1:
0x0: {  	(tag) =	ssettag $0x1  }
0x1: {  	s3 =	rddreg [dreg:$0x0]  }
0x2: {  	s4 =	rddreg [dreg:$0x1];
	s1 =	srdreg.scid  }
0x3: {  	s0 =	stileid.u32;
	s7 =	rddreg [dreg:$0x2];
	s2 =	simm.s32 $0x0  }
0x4: {  	s13 =	simm.s32 $0x5000;
	s14 =	simm.s32 $0x80;
	s15 =	simm.s32 $0x400  }
0x5: {  	s16 =	simm.s32 $0x1400;
	s17 =	simm.s32 $0x14000;
	s18 =	simm.s32 $0xA000  }
0x6: {  	s19 =	simm.s32 $0xC800;
	s5 =	sand.u32 $0x1, s1;
	s1 =	rddreg [dreg:$0x3]  }
0x7: {  	s20 =	simm.s32 $0x0;
	s6 =	smul.u32 $0x280, s0;
	[smem:$0x7FF] =	sst s2  }
0x8: {  	s10 =	sshrl.u32 s0, $0x3;
	s30 =	smul.u32 $0x5000, s0;
	s31 =	sshll.u32 s0, $0x7  }
0x9: {  	s8 =	smul.u32 $0x2800, s5;
	s9 =	sshll.u32 s5, $0x4;
	_ =	strace $0x80000047  }
0xa: {  	s5 =	ssub.s32 $0x2, s5;
	s29 =	smul.u32 $0x50000, s10;
	s10 =	sand.u32 $0x380, s31  }
0xb: {  	s25 =	sor.u32 s0, s9;
	s28 =	sshrl.u32 s5, $0x1;
	s6 =	sadd.s32 s6, s8  }
0xc: {  	s8 =	smul.u32 $0x500, s25;
	s12 =	ssub.s32 s5, s28;
	s6 =	sshrl.u32 s6, $0x3  }
0xd: {  	s9 =	smax.u32 s12, $0x1;
	s12 =	simm.s32 $0x7800;
	s26 =	sadd.s32 s6, s4  }
0xe: {  	s11 =	sadd.s32 s8, s4;
	s3 =	sadd.s32 s3, s8;
	s6 =	sshrl.u32 s29, $0x2  }
0xf: {  	s8 =	sshrl.u32 s30, $0x2;
	s4 =	sadd.s32 $0x3A00, s11;
	s5 =	sadd.s32 $0xE400, s11  }
0x10: {  	s6 =	sadd.s32 s6, s7;
	s7 =	sadd.s32 s8, s7;
	s8 =	sadd.s32 $0xDA00, s26  }
0x11: {  	v0 =	vimm.f32 $0.0e+00;
	v1 =	vimm.f32 $1.000000000e+00;
	s11 =	simm.s32 $0x2800;
	s6 =	sadd.s32 s10, s6;
	s10 =	simm.s32 $0x1  }
.LBB2_1:
0x12: {  	[tilespmem:s2], [sflag:$0x1] =	stream.linear.gather [hbm4b:s3+s2], $0x2780, $0x38;
	[tilespmem:$0xF280] =	vst v63  }
0x13: {  	_ =	swait.ge [sflag:s10], $0x2780  }
0x14: {  	[sflag:s10] =	ssyncset.done $0x0  }
0x15: {  	[sflag:s10] =	ssyncadd.s32 $0xFFFFD880  }
0x16: {  	[tilespmem:s11], [sflag:$0x1] =	stream.linear.gather [hbm4b:s4+s2], $0x2780, $0x38;
	[tilespmem:$0xF280] =	vst v63  }
0x17: {  	_ =	swait.ge [sflag:s10], $0x2780  }
0x18: {  	[sflag:s10] =	ssyncset.done $0x0  }
0x19: {  	s21 =	simm.s32 $0x0;
	[sflag:s10] =	ssyncadd.s32 $0xFFFFD880  }
.LBB2_2:
0x1a: {  	p0 =	sne.s32 s21, $0x9FC0  }
.Ltmp0:
0x1b: {  	_ = 	snop;
	(pc) =	sbr.rel @p0 .LBB2_2-.Ltmp0, $3  }
0x1c: {  	_ =	sdelay $0x1  }
0x1d: {  	s22 =	sshra.s32 s21, $0x2  }
0x1e: {  	s21 =	sadd.s32 $0x40, s21;
	[tilespmem:s22+$0x7800] =	vst v0  }
0x1f: {  	s21 =	simm.s32 $0x0  }
.LBB2_4:
0x20: {  	s22 =	sshra.s32 s21, $0x2  }
0x21: {  	v2 =	vld [tilespmem:s22+$0x0]  }
0x22: {  	v3 =	vld [tilespmem:s22+$0x2800];
	_ =	sdelay $0x4  }
0x23: {  	vm0 =	vne.s32 v2, v3;
	_ =	sdelay $0x3  }
0x24: {  	v3 =	vnsel vm0, $0x2710, v2  }
0x25: {  	[tilespmem:s22+$0x5000] =	vst v3  }
0x26: {  	[tilespmem:v2+s12+$0x0] =	vst.idx.add.f32.msk vm0, v1  }
0x27: {  	v2 =	vld [tilespmem:s22+$0x10]  }
0x28: {  	v3 =	vld [tilespmem:s22+$0x2810];
	_ =	sdelay $0x4  }
0x29: {  	vm9 =	vne.s32 v2, v3;
	_ =	sdelay $0x3  }
0x2a: {  	v3 =	vnsel vm9, $0x2710, v2  }
0x2b: {  	[tilespmem:s22+$0x5010] =	vst v3  }
0x2c: {  	[tilespmem:v2+s12+$0x0] =	vst.idx.add.f32.msk vm9, v1  }
0x2d: {  	v2 =	vld [tilespmem:s22+$0x20]  }
0x2e: {  	v3 =	vld [tilespmem:s22+$0x2820];
	_ =	sdelay $0x4  }
0x2f: {  	vm10 =	vne.s32 v2, v3;
	_ =	sdelay $0x3  }
0x30: {  	v3 =	vnsel vm10, $0x2710, v2  }
0x31: {  	[tilespmem:s22+$0x5020] =	vst v3  }
0x32: {  	[tilespmem:v2+s12+$0x0] =	vst.idx.add.f32.msk vm10, v1  }
0x33: {  	v2 =	vld [tilespmem:s22+$0x30]  }
0x34: {  	v3 =	vld [tilespmem:s22+$0x2830];
	_ =	sdelay $0x4  }
0x35: {  	vm11 =	vne.s32 v2, v3;
	_ =	sdelay $0x3  }
0x36: {  	v3 =	vnsel vm11, $0x2710, v2  }
0x37: {  	[tilespmem:s22+$0x5030] =	vst v3  }
0x38: {  	[tilespmem:v2+s12+$0x0] =	vst.idx.add.f32.msk vm11, v1  }
0x39: {  	v2 =	vld [tilespmem:s22+$0x40]  }
0x3a: {  	v3 =	vld [tilespmem:s22+$0x2840];
	_ =	sdelay $0x4  }
0x3b: {  	vm12 =	vne.s32 v2, v3;
	_ =	sdelay $0x3  }
0x3c: {  	v3 =	vnsel vm12, $0x2710, v2  }
0x3d: {  	[tilespmem:s22+$0x5040] =	vst v3  }
0x3e: {  	[tilespmem:v2+s12+$0x0] =	vst.idx.add.f32.msk vm12, v1  }
0x3f: {  	v2 =	vld [tilespmem:s22+$0x50]  }
0x40: {  	v3 =	vld [tilespmem:s22+$0x2850];
	_ =	sdelay $0x4  }
0x41: {  	vm13 =	vne.s32 v2, v3;
	_ =	sdelay $0x3  }
0x42: {  	v3 =	vnsel vm13, $0x2710, v2  }
0x43: {  	[tilespmem:s22+$0x5050] =	vst v3  }
0x44: {  	[tilespmem:v2+s12+$0x0] =	vst.idx.add.f32.msk vm13, v1  }
0x45: {  	v2 =	vld [tilespmem:s22+$0x60]  }
0x46: {  	v3 =	vld [tilespmem:s22+$0x2860];
	_ =	sdelay $0x4  }
0x47: {  	vm14 =	vne.s32 v2, v3;
	_ =	sdelay $0x3  }
0x48: {  	v3 =	vnsel vm14, $0x2710, v2  }
0x49: {  	[tilespmem:s22+$0x5060] =	vst v3  }
0x4a: {  	[tilespmem:v2+s12+$0x0] =	vst.idx.add.f32.msk vm14, v1  }
0x4b: {  	v2 =	vld [tilespmem:s22+$0x70]  }
0x4c: {  	v3 =	vld [tilespmem:s22+$0x2870];
	_ =	sdelay $0x4  }
0x4d: {  	vm15 =	vne.s32 v2, v3  }
0x4e: {  	p0 =	sne.s32 s21, $0x9C00  }
.Ltmp1:
0x4f: {  	_ = 	snop;
	(pc) =	sbr.rel @p0 .LBB2_4-.Ltmp1, $4  }
0x50: {  	_ = 	snop  }
0x51: {  	v3 =	vnsel vm15, $0x2710, v2  }
0x52: {  	[tilespmem:s22+$0x5070] =	vst v3  }
0x53: {  	s21 =	sadd.s32 $0x200, s21;
	[tilespmem:v2+s12+$0x0] =	vst.idx.add.f32.msk vm15, v1  }
0x54: {  	s21 =	simm.s32 $0x0  }
0x55: {  	[hbm4b:s5+s21] =	stream.linear.scatter [tilespmem:s13], [sflag:$0x1], $0x2780, $0x38;
	[tilespmem:$0xF280] =	vst v63  }
0x56: {  	_ =	swait.ge [sflag:s10], $0x2780  }
0x57: {  	[sflag:s10] =	ssyncset.done $0x0  }
0x58: {  	[sflag:s10] =	ssyncadd.s32 $0xFFFFD880  }
0x59: {  	[spmem:s6] =	stream.strided.scatter [tilespmem:s12], [sflag:$0x1], $0x2800, s15, s14, $0x38;
	[tilespmem:$0xF280] =	vst v63  }
0x5a: {  	_ =	swait.ge [sflag:s10], $0x2800  }
0x5b: {  	[sflag:s10] =	ssyncset.done $0x0  }
0x5c: {  	[sflag:s10] =	ssyncadd.s32 $0xFFFFD800  }
0x5d: {  	[bflag:$0x0] =	sbarrier.arrive $0xFFFF  }
0x5e: {  	[tilespmem:s18], [sflag:$0x1] =	stream.strided.gather [spmem:s7], $0x2800, s17, s16, $0x38;
	[tilespmem:$0xF280] =	vst v63  }
0x5f: {  	_ =	swait.ge [sflag:s10], $0x2800  }
0x60: {  	s22 =	sand.u32 $0x70, s21;
	s21 =	sand.u32 $0x1C00, s21;
	[sflag:s10] =	ssyncset.done $0x0  }
0x61: {  	s21 =	sor.u32 s22, s21;
	[sflag:s10] =	ssyncadd.s32 $0xFFFFD800  }
0x62: {  	v2 =	vld [tilespmem:s21+$0xA080]  }
0x63: {  	v3 =	vld [tilespmem:s21+$0xA000];
	_ =	sdelay $0x1  }
0x64: {  	v4 =	vld [tilespmem:s21+$0xA100];
	_ =	sdelay $0x1  }
0x65: {  	v5 =	vld [tilespmem:s21+$0xA180]  }
0x66: {  	v2 =	vadd.f32 v2, v3  }
0x67: {  	v3 =	vld [tilespmem:s21+$0xA200]  }
0x68: {  	v2 =	vadd.f32 v4, v2  }
0x69: {  	v56 =	vld [tilespmem:s21+$0xA280]  }
0x6a: {  	v2 =	vadd.f32 v5, v2  }
0x6b: {  	v57 =	vld [tilespmem:s21+$0xA300]  }
0x6c: {  	v2 =	vadd.f32 v3, v2  }
0x6d: {  	v3 =	vld [tilespmem:s21+$0xA380]  }
0x6e: {  	v2 =	vadd.f32 v56, v2  }
0x6f: {  	v58 =	vld [tilespmem:s21+$0xB400]  }
0x70: {  	v2 =	vadd.f32 v57, v2  }
0x71: {  	v59 =	vld [tilespmem:s21+$0xB480]  }
0x72: {  	v2 =	vadd.f32 v3, v2  }
0x73: {  	v3 =	vld [tilespmem:s21+$0xB500]  }
0x74: {  	v2 =	vadd.f32 v58, v2  }
0x75: {  	v60 =	vld [tilespmem:s21+$0xB580]  }
0x76: {  	v2 =	vadd.f32 v59, v2  }
0x77: {  	v61 =	vld [tilespmem:s21+$0xB600]  }
0x78: {  	v2 =	vadd.f32 v3, v2  }
0x79: {  	v3 =	vld [tilespmem:s21+$0xB680]  }
0x7a: {  	v2 =	vadd.f32 v60, v2  }
0x7b: {  	v62 =	vld [tilespmem:s21+$0xB700]  }
0x7c: {  	v2 =	vadd.f32 v61, v2  }
0x7d: {  	v63 =	vld [tilespmem:s21+$0xB780]  }
0x7e: {  	v2 =	vadd.f32 v3, v2;
	_ =	sdelay $0x1  }
0x7f: {  	v2 =	vadd.f32 v62, v2;
	_ =	sdelay $0x1  }
0x80: {  	s31 =	simm.s32 $0x10;
	s23 =	simm.s32 $0x80;
	v2 =	vadd.f32 v63, v2  }
0x81: {  	s24 =	sand.u32 $0x1C00, s23;
	s22 =	sand.u32 $0x70, s31;
	s21 =	simm.s32 $0xC800  }
0x82: {  	s22 =	sor.u32 s22, s24;
	s24 =	simm.s32 $0x20;
	[tilespmem:s21+$0x0] =	vst v2  }
.LBB2_6:
0x83: {  	p0 =	sne.s32 s24, $0x270;
	v2 =	vld [tilespmem:s22+$0xA080]  }
0x84: {  	v3 =	vld [tilespmem:s22+$0xA000];
	_ =	sdelay $0x1  }
0x85: {  	v4 =	vld [tilespmem:s22+$0xA100];
	_ =	sdelay $0x1  }
0x86: {  	v5 =	vld [tilespmem:s22+$0xA180]  }
0x87: {  	v2 =	vadd.f32 v2, v3  }
0x88: {  	v3 =	vld [tilespmem:s22+$0xA200]  }
0x89: {  	v2 =	vadd.f32 v4, v2  }
0x8a: {  	v4 =	vld [tilespmem:s22+$0xA280]  }
0x8b: {  	v2 =	vadd.f32 v5, v2  }
0x8c: {  	v5 =	vld [tilespmem:s22+$0xA300]  }
0x8d: {  	v2 =	vadd.f32 v3, v2  }
0x8e: {  	v3 =	vld [tilespmem:s22+$0xA380]  }
0x8f: {  	v2 =	vadd.f32 v4, v2  }
0x90: {  	v4 =	vld [tilespmem:s22+$0xB400]  }
0x91: {  	v2 =	vadd.f32 v5, v2  }
0x92: {  	v5 =	vld [tilespmem:s22+$0xB480]  }
0x93: {  	v2 =	vadd.f32 v3, v2  }
0x94: {  	v3 =	vld [tilespmem:s22+$0xB500]  }
0x95: {  	v2 =	vadd.f32 v4, v2  }
0x96: {  	v4 =	vld [tilespmem:s22+$0xB580]  }
0x97: {  	v2 =	vadd.f32 v5, v2  }
0x98: {  	v5 =	vld [tilespmem:s22+$0xB600]  }
0x99: {  	v2 =	vadd.f32 v3, v2  }
0x9a: {  	v3 =	vld [tilespmem:s22+$0xB680]  }
0x9b: {  	v2 =	vadd.f32 v4, v2  }
0x9c: {  	v4 =	vld [tilespmem:s22+$0xB700]  }
0x9d: {  	v2 =	vadd.f32 v5, v2  }
0x9e: {  	v5 =	vld [tilespmem:s22+$0xB780]  }
0x9f: {  	v2 =	vadd.f32 v3, v2;
	_ =	sdelay $0x1  }
.Ltmp2:
0xa0: {  	v2 =	vadd.f32 v4, v2;
	(pc) =	sbr.rel @p0 .LBB2_6-.Ltmp2, $4  }
0xa1: {  	_ = 	snop  }
0xa2: {  	s23 =	sadd.s32 $0x80, s23;
	v2 =	vadd.f32 v5, v2  }
0xa3: {  	s21 =	sadd.s32 $0x10, s21;
	s25 =	sand.u32 $0x1C00, s23;
	s22 =	sand.u32 $0x70, s24  }
0xa4: {  	s24 =	sadd.s32 $0x10, s24;
	s22 =	sor.u32 s22, s25;
	[tilespmem:s21+$0x0] =	vst v2  }
0xa5: {  	v2 =	vld [tilespmem:s22+$0xA080]  }
0xa6: {  	v3 =	vld [tilespmem:s22+$0xA000];
	_ =	sdelay $0x1  }
0xa7: {  	v4 =	vld [tilespmem:s22+$0xA100];
	_ =	sdelay $0x1  }
0xa8: {  	v5 =	vld [tilespmem:s22+$0xA180]  }
0xa9: {  	v2 =	vadd.f32 v2, v3  }
0xaa: {  	v3 =	vld [tilespmem:s22+$0xA200]  }
0xab: {  	v2 =	vadd.f32 v4, v2  }
0xac: {  	v56 =	vld [tilespmem:s22+$0xA280]  }
0xad: {  	v2 =	vadd.f32 v5, v2  }
0xae: {  	v57 =	vld [tilespmem:s22+$0xA300]  }
0xaf: {  	v2 =	vadd.f32 v3, v2  }
0xb0: {  	v3 =	vld [tilespmem:s22+$0xA380]  }
0xb1: {  	v2 =	vadd.f32 v56, v2  }
0xb2: {  	v58 =	vld [tilespmem:s22+$0xB400]  }
0xb3: {  	v2 =	vadd.f32 v57, v2  }
0xb4: {  	v59 =	vld [tilespmem:s22+$0xB480]  }
0xb5: {  	v2 =	vadd.f32 v3, v2  }
0xb6: {  	v3 =	vld [tilespmem:s22+$0xB500]  }
0xb7: {  	v2 =	vadd.f32 v58, v2  }
0xb8: {  	v60 =	vld [tilespmem:s22+$0xB580]  }
0xb9: {  	v2 =	vadd.f32 v59, v2  }
0xba: {  	v61 =	vld [tilespmem:s22+$0xB600]  }
0xbb: {  	v2 =	vadd.f32 v3, v2  }
0xbc: {  	v3 =	vld [tilespmem:s22+$0xB680]  }
0xbd: {  	v2 =	vadd.f32 v60, v2  }
0xbe: {  	v62 =	vld [tilespmem:s22+$0xB700]  }
0xbf: {  	v2 =	vadd.f32 v61, v2  }
0xc0: {  	v63 =	vld [tilespmem:s22+$0xB780]  }
0xc1: {  	v2 =	vadd.f32 v3, v2;
	_ =	sdelay $0x1  }
0xc2: {  	v2 =	vadd.f32 v62, v2;
	_ =	sdelay $0x1  }
0xc3: {  	s20 =	sadd.s32 $0x1, s20;
	v2 =	vadd.f32 v63, v2  }
0xc4: {  	s21 =	sadd.s32 $0x10, s21;
	p0 =	sne.s32 s20, s9  }
.Ltmp3:
0xc5: {  	[tilespmem:s21+$0x0] =	vst v2;
	(pc) =	sbr.rel @p0 .LBB2_1-.Ltmp3, $4  }
0xc6: {  	[hbm4b:s8+s2] =	stream.linear.scatter [tilespmem:s19], [sflag:$0x1], $0x280, $0x38;
	[tilespmem:$0xF280] =	vst v63  }
0xc7: {  	_ =	swait.ge [sflag:s10], $0x280  }
0xc8: {  	[sflag:s10] =	ssyncset.done $0x0  }
0xc9: {  	[sflag:s10] =	ssyncadd.s32 $0xFFFFFD80  }
0xca: {  	_ =	sfence.sel $0x180000  }
0xcb: {  	[bflag:$0x0] =	sbarrier.arrive $0xFFFF  }
0xcc: {  	p0 =	sne.s32 s0, $0x0;
	_ =	strace $0x90000047  }
0xcd: {  	s0 =	sadd.s32 @!p0 $0x100000, s1;
	[bflag:$0x2] =	sbarrier.arrive $0xFFFF  }
0xce: {  	[sflag:s0] =	ssyncadd.tile.s32 @!p0 $0x1;
	_ =	shalt  }
.Lfunc_end2:
_tile_overlayer_lowered:
.L_overlay_start_2:
0xcf: {  	(tag) =	ssettag $0x2  }
0xd0: {  	s0 =	rddreg [dreg:$0x0];
	s2 =	stileid.u32  }
0xd1: {  	s1 =	rddreg [dreg:$0x1];
	p0 =	sne.s32 s2, $0x0  }
0xd2: {  	s3 =	rddreg [dreg:$0x2];
	[bflag:$0x3] =	sbarrier.arrive $0xFFFF;
	s2 =	simm.s32 @!p0 $0x1C01  }
0xd3: {  	[timem:s3], [sflag:s2] =	dma.local @!p0 [hbm:s0], s1  }
0xd4: {  	s0 =	simm.s32 @!p0 $0x1  }
0xd5: {  	_ =	swait.ge @!p0 [sflag:s0], s1  }
0xd6: {  	s1 =	ssub.s32 @!p0 $0x0, s1;
	[sflag:s0] =	ssyncset.done @!p0 $0x0  }
0xd7: {  	[sflag:s0] =	ssyncadd.s32 @!p0 s1  }
0xd8: {  	[bflag:$0x3] =	sbarrier.arrive $0xFFFF  }
0xd9: {  	_ =	shalt  }

// kernel: kernel.16.cloned.1.call-start
scs
__scs_entry_jumppad:
0x0: {  	(pc) =	sbr.rel $0x88, $3  }
0x1: {  	(tag) =	ssettag $0x0;
	lr =	simm.s32 $0x1  }
0x2: {  	[smem:$0x3F9D] =	sst lr;
	_ =	strace $0xD0000000  }
0x3: {  	_ = 	snop  }
0x4: {  	_ = 	snop  }
0x5: {  	_ = 	snop  }
0x6: {  	_ = 	snop  }
0x7: {  	_ = 	snop  }
__scs_overlays_trampoline_lowered:
0x8: {  	[smem:$0x3FAC] =	sst s0  }
0x9: {  	[smem:$0x3FAD] =	sst s1  }
0xa: {  	[smem:$0x3FAE] =	sst s2  }
0xb: {  	[smem:$0x3FAF] =	sst s3  }
0xc: {  	[smem:$0x3FB0] =	sst s4  }
0xd: {  	[smem:$0x3FB1] =	sst s5  }
0xe: {  	[smem:$0x3FB2] =	sst s6  }
0xf: {  	[smem:$0x3FB3] =	sst s7  }
0x10: {  	[smem:$0x3FB4] =	sst s8  }
0x11: {  	[smem:$0x3FB5] =	sst s9;
	s0 =	simm.s32 @!p0 $0x0  }
0x12: {  	s1 =	sld [smem:$0x3F9B];
	s0 =	simm.s32 @p0 $0x1  }
0x13: {  	[smem:$0x3FB6] =	sst s0;
	s0 =	simm.s32 @!p1 $0x0  }
0x14: {  	s2 =	sld [smem:$0x3F9A];
	s0 =	simm.s32 @p1 $0x1  }
0x15: {  	[smem:$0x3FB7] =	sst s0;
	s0 =	simm.s32 @!p2 $0x0  }
0x16: {  	s3 =	sld [smem:$0x3FDB];
	s0 =	simm.s32 @p2 $0x1  }
0x17: {  	s4 =	simm.s32 $0x1BF5;
	[smem:$0x3FB9] =	sst s0  }
0x18: {  	s0 =	sld [smem:$0x3F9C];
	_ =	swait.ge [sflag:s4], $0x0  }
0x19: {  	s7 =	sld [smem:$0x3F9D]  }
0x1a: {  	s8 =	sadd.s32 $0xFFFFE003, lr  }
0x1b: {  	s9 =	sadd.s32 $0xFFFFFEF7, lr;
	s5 =	simm.s32 $0xFFFFFFFF;
	p2 =	slt.u32 s8, $0xFFFFF086  }
0x1c: {  	p1 =	slt.u32 s9, $0xF7A;
	s5 =	simm.s32 @!p2 $0x0  }
0x1d: {  	s5 =	simm.s32 @p1 $0x1;
	p0 =	seq.s32 s7, s2  }
0x1e: {  	s7 =	smul.u32 @!p0 $0xF7A, s2;
	p2 =	seq.s32 @!p0 s5, $0x0  }
0x1f: {  	s9 =	smul.u32 $0xF7A, s1;
	s8 =	simm.s32 @!p0 $0x1BF5;
	p2 =	por !p2, p0  }
0x20: {  	[sflag:s8] =	ssyncset.s32 @!p0 $0xFFFFF086;
	s6 =	sadd.s32 @!p0 s3, s7;
	s7 =	simm.s32 @!p0 $0x108  }
0x21: {  	s3 =	sadd.s32 s3, s9;
	s6 =	sadd.s32 @!p0 $0x88, s6;
	s7 =	simm.s32 @p2 $0x1082  }
0x22: {  	[simem:s7], [sflag:s8] =	dma.local @!p0 [hbm:s6], $0xF7A  }
0x23: {  	s9 =	sor.u32 $0xD0000000, s2;
	s6 =	simm.s32 $0x108;
	_ =	swait.ge @!p0 [sflag:s8], $0x0  }
0x24: {  	s3 =	sadd.s32 $0x88, s3;
	s6 =	simm.s32 @!p1 $0x1082;
	[sflag:s4] =	ssyncset.s32 $0xFFFFF086  }
0x25: {  	[simem:s6], [sflag:s4] =	dma.local [hbm:s3], $0xF7A  }
0x26: {  	[smem:$0x3F9D] =	sst s1;
	(tag) =	ssettag s2;
	_ =	strace s9  }
0x27: {  	s1 =	sld [smem:$0x3FAD]  }
0x28: {  	s2 =	sld [smem:$0x3FAE]  }
0x29: {  	s4 =	sld [smem:$0x3FB0]  }
0x2a: {  	p0 =	seq.s32 s5, $0x0;
	s5 =	sld [smem:$0x3FB1]  }
0x2b: {  	s6 =	sld [smem:$0x3FB2]  }
0x2c: {  	s7 =	sld [smem:$0x3FB3]  }
0x2d: {  	s3 =	simm.s32 $0x108;
	s8 =	sld [smem:$0x3FB4]  }
0x2e: {  	s3 =	simm.s32 @!p0 $0x1082;
	s9 =	sld [smem:$0x3FB5]  }
0x2f: {  	lr =	sadd.s32 s0, s3;
	s0 =	sld [smem:$0x3FAC]  }
0x30: {  	s3 =	sld [smem:$0x3FAF]  }
0x31: {  	[smem:$0x3FB8] =	sst s10  }
0x32: {  	s10 =	sld [smem:$0x3FB6];
	_ =	sdelay $0x3  }
0x33: {  	p0 =	seq.s32 s10, $0x1;
	s10 =	sld [smem:$0x3FB8];
	_ =	sdelay $0x3  }
0x34: {  	[smem:$0x3FB8] =	sst s10  }
0x35: {  	s10 =	sld [smem:$0x3FB7];
	_ =	sdelay $0x3  }
0x36: {  	p1 =	seq.s32 s10, $0x1;
	s10 =	sld [smem:$0x3FB8];
	_ =	sdelay $0x3  }
0x37: {  	[smem:$0x3FB8] =	sst s10  }
0x38: {  	s10 =	sld [smem:$0x3FB9]  }
0x39: {  	_ = 	snop;
	(pc) =	sbr.ind lr, $3  }
0x3a: {  	_ = 	snop  }
0x3b: {  	_ = 	snop  }
0x3c: {  	p2 =	seq.s32 s10, $0x1;
	s10 =	sld [smem:$0x3FB8]  }
0x3d: {  	_ =	shalt  }
0x3e: {  	_ =	shalt  }
0x3f: {  	_ =	shalt  }
0x40: {  	_ =	shalt  }
0x41: {  	_ =	shalt  }
0x42: {  	_ =	shalt  }
0x43: {  	_ =	shalt  }
0x44: {  	_ =	shalt  }
0x45: {  	_ =	shalt  }
0x46: {  	_ =	shalt  }
0x47: {  	_ =	shalt  }
0x48: {  	_ =	shalt  }
0x49: {  	_ =	shalt  }
0x4a: {  	_ =	shalt  }
0x4b: {  	_ =	shalt  }
0x4c: {  	_ =	shalt  }
0x4d: {  	_ =	shalt  }
0x4e: {  	_ =	shalt  }
0x4f: {  	_ =	shalt  }
0x50: {  	_ =	shalt  }
0x51: {  	_ =	shalt  }
0x52: {  	_ =	shalt  }
0x53: {  	_ =	shalt  }
0x54: {  	_ =	shalt  }
0x55: {  	_ =	shalt  }
0x56: {  	_ =	shalt  }
0x57: {  	_ =	shalt  }
0x58: {  	_ =	shalt  }
0x59: {  	_ =	shalt  }
0x5a: {  	_ =	shalt  }
0x5b: {  	_ =	shalt  }
0x5c: {  	_ =	shalt  }
0x5d: {  	_ =	shalt  }
0x5e: {  	_ =	shalt  }
0x5f: {  	_ =	shalt  }
0x60: {  	_ =	shalt  }
0x61: {  	_ =	shalt  }
0x62: {  	_ =	shalt  }
0x63: {  	_ =	shalt  }
0x64: {  	_ =	shalt  }
0x65: {  	_ =	shalt  }
0x66: {  	_ =	shalt  }
0x67: {  	_ =	shalt  }
0x68: {  	_ =	shalt  }
0x69: {  	_ =	shalt  }
0x6a: {  	_ =	shalt  }
0x6b: {  	_ =	shalt  }
0x6c: {  	_ =	shalt  }
0x6d: {  	_ =	shalt  }
0x6e: {  	_ =	shalt  }
0x6f: {  	_ =	shalt  }
0x70: {  	_ =	shalt  }
0x71: {  	_ =	shalt  }
0x72: {  	_ =	shalt  }
0x73: {  	_ =	shalt  }
0x74: {  	_ =	shalt  }
0x75: {  	_ =	shalt  }
0x76: {  	_ =	shalt  }
0x77: {  	_ =	shalt  }
0x78: {  	_ =	shalt  }
0x79: {  	_ =	shalt  }
0x7a: {  	_ =	shalt  }
0x7b: {  	_ =	shalt  }
0x7c: {  	_ =	shalt  }
0x7d: {  	_ =	shalt  }
0x7e: {  	_ =	shalt  }
0x7f: {  	_ =	shalt  }
0x80: {  	_ =	shalt  }
0x81: {  	_ =	shalt  }
0x82: {  	_ =	shalt  }
0x83: {  	_ =	shalt  }
0x84: {  	_ =	shalt  }
0x85: {  	_ =	shalt  }
0x86: {  	_ =	shalt  }
0x87: {  	_ =	shalt  }
.Lfunc_end0:
.L_simem_size_0:
called_computation.1_lowered:
.L_overlay_start_0:
0x88: {  	s2 =	sld [smem:$0x3FD9]  }
0x89: {  	s3 =	sld [smem:$0x3FFE];
	_ =	sdelay $0x1  }
0x8a: {  	s1 =	srdreg.scid  }
0x8b: {  	s0 =	sand.u32 $0x1, s1  }
0x8c: {  	s16 =	sshll.u32 s0, $0xA;
	s2 =	sadd.s32 s3, s2  }
0x8d: {  	s2 =	sadd.s32 s2, s16  }
0x8e: {  	[smem:$0x3FC4] =	sst s2  }
0x8f: {  	_ = 	snop  }
0x90: {  	(tm) =	ssettm $0x1  }
0x91: {  	s17 =	sld [smem:$0x3FFB];
	_ =	sdelay $0x3  }
0x92: {  	_ =	strace s17  }
0x93: {  	s2 =	sld [smem:$0x3FFC];
	_ =	sdelay $0x3  }
0x94: {  	_ =	strace s2  }
0x95: {  	s2 =	sld [smem:$0x3FFD];
	_ =	sdelay $0x3  }
0x96: {  	_ =	strace s2  }
0x97: {  	_ =	strace $0x8FFFFFFF  }
0x98: {  	s18 =	sld [smem:$0x3FDB];
	_ =	sdelay $0x1  }
0x99: {  	s19 =	simm.s32 $_scs_section_size  }
0x9a: {  	s4 =	simm.s32 $_size__tile_overlayer_lowered;
	s5 =	simm.s32 $_tile_overlayer_lowered  }
0x9b: {  	s22 =	simm.s32 $0x1BFF;
	s21 =	sshll.u32 s5, $0x1;
	s2 =	sadd.s32 s19, s18  }
0x9c: {  	s6 =	simm.s32 $0x0;
	s20 =	sshll.u32 s4, $0x1;
	s4 =	sadd.s32 s21, s2  }
0x9d: {  	[timem:s6], [sflag:s22] =	dma.local [hbm:s4], s20  }
0x9e: {  	_ =	swait.ge [sflag:s22], s20  }
0x9f: {  	s3 =	ssub.s32 $0x0, s20;
	[sflag:s22] =	ssyncset.done $0x0  }
0xa0: {  	[sflag:s22] =	ssyncadd.s32 s3;
	_ =	sdelay $0x1  }
0xa1: {  	s23 =	simm.s32 $0x1B8B  }
0xa2: {  	_ =	swait.ge [sflag:s23], $0x1  }
0xa3: {  	[sflag:s23] =	ssyncset.done $0x0  }
0xa4: {  	s25 =	simm.s32 $0x1B8E;
	s24 =	sld [smem:$0x3FFE];
	[sflag:s23] =	ssyncadd.s32 $0xFFFFFFFF  }
0xa5: {  	s26 =	simm.s32 $execute0_lowered;
	[smem:$0x3FD2] =	sst s25  }
0xa6: {  	s4 =	sshll.u32 s26, $0x1;
	_ =	strace $0x80000049;
	[dreg:$0x1] =	wrdreg $0xFFFFFFFF  }
0xa7: {  	s28 =	simm.s32 $_size_execute0_lowered;
	s2 =	sadd.s32 s2, s4;
	[dreg:$0x0] =	wrdreg $0x0  }
0xa8: {  	s4 =	sshll.u32 s28, $0x1;
	[dreg:$0x2] =	wrdreg s2  }
0xa9: {  	[dreg:$0x3] =	wrdreg s4  }
0xaa: {  	[dreg:$0x4] =	wrdreg $0xC0  }
0xab: {  	_ =	task [dreg:s6], $0x5FFFF  }
0xac: {  	[dreg:$0x1] =	wrdreg $0xFFFFFFFF  }
0xad: {  	[dreg:$0x0] =	wrdreg $0x60  }
0xae: {  	[dreg:$0x2] =	wrdreg s24  }
0xaf: {  	[dreg:$0x3] =	wrdreg $0xA8000  }
0xb0: {  	[dreg:$0x4] =	wrdreg $0x9  }
0xb1: {  	_ =	task.clear_ibuf [dreg:s6], $0x5FFFF;
	_ =	strace $0x90000049  }
0xb2: {  	s29 =	simm.s32 $0x9;
	_ =	strace $0x8000004B  }
0xb3: {  	_ =	swait.ge [sflag:s29], $0x1  }
0xb4: {  	[sflag:s29] =	ssyncadd.s32 $0xFFFFFFFF  }
0xb5: {  	_ =	strace $0x9000004B  }
0xb6: {  	_ =	sfence  }
0xb7: {  	s30 =	sld [smem:$0x0];
	_ =	sdelay $0x2  }
0xb8: {  	s31 =	sshll.u32 s1, $0xD;
	s1 =	sshrl.u32 s1, $0x2  }
0xb9: {  	s3 =	sand.u32 $0x4000, s31;
	s1 =	sadd.s32 s1, s30  }
0xba: {  	s0 =	sor.u32 s3, s0;
	s1 =	sshll.u32 s1, $0x11  }
0xbb: {  	s0 =	sor.u32 s1, s0  }
0xbc: {  	s0 =	sadd.s32 $0x8F2B, s0  }
0xbd: {  	[sflag:s0] =	ssyncadd.remote.s32 $0x1  }
0xbe: {  	_ =	sfence.sel $0xFFFF  }
0xbf: {  	[dreg:$0x0] =	wrdreg $0xFFFFFFFF;
	(pc) =	sbr.abs _section_cstart, $3  }
0xc0: {  	[dreg:$0x1] =	wrdreg $0xFFFFFFFF  }
0xc1: {  	_ =	task.clear_ibuf [dreg:s6], $0x2FFFF;
	_ =	strace $0x9FFFFFFF  }
0xc2: {  	(tm) =	ssettm $0x7FFFFFFF  }
0xc3: {  	_ =	shalt  }
tec
execute0_lowered:
.L_overlay_start_1:
0x0: {  	(tag) =	ssettag $0x1  }
0x1: {  	s5 =	rddreg [dreg:$0x0]  }
0x2: {  	s0 =	srdreg.scid;
	s2 =	rddreg [dreg:$0x1]  }
0x3: {  	s1 =	stileid.u32;
	s3 =	simm.s32 $0x0;
	s17 =	simm.s32 $0x3  }
0x4: {  	s18 =	simm.s32 $0x1400;
	s19 =	simm.s32 $0x80;
	s20 =	simm.s32 $0x6800  }
0x5: {  	s21 =	simm.s32 $0x1;
	s22 =	simm.s32 $0x4;
	s23 =	simm.s32 $0x2  }
0x6: {  	s24 =	simm.s32 $0x1380;
	s25 =	simm.s32 $0x2700;
	s6 =	sand.u32 $0x1, s0  }
0x7: {  	s8 =	smul.u32 $0x14000, s1;
	[smem:$0x7FF] =	sst s3;
	s4 =	sadd.s32 $0x18400, s5  }
0x8: {  	s12 =	sadd.s32 $0xE400, s5;
	s26 =	smul.u32 $0x50000, s1;
	s13 =	sadd.s32 $0x3A00, s5  }
0x9: {  	s7 =	smul.u32 $0x140000, s6;
	_ =	strace $0x8000004A;
	s28 =	sshll.u32 s6, $0x4  }
0xa: {  	s6 =	ssub.s32 $0x2, s6;
	s29 =	sor.u32 s1, s28;
	s30 =	sshrl.u32 s26, $0x2  }
0xb: {  	s31 =	sshrl.u32 s6, $0x1;
	s26 =	simm.s32 $0x2780;
	s7 =	sadd.s32 s8, s7  }
0xc: {  	s10 =	smul.u32 $0x2800, s29;
	s15 =	ssub.s32 s6, s31;
	s7 =	sshrl.u32 s7, $0x3  }
0xd: {  	s15 =	smax.u32 s15, $0x1;
	s14 =	sadd.s32 s7, s5;
	s5 =	sadd.s32 s30, s2  }
0xe: {  	s16 =	sshrl.u32 s10, $0x3;
	s6 =	sadd.s32 $0x4000, s5;
	s7 =	sadd.s32 $0x8000, s5  }
0xf: {  	s8 =	sadd.s32 $0xC000, s5;
	s9 =	sadd.s32 $0x10000, s5;
	s10 =	sadd.s32 s12, s16  }
0x10: {  	s11 =	sadd.s32 s13, s16;
	s16 =	sadd.s32 $0x280, s16;
	s14 =	sadd.s32 $0x40400, s14  }
0x11: {  	v0 =	vimm.f32 $0.0e+00;
	s12 =	sadd.s32 s12, s16;
	s13 =	sadd.s32 s13, s16;
	s16 =	simm.s32 $0x2800  }
.LBB2_1:
0x12: {  	s28 =	simm.s32 $0x0;
	s29 =	simm.s32 $0x200  }
.LBB2_2:
0x13: {  	p0 =	sne.s32 s29, $0xFE00;
	[tilespmem:s28+$0x2870] =	vst v0  }
0x14: {  	[tilespmem:s28+$0x2800] =	vst v0  }
0x15: {  	[tilespmem:s28+$0x2810] =	vst v0  }
.Ltmp0:
0x16: {  	[tilespmem:s28+$0x2820] =	vst v0;
	(pc) =	sbr.rel @p0 .LBB2_2-.Ltmp0, $4  }
0x17: {  	[tilespmem:s28+$0x2830] =	vst v0  }
0x18: {  	[tilespmem:s28+$0x2840] =	vst v0  }
0x19: {  	[tilespmem:s28+$0x2850] =	vst v0  }
0x1a: {  	[tilespmem:s28+$0x2860] =	vst v0;
	s28 =	sshra.s32 s29, $0x2;
	s29 =	sadd.s32 $0x200, s29  }
0x1b: {  	[tilespmem:s28+$0x2870] =	vst v0  }
0x1c: {  	[tilespmem:s28+$0x2800] =	vst v0  }
0x1d: {  	[tilespmem:s28+$0x2810] =	vst v0  }
0x1e: {  	[tilespmem:s28+$0x2820] =	vst v0  }
0x1f: {  	[tilespmem:s28+$0x2830] =	vst v0  }
0x20: {  	[tilespmem:s28+$0x2840] =	vst v0  }
0x21: {  	[tilespmem:s28+$0x2850] =	vst v0  }
0x22: {  	[tilespmem:s28+$0x2860] =	vst v0  }
0x23: {  	[spmem:s5] =	stream.linear.scatter [tilespmem:s16], [sflag:$0x3], $0x4000, $0x38;
	[tilespmem:$0x1E800] =	vst v63  }
0x24: {  	_ =	swait.ge [sflag:s17], $0x4000  }
0x25: {  	[sflag:s17] =	ssyncset.done $0x0  }
0x26: {  	[sflag:s17] =	ssyncadd.s32 $0xFFFFC000  }
0x27: {  	[spmem:s6] =	stream.linear.scatter [tilespmem:s16], [sflag:$0x3], $0x4000, $0x38;
	[tilespmem:$0x1E800] =	vst v63  }
0x28: {  	_ =	swait.ge [sflag:s17], $0x4000  }
0x29: {  	[sflag:s17] =	ssyncset.done $0x0  }
0x2a: {  	[sflag:s17] =	ssyncadd.s32 $0xFFFFC000  }
0x2b: {  	[spmem:s7] =	stream.linear.scatter [tilespmem:s16], [sflag:$0x3], $0x4000, $0x38;
	[tilespmem:$0x1E800] =	vst v63  }
0x2c: {  	_ =	swait.ge [sflag:s17], $0x4000  }
0x2d: {  	[sflag:s17] =	ssyncset.done $0x0  }
0x2e: {  	[sflag:s17] =	ssyncadd.s32 $0xFFFFC000  }
0x2f: {  	[spmem:s8] =	stream.linear.scatter [tilespmem:s16], [sflag:$0x3], $0x4000, $0x38;
	[tilespmem:$0x1E800] =	vst v63  }
0x30: {  	_ =	swait.ge [sflag:s17], $0x4000  }
0x31: {  	[sflag:s17] =	ssyncset.done $0x0  }
0x32: {  	[sflag:s17] =	ssyncadd.s32 $0xFFFFC000  }
0x33: {  	[spmem:s9] =	stream.linear.scatter [tilespmem:s16], [sflag:$0x3], $0x4000, $0x38;
	[tilespmem:$0x1E800] =	vst v63  }
0x34: {  	_ =	swait.ge [sflag:s17], $0x4000  }
0x35: {  	[sflag:s17] =	ssyncset.done $0x0  }
0x36: {  	[sflag:s17] =	ssyncadd.s32 $0xFFFFC000  }
0x37: {  	s28 =	simm.s32 $0x0;
	[bflag:$0x0] =	sbarrier.arrive $0xFFFF  }
0x38: {  	[tilespmem:s28], [sflag:$0x3] =	stream.linear.gather [hbm4b:s10+s28], $0x1400, $0x38;
	[tilespmem:$0x1E800] =	vst v63  }
0x39: {  	_ =	swait.ge [sflag:s17], $0x1400  }
0x3a: {  	[sflag:s17] =	ssyncset.done $0x0  }
0x3b: {  	[sflag:s17] =	ssyncadd.s32 $0xFFFFEC00  }
0x3c: {  	[tilespmem:s18], [sflag:$0x3] =	stream.linear.gather [hbm4b:s11+s28], $0x1400, $0x38;
	[tilespmem:$0x1E800] =	vst v63  }
0x3d: {  	_ =	swait.ge [sflag:s17], $0x1400  }
0x3e: {  	[sflag:s17] =	ssyncset.done $0x0  }
0x3f: {  	[sflag:s17] =	ssyncadd.s32 $0xFFFFEC00  }
0x40: {  	[tilespmem:s16], [sflag:$0x1] =	stream.indirect.gather [hbm4b:s4+s19], $0x80, s28, s19, $0xb8;
	[tilespmem:$0x1E800] =	vst v63  }
0x41: {  	s28 =	simm.s32 $0x80  }
0x42: {  	[tilespmem:s20], [sflag:$0x2] =	stream.indirect.gather [hbm4b:s4+s19], $0x80, s28, s19, $0xb8;
	[tilespmem:$0x1E800] =	vst v63  }
0x43: {  	_ =	swait.ge [sflag:s21], $0x4000  }
0x44: {  	[sflag:s21] =	ssyncset.done $0x0  }
0x45: {  	s28 =	simm.s32 $0x1400;
	[sflag:s21] =	ssyncadd.s32 $0xFFFFC000  }
0x46: {  	[spmem:s2] =	stream.indirect.scatter.add.f32 [tilespmem:s16], [sflag:$0x4], $0x80, s28, s19, $0xb8;
	[tilespmem:$0x1E800] =	vst v63  }
0x47: {  	_ =	swait.ge [sflag:s22], $0x4000  }
0x48: {  	[sflag:s22] =	ssyncset.done $0x0  }
0x49: {  	s28 =	simm.s32 $0x100;
	[sflag:s22] =	ssyncadd.s32 $0xFFFFC000  }
0x4a: {  	[tilespmem:s16], [sflag:$0x1] =	stream.indirect.gather [hbm4b:s4+s19], $0x80, s28, s19, $0xb8;
	[tilespmem:$0x1E800] =	vst v63  }
0x4b: {  	_ =	swait.ge [sflag:s23], $0x4000  }
0x4c: {  	[sflag:s23] =	ssyncset.done $0x0  }
0x4d: {  	s28 =	simm.s32 $0x1480;
	[sflag:s23] =	ssyncadd.s32 $0xFFFFC000  }
0x4e: {  	[spmem:s2] =	stream.indirect.scatter.add.f32 [tilespmem:s20], [sflag:$0x3], $0x80, s28, s19, $0xb8;
	[tilespmem:$0x1E800] =	vst v63  }
0x4f: {  	_ =	swait.ge [sflag:s17], $0x4000  }
0x50: {  	s29 =	simm.s32 $0x800;
	s28 =	simm.s32 $0x100;
	[sflag:s17] =	ssyncset.done $0x0  }
.LBB2_4:
0x51: {  	s30 =	sadd.s32 $0x80, s28  }
0x52: {  	[sflag:s17] =	ssyncadd.s32 $0xFFFFC000;
	s31 =	smov.u32 s29;
	s0 =	sadd.s32 $0x400, s29  }
0x53: {  	[tilespmem:s20], [sflag:$0x2] =	stream.indirect.gather [hbm4b:s4+s19], $0x80, s30, s19, $0xb8;
	[tilespmem:$0x1E800] =	vst v63  }
0x54: {  	p0 =	sne.s32 s29, $0x4800;
	_ =	swait.ge [sflag:s21], $0x4000  }
0x55: {  	[sflag:s21] =	ssyncset.done $0x0  }
0x56: {  	s29 =	sadd.s32 $0x1400, s28;
	[sflag:s21] =	ssyncadd.s32 $0xFFFFC000  }
0x57: {  	[spmem:s2] =	stream.indirect.scatter.add.f32 [tilespmem:s16], [sflag:$0x4], $0x80, s29, s19, $0xb8;
	[tilespmem:$0x1E800] =	vst v63  }
0x58: {  	_ =	swait.ge [sflag:s22], $0x4000  }
0x59: {  	[sflag:s22] =	ssyncset.done $0x0  }
0x5a: {  	s29 =	sadd.s32 $0x100, s28;
	[sflag:s22] =	ssyncadd.s32 $0xFFFFC000  }
0x5b: {  	[tilespmem:s16], [sflag:$0x1] =	stream.indirect.gather [hbm4b:s4+s19], $0x80, s29, s19, $0xb8;
	[tilespmem:$0x1E800] =	vst v63  }
0x5c: {  	_ =	swait.ge [sflag:s23], $0x4000  }
.Ltmp1:
0x5d: {  	[sflag:s23] =	ssyncset.done $0x0;
	(pc) =	sbr.rel @p0 .LBB2_4-.Ltmp1, $4  }
0x5e: {  	s28 =	sadd.s32 $0x1480, s28;
	[sflag:s23] =	ssyncadd.s32 $0xFFFFC000  }
0x5f: {  	[spmem:s2] =	stream.indirect.scatter.add.f32 [tilespmem:s20], [sflag:$0x3], $0x80, s28, s19, $0xb8;
	[tilespmem:$0x1E800] =	vst v63  }
0x60: {  	_ =	swait.ge [sflag:s17], $0x4000  }
0x61: {  	s29 =	smov.u32 s0;
	s28 =	sshra.s32 s31, $0x2;
	[sflag:s17] =	ssyncset.done $0x0  }
0x62: {  	s0 =	sadd.s32 $0x80, s28;
	[sflag:s17] =	ssyncadd.s32 $0xFFFFC000  }
0x63: {  	[tilespmem:s20], [sflag:$0x2] =	stream.indirect.gather [hbm4b:s4+s19], $0x80, s0, s19, $0xb8;
	[tilespmem:$0x1E800] =	vst v63  }
0x64: {  	_ =	swait.ge [sflag:s21], $0x4000  }
0x65: {  	[sflag:s21] =	ssyncset.done $0x0  }
0x66: {  	s30 =	sadd.s32 $0x1400, s28;
	[sflag:s21] =	ssyncadd.s32 $0xFFFFC000  }
0x67: {  	[spmem:s2] =	stream.indirect.scatter.add.f32 [tilespmem:s16], [sflag:$0x4], $0x80, s30, s19, $0xb8;
	[tilespmem:$0x1E800] =	vst v63  }
0x68: {  	_ =	swait.ge [sflag:s22], $0x4000  }
0x69: {  	[sflag:s22] =	ssyncset.done $0x0  }
0x6a: {  	s31 =	sadd.s32 $0x100, s28;
	[sflag:s22] =	ssyncadd.s32 $0xFFFFC000  }
0x6b: {  	[tilespmem:s16], [sflag:$0x1] =	stream.indirect.gather [hbm4b:s4+s19], $0x80, s31, s19, $0xb8;
	[tilespmem:$0x1E800] =	vst v63  }
0x6c: {  	_ =	swait.ge [sflag:s23], $0x4000  }
0x6d: {  	[sflag:s23] =	ssyncset.done $0x0  }
0x6e: {  	s30 =	sadd.s32 $0x1480, s28;
	[sflag:s23] =	ssyncadd.s32 $0xFFFFC000  }
0x6f: {  	[spmem:s2] =	stream.indirect.scatter.add.f32 [tilespmem:s20], [sflag:$0x3], $0x80, s30, s19, $0xb8;
	[tilespmem:$0x1E800] =	vst v63  }
0x70: {  	_ =	swait.ge [sflag:s17], $0x4000  }
0x71: {  	[sflag:s17] =	ssyncset.done $0x0  }
0x72: {  	[sflag:s17] =	ssyncadd.s32 $0xFFFFC000  }
0x73: {  	[tilespmem:s20], [sflag:$0x2] =	stream.indirect.gather [hbm4b:s4+s19], $0x80, s24, s19, $0xb8;
	[tilespmem:$0x1E800] =	vst v63  }
0x74: {  	_ =	swait.ge [sflag:s21], $0x4000  }
0x75: {  	[sflag:s21] =	ssyncset.done $0x0  }
0x76: {  	[sflag:s21] =	ssyncadd.s32 $0xFFFFC000  }
0x77: {  	[spmem:s2] =	stream.indirect.scatter.add.f32 [tilespmem:s16], [sflag:$0x4], $0x80, s25, s19, $0xb8;
	[tilespmem:$0x1E800] =	vst v63  }
0x78: {  	_ =	swait.ge [sflag:s22], $0x4000  }
0x79: {  	[sflag:s22] =	ssyncset.done $0x0  }
0x7a: {  	[sflag:s22] =	ssyncadd.s32 $0xFFFFC000  }
0x7b: {  	_ =	swait.ge [sflag:s23], $0x4000  }
0x7c: {  	[sflag:s23] =	ssyncset.done $0x0  }
0x7d: {  	[sflag:s23] =	ssyncadd.s32 $0xFFFFC000  }
0x7e: {  	[spmem:s2] =	stream.indirect.scatter.add.f32 [tilespmem:s20], [sflag:$0x3], $0x80, s26, s19, $0xb8;
	[tilespmem:$0x1E800] =	vst v63  }
0x7f: {  	_ =	swait.ge [sflag:s17], $0x4000  }
0x80: {  	[sflag:s17] =	ssyncset.done $0x0  }
0x81: {  	s31 =	simm.s32 $0x0;
	[sflag:s17] =	ssyncadd.s32 $0xFFFFC000  }
0x82: {  	[tilespmem:s31], [sflag:$0x3] =	stream.linear.gather [hbm4b:s12+s31], $0x1380, $0x38;
	[tilespmem:$0x1E800] =	vst v63  }
0x83: {  	_ =	swait.ge [sflag:s17], $0x1380  }
0x84: {  	[sflag:s17] =	ssyncset.done $0x0  }
0x85: {  	[sflag:s17] =	ssyncadd.s32 $0xFFFFEC80  }
0x86: {  	[tilespmem:s18], [sflag:$0x3] =	stream.linear.gather [hbm4b:s13+s31], $0x1380, $0x38;
	[tilespmem:$0x1E800] =	vst v63  }
0x87: {  	_ =	swait.ge [sflag:s17], $0x1380  }
0x88: {  	[sflag:s17] =	ssyncset.done $0x0  }
0x89: {  	[sflag:s17] =	ssyncadd.s32 $0xFFFFEC80  }
0x8a: {  	[tilespmem:s16], [sflag:$0x1] =	stream.indirect.gather [hbm4b:s4+s19], $0x80, s31, s19, $0xb8;
	[tilespmem:$0x1E800] =	vst v63  }
0x8b: {  	s30 =	simm.s32 $0x80  }
0x8c: {  	[tilespmem:s20], [sflag:$0x2] =	stream.indirect.gather [hbm4b:s4+s19], $0x80, s30, s19, $0xb8;
	[tilespmem:$0x1E800] =	vst v63  }
0x8d: {  	_ =	swait.ge [sflag:s21], $0x4000  }
0x8e: {  	[sflag:s21] =	ssyncset.done $0x0  }
0x8f: {  	s31 =	simm.s32 $0x1400;
	[sflag:s21] =	ssyncadd.s32 $0xFFFFC000  }
0x90: {  	[spmem:s2] =	stream.indirect.scatter.add.f32 [tilespmem:s16], [sflag:$0x4], $0x80, s31, s19, $0xb8;
	[tilespmem:$0x1E800] =	vst v63  }
0x91: {  	_ =	swait.ge [sflag:s22], $0x4000  }
0x92: {  	[sflag:s22] =	ssyncset.done $0x0  }
0x93: {  	s30 =	simm.s32 $0x100;
	[sflag:s22] =	ssyncadd.s32 $0xFFFFC000  }
0x94: {  	[tilespmem:s16], [sflag:$0x1] =	stream.indirect.gather [hbm4b:s4+s19], $0x80, s30, s19, $0xb8;
	[tilespmem:$0x1E800] =	vst v63  }
0x95: {  	_ =	swait.ge [sflag:s23], $0x4000  }
0x96: {  	[sflag:s23] =	ssyncset.done $0x0  }
0x97: {  	s31 =	simm.s32 $0x1480;
	[sflag:s23] =	ssyncadd.s32 $0xFFFFC000  }
0x98: {  	[spmem:s2] =	stream.indirect.scatter.add.f32 [tilespmem:s20], [sflag:$0x3], $0x80, s31, s19, $0xb8;
	[tilespmem:$0x1E800] =	vst v63  }
0x99: {  	_ =	swait.ge [sflag:s17], $0x4000  }
0x9a: {  	s29 =	simm.s32 $0x800;
	s28 =	simm.s32 $0x100;
	[sflag:s17] =	ssyncset.done $0x0  }
.LBB2_6:
0x9b: {  	s0 =	sadd.s32 $0x80, s28  }
0x9c: {  	[sflag:s17] =	ssyncadd.s32 $0xFFFFC000;
	s30 =	smov.u32 s29;
	s31 =	sadd.s32 $0x400, s29  }
0x9d: {  	[tilespmem:s20], [sflag:$0x2] =	stream.indirect.gather [hbm4b:s4+s19], $0x80, s0, s19, $0xb8;
	[tilespmem:$0x1E800] =	vst v63  }
0x9e: {  	p0 =	sne.s32 s29, $0x4800;
	_ =	swait.ge [sflag:s21], $0x4000  }
0x9f: {  	[sflag:s21] =	ssyncset.done $0x0  }
0xa0: {  	s0 =	sadd.s32 $0x1400, s28;
	[sflag:s21] =	ssyncadd.s32 $0xFFFFC000  }
0xa1: {  	[spmem:s2] =	stream.indirect.scatter.add.f32 [tilespmem:s16], [sflag:$0x4], $0x80, s0, s19, $0xb8;
	[tilespmem:$0x1E800] =	vst v63  }
0xa2: {  	_ =	swait.ge [sflag:s22], $0x4000  }
0xa3: {  	[sflag:s22] =	ssyncset.done $0x0  }
0xa4: {  	s0 =	sadd.s32 $0x100, s28;
	[sflag:s22] =	ssyncadd.s32 $0xFFFFC000  }
0xa5: {  	[tilespmem:s16], [sflag:$0x1] =	stream.indirect.gather [hbm4b:s4+s19], $0x80, s0, s19, $0xb8;
	[tilespmem:$0x1E800] =	vst v63  }
0xa6: {  	_ =	swait.ge [sflag:s23], $0x4000  }
.Ltmp2:
0xa7: {  	[sflag:s23] =	ssyncset.done $0x0;
	(pc) =	sbr.rel @p0 .LBB2_6-.Ltmp2, $4  }
0xa8: {  	s0 =	sadd.s32 $0x1480, s28;
	[sflag:s23] =	ssyncadd.s32 $0xFFFFC000  }
0xa9: {  	[spmem:s2] =	stream.indirect.scatter.add.f32 [tilespmem:s20], [sflag:$0x3], $0x80, s0, s19, $0xb8;
	[tilespmem:$0x1E800] =	vst v63  }
0xaa: {  	_ =	swait.ge [sflag:s17], $0x4000  }
0xab: {  	s29 =	smov.u32 s31;
	s28 =	sshra.s32 s30, $0x2;
	[sflag:s17] =	ssyncset.done $0x0  }
0xac: {  	s0 =	sadd.s32 $0x80, s28;
	[sflag:s17] =	ssyncadd.s32 $0xFFFFC000  }
0xad: {  	[tilespmem:s20], [sflag:$0x2] =	stream.indirect.gather [hbm4b:s4+s19], $0x80, s0, s19, $0xb8;
	[tilespmem:$0x1E800] =	vst v63  }
0xae: {  	_ =	swait.ge [sflag:s21], $0x4000  }
0xaf: {  	[sflag:s21] =	ssyncset.done $0x0  }
0xb0: {  	s30 =	sadd.s32 $0x1400, s28;
	[sflag:s21] =	ssyncadd.s32 $0xFFFFC000  }
0xb1: {  	[spmem:s2] =	stream.indirect.scatter.add.f32 [tilespmem:s16], [sflag:$0x4], $0x80, s30, s19, $0xb8;
	[tilespmem:$0x1E800] =	vst v63  }
0xb2: {  	_ =	swait.ge [sflag:s22], $0x4000  }
0xb3: {  	[sflag:s22] =	ssyncset.done $0x0  }
0xb4: {  	s31 =	sadd.s32 $0x100, s28;
	[sflag:s22] =	ssyncadd.s32 $0xFFFFC000  }
0xb5: {  	[tilespmem:s16], [sflag:$0x1] =	stream.indirect.gather [hbm4b:s4+s19], $0x80, s31, s19, $0xb8;
	[tilespmem:$0x1E800] =	vst v63  }
0xb6: {  	_ =	swait.ge [sflag:s23], $0x4000  }
0xb7: {  	[sflag:s23] =	ssyncset.done $0x0  }
0xb8: {  	s29 =	sadd.s32 $0x1480, s28;
	[sflag:s23] =	ssyncadd.s32 $0xFFFFC000  }
0xb9: {  	[spmem:s2] =	stream.indirect.scatter.add.f32 [tilespmem:s20], [sflag:$0x3], $0x80, s29, s19, $0xb8;
	[tilespmem:$0x1E800] =	vst v63  }
0xba: {  	_ =	swait.ge [sflag:s17], $0x4000  }
0xbb: {  	[sflag:s17] =	ssyncset.done $0x0  }
0xbc: {  	[sflag:s17] =	ssyncadd.s32 $0xFFFFC000  }
0xbd: {  	_ =	swait.ge [sflag:s21], $0x4000  }
0xbe: {  	[sflag:s21] =	ssyncset.done $0x0  }
0xbf: {  	[sflag:s21] =	ssyncadd.s32 $0xFFFFC000  }
0xc0: {  	[spmem:s2] =	stream.indirect.scatter.add.f32 [tilespmem:s16], [sflag:$0x4], $0x80, s25, s19, $0xb8;
	[tilespmem:$0x1E800] =	vst v63  }
0xc1: {  	_ =	swait.ge [sflag:s22], $0x4000  }
0xc2: {  	s3 =	sadd.s32 $0x1, s3;
	s30 =	sshll.u32 s1, $0x6;
	[sflag:s22] =	ssyncset.done $0x0  }
0xc3: {  	p0 =	sne.s32 s3, s15;
	s0 =	sor.u32 $0x1C03, s30;
	[sflag:s22] =	ssyncadd.s32 $0xFFFFC000  }
.Ltmp3:
0xc4: {  	s31 =	sshrl.u32 s5, $0x3;
	[bflag:$0x0] =	sbarrier.arrive $0xFFFF;
	(pc) =	sbr.rel @p0 .LBB2_1-.Ltmp3, $4  }
0xc5: {  	[hbm:s14], [sflag:s0] =	dma.local [spmem:s31], $0x2800  }
0xc6: {  	_ =	swait.ge [sflag:s17], $0x2800  }
0xc7: {  	[sflag:s17] =	ssyncset.done $0x0  }
0xc8: {  	[sflag:s17] =	ssyncadd.s32 $0xFFFFD800  }
0xc9: {  	_ =	sfence.sel $0x180000  }
0xca: {  	[bflag:$0x0] =	sbarrier.arrive $0xFFFF  }
0xcb: {  	_ =	strace $0x9000004A  }
0xcc: {  	[bflag:$0x2] =	sbarrier.arrive $0xFFFF  }
0xcd: {  	p0 =	sne.s32 s1, $0x0;
	s0 =	rddreg [dreg:$0x2]  }
0xce: {  	s0 =	sadd.s32 @!p0 $0x100000, s0  }
0xcf: {  	[sflag:s0] =	ssyncadd.tile.s32 @!p0 $0x1;
	_ =	shalt  }
.Lfunc_end2:
_tile_overlayer_lowered:
.L_overlay_start_2:
0xd0: {  	(tag) =	ssettag $0x2  }
0xd1: {  	s0 =	rddreg [dreg:$0x0];
	s2 =	stileid.u32  }
0xd2: {  	s1 =	rddreg [dreg:$0x1];
	p0 =	sne.s32 s2, $0x0  }
0xd3: {  	s3 =	rddreg [dreg:$0x2];
	[bflag:$0x3] =	sbarrier.arrive $0xFFFF;
	s2 =	simm.s32 @!p0 $0x1C03  }
0xd4: {  	[timem:s3], [sflag:s2] =	dma.local @!p0 [hbm:s0], s1  }
0xd5: {  	s0 =	simm.s32 @!p0 $0x3  }
0xd6: {  	_ =	swait.ge @!p0 [sflag:s0], s1  }
0xd7: {  	s1 =	ssub.s32 @!p0 $0x0, s1;
	[sflag:s0] =	ssyncset.done @!p0 $0x0  }
0xd8: {  	[sflag:s0] =	ssyncadd.s32 @!p0 s1  }
0xd9: {  	[bflag:$0x3] =	sbarrier.arrive $0xFFFF  }
0xda: {  	_ =	shalt  }

// kernel: kernel.19.cloned.1.call-start
scs
__scs_entry_jumppad:
0x0: {  	(pc) =	sbr.rel $0x88, $3  }
0x1: {  	(tag) =	ssettag $0x0;
	lr =	simm.s32 $0x1  }
0x2: {  	[smem:$0x3F9D] =	sst lr;
	_ =	strace $0xD0000000  }
0x3: {  	_ = 	snop  }
0x4: {  	_ = 	snop  }
0x5: {  	_ = 	snop  }
0x6: {  	_ = 	snop  }
0x7: {  	_ = 	snop  }
__scs_overlays_trampoline_lowered:
0x8: {  	[smem:$0x3FAC] =	sst s0  }
0x9: {  	[smem:$0x3FAD] =	sst s1  }
0xa: {  	[smem:$0x3FAE] =	sst s2  }
0xb: {  	[smem:$0x3FAF] =	sst s3  }
0xc: {  	[smem:$0x3FB0] =	sst s4  }
0xd: {  	[smem:$0x3FB1] =	sst s5  }
0xe: {  	[smem:$0x3FB2] =	sst s6  }
0xf: {  	[smem:$0x3FB3] =	sst s7  }
0x10: {  	[smem:$0x3FB4] =	sst s8  }
0x11: {  	[smem:$0x3FB5] =	sst s9;
	s0 =	simm.s32 @!p0 $0x0  }
0x12: {  	s1 =	sld [smem:$0x3F9B];
	s0 =	simm.s32 @p0 $0x1  }
0x13: {  	[smem:$0x3FB6] =	sst s0;
	s0 =	simm.s32 @!p1 $0x0  }
0x14: {  	s2 =	sld [smem:$0x3F9A];
	s0 =	simm.s32 @p1 $0x1  }
0x15: {  	[smem:$0x3FB7] =	sst s0;
	s0 =	simm.s32 @!p2 $0x0  }
0x16: {  	s3 =	sld [smem:$0x3FDB];
	s0 =	simm.s32 @p2 $0x1  }
0x17: {  	s4 =	simm.s32 $0x1BF5;
	[smem:$0x3FB9] =	sst s0  }
0x18: {  	s0 =	sld [smem:$0x3F9C];
	_ =	swait.ge [sflag:s4], $0x0  }
0x19: {  	s7 =	sld [smem:$0x3F9D]  }
0x1a: {  	s8 =	sadd.s32 $0xFFFFE003, lr  }
0x1b: {  	s9 =	sadd.s32 $0xFFFFFEF7, lr;
	s5 =	simm.s32 $0xFFFFFFFF;
	p2 =	slt.u32 s8, $0xFFFFF086  }
0x1c: {  	p1 =	slt.u32 s9, $0xF7A;
	s5 =	simm.s32 @!p2 $0x0  }
0x1d: {  	s5 =	simm.s32 @p1 $0x1;
	p0 =	seq.s32 s7, s2  }
0x1e: {  	s7 =	smul.u32 @!p0 $0xF7A, s2;
	p2 =	seq.s32 @!p0 s5, $0x0  }
0x1f: {  	s9 =	smul.u32 $0xF7A, s1;
	s8 =	simm.s32 @!p0 $0x1BF5;
	p2 =	por !p2, p0  }
0x20: {  	[sflag:s8] =	ssyncset.s32 @!p0 $0xFFFFF086;
	s6 =	sadd.s32 @!p0 s3, s7;
	s7 =	simm.s32 @!p0 $0x108  }
0x21: {  	s3 =	sadd.s32 s3, s9;
	s6 =	sadd.s32 @!p0 $0x88, s6;
	s7 =	simm.s32 @p2 $0x1082  }
0x22: {  	[simem:s7], [sflag:s8] =	dma.local @!p0 [hbm:s6], $0xF7A  }
0x23: {  	s9 =	sor.u32 $0xD0000000, s2;
	s6 =	simm.s32 $0x108;
	_ =	swait.ge @!p0 [sflag:s8], $0x0  }
0x24: {  	s3 =	sadd.s32 $0x88, s3;
	s6 =	simm.s32 @!p1 $0x1082;
	[sflag:s4] =	ssyncset.s32 $0xFFFFF086  }
0x25: {  	[simem:s6], [sflag:s4] =	dma.local [hbm:s3], $0xF7A  }
0x26: {  	[smem:$0x3F9D] =	sst s1;
	(tag) =	ssettag s2;
	_ =	strace s9  }
0x27: {  	s1 =	sld [smem:$0x3FAD]  }
0x28: {  	s2 =	sld [smem:$0x3FAE]  }
0x29: {  	s4 =	sld [smem:$0x3FB0]  }
0x2a: {  	p0 =	seq.s32 s5, $0x0;
	s5 =	sld [smem:$0x3FB1]  }
0x2b: {  	s6 =	sld [smem:$0x3FB2]  }
0x2c: {  	s7 =	sld [smem:$0x3FB3]  }
0x2d: {  	s3 =	simm.s32 $0x108;
	s8 =	sld [smem:$0x3FB4]  }
0x2e: {  	s3 =	simm.s32 @!p0 $0x1082;
	s9 =	sld [smem:$0x3FB5]  }
0x2f: {  	lr =	sadd.s32 s0, s3;
	s0 =	sld [smem:$0x3FAC]  }
0x30: {  	s3 =	sld [smem:$0x3FAF]  }
0x31: {  	[smem:$0x3FB8] =	sst s10  }
0x32: {  	s10 =	sld [smem:$0x3FB6];
	_ =	sdelay $0x3  }
0x33: {  	p0 =	seq.s32 s10, $0x1;
	s10 =	sld [smem:$0x3FB8];
	_ =	sdelay $0x3  }
0x34: {  	[smem:$0x3FB8] =	sst s10  }
0x35: {  	s10 =	sld [smem:$0x3FB7];
	_ =	sdelay $0x3  }
0x36: {  	p1 =	seq.s32 s10, $0x1;
	s10 =	sld [smem:$0x3FB8];
	_ =	sdelay $0x3  }
0x37: {  	[smem:$0x3FB8] =	sst s10  }
0x38: {  	s10 =	sld [smem:$0x3FB9]  }
0x39: {  	_ = 	snop;
	(pc) =	sbr.ind lr, $3  }
0x3a: {  	_ = 	snop  }
0x3b: {  	_ = 	snop  }
0x3c: {  	p2 =	seq.s32 s10, $0x1;
	s10 =	sld [smem:$0x3FB8]  }
0x3d: {  	_ =	shalt  }
0x3e: {  	_ =	shalt  }
0x3f: {  	_ =	shalt  }
0x40: {  	_ =	shalt  }
0x41: {  	_ =	shalt  }
0x42: {  	_ =	shalt  }
0x43: {  	_ =	shalt  }
0x44: {  	_ =	shalt  }
0x45: {  	_ =	shalt  }
0x46: {  	_ =	shalt  }
0x47: {  	_ =	shalt  }
0x48: {  	_ =	shalt  }
0x49: {  	_ =	shalt  }
0x4a: {  	_ =	shalt  }
0x4b: {  	_ =	shalt  }
0x4c: {  	_ =	shalt  }
0x4d: {  	_ =	shalt  }
0x4e: {  	_ =	shalt  }
0x4f: {  	_ =	shalt  }
0x50: {  	_ =	shalt  }
0x51: {  	_ =	shalt  }
0x52: {  	_ =	shalt  }
0x53: {  	_ =	shalt  }
0x54: {  	_ =	shalt  }
0x55: {  	_ =	shalt  }
0x56: {  	_ =	shalt  }
0x57: {  	_ =	shalt  }
0x58: {  	_ =	shalt  }
0x59: {  	_ =	shalt  }
0x5a: {  	_ =	shalt  }
0x5b: {  	_ =	shalt  }
0x5c: {  	_ =	shalt  }
0x5d: {  	_ =	shalt  }
0x5e: {  	_ =	shalt  }
0x5f: {  	_ =	shalt  }
0x60: {  	_ =	shalt  }
0x61: {  	_ =	shalt  }
0x62: {  	_ =	shalt  }
0x63: {  	_ =	shalt  }
0x64: {  	_ =	shalt  }
0x65: {  	_ =	shalt  }
0x66: {  	_ =	shalt  }
0x67: {  	_ =	shalt  }
0x68: {  	_ =	shalt  }
0x69: {  	_ =	shalt  }
0x6a: {  	_ =	shalt  }
0x6b: {  	_ =	shalt  }
0x6c: {  	_ =	shalt  }
0x6d: {  	_ =	shalt  }
0x6e: {  	_ =	shalt  }
0x6f: {  	_ =	shalt  }
0x70: {  	_ =	shalt  }
0x71: {  	_ =	shalt  }
0x72: {  	_ =	shalt  }
0x73: {  	_ =	shalt  }
0x74: {  	_ =	shalt  }
0x75: {  	_ =	shalt  }
0x76: {  	_ =	shalt  }
0x77: {  	_ =	shalt  }
0x78: {  	_ =	shalt  }
0x79: {  	_ =	shalt  }
0x7a: {  	_ =	shalt  }
0x7b: {  	_ =	shalt  }
0x7c: {  	_ =	shalt  }
0x7d: {  	_ =	shalt  }
0x7e: {  	_ =	shalt  }
0x7f: {  	_ =	shalt  }
0x80: {  	_ =	shalt  }
0x81: {  	_ =	shalt  }
0x82: {  	_ =	shalt  }
0x83: {  	_ =	shalt  }
0x84: {  	_ =	shalt  }
0x85: {  	_ =	shalt  }
0x86: {  	_ =	shalt  }
0x87: {  	_ =	shalt  }
.Lfunc_end0:
.L_simem_size_0:
called_computation.2_lowered:
.L_overlay_start_0:
0x88: {  	s2 =	sld [smem:$0x3FD9]  }
0x89: {  	s3 =	sld [smem:$0x3FFE];
	_ =	sdelay $0x1  }
0x8a: {  	s1 =	srdreg.scid  }
0x8b: {  	s0 =	sand.u32 $0x1, s1  }
0x8c: {  	s16 =	sshll.u32 s0, $0xA;
	s2 =	sadd.s32 s3, s2  }
0x8d: {  	s2 =	sadd.s32 s2, s16  }
0x8e: {  	[smem:$0x3FC4] =	sst s2  }
0x8f: {  	_ = 	snop  }
0x90: {  	(tm) =	ssettm $0x1  }
0x91: {  	s17 =	sld [smem:$0x3FFB];
	_ =	sdelay $0x3  }
0x92: {  	_ =	strace s17  }
0x93: {  	s2 =	sld [smem:$0x3FFC];
	_ =	sdelay $0x3  }
0x94: {  	_ =	strace s2  }
0x95: {  	s2 =	sld [smem:$0x3FFD];
	_ =	sdelay $0x3  }
0x96: {  	_ =	strace s2  }
0x97: {  	_ =	strace $0x8FFFFFFF  }
0x98: {  	s18 =	sld [smem:$0x3FDB];
	_ =	sdelay $0x1  }
0x99: {  	s19 =	simm.s32 $_scs_section_size  }
0x9a: {  	s4 =	simm.s32 $_size__tile_overlayer_lowered;
	s5 =	simm.s32 $_tile_overlayer_lowered  }
0x9b: {  	s22 =	simm.s32 $0x1BFF;
	s21 =	sshll.u32 s5, $0x1;
	s2 =	sadd.s32 s19, s18  }
0x9c: {  	s6 =	simm.s32 $0x0;
	s20 =	sshll.u32 s4, $0x1;
	s4 =	sadd.s32 s21, s2  }
0x9d: {  	[timem:s6], [sflag:s22] =	dma.local [hbm:s4], s20  }
0x9e: {  	_ =	swait.ge [sflag:s22], s20  }
0x9f: {  	s3 =	ssub.s32 $0x0, s20;
	[sflag:s22] =	ssyncset.done $0x0  }
0xa0: {  	[sflag:s22] =	ssyncadd.s32 s3;
	_ =	sdelay $0x1  }
0xa1: {  	s23 =	simm.s32 $0x1B8B  }
0xa2: {  	_ =	swait.ge [sflag:s23], $0x1  }
0xa3: {  	[sflag:s23] =	ssyncset.done $0x0  }
0xa4: {  	s25 =	simm.s32 $0x1B8E;
	s24 =	sld [smem:$0x3FFE];
	[sflag:s23] =	ssyncadd.s32 $0xFFFFFFFF  }
0xa5: {  	s26 =	simm.s32 $execute0_lowered;
	[smem:$0x3FD2] =	sst s25  }
0xa6: {  	s4 =	sshll.u32 s26, $0x1;
	_ =	strace $0x8000004C;
	[dreg:$0x1] =	wrdreg $0xFFFFFFFF  }
0xa7: {  	s28 =	simm.s32 $_size_execute0_lowered;
	s2 =	sadd.s32 s2, s4;
	[dreg:$0x0] =	wrdreg $0x0  }
0xa8: {  	s4 =	sshll.u32 s28, $0x1;
	[dreg:$0x2] =	wrdreg s2  }
0xa9: {  	[dreg:$0x3] =	wrdreg s4  }
0xaa: {  	[dreg:$0x4] =	wrdreg $0xC0  }
0xab: {  	_ =	task [dreg:s6], $0x5FFFF  }
0xac: {  	[dreg:$0x1] =	wrdreg $0xFFFFFFFF  }
0xad: {  	[dreg:$0x0] =	wrdreg $0x60  }
0xae: {  	[dreg:$0x2] =	wrdreg s24  }
0xaf: {  	[dreg:$0x3] =	wrdreg $0xA8000  }
0xb0: {  	[dreg:$0x4] =	wrdreg $0x9  }
0xb1: {  	_ =	task.clear_ibuf [dreg:s6], $0x5FFFF;
	_ =	strace $0x9000004C  }
0xb2: {  	s29 =	simm.s32 $0x9;
	_ =	strace $0x8000004E  }
0xb3: {  	_ =	swait.ge [sflag:s29], $0x1  }
0xb4: {  	[sflag:s29] =	ssyncadd.s32 $0xFFFFFFFF  }
0xb5: {  	_ =	strace $0x9000004E  }
0xb6: {  	_ =	sfence  }
0xb7: {  	s30 =	sld [smem:$0x0];
	_ =	sdelay $0x2  }
0xb8: {  	s31 =	sshll.u32 s1, $0xD;
	s1 =	sshrl.u32 s1, $0x2  }
0xb9: {  	s3 =	sand.u32 $0x4000, s31;
	s1 =	sadd.s32 s1, s30  }
0xba: {  	s0 =	sor.u32 s3, s0;
	s1 =	sshll.u32 s1, $0x11  }
0xbb: {  	s0 =	sor.u32 s1, s0  }
0xbc: {  	s0 =	sadd.s32 $0x8F2B, s0  }
0xbd: {  	[sflag:s0] =	ssyncadd.remote.s32 $0x1  }
0xbe: {  	_ =	sfence.sel $0xFFFF  }
0xbf: {  	[dreg:$0x0] =	wrdreg $0xFFFFFFFF;
	(pc) =	sbr.abs _section_cstart, $3  }
0xc0: {  	[dreg:$0x1] =	wrdreg $0xFFFFFFFF  }
0xc1: {  	_ =	task.clear_ibuf [dreg:s6], $0x2FFFF;
	_ =	strace $0x9FFFFFFF  }
0xc2: {  	(tm) =	ssettm $0x7FFFFFFF  }
0xc3: {  	_ =	shalt  }
tec
execute0_lowered:
.L_overlay_start_1:
0x0: {  	(tag) =	ssettag $0x1  }
0x1: {  	s5 =	rddreg [dreg:$0x0]  }
0x2: {  	s0 =	srdreg.scid;
	s2 =	rddreg [dreg:$0x1]  }
0x3: {  	s1 =	stileid.u32;
	s3 =	simm.s32 $0x0;
	s17 =	simm.s32 $0x3  }
0x4: {  	s18 =	simm.s32 $0x1400;
	s19 =	simm.s32 $0x80;
	s20 =	simm.s32 $0x6800  }
0x5: {  	s21 =	simm.s32 $0x1;
	s22 =	simm.s32 $0x4;
	s23 =	simm.s32 $0x2  }
0x6: {  	s24 =	simm.s32 $0x1380;
	s25 =	simm.s32 $0x2700;
	s6 =	sand.u32 $0x1, s0  }
0x7: {  	s8 =	smul.u32 $0x14000, s1;
	[smem:$0x7FF] =	sst s3;
	s4 =	sadd.s32 $0x18400, s5  }
0x8: {  	s12 =	sadd.s32 $0xE400, s5;
	s26 =	smul.u32 $0x50000, s1;
	s13 =	sadd.s32 $0x3A00, s5  }
0x9: {  	s7 =	smul.u32 $0x140000, s6;
	_ =	strace $0x8000004D;
	s28 =	sshll.u32 s6, $0x4  }
0xa: {  	s6 =	ssub.s32 $0x2, s6;
	s29 =	sor.u32 s1, s28;
	s30 =	sshrl.u32 s26, $0x2  }
0xb: {  	s31 =	sshrl.u32 s6, $0x1;
	s26 =	simm.s32 $0x2780;
	s7 =	sadd.s32 s8, s7  }
0xc: {  	s10 =	smul.u32 $0x2800, s29;
	s15 =	ssub.s32 s6, s31;
	s7 =	sshrl.u32 s7, $0x3  }
0xd: {  	s15 =	smax.u32 s15, $0x1;
	s14 =	sadd.s32 s7, s5;
	s5 =	sadd.s32 s30, s2  }
0xe: {  	s16 =	sshrl.u32 s10, $0x3;
	s6 =	sadd.s32 $0x4000, s5;
	s7 =	sadd.s32 $0x8000, s5  }
0xf: {  	s8 =	sadd.s32 $0xC000, s5;
	s9 =	sadd.s32 $0x10000, s5;
	s10 =	sadd.s32 s12, s16  }
0x10: {  	s11 =	sadd.s32 s13, s16;
	s16 =	sadd.s32 $0x280, s16;
	s14 =	sadd.s32 $0x68400, s14  }
0x11: {  	v0 =	vimm.f32 $0.0e+00;
	s12 =	sadd.s32 s12, s16;
	s13 =	sadd.s32 s13, s16;
	s16 =	simm.s32 $0x2800  }
.LBB2_1:
0x12: {  	s28 =	simm.s32 $0x0;
	s29 =	simm.s32 $0x200  }
.LBB2_2:
0x13: {  	p0 =	sne.s32 s29, $0xFE00;
	[tilespmem:s28+$0x2870] =	vst v0  }
0x14: {  	[tilespmem:s28+$0x2800] =	vst v0  }
0x15: {  	[tilespmem:s28+$0x2810] =	vst v0  }
.Ltmp0:
0x16: {  	[tilespmem:s28+$0x2820] =	vst v0;
	(pc) =	sbr.rel @p0 .LBB2_2-.Ltmp0, $4  }
0x17: {  	[tilespmem:s28+$0x2830] =	vst v0  }
0x18: {  	[tilespmem:s28+$0x2840] =	vst v0  }
0x19: {  	[tilespmem:s28+$0x2850] =	vst v0  }
0x1a: {  	[tilespmem:s28+$0x2860] =	vst v0;
	s28 =	sshra.s32 s29, $0x2;
	s29 =	sadd.s32 $0x200, s29  }
0x1b: {  	[tilespmem:s28+$0x2870] =	vst v0  }
0x1c: {  	[tilespmem:s28+$0x2800] =	vst v0  }
0x1d: {  	[tilespmem:s28+$0x2810] =	vst v0  }
0x1e: {  	[tilespmem:s28+$0x2820] =	vst v0  }
0x1f: {  	[tilespmem:s28+$0x2830] =	vst v0  }
0x20: {  	[tilespmem:s28+$0x2840] =	vst v0  }
0x21: {  	[tilespmem:s28+$0x2850] =	vst v0  }
0x22: {  	[tilespmem:s28+$0x2860] =	vst v0  }
0x23: {  	[spmem:s5] =	stream.linear.scatter [tilespmem:s16], [sflag:$0x3], $0x4000, $0x38;
	[tilespmem:$0x1E800] =	vst v63  }
0x24: {  	_ =	swait.ge [sflag:s17], $0x4000  }
0x25: {  	[sflag:s17] =	ssyncset.done $0x0  }
0x26: {  	[sflag:s17] =	ssyncadd.s32 $0xFFFFC000  }
0x27: {  	[spmem:s6] =	stream.linear.scatter [tilespmem:s16], [sflag:$0x3], $0x4000, $0x38;
	[tilespmem:$0x1E800] =	vst v63  }
0x28: {  	_ =	swait.ge [sflag:s17], $0x4000  }
0x29: {  	[sflag:s17] =	ssyncset.done $0x0  }
0x2a: {  	[sflag:s17] =	ssyncadd.s32 $0xFFFFC000  }
0x2b: {  	[spmem:s7] =	stream.linear.scatter [tilespmem:s16], [sflag:$0x3], $0x4000, $0x38;
	[tilespmem:$0x1E800] =	vst v63  }
0x2c: {  	_ =	swait.ge [sflag:s17], $0x4000  }
0x2d: {  	[sflag:s17] =	ssyncset.done $0x0  }
0x2e: {  	[sflag:s17] =	ssyncadd.s32 $0xFFFFC000  }
0x2f: {  	[spmem:s8] =	stream.linear.scatter [tilespmem:s16], [sflag:$0x3], $0x4000, $0x38;
	[tilespmem:$0x1E800] =	vst v63  }
0x30: {  	_ =	swait.ge [sflag:s17], $0x4000  }
0x31: {  	[sflag:s17] =	ssyncset.done $0x0  }
0x32: {  	[sflag:s17] =	ssyncadd.s32 $0xFFFFC000  }
0x33: {  	[spmem:s9] =	stream.linear.scatter [tilespmem:s16], [sflag:$0x3], $0x4000, $0x38;
	[tilespmem:$0x1E800] =	vst v63  }
0x34: {  	_ =	swait.ge [sflag:s17], $0x4000  }
0x35: {  	[sflag:s17] =	ssyncset.done $0x0  }
0x36: {  	[sflag:s17] =	ssyncadd.s32 $0xFFFFC000  }
0x37: {  	s28 =	simm.s32 $0x0;
	[bflag:$0x0] =	sbarrier.arrive $0xFFFF  }
0x38: {  	[tilespmem:s28], [sflag:$0x3] =	stream.linear.gather [hbm4b:s10+s28], $0x1400, $0x38;
	[tilespmem:$0x1E800] =	vst v63  }
0x39: {  	_ =	swait.ge [sflag:s17], $0x1400  }
0x3a: {  	[sflag:s17] =	ssyncset.done $0x0  }
0x3b: {  	[sflag:s17] =	ssyncadd.s32 $0xFFFFEC00  }
0x3c: {  	[tilespmem:s18], [sflag:$0x3] =	stream.linear.gather [hbm4b:s11+s28], $0x1400, $0x38;
	[tilespmem:$0x1E800] =	vst v63  }
0x3d: {  	_ =	swait.ge [sflag:s17], $0x1400  }
0x3e: {  	[sflag:s17] =	ssyncset.done $0x0  }
0x3f: {  	[sflag:s17] =	ssyncadd.s32 $0xFFFFEC00  }
0x40: {  	[tilespmem:s16], [sflag:$0x1] =	stream.indirect.gather [hbm4b:s4+s19], $0x80, s28, s19, $0xb8;
	[tilespmem:$0x1E800] =	vst v63  }
0x41: {  	s28 =	simm.s32 $0x80  }
0x42: {  	[tilespmem:s20], [sflag:$0x2] =	stream.indirect.gather [hbm4b:s4+s19], $0x80, s28, s19, $0xb8;
	[tilespmem:$0x1E800] =	vst v63  }
0x43: {  	_ =	swait.ge [sflag:s21], $0x4000  }
0x44: {  	[sflag:s21] =	ssyncset.done $0x0  }
0x45: {  	s28 =	simm.s32 $0x1400;
	[sflag:s21] =	ssyncadd.s32 $0xFFFFC000  }
0x46: {  	[spmem:s2] =	stream.indirect.scatter.add.f32 [tilespmem:s16], [sflag:$0x4], $0x80, s28, s19, $0xb8;
	[tilespmem:$0x1E800] =	vst v63  }
0x47: {  	_ =	swait.ge [sflag:s22], $0x4000  }
0x48: {  	[sflag:s22] =	ssyncset.done $0x0  }
0x49: {  	s28 =	simm.s32 $0x100;
	[sflag:s22] =	ssyncadd.s32 $0xFFFFC000  }
0x4a: {  	[tilespmem:s16], [sflag:$0x1] =	stream.indirect.gather [hbm4b:s4+s19], $0x80, s28, s19, $0xb8;
	[tilespmem:$0x1E800] =	vst v63  }
0x4b: {  	_ =	swait.ge [sflag:s23], $0x4000  }
0x4c: {  	[sflag:s23] =	ssyncset.done $0x0  }
0x4d: {  	s28 =	simm.s32 $0x1480;
	[sflag:s23] =	ssyncadd.s32 $0xFFFFC000  }
0x4e: {  	[spmem:s2] =	stream.indirect.scatter.add.f32 [tilespmem:s20], [sflag:$0x3], $0x80, s28, s19, $0xb8;
	[tilespmem:$0x1E800] =	vst v63  }
0x4f: {  	_ =	swait.ge [sflag:s17], $0x4000  }
0x50: {  	s29 =	simm.s32 $0x800;
	s28 =	simm.s32 $0x100;
	[sflag:s17] =	ssyncset.done $0x0  }
.LBB2_4:
0x51: {  	s30 =	sadd.s32 $0x80, s28  }
0x52: {  	[sflag:s17] =	ssyncadd.s32 $0xFFFFC000;
	s31 =	smov.u32 s29;
	s0 =	sadd.s32 $0x400, s29  }
0x53: {  	[tilespmem:s20], [sflag:$0x2] =	stream.indirect.gather [hbm4b:s4+s19], $0x80, s30, s19, $0xb8;
	[tilespmem:$0x1E800] =	vst v63  }
0x54: {  	p0 =	sne.s32 s29, $0x4800;
	_ =	swait.ge [sflag:s21], $0x4000  }
0x55: {  	[sflag:s21] =	ssyncset.done $0x0  }
0x56: {  	s29 =	sadd.s32 $0x1400, s28;
	[sflag:s21] =	ssyncadd.s32 $0xFFFFC000  }
0x57: {  	[spmem:s2] =	stream.indirect.scatter.add.f32 [tilespmem:s16], [sflag:$0x4], $0x80, s29, s19, $0xb8;
	[tilespmem:$0x1E800] =	vst v63  }
0x58: {  	_ =	swait.ge [sflag:s22], $0x4000  }
0x59: {  	[sflag:s22] =	ssyncset.done $0x0  }
0x5a: {  	s29 =	sadd.s32 $0x100, s28;
	[sflag:s22] =	ssyncadd.s32 $0xFFFFC000  }
0x5b: {  	[tilespmem:s16], [sflag:$0x1] =	stream.indirect.gather [hbm4b:s4+s19], $0x80, s29, s19, $0xb8;
	[tilespmem:$0x1E800] =	vst v63  }
0x5c: {  	_ =	swait.ge [sflag:s23], $0x4000  }
.Ltmp1:
0x5d: {  	[sflag:s23] =	ssyncset.done $0x0;
	(pc) =	sbr.rel @p0 .LBB2_4-.Ltmp1, $4  }
0x5e: {  	s28 =	sadd.s32 $0x1480, s28;
	[sflag:s23] =	ssyncadd.s32 $0xFFFFC000  }
0x5f: {  	[spmem:s2] =	stream.indirect.scatter.add.f32 [tilespmem:s20], [sflag:$0x3], $0x80, s28, s19, $0xb8;
	[tilespmem:$0x1E800] =	vst v63  }
0x60: {  	_ =	swait.ge [sflag:s17], $0x4000  }
0x61: {  	s29 =	smov.u32 s0;
	s28 =	sshra.s32 s31, $0x2;
	[sflag:s17] =	ssyncset.done $0x0  }
0x62: {  	s0 =	sadd.s32 $0x80, s28;
	[sflag:s17] =	ssyncadd.s32 $0xFFFFC000  }
0x63: {  	[tilespmem:s20], [sflag:$0x2] =	stream.indirect.gather [hbm4b:s4+s19], $0x80, s0, s19, $0xb8;
	[tilespmem:$0x1E800] =	vst v63  }
0x64: {  	_ =	swait.ge [sflag:s21], $0x4000  }
0x65: {  	[sflag:s21] =	ssyncset.done $0x0  }
0x66: {  	s30 =	sadd.s32 $0x1400, s28;
	[sflag:s21] =	ssyncadd.s32 $0xFFFFC000  }
0x67: {  	[spmem:s2] =	stream.indirect.scatter.add.f32 [tilespmem:s16], [sflag:$0x4], $0x80, s30, s19, $0xb8;
	[tilespmem:$0x1E800] =	vst v63  }
0x68: {  	_ =	swait.ge [sflag:s22], $0x4000  }
0x69: {  	[sflag:s22] =	ssyncset.done $0x0  }
0x6a: {  	s31 =	sadd.s32 $0x100, s28;
	[sflag:s22] =	ssyncadd.s32 $0xFFFFC000  }
0x6b: {  	[tilespmem:s16], [sflag:$0x1] =	stream.indirect.gather [hbm4b:s4+s19], $0x80, s31, s19, $0xb8;
	[tilespmem:$0x1E800] =	vst v63  }
0x6c: {  	_ =	swait.ge [sflag:s23], $0x4000  }
0x6d: {  	[sflag:s23] =	ssyncset.done $0x0  }
0x6e: {  	s30 =	sadd.s32 $0x1480, s28;
	[sflag:s23] =	ssyncadd.s32 $0xFFFFC000  }
0x6f: {  	[spmem:s2] =	stream.indirect.scatter.add.f32 [tilespmem:s20], [sflag:$0x3], $0x80, s30, s19, $0xb8;
	[tilespmem:$0x1E800] =	vst v63  }
0x70: {  	_ =	swait.ge [sflag:s17], $0x4000  }
0x71: {  	[sflag:s17] =	ssyncset.done $0x0  }
0x72: {  	[sflag:s17] =	ssyncadd.s32 $0xFFFFC000  }
0x73: {  	[tilespmem:s20], [sflag:$0x2] =	stream.indirect.gather [hbm4b:s4+s19], $0x80, s24, s19, $0xb8;
	[tilespmem:$0x1E800] =	vst v63  }
0x74: {  	_ =	swait.ge [sflag:s21], $0x4000  }
0x75: {  	[sflag:s21] =	ssyncset.done $0x0  }
0x76: {  	[sflag:s21] =	ssyncadd.s32 $0xFFFFC000  }
0x77: {  	[spmem:s2] =	stream.indirect.scatter.add.f32 [tilespmem:s16], [sflag:$0x4], $0x80, s25, s19, $0xb8;
	[tilespmem:$0x1E800] =	vst v63  }
0x78: {  	_ =	swait.ge [sflag:s22], $0x4000  }
0x79: {  	[sflag:s22] =	ssyncset.done $0x0  }
0x7a: {  	[sflag:s22] =	ssyncadd.s32 $0xFFFFC000  }
0x7b: {  	_ =	swait.ge [sflag:s23], $0x4000  }
0x7c: {  	[sflag:s23] =	ssyncset.done $0x0  }
0x7d: {  	[sflag:s23] =	ssyncadd.s32 $0xFFFFC000  }
0x7e: {  	[spmem:s2] =	stream.indirect.scatter.add.f32 [tilespmem:s20], [sflag:$0x3], $0x80, s26, s19, $0xb8;
	[tilespmem:$0x1E800] =	vst v63  }
0x7f: {  	_ =	swait.ge [sflag:s17], $0x4000  }
0x80: {  	[sflag:s17] =	ssyncset.done $0x0  }
0x81: {  	s31 =	simm.s32 $0x0;
	[sflag:s17] =	ssyncadd.s32 $0xFFFFC000  }
0x82: {  	[tilespmem:s31], [sflag:$0x3] =	stream.linear.gather [hbm4b:s12+s31], $0x1380, $0x38;
	[tilespmem:$0x1E800] =	vst v63  }
0x83: {  	_ =	swait.ge [sflag:s17], $0x1380  }
0x84: {  	[sflag:s17] =	ssyncset.done $0x0  }
0x85: {  	[sflag:s17] =	ssyncadd.s32 $0xFFFFEC80  }
0x86: {  	[tilespmem:s18], [sflag:$0x3] =	stream.linear.gather [hbm4b:s13+s31], $0x1380, $0x38;
	[tilespmem:$0x1E800] =	vst v63  }
0x87: {  	_ =	swait.ge [sflag:s17], $0x1380  }
0x88: {  	[sflag:s17] =	ssyncset.done $0x0  }
0x89: {  	[sflag:s17] =	ssyncadd.s32 $0xFFFFEC80  }
0x8a: {  	[tilespmem:s16], [sflag:$0x1] =	stream.indirect.gather [hbm4b:s4+s19], $0x80, s31, s19, $0xb8;
	[tilespmem:$0x1E800] =	vst v63  }
0x8b: {  	s30 =	simm.s32 $0x80  }
0x8c: {  	[tilespmem:s20], [sflag:$0x2] =	stream.indirect.gather [hbm4b:s4+s19], $0x80, s30, s19, $0xb8;
	[tilespmem:$0x1E800] =	vst v63  }
0x8d: {  	_ =	swait.ge [sflag:s21], $0x4000  }
0x8e: {  	[sflag:s21] =	ssyncset.done $0x0  }
0x8f: {  	s31 =	simm.s32 $0x1400;
	[sflag:s21] =	ssyncadd.s32 $0xFFFFC000  }
0x90: {  	[spmem:s2] =	stream.indirect.scatter.add.f32 [tilespmem:s16], [sflag:$0x4], $0x80, s31, s19, $0xb8;
	[tilespmem:$0x1E800] =	vst v63  }
0x91: {  	_ =	swait.ge [sflag:s22], $0x4000  }
0x92: {  	[sflag:s22] =	ssyncset.done $0x0  }
0x93: {  	s30 =	simm.s32 $0x100;
	[sflag:s22] =	ssyncadd.s32 $0xFFFFC000  }
0x94: {  	[tilespmem:s16], [sflag:$0x1] =	stream.indirect.gather [hbm4b:s4+s19], $0x80, s30, s19, $0xb8;
	[tilespmem:$0x1E800] =	vst v63  }
0x95: {  	_ =	swait.ge [sflag:s23], $0x4000  }
0x96: {  	[sflag:s23] =	ssyncset.done $0x0  }
0x97: {  	s31 =	simm.s32 $0x1480;
	[sflag:s23] =	ssyncadd.s32 $0xFFFFC000  }
0x98: {  	[spmem:s2] =	stream.indirect.scatter.add.f32 [tilespmem:s20], [sflag:$0x3], $0x80, s31, s19, $0xb8;
	[tilespmem:$0x1E800] =	vst v63  }
0x99: {  	_ =	swait.ge [sflag:s17], $0x4000  }
0x9a: {  	s29 =	simm.s32 $0x800;
	s28 =	simm.s32 $0x100;
	[sflag:s17] =	ssyncset.done $0x0  }
.LBB2_6:
0x9b: {  	s0 =	sadd.s32 $0x80, s28  }
0x9c: {  	[sflag:s17] =	ssyncadd.s32 $0xFFFFC000;
	s30 =	smov.u32 s29;
	s31 =	sadd.s32 $0x400, s29  }
0x9d: {  	[tilespmem:s20], [sflag:$0x2] =	stream.indirect.gather [hbm4b:s4+s19], $0x80, s0, s19, $0xb8;
	[tilespmem:$0x1E800] =	vst v63  }
0x9e: {  	p0 =	sne.s32 s29, $0x4800;
	_ =	swait.ge [sflag:s21], $0x4000  }
0x9f: {  	[sflag:s21] =	ssyncset.done $0x0  }
0xa0: {  	s0 =	sadd.s32 $0x1400, s28;
	[sflag:s21] =	ssyncadd.s32 $0xFFFFC000  }
0xa1: {  	[spmem:s2] =	stream.indirect.scatter.add.f32 [tilespmem:s16], [sflag:$0x4], $0x80, s0, s19, $0xb8;
	[tilespmem:$0x1E800] =	vst v63  }
0xa2: {  	_ =	swait.ge [sflag:s22], $0x4000  }
0xa3: {  	[sflag:s22] =	ssyncset.done $0x0  }
0xa4: {  	s0 =	sadd.s32 $0x100, s28;
	[sflag:s22] =	ssyncadd.s32 $0xFFFFC000  }
0xa5: {  	[tilespmem:s16], [sflag:$0x1] =	stream.indirect.gather [hbm4b:s4+s19], $0x80, s0, s19, $0xb8;
	[tilespmem:$0x1E800] =	vst v63  }
0xa6: {  	_ =	swait.ge [sflag:s23], $0x4000  }
.Ltmp2:
0xa7: {  	[sflag:s23] =	ssyncset.done $0x0;
	(pc) =	sbr.rel @p0 .LBB2_6-.Ltmp2, $4  }
0xa8: {  	s0 =	sadd.s32 $0x1480, s28;
	[sflag:s23] =	ssyncadd.s32 $0xFFFFC000  }
0xa9: {  	[spmem:s2] =	stream.indirect.scatter.add.f32 [tilespmem:s20], [sflag:$0x3], $0x80, s0, s19, $0xb8;
	[tilespmem:$0x1E800] =	vst v63  }
0xaa: {  	_ =	swait.ge [sflag:s17], $0x4000  }
0xab: {  	s29 =	smov.u32 s31;
	s28 =	sshra.s32 s30, $0x2;
	[sflag:s17] =	ssyncset.done $0x0  }
0xac: {  	s0 =	sadd.s32 $0x80, s28;
	[sflag:s17] =	ssyncadd.s32 $0xFFFFC000  }
0xad: {  	[tilespmem:s20], [sflag:$0x2] =	stream.indirect.gather [hbm4b:s4+s19], $0x80, s0, s19, $0xb8;
	[tilespmem:$0x1E800] =	vst v63  }
0xae: {  	_ =	swait.ge [sflag:s21], $0x4000  }
0xaf: {  	[sflag:s21] =	ssyncset.done $0x0  }
0xb0: {  	s30 =	sadd.s32 $0x1400, s28;
	[sflag:s21] =	ssyncadd.s32 $0xFFFFC000  }
0xb1: {  	[spmem:s2] =	stream.indirect.scatter.add.f32 [tilespmem:s16], [sflag:$0x4], $0x80, s30, s19, $0xb8;
	[tilespmem:$0x1E800] =	vst v63  }
0xb2: {  	_ =	swait.ge [sflag:s22], $0x4000  }
0xb3: {  	[sflag:s22] =	ssyncset.done $0x0  }
0xb4: {  	s31 =	sadd.s32 $0x100, s28;
	[sflag:s22] =	ssyncadd.s32 $0xFFFFC000  }
0xb5: {  	[tilespmem:s16], [sflag:$0x1] =	stream.indirect.gather [hbm4b:s4+s19], $0x80, s31, s19, $0xb8;
	[tilespmem:$0x1E800] =	vst v63  }
0xb6: {  	_ =	swait.ge [sflag:s23], $0x4000  }
0xb7: {  	[sflag:s23] =	ssyncset.done $0x0  }
0xb8: {  	s29 =	sadd.s32 $0x1480, s28;
	[sflag:s23] =	ssyncadd.s32 $0xFFFFC000  }
0xb9: {  	[spmem:s2] =	stream.indirect.scatter.add.f32 [tilespmem:s20], [sflag:$0x3], $0x80, s29, s19, $0xb8;
	[tilespmem:$0x1E800] =	vst v63  }
0xba: {  	_ =	swait.ge [sflag:s17], $0x4000  }
0xbb: {  	[sflag:s17] =	ssyncset.done $0x0  }
0xbc: {  	[sflag:s17] =	ssyncadd.s32 $0xFFFFC000  }
0xbd: {  	_ =	swait.ge [sflag:s21], $0x4000  }
0xbe: {  	[sflag:s21] =	ssyncset.done $0x0  }
0xbf: {  	[sflag:s21] =	ssyncadd.s32 $0xFFFFC000  }
0xc0: {  	[spmem:s2] =	stream.indirect.scatter.add.f32 [tilespmem:s16], [sflag:$0x4], $0x80, s25, s19, $0xb8;
	[tilespmem:$0x1E800] =	vst v63  }
0xc1: {  	_ =	swait.ge [sflag:s22], $0x4000  }
0xc2: {  	s3 =	sadd.s32 $0x1, s3;
	s30 =	sshll.u32 s1, $0x6;
	[sflag:s22] =	ssyncset.done $0x0  }
0xc3: {  	p0 =	sne.s32 s3, s15;
	s0 =	sor.u32 $0x1C03, s30;
	[sflag:s22] =	ssyncadd.s32 $0xFFFFC000  }
.Ltmp3:
0xc4: {  	s31 =	sshrl.u32 s5, $0x3;
	[bflag:$0x0] =	sbarrier.arrive $0xFFFF;
	(pc) =	sbr.rel @p0 .LBB2_1-.Ltmp3, $4  }
0xc5: {  	[hbm:s14], [sflag:s0] =	dma.local [spmem:s31], $0x2800  }
0xc6: {  	_ =	swait.ge [sflag:s17], $0x2800  }
0xc7: {  	[sflag:s17] =	ssyncset.done $0x0  }
0xc8: {  	[sflag:s17] =	ssyncadd.s32 $0xFFFFD800  }
0xc9: {  	_ =	sfence.sel $0x180000  }
0xca: {  	[bflag:$0x0] =	sbarrier.arrive $0xFFFF  }
0xcb: {  	_ =	strace $0x9000004D  }
0xcc: {  	[bflag:$0x2] =	sbarrier.arrive $0xFFFF  }
0xcd: {  	p0 =	sne.s32 s1, $0x0;
	s0 =	rddreg [dreg:$0x2]  }
0xce: {  	s0 =	sadd.s32 @!p0 $0x100000, s0  }
0xcf: {  	[sflag:s0] =	ssyncadd.tile.s32 @!p0 $0x1;
	_ =	shalt  }
.Lfunc_end2:
_tile_overlayer_lowered:
.L_overlay_start_2:
0xd0: {  	(tag) =	ssettag $0x2  }
0xd1: {  	s0 =	rddreg [dreg:$0x0];
	s2 =	stileid.u32  }
0xd2: {  	s1 =	rddreg [dreg:$0x1];
	p0 =	sne.s32 s2, $0x0  }
0xd3: {  	s3 =	rddreg [dreg:$0x2];
	[bflag:$0x3] =	sbarrier.arrive $0xFFFF;
	s2 =	simm.s32 @!p0 $0x1C03  }
0xd4: {  	[timem:s3], [sflag:s2] =	dma.local @!p0 [hbm:s0], s1  }
0xd5: {  	s0 =	simm.s32 @!p0 $0x3  }
0xd6: {  	_ =	swait.ge @!p0 [sflag:s0], s1  }
0xd7: {  	s1 =	ssub.s32 @!p0 $0x0, s1;
	[sflag:s0] =	ssyncset.done @!p0 $0x0  }
0xd8: {  	[sflag:s0] =	ssyncadd.s32 @!p0 s1  }
0xd9: {  	[bflag:$0x3] =	sbarrier.arrive $0xFFFF  }
0xda: {  	_ =	shalt  }

// kernel: kernel.22.cloned.1.call-start
scs
__scs_entry_jumppad:
0x0: {  	(pc) =	sbr.rel $0x88, $3  }
0x1: {  	(tag) =	ssettag $0x0;
	lr =	simm.s32 $0x1  }
0x2: {  	[smem:$0x3F9D] =	sst lr;
	_ =	strace $0xD0000000  }
0x3: {  	_ = 	snop  }
0x4: {  	_ = 	snop  }
0x5: {  	_ = 	snop  }
0x6: {  	_ = 	snop  }
0x7: {  	_ = 	snop  }
__scs_overlays_trampoline_lowered:
0x8: {  	[smem:$0x3FAC] =	sst s0  }
0x9: {  	[smem:$0x3FAD] =	sst s1  }
0xa: {  	[smem:$0x3FAE] =	sst s2  }
0xb: {  	[smem:$0x3FAF] =	sst s3  }
0xc: {  	[smem:$0x3FB0] =	sst s4  }
0xd: {  	[smem:$0x3FB1] =	sst s5  }
0xe: {  	[smem:$0x3FB2] =	sst s6  }
0xf: {  	[smem:$0x3FB3] =	sst s7  }
0x10: {  	[smem:$0x3FB4] =	sst s8  }
0x11: {  	[smem:$0x3FB5] =	sst s9;
	s0 =	simm.s32 @!p0 $0x0  }
0x12: {  	s1 =	sld [smem:$0x3F9B];
	s0 =	simm.s32 @p0 $0x1  }
0x13: {  	[smem:$0x3FB6] =	sst s0;
	s0 =	simm.s32 @!p1 $0x0  }
0x14: {  	s2 =	sld [smem:$0x3F9A];
	s0 =	simm.s32 @p1 $0x1  }
0x15: {  	[smem:$0x3FB7] =	sst s0;
	s0 =	simm.s32 @!p2 $0x0  }
0x16: {  	s3 =	sld [smem:$0x3FDB];
	s0 =	simm.s32 @p2 $0x1  }
0x17: {  	s4 =	simm.s32 $0x1BF5;
	[smem:$0x3FB9] =	sst s0  }
0x18: {  	s0 =	sld [smem:$0x3F9C];
	_ =	swait.ge [sflag:s4], $0x0  }
0x19: {  	s7 =	sld [smem:$0x3F9D]  }
0x1a: {  	s8 =	sadd.s32 $0xFFFFE003, lr  }
0x1b: {  	s9 =	sadd.s32 $0xFFFFFEF7, lr;
	s5 =	simm.s32 $0xFFFFFFFF;
	p2 =	slt.u32 s8, $0xFFFFF086  }
0x1c: {  	p1 =	slt.u32 s9, $0xF7A;
	s5 =	simm.s32 @!p2 $0x0  }
0x1d: {  	s5 =	simm.s32 @p1 $0x1;
	p0 =	seq.s32 s7, s2  }
0x1e: {  	s7 =	smul.u32 @!p0 $0xF7A, s2;
	p2 =	seq.s32 @!p0 s5, $0x0  }
0x1f: {  	s9 =	smul.u32 $0xF7A, s1;
	s8 =	simm.s32 @!p0 $0x1BF5;
	p2 =	por !p2, p0  }
0x20: {  	[sflag:s8] =	ssyncset.s32 @!p0 $0xFFFFF086;
	s6 =	sadd.s32 @!p0 s3, s7;
	s7 =	simm.s32 @!p0 $0x108  }
0x21: {  	s3 =	sadd.s32 s3, s9;
	s6 =	sadd.s32 @!p0 $0x88, s6;
	s7 =	simm.s32 @p2 $0x1082  }
0x22: {  	[simem:s7], [sflag:s8] =	dma.local @!p0 [hbm:s6], $0xF7A  }
0x23: {  	s9 =	sor.u32 $0xD0000000, s2;
	s6 =	simm.s32 $0x108;
	_ =	swait.ge @!p0 [sflag:s8], $0x0  }
0x24: {  	s3 =	sadd.s32 $0x88, s3;
	s6 =	simm.s32 @!p1 $0x1082;
	[sflag:s4] =	ssyncset.s32 $0xFFFFF086  }
0x25: {  	[simem:s6], [sflag:s4] =	dma.local [hbm:s3], $0xF7A  }
0x26: {  	[smem:$0x3F9D] =	sst s1;
	(tag) =	ssettag s2;
	_ =	strace s9  }
0x27: {  	s1 =	sld [smem:$0x3FAD]  }
0x28: {  	s2 =	sld [smem:$0x3FAE]  }
0x29: {  	s4 =	sld [smem:$0x3FB0]  }
0x2a: {  	p0 =	seq.s32 s5, $0x0;
	s5 =	sld [smem:$0x3FB1]  }
0x2b: {  	s6 =	sld [smem:$0x3FB2]  }
0x2c: {  	s7 =	sld [smem:$0x3FB3]  }
0x2d: {  	s3 =	simm.s32 $0x108;
	s8 =	sld [smem:$0x3FB4]  }
0x2e: {  	s3 =	simm.s32 @!p0 $0x1082;
	s9 =	sld [smem:$0x3FB5]  }
0x2f: {  	lr =	sadd.s32 s0, s3;
	s0 =	sld [smem:$0x3FAC]  }
0x30: {  	s3 =	sld [smem:$0x3FAF]  }
0x31: {  	[smem:$0x3FB8] =	sst s10  }
0x32: {  	s10 =	sld [smem:$0x3FB6];
	_ =	sdelay $0x3  }
0x33: {  	p0 =	seq.s32 s10, $0x1;
	s10 =	sld [smem:$0x3FB8];
	_ =	sdelay $0x3  }
0x34: {  	[smem:$0x3FB8] =	sst s10  }
0x35: {  	s10 =	sld [smem:$0x3FB7];
	_ =	sdelay $0x3  }
0x36: {  	p1 =	seq.s32 s10, $0x1;
	s10 =	sld [smem:$0x3FB8];
	_ =	sdelay $0x3  }
0x37: {  	[smem:$0x3FB8] =	sst s10  }
0x38: {  	s10 =	sld [smem:$0x3FB9]  }
0x39: {  	_ = 	snop;
	(pc) =	sbr.ind lr, $3  }
0x3a: {  	_ = 	snop  }
0x3b: {  	_ = 	snop  }
0x3c: {  	p2 =	seq.s32 s10, $0x1;
	s10 =	sld [smem:$0x3FB8]  }
0x3d: {  	_ =	shalt  }
0x3e: {  	_ =	shalt  }
0x3f: {  	_ =	shalt  }
0x40: {  	_ =	shalt  }
0x41: {  	_ =	shalt  }
0x42: {  	_ =	shalt  }
0x43: {  	_ =	shalt  }
0x44: {  	_ =	shalt  }
0x45: {  	_ =	shalt  }
0x46: {  	_ =	shalt  }
0x47: {  	_ =	shalt  }
0x48: {  	_ =	shalt  }
0x49: {  	_ =	shalt  }
0x4a: {  	_ =	shalt  }
0x4b: {  	_ =	shalt  }
0x4c: {  	_ =	shalt  }
0x4d: {  	_ =	shalt  }
0x4e: {  	_ =	shalt  }
0x4f: {  	_ =	shalt  }
0x50: {  	_ =	shalt  }
0x51: {  	_ =	shalt  }
0x52: {  	_ =	shalt  }
0x53: {  	_ =	shalt  }
0x54: {  	_ =	shalt  }
0x55: {  	_ =	shalt  }
0x56: {  	_ =	shalt  }
0x57: {  	_ =	shalt  }
0x58: {  	_ =	shalt  }
0x59: {  	_ =	shalt  }
0x5a: {  	_ =	shalt  }
0x5b: {  	_ =	shalt  }
0x5c: {  	_ =	shalt  }
0x5d: {  	_ =	shalt  }
0x5e: {  	_ =	shalt  }
0x5f: {  	_ =	shalt  }
0x60: {  	_ =	shalt  }
0x61: {  	_ =	shalt  }
0x62: {  	_ =	shalt  }
0x63: {  	_ =	shalt  }
0x64: {  	_ =	shalt  }
0x65: {  	_ =	shalt  }
0x66: {  	_ =	shalt  }
0x67: {  	_ =	shalt  }
0x68: {  	_ =	shalt  }
0x69: {  	_ =	shalt  }
0x6a: {  	_ =	shalt  }
0x6b: {  	_ =	shalt  }
0x6c: {  	_ =	shalt  }
0x6d: {  	_ =	shalt  }
0x6e: {  	_ =	shalt  }
0x6f: {  	_ =	shalt  }
0x70: {  	_ =	shalt  }
0x71: {  	_ =	shalt  }
0x72: {  	_ =	shalt  }
0x73: {  	_ =	shalt  }
0x74: {  	_ =	shalt  }
0x75: {  	_ =	shalt  }
0x76: {  	_ =	shalt  }
0x77: {  	_ =	shalt  }
0x78: {  	_ =	shalt  }
0x79: {  	_ =	shalt  }
0x7a: {  	_ =	shalt  }
0x7b: {  	_ =	shalt  }
0x7c: {  	_ =	shalt  }
0x7d: {  	_ =	shalt  }
0x7e: {  	_ =	shalt  }
0x7f: {  	_ =	shalt  }
0x80: {  	_ =	shalt  }
0x81: {  	_ =	shalt  }
0x82: {  	_ =	shalt  }
0x83: {  	_ =	shalt  }
0x84: {  	_ =	shalt  }
0x85: {  	_ =	shalt  }
0x86: {  	_ =	shalt  }
0x87: {  	_ =	shalt  }
.Lfunc_end0:
.L_simem_size_0:
called_computation.3_lowered:
.L_overlay_start_0:
0x88: {  	s2 =	sld [smem:$0x3FD9]  }
0x89: {  	s3 =	sld [smem:$0x3FFE];
	_ =	sdelay $0x1  }
0x8a: {  	s1 =	srdreg.scid  }
0x8b: {  	s0 =	sand.u32 $0x1, s1  }
0x8c: {  	s16 =	sshll.u32 s0, $0xA;
	s2 =	sadd.s32 s3, s2  }
0x8d: {  	s2 =	sadd.s32 s2, s16  }
0x8e: {  	[smem:$0x3FC4] =	sst s2  }
0x8f: {  	_ = 	snop  }
0x90: {  	(tm) =	ssettm $0x1  }
0x91: {  	s17 =	sld [smem:$0x3FFB];
	_ =	sdelay $0x3  }
0x92: {  	_ =	strace s17  }
0x93: {  	s2 =	sld [smem:$0x3FFC];
	_ =	sdelay $0x3  }
0x94: {  	_ =	strace s2  }
0x95: {  	s2 =	sld [smem:$0x3FFD];
	_ =	sdelay $0x3  }
0x96: {  	_ =	strace s2  }
0x97: {  	_ =	strace $0x8FFFFFFF  }
0x98: {  	s18 =	sld [smem:$0x3FDB];
	_ =	sdelay $0x1  }
0x99: {  	s19 =	simm.s32 $_scs_section_size  }
0x9a: {  	s4 =	simm.s32 $_size__tile_overlayer_lowered;
	s5 =	simm.s32 $_tile_overlayer_lowered  }
0x9b: {  	s22 =	simm.s32 $0x1BFF;
	s21 =	sshll.u32 s5, $0x1;
	s2 =	sadd.s32 s19, s18  }
0x9c: {  	s6 =	simm.s32 $0x0;
	s20 =	sshll.u32 s4, $0x1;
	s4 =	sadd.s32 s21, s2  }
0x9d: {  	[timem:s6], [sflag:s22] =	dma.local [hbm:s4], s20  }
0x9e: {  	_ =	swait.ge [sflag:s22], s20  }
0x9f: {  	s3 =	ssub.s32 $0x0, s20;
	[sflag:s22] =	ssyncset.done $0x0  }
0xa0: {  	[sflag:s22] =	ssyncadd.s32 s3;
	_ =	sdelay $0x1  }
0xa1: {  	s23 =	simm.s32 $0x1B8B  }
0xa2: {  	_ =	swait.ge [sflag:s23], $0x1  }
0xa3: {  	[sflag:s23] =	ssyncset.done $0x0  }
0xa4: {  	s25 =	simm.s32 $0x1B8E;
	s24 =	sld [smem:$0x3FFE];
	[sflag:s23] =	ssyncadd.s32 $0xFFFFFFFF  }
0xa5: {  	s26 =	simm.s32 $execute0_lowered;
	[smem:$0x3FD2] =	sst s25  }
0xa6: {  	s4 =	sshll.u32 s26, $0x1;
	_ =	strace $0x8000004F;
	[dreg:$0x1] =	wrdreg $0xFFFFFFFF  }
0xa7: {  	s28 =	simm.s32 $_size_execute0_lowered;
	s2 =	sadd.s32 s2, s4;
	[dreg:$0x0] =	wrdreg $0x0  }
0xa8: {  	s4 =	sshll.u32 s28, $0x1;
	[dreg:$0x2] =	wrdreg s2  }
0xa9: {  	[dreg:$0x3] =	wrdreg s4  }
0xaa: {  	[dreg:$0x4] =	wrdreg $0xC0  }
0xab: {  	_ =	task [dreg:s6], $0x5FFFF  }
0xac: {  	[dreg:$0x1] =	wrdreg $0xFFFFFFFF  }
0xad: {  	[dreg:$0x0] =	wrdreg $0x60  }
0xae: {  	[dreg:$0x2] =	wrdreg s24  }
0xaf: {  	[dreg:$0x3] =	wrdreg $0xA8000  }
0xb0: {  	[dreg:$0x4] =	wrdreg $0x9  }
0xb1: {  	_ =	task.clear_ibuf [dreg:s6], $0x5FFFF;
	_ =	strace $0x9000004F  }
0xb2: {  	s29 =	simm.s32 $0x9;
	_ =	strace $0x80000051  }
0xb3: {  	_ =	swait.ge [sflag:s29], $0x1  }
0xb4: {  	[sflag:s29] =	ssyncadd.s32 $0xFFFFFFFF  }
0xb5: {  	_ =	strace $0x90000051  }
0xb6: {  	_ =	sfence  }
0xb7: {  	s30 =	sld [smem:$0x0];
	_ =	sdelay $0x2  }
0xb8: {  	s31 =	sshll.u32 s1, $0xD;
	s1 =	sshrl.u32 s1, $0x2  }
0xb9: {  	s3 =	sand.u32 $0x4000, s31;
	s1 =	sadd.s32 s1, s30  }
0xba: {  	s0 =	sor.u32 s3, s0;
	s1 =	sshll.u32 s1, $0x11  }
0xbb: {  	s0 =	sor.u32 s1, s0  }
0xbc: {  	s0 =	sadd.s32 $0x8F2B, s0  }
0xbd: {  	[sflag:s0] =	ssyncadd.remote.s32 $0x1  }
0xbe: {  	_ =	sfence.sel $0xFFFF  }
0xbf: {  	[dreg:$0x0] =	wrdreg $0xFFFFFFFF;
	(pc) =	sbr.abs _section_cstart, $3  }
0xc0: {  	[dreg:$0x1] =	wrdreg $0xFFFFFFFF  }
0xc1: {  	_ =	task.clear_ibuf [dreg:s6], $0x2FFFF;
	_ =	strace $0x9FFFFFFF  }
0xc2: {  	(tm) =	ssettm $0x7FFFFFFF  }
0xc3: {  	_ =	shalt  }
tec
execute0_lowered:
.L_overlay_start_1:
0x0: {  	(tag) =	ssettag $0x1  }
0x1: {  	s5 =	rddreg [dreg:$0x0]  }
0x2: {  	s0 =	srdreg.scid;
	s2 =	rddreg [dreg:$0x1]  }
0x3: {  	s1 =	stileid.u32;
	s3 =	simm.s32 $0x0;
	s17 =	simm.s32 $0x3  }
0x4: {  	s18 =	simm.s32 $0x1400;
	s19 =	simm.s32 $0x80;
	s20 =	simm.s32 $0x6800  }
0x5: {  	s21 =	simm.s32 $0x1;
	s22 =	simm.s32 $0x4;
	s23 =	simm.s32 $0x2  }
0x6: {  	s24 =	simm.s32 $0x1380;
	s25 =	simm.s32 $0x2700;
	s6 =	sand.u32 $0x1, s0  }
0x7: {  	s8 =	smul.u32 $0x14000, s1;
	[smem:$0x7FF] =	sst s3;
	s4 =	sadd.s32 $0x18400, s5  }
0x8: {  	s12 =	sadd.s32 $0xE400, s5;
	s26 =	smul.u32 $0x50000, s1;
	s13 =	sadd.s32 $0x3A00, s5  }
0x9: {  	s7 =	smul.u32 $0x140000, s6;
	_ =	strace $0x80000050;
	s28 =	sshll.u32 s6, $0x4  }
0xa: {  	s6 =	ssub.s32 $0x2, s6;
	s29 =	sor.u32 s1, s28;
	s30 =	sshrl.u32 s26, $0x2  }
0xb: {  	s31 =	sshrl.u32 s6, $0x1;
	s26 =	simm.s32 $0x2780;
	s7 =	sadd.s32 s8, s7  }
0xc: {  	s10 =	smul.u32 $0x2800, s29;
	s15 =	ssub.s32 s6, s31;
	s7 =	sshrl.u32 s7, $0x3  }
0xd: {  	s15 =	smax.u32 s15, $0x1;
	s14 =	sadd.s32 s7, s5;
	s5 =	sadd.s32 s30, s2  }
0xe: {  	s16 =	sshrl.u32 s10, $0x3;
	s6 =	sadd.s32 $0x4000, s5;
	s7 =	sadd.s32 $0x8000, s5  }
0xf: {  	s8 =	sadd.s32 $0xC000, s5;
	s9 =	sadd.s32 $0x10000, s5;
	s10 =	sadd.s32 s12, s16  }
0x10: {  	s11 =	sadd.s32 s13, s16;
	s16 =	sadd.s32 $0x280, s16;
	s14 =	sadd.s32 $0x90400, s14  }
0x11: {  	v0 =	vimm.f32 $0.0e+00;
	s12 =	sadd.s32 s12, s16;
	s13 =	sadd.s32 s13, s16;
	s16 =	simm.s32 $0x2800  }
.LBB2_1:
0x12: {  	s28 =	simm.s32 $0x0;
	s29 =	simm.s32 $0x200  }
.LBB2_2:
0x13: {  	p0 =	sne.s32 s29, $0xFE00;
	[tilespmem:s28+$0x2870] =	vst v0  }
0x14: {  	[tilespmem:s28+$0x2800] =	vst v0  }
0x15: {  	[tilespmem:s28+$0x2810] =	vst v0  }
.Ltmp0:
0x16: {  	[tilespmem:s28+$0x2820] =	vst v0;
	(pc) =	sbr.rel @p0 .LBB2_2-.Ltmp0, $4  }
0x17: {  	[tilespmem:s28+$0x2830] =	vst v0  }
0x18: {  	[tilespmem:s28+$0x2840] =	vst v0  }
0x19: {  	[tilespmem:s28+$0x2850] =	vst v0  }
0x1a: {  	[tilespmem:s28+$0x2860] =	vst v0;
	s28 =	sshra.s32 s29, $0x2;
	s29 =	sadd.s32 $0x200, s29  }
0x1b: {  	[tilespmem:s28+$0x2870] =	vst v0  }
0x1c: {  	[tilespmem:s28+$0x2800] =	vst v0  }
0x1d: {  	[tilespmem:s28+$0x2810] =	vst v0  }
0x1e: {  	[tilespmem:s28+$0x2820] =	vst v0  }
0x1f: {  	[tilespmem:s28+$0x2830] =	vst v0  }
0x20: {  	[tilespmem:s28+$0x2840] =	vst v0  }
0x21: {  	[tilespmem:s28+$0x2850] =	vst v0  }
0x22: {  	[tilespmem:s28+$0x2860] =	vst v0  }
0x23: {  	[spmem:s5] =	stream.linear.scatter [tilespmem:s16], [sflag:$0x3], $0x4000, $0x38;
	[tilespmem:$0x1E800] =	vst v63  }
0x24: {  	_ =	swait.ge [sflag:s17], $0x4000  }
0x25: {  	[sflag:s17] =	ssyncset.done $0x0  }
0x26: {  	[sflag:s17] =	ssyncadd.s32 $0xFFFFC000  }
0x27: {  	[spmem:s6] =	stream.linear.scatter [tilespmem:s16], [sflag:$0x3], $0x4000, $0x38;
	[tilespmem:$0x1E800] =	vst v63  }
0x28: {  	_ =	swait.ge [sflag:s17], $0x4000  }
0x29: {  	[sflag:s17] =	ssyncset.done $0x0  }
0x2a: {  	[sflag:s17] =	ssyncadd.s32 $0xFFFFC000  }
0x2b: {  	[spmem:s7] =	stream.linear.scatter [tilespmem:s16], [sflag:$0x3], $0x4000, $0x38;
	[tilespmem:$0x1E800] =	vst v63  }
0x2c: {  	_ =	swait.ge [sflag:s17], $0x4000  }
0x2d: {  	[sflag:s17] =	ssyncset.done $0x0  }
0x2e: {  	[sflag:s17] =	ssyncadd.s32 $0xFFFFC000  }
0x2f: {  	[spmem:s8] =	stream.linear.scatter [tilespmem:s16], [sflag:$0x3], $0x4000, $0x38;
	[tilespmem:$0x1E800] =	vst v63  }
0x30: {  	_ =	swait.ge [sflag:s17], $0x4000  }
0x31: {  	[sflag:s17] =	ssyncset.done $0x0  }
0x32: {  	[sflag:s17] =	ssyncadd.s32 $0xFFFFC000  }
0x33: {  	[spmem:s9] =	stream.linear.scatter [tilespmem:s16], [sflag:$0x3], $0x4000, $0x38;
	[tilespmem:$0x1E800] =	vst v63  }
0x34: {  	_ =	swait.ge [sflag:s17], $0x4000  }
0x35: {  	[sflag:s17] =	ssyncset.done $0x0  }
0x36: {  	[sflag:s17] =	ssyncadd.s32 $0xFFFFC000  }
0x37: {  	s28 =	simm.s32 $0x0;
	[bflag:$0x0] =	sbarrier.arrive $0xFFFF  }
0x38: {  	[tilespmem:s28], [sflag:$0x3] =	stream.linear.gather [hbm4b:s10+s28], $0x1400, $0x38;
	[tilespmem:$0x1E800] =	vst v63  }
0x39: {  	_ =	swait.ge [sflag:s17], $0x1400  }
0x3a: {  	[sflag:s17] =	ssyncset.done $0x0  }
0x3b: {  	[sflag:s17] =	ssyncadd.s32 $0xFFFFEC00  }
0x3c: {  	[tilespmem:s18], [sflag:$0x3] =	stream.linear.gather [hbm4b:s11+s28], $0x1400, $0x38;
	[tilespmem:$0x1E800] =	vst v63  }
0x3d: {  	_ =	swait.ge [sflag:s17], $0x1400  }
0x3e: {  	[sflag:s17] =	ssyncset.done $0x0  }
0x3f: {  	[sflag:s17] =	ssyncadd.s32 $0xFFFFEC00  }
0x40: {  	[tilespmem:s16], [sflag:$0x1] =	stream.indirect.gather [hbm4b:s4+s19], $0x80, s28, s19, $0xb8;
	[tilespmem:$0x1E800] =	vst v63  }
0x41: {  	s28 =	simm.s32 $0x80  }
0x42: {  	[tilespmem:s20], [sflag:$0x2] =	stream.indirect.gather [hbm4b:s4+s19], $0x80, s28, s19, $0xb8;
	[tilespmem:$0x1E800] =	vst v63  }
0x43: {  	_ =	swait.ge [sflag:s21], $0x4000  }
0x44: {  	[sflag:s21] =	ssyncset.done $0x0  }
0x45: {  	s28 =	simm.s32 $0x1400;
	[sflag:s21] =	ssyncadd.s32 $0xFFFFC000  }
0x46: {  	[spmem:s2] =	stream.indirect.scatter.add.f32 [tilespmem:s16], [sflag:$0x4], $0x80, s28, s19, $0xb8;
	[tilespmem:$0x1E800] =	vst v63  }
0x47: {  	_ =	swait.ge [sflag:s22], $0x4000  }
0x48: {  	[sflag:s22] =	ssyncset.done $0x0  }
0x49: {  	s28 =	simm.s32 $0x100;
	[sflag:s22] =	ssyncadd.s32 $0xFFFFC000  }
0x4a: {  	[tilespmem:s16], [sflag:$0x1] =	stream.indirect.gather [hbm4b:s4+s19], $0x80, s28, s19, $0xb8;
	[tilespmem:$0x1E800] =	vst v63  }
0x4b: {  	_ =	swait.ge [sflag:s23], $0x4000  }
0x4c: {  	[sflag:s23] =	ssyncset.done $0x0  }
0x4d: {  	s28 =	simm.s32 $0x1480;
	[sflag:s23] =	ssyncadd.s32 $0xFFFFC000  }
0x4e: {  	[spmem:s2] =	stream.indirect.scatter.add.f32 [tilespmem:s20], [sflag:$0x3], $0x80, s28, s19, $0xb8;
	[tilespmem:$0x1E800] =	vst v63  }
0x4f: {  	_ =	swait.ge [sflag:s17], $0x4000  }
0x50: {  	s29 =	simm.s32 $0x800;
	s28 =	simm.s32 $0x100;
	[sflag:s17] =	ssyncset.done $0x0  }
.LBB2_4:
0x51: {  	s30 =	sadd.s32 $0x80, s28  }
0x52: {  	[sflag:s17] =	ssyncadd.s32 $0xFFFFC000;
	s31 =	smov.u32 s29;
	s0 =	sadd.s32 $0x400, s29  }
0x53: {  	[tilespmem:s20], [sflag:$0x2] =	stream.indirect.gather [hbm4b:s4+s19], $0x80, s30, s19, $0xb8;
	[tilespmem:$0x1E800] =	vst v63  }
0x54: {  	p0 =	sne.s32 s29, $0x4800;
	_ =	swait.ge [sflag:s21], $0x4000  }
0x55: {  	[sflag:s21] =	ssyncset.done $0x0  }
0x56: {  	s29 =	sadd.s32 $0x1400, s28;
	[sflag:s21] =	ssyncadd.s32 $0xFFFFC000  }
0x57: {  	[spmem:s2] =	stream.indirect.scatter.add.f32 [tilespmem:s16], [sflag:$0x4], $0x80, s29, s19, $0xb8;
	[tilespmem:$0x1E800] =	vst v63  }
0x58: {  	_ =	swait.ge [sflag:s22], $0x4000  }
0x59: {  	[sflag:s22] =	ssyncset.done $0x0  }
0x5a: {  	s29 =	sadd.s32 $0x100, s28;
	[sflag:s22] =	ssyncadd.s32 $0xFFFFC000  }
0x5b: {  	[tilespmem:s16], [sflag:$0x1] =	stream.indirect.gather [hbm4b:s4+s19], $0x80, s29, s19, $0xb8;
	[tilespmem:$0x1E800] =	vst v63  }
0x5c: {  	_ =	swait.ge [sflag:s23], $0x4000  }
.Ltmp1:
0x5d: {  	[sflag:s23] =	ssyncset.done $0x0;
	(pc) =	sbr.rel @p0 .LBB2_4-.Ltmp1, $4  }
0x5e: {  	s28 =	sadd.s32 $0x1480, s28;
	[sflag:s23] =	ssyncadd.s32 $0xFFFFC000  }
0x5f: {  	[spmem:s2] =	stream.indirect.scatter.add.f32 [tilespmem:s20], [sflag:$0x3], $0x80, s28, s19, $0xb8;
	[tilespmem:$0x1E800] =	vst v63  }
0x60: {  	_ =	swait.ge [sflag:s17], $0x4000  }
0x61: {  	s29 =	smov.u32 s0;
	s28 =	sshra.s32 s31, $0x2;
	[sflag:s17] =	ssyncset.done $0x0  }
0x62: {  	s0 =	sadd.s32 $0x80, s28;
	[sflag:s17] =	ssyncadd.s32 $0xFFFFC000  }
0x63: {  	[tilespmem:s20], [sflag:$0x2] =	stream.indirect.gather [hbm4b:s4+s19], $0x80, s0, s19, $0xb8;
	[tilespmem:$0x1E800] =	vst v63  }
0x64: {  	_ =	swait.ge [sflag:s21], $0x4000  }
0x65: {  	[sflag:s21] =	ssyncset.done $0x0  }
0x66: {  	s30 =	sadd.s32 $0x1400, s28;
	[sflag:s21] =	ssyncadd.s32 $0xFFFFC000  }
0x67: {  	[spmem:s2] =	stream.indirect.scatter.add.f32 [tilespmem:s16], [sflag:$0x4], $0x80, s30, s19, $0xb8;
	[tilespmem:$0x1E800] =	vst v63  }
0x68: {  	_ =	swait.ge [sflag:s22], $0x4000  }
0x69: {  	[sflag:s22] =	ssyncset.done $0x0  }
0x6a: {  	s31 =	sadd.s32 $0x100, s28;
	[sflag:s22] =	ssyncadd.s32 $0xFFFFC000  }
0x6b: {  	[tilespmem:s16], [sflag:$0x1] =	stream.indirect.gather [hbm4b:s4+s19], $0x80, s31, s19, $0xb8;
	[tilespmem:$0x1E800] =	vst v63  }
0x6c: {  	_ =	swait.ge [sflag:s23], $0x4000  }
0x6d: {  	[sflag:s23] =	ssyncset.done $0x0  }
0x6e: {  	s30 =	sadd.s32 $0x1480, s28;
	[sflag:s23] =	ssyncadd.s32 $0xFFFFC000  }
0x6f: {  	[spmem:s2] =	stream.indirect.scatter.add.f32 [tilespmem:s20], [sflag:$0x3], $0x80, s30, s19, $0xb8;
	[tilespmem:$0x1E800] =	vst v63  }
0x70: {  	_ =	swait.ge [sflag:s17], $0x4000  }
0x71: {  	[sflag:s17] =	ssyncset.done $0x0  }
0x72: {  	[sflag:s17] =	ssyncadd.s32 $0xFFFFC000  }
0x73: {  	[tilespmem:s20], [sflag:$0x2] =	stream.indirect.gather [hbm4b:s4+s19], $0x80, s24, s19, $0xb8;
	[tilespmem:$0x1E800] =	vst v63  }
0x74: {  	_ =	swait.ge [sflag:s21], $0x4000  }
0x75: {  	[sflag:s21] =	ssyncset.done $0x0  }
0x76: {  	[sflag:s21] =	ssyncadd.s32 $0xFFFFC000  }
0x77: {  	[spmem:s2] =	stream.indirect.scatter.add.f32 [tilespmem:s16], [sflag:$0x4], $0x80, s25, s19, $0xb8;
	[tilespmem:$0x1E800] =	vst v63  }
0x78: {  	_ =	swait.ge [sflag:s22], $0x4000  }
0x79: {  	[sflag:s22] =	ssyncset.done $0x0  }
0x7a: {  	[sflag:s22] =	ssyncadd.s32 $0xFFFFC000  }
0x7b: {  	_ =	swait.ge [sflag:s23], $0x4000  }
0x7c: {  	[sflag:s23] =	ssyncset.done $0x0  }
0x7d: {  	[sflag:s23] =	ssyncadd.s32 $0xFFFFC000  }
0x7e: {  	[spmem:s2] =	stream.indirect.scatter.add.f32 [tilespmem:s20], [sflag:$0x3], $0x80, s26, s19, $0xb8;
	[tilespmem:$0x1E800] =	vst v63  }
0x7f: {  	_ =	swait.ge [sflag:s17], $0x4000  }
0x80: {  	[sflag:s17] =	ssyncset.done $0x0  }
0x81: {  	s31 =	simm.s32 $0x0;
	[sflag:s17] =	ssyncadd.s32 $0xFFFFC000  }
0x82: {  	[tilespmem:s31], [sflag:$0x3] =	stream.linear.gather [hbm4b:s12+s31], $0x1380, $0x38;
	[tilespmem:$0x1E800] =	vst v63  }
0x83: {  	_ =	swait.ge [sflag:s17], $0x1380  }
0x84: {  	[sflag:s17] =	ssyncset.done $0x0  }
0x85: {  	[sflag:s17] =	ssyncadd.s32 $0xFFFFEC80  }
0x86: {  	[tilespmem:s18], [sflag:$0x3] =	stream.linear.gather [hbm4b:s13+s31], $0x1380, $0x38;
	[tilespmem:$0x1E800] =	vst v63  }
0x87: {  	_ =	swait.ge [sflag:s17], $0x1380  }
0x88: {  	[sflag:s17] =	ssyncset.done $0x0  }
0x89: {  	[sflag:s17] =	ssyncadd.s32 $0xFFFFEC80  }
0x8a: {  	[tilespmem:s16], [sflag:$0x1] =	stream.indirect.gather [hbm4b:s4+s19], $0x80, s31, s19, $0xb8;
	[tilespmem:$0x1E800] =	vst v63  }
0x8b: {  	s30 =	simm.s32 $0x80  }
0x8c: {  	[tilespmem:s20], [sflag:$0x2] =	stream.indirect.gather [hbm4b:s4+s19], $0x80, s30, s19, $0xb8;
	[tilespmem:$0x1E800] =	vst v63  }
0x8d: {  	_ =	swait.ge [sflag:s21], $0x4000  }
0x8e: {  	[sflag:s21] =	ssyncset.done $0x0  }
0x8f: {  	s31 =	simm.s32 $0x1400;
	[sflag:s21] =	ssyncadd.s32 $0xFFFFC000  }
0x90: {  	[spmem:s2] =	stream.indirect.scatter.add.f32 [tilespmem:s16], [sflag:$0x4], $0x80, s31, s19, $0xb8;
	[tilespmem:$0x1E800] =	vst v63  }
0x91: {  	_ =	swait.ge [sflag:s22], $0x4000  }
0x92: {  	[sflag:s22] =	ssyncset.done $0x0  }
0x93: {  	s30 =	simm.s32 $0x100;
	[sflag:s22] =	ssyncadd.s32 $0xFFFFC000  }
0x94: {  	[tilespmem:s16], [sflag:$0x1] =	stream.indirect.gather [hbm4b:s4+s19], $0x80, s30, s19, $0xb8;
	[tilespmem:$0x1E800] =	vst v63  }
0x95: {  	_ =	swait.ge [sflag:s23], $0x4000  }
0x96: {  	[sflag:s23] =	ssyncset.done $0x0  }
0x97: {  	s31 =	simm.s32 $0x1480;
	[sflag:s23] =	ssyncadd.s32 $0xFFFFC000  }
0x98: {  	[spmem:s2] =	stream.indirect.scatter.add.f32 [tilespmem:s20], [sflag:$0x3], $0x80, s31, s19, $0xb8;
	[tilespmem:$0x1E800] =	vst v63  }
0x99: {  	_ =	swait.ge [sflag:s17], $0x4000  }
0x9a: {  	s29 =	simm.s32 $0x800;
	s28 =	simm.s32 $0x100;
	[sflag:s17] =	ssyncset.done $0x0  }
.LBB2_6:
0x9b: {  	s0 =	sadd.s32 $0x80, s28  }
0x9c: {  	[sflag:s17] =	ssyncadd.s32 $0xFFFFC000;
	s30 =	smov.u32 s29;
	s31 =	sadd.s32 $0x400, s29  }
0x9d: {  	[tilespmem:s20], [sflag:$0x2] =	stream.indirect.gather [hbm4b:s4+s19], $0x80, s0, s19, $0xb8;
	[tilespmem:$0x1E800] =	vst v63  }
0x9e: {  	p0 =	sne.s32 s29, $0x4800;
	_ =	swait.ge [sflag:s21], $0x4000  }
0x9f: {  	[sflag:s21] =	ssyncset.done $0x0  }
0xa0: {  	s0 =	sadd.s32 $0x1400, s28;
	[sflag:s21] =	ssyncadd.s32 $0xFFFFC000  }
0xa1: {  	[spmem:s2] =	stream.indirect.scatter.add.f32 [tilespmem:s16], [sflag:$0x4], $0x80, s0, s19, $0xb8;
	[tilespmem:$0x1E800] =	vst v63  }
0xa2: {  	_ =	swait.ge [sflag:s22], $0x4000  }
0xa3: {  	[sflag:s22] =	ssyncset.done $0x0  }
0xa4: {  	s0 =	sadd.s32 $0x100, s28;
	[sflag:s22] =	ssyncadd.s32 $0xFFFFC000  }
0xa5: {  	[tilespmem:s16], [sflag:$0x1] =	stream.indirect.gather [hbm4b:s4+s19], $0x80, s0, s19, $0xb8;
	[tilespmem:$0x1E800] =	vst v63  }
0xa6: {  	_ =	swait.ge [sflag:s23], $0x4000  }
.Ltmp2:
0xa7: {  	[sflag:s23] =	ssyncset.done $0x0;
	(pc) =	sbr.rel @p0 .LBB2_6-.Ltmp2, $4  }
0xa8: {  	s0 =	sadd.s32 $0x1480, s28;
	[sflag:s23] =	ssyncadd.s32 $0xFFFFC000  }
0xa9: {  	[spmem:s2] =	stream.indirect.scatter.add.f32 [tilespmem:s20], [sflag:$0x3], $0x80, s0, s19, $0xb8;
	[tilespmem:$0x1E800] =	vst v63  }
0xaa: {  	_ =	swait.ge [sflag:s17], $0x4000  }
0xab: {  	s29 =	smov.u32 s31;
	s28 =	sshra.s32 s30, $0x2;
	[sflag:s17] =	ssyncset.done $0x0  }
0xac: {  	s0 =	sadd.s32 $0x80, s28;
	[sflag:s17] =	ssyncadd.s32 $0xFFFFC000  }
0xad: {  	[tilespmem:s20], [sflag:$0x2] =	stream.indirect.gather [hbm4b:s4+s19], $0x80, s0, s19, $0xb8;
	[tilespmem:$0x1E800] =	vst v63  }
0xae: {  	_ =	swait.ge [sflag:s21], $0x4000  }
0xaf: {  	[sflag:s21] =	ssyncset.done $0x0  }
0xb0: {  	s30 =	sadd.s32 $0x1400, s28;
	[sflag:s21] =	ssyncadd.s32 $0xFFFFC000  }
0xb1: {  	[spmem:s2] =	stream.indirect.scatter.add.f32 [tilespmem:s16], [sflag:$0x4], $0x80, s30, s19, $0xb8;
	[tilespmem:$0x1E800] =	vst v63  }
0xb2: {  	_ =	swait.ge [sflag:s22], $0x4000  }
0xb3: {  	[sflag:s22] =	ssyncset.done $0x0  }
0xb4: {  	s31 =	sadd.s32 $0x100, s28;
	[sflag:s22] =	ssyncadd.s32 $0xFFFFC000  }
0xb5: {  	[tilespmem:s16], [sflag:$0x1] =	stream.indirect.gather [hbm4b:s4+s19], $0x80, s31, s19, $0xb8;
	[tilespmem:$0x1E800] =	vst v63  }
0xb6: {  	_ =	swait.ge [sflag:s23], $0x4000  }
0xb7: {  	[sflag:s23] =	ssyncset.done $0x0  }
0xb8: {  	s29 =	sadd.s32 $0x1480, s28;
	[sflag:s23] =	ssyncadd.s32 $0xFFFFC000  }
0xb9: {  	[spmem:s2] =	stream.indirect.scatter.add.f32 [tilespmem:s20], [sflag:$0x3], $0x80, s29, s19, $0xb8;
	[tilespmem:$0x1E800] =	vst v63  }
0xba: {  	_ =	swait.ge [sflag:s17], $0x4000  }
0xbb: {  	[sflag:s17] =	ssyncset.done $0x0  }
0xbc: {  	[sflag:s17] =	ssyncadd.s32 $0xFFFFC000  }
0xbd: {  	_ =	swait.ge [sflag:s21], $0x4000  }
0xbe: {  	[sflag:s21] =	ssyncset.done $0x0  }
0xbf: {  	[sflag:s21] =	ssyncadd.s32 $0xFFFFC000  }
0xc0: {  	[spmem:s2] =	stream.indirect.scatter.add.f32 [tilespmem:s16], [sflag:$0x4], $0x80, s25, s19, $0xb8;
	[tilespmem:$0x1E800] =	vst v63  }
0xc1: {  	_ =	swait.ge [sflag:s22], $0x4000  }
0xc2: {  	s3 =	sadd.s32 $0x1, s3;
	s30 =	sshll.u32 s1, $0x6;
	[sflag:s22] =	ssyncset.done $0x0  }
0xc3: {  	p0 =	sne.s32 s3, s15;
	s0 =	sor.u32 $0x1C03, s30;
	[sflag:s22] =	ssyncadd.s32 $0xFFFFC000  }
.Ltmp3:
0xc4: {  	s31 =	sshrl.u32 s5, $0x3;
	[bflag:$0x0] =	sbarrier.arrive $0xFFFF;
	(pc) =	sbr.rel @p0 .LBB2_1-.Ltmp3, $4  }
0xc5: {  	[hbm:s14], [sflag:s0] =	dma.local [spmem:s31], $0x2800  }
0xc6: {  	_ =	swait.ge [sflag:s17], $0x2800  }
0xc7: {  	[sflag:s17] =	ssyncset.done $0x0  }
0xc8: {  	[sflag:s17] =	ssyncadd.s32 $0xFFFFD800  }
0xc9: {  	_ =	sfence.sel $0x180000  }
0xca: {  	[bflag:$0x0] =	sbarrier.arrive $0xFFFF  }
0xcb: {  	_ =	strace $0x90000050  }
0xcc: {  	[bflag:$0x2] =	sbarrier.arrive $0xFFFF  }
0xcd: {  	p0 =	sne.s32 s1, $0x0;
	s0 =	rddreg [dreg:$0x2]  }
0xce: {  	s0 =	sadd.s32 @!p0 $0x100000, s0  }
0xcf: {  	[sflag:s0] =	ssyncadd.tile.s32 @!p0 $0x1;
	_ =	shalt  }
.Lfunc_end2:
_tile_overlayer_lowered:
.L_overlay_start_2:
0xd0: {  	(tag) =	ssettag $0x2  }
0xd1: {  	s0 =	rddreg [dreg:$0x0];
	s2 =	stileid.u32  }
0xd2: {  	s1 =	rddreg [dreg:$0x1];
	p0 =	sne.s32 s2, $0x0  }
0xd3: {  	s3 =	rddreg [dreg:$0x2];
	[bflag:$0x3] =	sbarrier.arrive $0xFFFF;
	s2 =	simm.s32 @!p0 $0x1C03  }
0xd4: {  	[timem:s3], [sflag:s2] =	dma.local @!p0 [hbm:s0], s1  }
0xd5: {  	s0 =	simm.s32 @!p0 $0x3  }
0xd6: {  	_ =	swait.ge @!p0 [sflag:s0], s1  }
0xd7: {  	s1 =	ssub.s32 @!p0 $0x0, s1;
	[sflag:s0] =	ssyncset.done @!p0 $0x0  }
0xd8: {  	[sflag:s0] =	ssyncadd.s32 @!p0 s1  }
0xd9: {  	[bflag:$0x3] =	sbarrier.arrive $0xFFFF  }
0xda: {  	_ =	shalt  }

// kernel: kernel.25.cloned.1.call-start
scs
__scs_entry_jumppad:
0x0: {  	(pc) =	sbr.rel $0x88, $3  }
0x1: {  	(tag) =	ssettag $0x0;
	lr =	simm.s32 $0x1  }
0x2: {  	[smem:$0x3F9D] =	sst lr;
	_ =	strace $0xD0000000  }
0x3: {  	_ = 	snop  }
0x4: {  	_ = 	snop  }
0x5: {  	_ = 	snop  }
0x6: {  	_ = 	snop  }
0x7: {  	_ = 	snop  }
__scs_overlays_trampoline_lowered:
0x8: {  	[smem:$0x3FAC] =	sst s0  }
0x9: {  	[smem:$0x3FAD] =	sst s1  }
0xa: {  	[smem:$0x3FAE] =	sst s2  }
0xb: {  	[smem:$0x3FAF] =	sst s3  }
0xc: {  	[smem:$0x3FB0] =	sst s4  }
0xd: {  	[smem:$0x3FB1] =	sst s5  }
0xe: {  	[smem:$0x3FB2] =	sst s6  }
0xf: {  	[smem:$0x3FB3] =	sst s7  }
0x10: {  	[smem:$0x3FB4] =	sst s8  }
0x11: {  	[smem:$0x3FB5] =	sst s9;
	s0 =	simm.s32 @!p0 $0x0  }
0x12: {  	s1 =	sld [smem:$0x3F9B];
	s0 =	simm.s32 @p0 $0x1  }
0x13: {  	[smem:$0x3FB6] =	sst s0;
	s0 =	simm.s32 @!p1 $0x0  }
0x14: {  	s2 =	sld [smem:$0x3F9A];
	s0 =	simm.s32 @p1 $0x1  }
0x15: {  	[smem:$0x3FB7] =	sst s0;
	s0 =	simm.s32 @!p2 $0x0  }
0x16: {  	s3 =	sld [smem:$0x3FDB];
	s0 =	simm.s32 @p2 $0x1  }
0x17: {  	s4 =	simm.s32 $0x1BF5;
	[smem:$0x3FB9] =	sst s0  }
0x18: {  	s0 =	sld [smem:$0x3F9C];
	_ =	swait.ge [sflag:s4], $0x0  }
0x19: {  	s7 =	sld [smem:$0x3F9D]  }
0x1a: {  	s8 =	sadd.s32 $0xFFFFE003, lr  }
0x1b: {  	s9 =	sadd.s32 $0xFFFFFEF7, lr;
	s5 =	simm.s32 $0xFFFFFFFF;
	p2 =	slt.u32 s8, $0xFFFFF086  }
0x1c: {  	p1 =	slt.u32 s9, $0xF7A;
	s5 =	simm.s32 @!p2 $0x0  }
0x1d: {  	s5 =	simm.s32 @p1 $0x1;
	p0 =	seq.s32 s7, s2  }
0x1e: {  	s7 =	smul.u32 @!p0 $0xF7A, s2;
	p2 =	seq.s32 @!p0 s5, $0x0  }
0x1f: {  	s9 =	smul.u32 $0xF7A, s1;
	s8 =	simm.s32 @!p0 $0x1BF5;
	p2 =	por !p2, p0  }
0x20: {  	[sflag:s8] =	ssyncset.s32 @!p0 $0xFFFFF086;
	s6 =	sadd.s32 @!p0 s3, s7;
	s7 =	simm.s32 @!p0 $0x108  }
0x21: {  	s3 =	sadd.s32 s3, s9;
	s6 =	sadd.s32 @!p0 $0x88, s6;
	s7 =	simm.s32 @p2 $0x1082  }
0x22: {  	[simem:s7], [sflag:s8] =	dma.local @!p0 [hbm:s6], $0xF7A  }
0x23: {  	s9 =	sor.u32 $0xD0000000, s2;
	s6 =	simm.s32 $0x108;
	_ =	swait.ge @!p0 [sflag:s8], $0x0  }
0x24: {  	s3 =	sadd.s32 $0x88, s3;
	s6 =	simm.s32 @!p1 $0x1082;
	[sflag:s4] =	ssyncset.s32 $0xFFFFF086  }
0x25: {  	[simem:s6], [sflag:s4] =	dma.local [hbm:s3], $0xF7A  }
0x26: {  	[smem:$0x3F9D] =	sst s1;
	(tag) =	ssettag s2;
	_ =	strace s9  }
0x27: {  	s1 =	sld [smem:$0x3FAD]  }
0x28: {  	s2 =	sld [smem:$0x3FAE]  }
0x29: {  	s4 =	sld [smem:$0x3FB0]  }
0x2a: {  	p0 =	seq.s32 s5, $0x0;
	s5 =	sld [smem:$0x3FB1]  }
0x2b: {  	s6 =	sld [smem:$0x3FB2]  }
0x2c: {  	s7 =	sld [smem:$0x3FB3]  }
0x2d: {  	s3 =	simm.s32 $0x108;
	s8 =	sld [smem:$0x3FB4]  }
0x2e: {  	s3 =	simm.s32 @!p0 $0x1082;
	s9 =	sld [smem:$0x3FB5]  }
0x2f: {  	lr =	sadd.s32 s0, s3;
	s0 =	sld [smem:$0x3FAC]  }
0x30: {  	s3 =	sld [smem:$0x3FAF]  }
0x31: {  	[smem:$0x3FB8] =	sst s10  }
0x32: {  	s10 =	sld [smem:$0x3FB6];
	_ =	sdelay $0x3  }
0x33: {  	p0 =	seq.s32 s10, $0x1;
	s10 =	sld [smem:$0x3FB8];
	_ =	sdelay $0x3  }
0x34: {  	[smem:$0x3FB8] =	sst s10  }
0x35: {  	s10 =	sld [smem:$0x3FB7];
	_ =	sdelay $0x3  }
0x36: {  	p1 =	seq.s32 s10, $0x1;
	s10 =	sld [smem:$0x3FB8];
	_ =	sdelay $0x3  }
0x37: {  	[smem:$0x3FB8] =	sst s10  }
0x38: {  	s10 =	sld [smem:$0x3FB9]  }
0x39: {  	_ = 	snop;
	(pc) =	sbr.ind lr, $3  }
0x3a: {  	_ = 	snop  }
0x3b: {  	_ = 	snop  }
0x3c: {  	p2 =	seq.s32 s10, $0x1;
	s10 =	sld [smem:$0x3FB8]  }
0x3d: {  	_ =	shalt  }
0x3e: {  	_ =	shalt  }
0x3f: {  	_ =	shalt  }
0x40: {  	_ =	shalt  }
0x41: {  	_ =	shalt  }
0x42: {  	_ =	shalt  }
0x43: {  	_ =	shalt  }
0x44: {  	_ =	shalt  }
0x45: {  	_ =	shalt  }
0x46: {  	_ =	shalt  }
0x47: {  	_ =	shalt  }
0x48: {  	_ =	shalt  }
0x49: {  	_ =	shalt  }
0x4a: {  	_ =	shalt  }
0x4b: {  	_ =	shalt  }
0x4c: {  	_ =	shalt  }
0x4d: {  	_ =	shalt  }
0x4e: {  	_ =	shalt  }
0x4f: {  	_ =	shalt  }
0x50: {  	_ =	shalt  }
0x51: {  	_ =	shalt  }
0x52: {  	_ =	shalt  }
0x53: {  	_ =	shalt  }
0x54: {  	_ =	shalt  }
0x55: {  	_ =	shalt  }
0x56: {  	_ =	shalt  }
0x57: {  	_ =	shalt  }
0x58: {  	_ =	shalt  }
0x59: {  	_ =	shalt  }
0x5a: {  	_ =	shalt  }
0x5b: {  	_ =	shalt  }
0x5c: {  	_ =	shalt  }
0x5d: {  	_ =	shalt  }
0x5e: {  	_ =	shalt  }
0x5f: {  	_ =	shalt  }
0x60: {  	_ =	shalt  }
0x61: {  	_ =	shalt  }
0x62: {  	_ =	shalt  }
0x63: {  	_ =	shalt  }
0x64: {  	_ =	shalt  }
0x65: {  	_ =	shalt  }
0x66: {  	_ =	shalt  }
0x67: {  	_ =	shalt  }
0x68: {  	_ =	shalt  }
0x69: {  	_ =	shalt  }
0x6a: {  	_ =	shalt  }
0x6b: {  	_ =	shalt  }
0x6c: {  	_ =	shalt  }
0x6d: {  	_ =	shalt  }
0x6e: {  	_ =	shalt  }
0x6f: {  	_ =	shalt  }
0x70: {  	_ =	shalt  }
0x71: {  	_ =	shalt  }
0x72: {  	_ =	shalt  }
0x73: {  	_ =	shalt  }
0x74: {  	_ =	shalt  }
0x75: {  	_ =	shalt  }
0x76: {  	_ =	shalt  }
0x77: {  	_ =	shalt  }
0x78: {  	_ =	shalt  }
0x79: {  	_ =	shalt  }
0x7a: {  	_ =	shalt  }
0x7b: {  	_ =	shalt  }
0x7c: {  	_ =	shalt  }
0x7d: {  	_ =	shalt  }
0x7e: {  	_ =	shalt  }
0x7f: {  	_ =	shalt  }
0x80: {  	_ =	shalt  }
0x81: {  	_ =	shalt  }
0x82: {  	_ =	shalt  }
0x83: {  	_ =	shalt  }
0x84: {  	_ =	shalt  }
0x85: {  	_ =	shalt  }
0x86: {  	_ =	shalt  }
0x87: {  	_ =	shalt  }
.Lfunc_end0:
.L_simem_size_0:
called_computation.4_lowered:
.L_overlay_start_0:
0x88: {  	s2 =	sld [smem:$0x3FD9]  }
0x89: {  	s3 =	sld [smem:$0x3FFE];
	_ =	sdelay $0x1  }
0x8a: {  	s1 =	srdreg.scid  }
0x8b: {  	s0 =	sand.u32 $0x1, s1  }
0x8c: {  	s16 =	sshll.u32 s0, $0xA;
	s2 =	sadd.s32 s3, s2  }
0x8d: {  	s2 =	sadd.s32 s2, s16  }
0x8e: {  	[smem:$0x3FC4] =	sst s2  }
0x8f: {  	_ = 	snop  }
0x90: {  	(tm) =	ssettm $0x1  }
0x91: {  	s17 =	sld [smem:$0x3FFB];
	_ =	sdelay $0x3  }
0x92: {  	_ =	strace s17  }
0x93: {  	s2 =	sld [smem:$0x3FFC];
	_ =	sdelay $0x3  }
0x94: {  	_ =	strace s2  }
0x95: {  	s2 =	sld [smem:$0x3FFD];
	_ =	sdelay $0x3  }
0x96: {  	_ =	strace s2  }
0x97: {  	_ =	strace $0x8FFFFFFF  }
0x98: {  	s18 =	sld [smem:$0x3FDB];
	_ =	sdelay $0x1  }
0x99: {  	s19 =	simm.s32 $_scs_section_size  }
0x9a: {  	s4 =	simm.s32 $_size__tile_overlayer_lowered;
	s5 =	simm.s32 $_tile_overlayer_lowered  }
0x9b: {  	s22 =	simm.s32 $0x1BFF;
	s21 =	sshll.u32 s5, $0x1;
	s2 =	sadd.s32 s19, s18  }
0x9c: {  	s6 =	simm.s32 $0x0;
	s20 =	sshll.u32 s4, $0x1;
	s4 =	sadd.s32 s21, s2  }
0x9d: {  	[timem:s6], [sflag:s22] =	dma.local [hbm:s4], s20  }
0x9e: {  	_ =	swait.ge [sflag:s22], s20  }
0x9f: {  	s3 =	ssub.s32 $0x0, s20;
	[sflag:s22] =	ssyncset.done $0x0  }
0xa0: {  	[sflag:s22] =	ssyncadd.s32 s3;
	_ =	sdelay $0x1  }
0xa1: {  	s23 =	simm.s32 $0x1B8B  }
0xa2: {  	_ =	swait.ge [sflag:s23], $0x1  }
0xa3: {  	[sflag:s23] =	ssyncset.done $0x0  }
0xa4: {  	s25 =	simm.s32 $0x1B8E;
	s24 =	sld [smem:$0x3FFE];
	[sflag:s23] =	ssyncadd.s32 $0xFFFFFFFF  }
0xa5: {  	s26 =	simm.s32 $execute0_lowered;
	[smem:$0x3FD2] =	sst s25  }
0xa6: {  	s4 =	sshll.u32 s26, $0x1;
	_ =	strace $0x80000052;
	[dreg:$0x1] =	wrdreg $0xFFFFFFFF  }
0xa7: {  	s28 =	simm.s32 $_size_execute0_lowered;
	s2 =	sadd.s32 s2, s4;
	[dreg:$0x0] =	wrdreg $0x0  }
0xa8: {  	s4 =	sshll.u32 s28, $0x1;
	[dreg:$0x2] =	wrdreg s2  }
0xa9: {  	[dreg:$0x3] =	wrdreg s4  }
0xaa: {  	[dreg:$0x4] =	wrdreg $0xC0  }
0xab: {  	_ =	task [dreg:s6], $0x5FFFF  }
0xac: {  	[dreg:$0x1] =	wrdreg $0xFFFFFFFF  }
0xad: {  	[dreg:$0x0] =	wrdreg $0x60  }
0xae: {  	[dreg:$0x2] =	wrdreg s24  }
0xaf: {  	[dreg:$0x3] =	wrdreg $0xA8000  }
0xb0: {  	[dreg:$0x4] =	wrdreg $0x9  }
0xb1: {  	_ =	task.clear_ibuf [dreg:s6], $0x5FFFF;
	_ =	strace $0x90000052  }
0xb2: {  	s29 =	simm.s32 $0x9;
	_ =	strace $0x80000054  }
0xb3: {  	_ =	swait.ge [sflag:s29], $0x1  }
0xb4: {  	[sflag:s29] =	ssyncadd.s32 $0xFFFFFFFF  }
0xb5: {  	_ =	strace $0x90000054  }
0xb6: {  	_ =	sfence  }
0xb7: {  	s30 =	sld [smem:$0x0];
	_ =	sdelay $0x2  }
0xb8: {  	s31 =	sshll.u32 s1, $0xD;
	s1 =	sshrl.u32 s1, $0x2  }
0xb9: {  	s3 =	sand.u32 $0x4000, s31;
	s1 =	sadd.s32 s1, s30  }
0xba: {  	s0 =	sor.u32 s3, s0;
	s1 =	sshll.u32 s1, $0x11  }
0xbb: {  	s0 =	sor.u32 s1, s0  }
0xbc: {  	s0 =	sadd.s32 $0x8F2B, s0  }
0xbd: {  	[sflag:s0] =	ssyncadd.remote.s32 $0x1  }
0xbe: {  	_ =	sfence.sel $0xFFFF  }
0xbf: {  	[dreg:$0x0] =	wrdreg $0xFFFFFFFF;
	(pc) =	sbr.abs _section_cstart, $3  }
0xc0: {  	[dreg:$0x1] =	wrdreg $0xFFFFFFFF  }
0xc1: {  	_ =	task.clear_ibuf [dreg:s6], $0x2FFFF;
	_ =	strace $0x9FFFFFFF  }
0xc2: {  	(tm) =	ssettm $0x7FFFFFFF  }
0xc3: {  	_ =	shalt  }
tec
execute0_lowered:
.L_overlay_start_1:
0x0: {  	(tag) =	ssettag $0x1  }
0x1: {  	s5 =	rddreg [dreg:$0x0]  }
0x2: {  	s0 =	srdreg.scid;
	s2 =	rddreg [dreg:$0x1]  }
0x3: {  	s1 =	stileid.u32;
	s3 =	simm.s32 $0x0;
	s17 =	simm.s32 $0x3  }
0x4: {  	s18 =	simm.s32 $0x1400;
	s19 =	simm.s32 $0x80;
	s20 =	simm.s32 $0x6800  }
0x5: {  	s21 =	simm.s32 $0x1;
	s22 =	simm.s32 $0x4;
	s23 =	simm.s32 $0x2  }
0x6: {  	s24 =	simm.s32 $0x1380;
	s25 =	simm.s32 $0x2700;
	s6 =	sand.u32 $0x1, s0  }
0x7: {  	s8 =	smul.u32 $0x14000, s1;
	[smem:$0x7FF] =	sst s3;
	s4 =	sadd.s32 $0x18400, s5  }
0x8: {  	s12 =	sadd.s32 $0xE400, s5;
	s26 =	smul.u32 $0x50000, s1;
	s13 =	sadd.s32 $0x3A00, s5  }
0x9: {  	s7 =	smul.u32 $0x140000, s6;
	_ =	strace $0x80000053;
	s28 =	sshll.u32 s6, $0x4  }
0xa: {  	s6 =	ssub.s32 $0x2, s6;
	s29 =	sor.u32 s1, s28;
	s30 =	sshrl.u32 s26, $0x2  }
0xb: {  	s31 =	sshrl.u32 s6, $0x1;
	s26 =	simm.s32 $0x2780;
	s7 =	sadd.s32 s8, s7  }
0xc: {  	s10 =	smul.u32 $0x2800, s29;
	s15 =	ssub.s32 s6, s31;
	s7 =	sshrl.u32 s7, $0x3  }
0xd: {  	s15 =	smax.u32 s15, $0x1;
	s14 =	sadd.s32 s7, s5;
	s5 =	sadd.s32 s30, s2  }
0xe: {  	s16 =	sshrl.u32 s10, $0x3;
	s6 =	sadd.s32 $0x4000, s5;
	s7 =	sadd.s32 $0x8000, s5  }
0xf: {  	s8 =	sadd.s32 $0xC000, s5;
	s9 =	sadd.s32 $0x10000, s5;
	s10 =	sadd.s32 s12, s16  }
0x10: {  	s11 =	sadd.s32 s13, s16;
	s16 =	sadd.s32 $0x280, s16;
	s14 =	sadd.s32 $0xB8400, s14  }
0x11: {  	v0 =	vimm.f32 $0.0e+00;
	s12 =	sadd.s32 s12, s16;
	s13 =	sadd.s32 s13, s16;
	s16 =	simm.s32 $0x2800  }
.LBB2_1:
0x12: {  	s28 =	simm.s32 $0x0;
	s29 =	simm.s32 $0x200  }
.LBB2_2:
0x13: {  	p0 =	sne.s32 s29, $0xFE00;
	[tilespmem:s28+$0x2870] =	vst v0  }
0x14: {  	[tilespmem:s28+$0x2800] =	vst v0  }
0x15: {  	[tilespmem:s28+$0x2810] =	vst v0  }
.Ltmp0:
0x16: {  	[tilespmem:s28+$0x2820] =	vst v0;
	(pc) =	sbr.rel @p0 .LBB2_2-.Ltmp0, $4  }
0x17: {  	[tilespmem:s28+$0x2830] =	vst v0  }
0x18: {  	[tilespmem:s28+$0x2840] =	vst v0  }
0x19: {  	[tilespmem:s28+$0x2850] =	vst v0  }
0x1a: {  	[tilespmem:s28+$0x2860] =	vst v0;
	s28 =	sshra.s32 s29, $0x2;
	s29 =	sadd.s32 $0x200, s29  }
0x1b: {  	[tilespmem:s28+$0x2870] =	vst v0  }
0x1c: {  	[tilespmem:s28+$0x2800] =	vst v0  }
0x1d: {  	[tilespmem:s28+$0x2810] =	vst v0  }
0x1e: {  	[tilespmem:s28+$0x2820] =	vst v0  }
0x1f: {  	[tilespmem:s28+$0x2830] =	vst v0  }
0x20: {  	[tilespmem:s28+$0x2840] =	vst v0  }
0x21: {  	[tilespmem:s28+$0x2850] =	vst v0  }
0x22: {  	[tilespmem:s28+$0x2860] =	vst v0  }
0x23: {  	[spmem:s5] =	stream.linear.scatter [tilespmem:s16], [sflag:$0x3], $0x4000, $0x38;
	[tilespmem:$0x1E800] =	vst v63  }
0x24: {  	_ =	swait.ge [sflag:s17], $0x4000  }
0x25: {  	[sflag:s17] =	ssyncset.done $0x0  }
0x26: {  	[sflag:s17] =	ssyncadd.s32 $0xFFFFC000  }
0x27: {  	[spmem:s6] =	stream.linear.scatter [tilespmem:s16], [sflag:$0x3], $0x4000, $0x38;
	[tilespmem:$0x1E800] =	vst v63  }
0x28: {  	_ =	swait.ge [sflag:s17], $0x4000  }
0x29: {  	[sflag:s17] =	ssyncset.done $0x0  }
0x2a: {  	[sflag:s17] =	ssyncadd.s32 $0xFFFFC000  }
0x2b: {  	[spmem:s7] =	stream.linear.scatter [tilespmem:s16], [sflag:$0x3], $0x4000, $0x38;
	[tilespmem:$0x1E800] =	vst v63  }
0x2c: {  	_ =	swait.ge [sflag:s17], $0x4000  }
0x2d: {  	[sflag:s17] =	ssyncset.done $0x0  }
0x2e: {  	[sflag:s17] =	ssyncadd.s32 $0xFFFFC000  }
0x2f: {  	[spmem:s8] =	stream.linear.scatter [tilespmem:s16], [sflag:$0x3], $0x4000, $0x38;
	[tilespmem:$0x1E800] =	vst v63  }
0x30: {  	_ =	swait.ge [sflag:s17], $0x4000  }
0x31: {  	[sflag:s17] =	ssyncset.done $0x0  }
0x32: {  	[sflag:s17] =	ssyncadd.s32 $0xFFFFC000  }
0x33: {  	[spmem:s9] =	stream.linear.scatter [tilespmem:s16], [sflag:$0x3], $0x4000, $0x38;
	[tilespmem:$0x1E800] =	vst v63  }
0x34: {  	_ =	swait.ge [sflag:s17], $0x4000  }
0x35: {  	[sflag:s17] =	ssyncset.done $0x0  }
0x36: {  	[sflag:s17] =	ssyncadd.s32 $0xFFFFC000  }
0x37: {  	s28 =	simm.s32 $0x0;
	[bflag:$0x0] =	sbarrier.arrive $0xFFFF  }
0x38: {  	[tilespmem:s28], [sflag:$0x3] =	stream.linear.gather [hbm4b:s10+s28], $0x1400, $0x38;
	[tilespmem:$0x1E800] =	vst v63  }
0x39: {  	_ =	swait.ge [sflag:s17], $0x1400  }
0x3a: {  	[sflag:s17] =	ssyncset.done $0x0  }
0x3b: {  	[sflag:s17] =	ssyncadd.s32 $0xFFFFEC00  }
0x3c: {  	[tilespmem:s18], [sflag:$0x3] =	stream.linear.gather [hbm4b:s11+s28], $0x1400, $0x38;
	[tilespmem:$0x1E800] =	vst v63  }
0x3d: {  	_ =	swait.ge [sflag:s17], $0x1400  }
0x3e: {  	[sflag:s17] =	ssyncset.done $0x0  }
0x3f: {  	[sflag:s17] =	ssyncadd.s32 $0xFFFFEC00  }
0x40: {  	[tilespmem:s16], [sflag:$0x1] =	stream.indirect.gather [hbm4b:s4+s19], $0x80, s28, s19, $0xb8;
	[tilespmem:$0x1E800] =	vst v63  }
0x41: {  	s28 =	simm.s32 $0x80  }
0x42: {  	[tilespmem:s20], [sflag:$0x2] =	stream.indirect.gather [hbm4b:s4+s19], $0x80, s28, s19, $0xb8;
	[tilespmem:$0x1E800] =	vst v63  }
0x43: {  	_ =	swait.ge [sflag:s21], $0x4000  }
0x44: {  	[sflag:s21] =	ssyncset.done $0x0  }
0x45: {  	s28 =	simm.s32 $0x1400;
	[sflag:s21] =	ssyncadd.s32 $0xFFFFC000  }
0x46: {  	[spmem:s2] =	stream.indirect.scatter.add.f32 [tilespmem:s16], [sflag:$0x4], $0x80, s28, s19, $0xb8;
	[tilespmem:$0x1E800] =	vst v63  }
0x47: {  	_ =	swait.ge [sflag:s22], $0x4000  }
0x48: {  	[sflag:s22] =	ssyncset.done $0x0  }
0x49: {  	s28 =	simm.s32 $0x100;
	[sflag:s22] =	ssyncadd.s32 $0xFFFFC000  }
0x4a: {  	[tilespmem:s16], [sflag:$0x1] =	stream.indirect.gather [hbm4b:s4+s19], $0x80, s28, s19, $0xb8;
	[tilespmem:$0x1E800] =	vst v63  }
0x4b: {  	_ =	swait.ge [sflag:s23], $0x4000  }
0x4c: {  	[sflag:s23] =	ssyncset.done $0x0  }
0x4d: {  	s28 =	simm.s32 $0x1480;
	[sflag:s23] =	ssyncadd.s32 $0xFFFFC000  }
0x4e: {  	[spmem:s2] =	stream.indirect.scatter.add.f32 [tilespmem:s20], [sflag:$0x3], $0x80, s28, s19, $0xb8;
	[tilespmem:$0x1E800] =	vst v63  }
0x4f: {  	_ =	swait.ge [sflag:s17], $0x4000  }
0x50: {  	s29 =	simm.s32 $0x800;
	s28 =	simm.s32 $0x100;
	[sflag:s17] =	ssyncset.done $0x0  }
.LBB2_4:
0x51: {  	s30 =	sadd.s32 $0x80, s28  }
0x52: {  	[sflag:s17] =	ssyncadd.s32 $0xFFFFC000;
	s31 =	smov.u32 s29;
	s0 =	sadd.s32 $0x400, s29  }
0x53: {  	[tilespmem:s20], [sflag:$0x2] =	stream.indirect.gather [hbm4b:s4+s19], $0x80, s30, s19, $0xb8;
	[tilespmem:$0x1E800] =	vst v63  }
0x54: {  	p0 =	sne.s32 s29, $0x4800;
	_ =	swait.ge [sflag:s21], $0x4000  }
0x55: {  	[sflag:s21] =	ssyncset.done $0x0  }
0x56: {  	s29 =	sadd.s32 $0x1400, s28;
	[sflag:s21] =	ssyncadd.s32 $0xFFFFC000  }
0x57: {  	[spmem:s2] =	stream.indirect.scatter.add.f32 [tilespmem:s16], [sflag:$0x4], $0x80, s29, s19, $0xb8;
	[tilespmem:$0x1E800] =	vst v63  }
0x58: {  	_ =	swait.ge [sflag:s22], $0x4000  }
0x59: {  	[sflag:s22] =	ssyncset.done $0x0  }
0x5a: {  	s29 =	sadd.s32 $0x100, s28;
	[sflag:s22] =	ssyncadd.s32 $0xFFFFC000  }
0x5b: {  	[tilespmem:s16], [sflag:$0x1] =	stream.indirect.gather [hbm4b:s4+s19], $0x80, s29, s19, $0xb8;
	[tilespmem:$0x1E800] =	vst v63  }
0x5c: {  	_ =	swait.ge [sflag:s23], $0x4000  }
.Ltmp1:
0x5d: {  	[sflag:s23] =	ssyncset.done $0x0;
	(pc) =	sbr.rel @p0 .LBB2_4-.Ltmp1, $4  }
0x5e: {  	s28 =	sadd.s32 $0x1480, s28;
	[sflag:s23] =	ssyncadd.s32 $0xFFFFC000  }
0x5f: {  	[spmem:s2] =	stream.indirect.scatter.add.f32 [tilespmem:s20], [sflag:$0x3], $0x80, s28, s19, $0xb8;
	[tilespmem:$0x1E800] =	vst v63  }
0x60: {  	_ =	swait.ge [sflag:s17], $0x4000  }
0x61: {  	s29 =	smov.u32 s0;
	s28 =	sshra.s32 s31, $0x2;
	[sflag:s17] =	ssyncset.done $0x0  }
0x62: {  	s0 =	sadd.s32 $0x80, s28;
	[sflag:s17] =	ssyncadd.s32 $0xFFFFC000  }
0x63: {  	[tilespmem:s20], [sflag:$0x2] =	stream.indirect.gather [hbm4b:s4+s19], $0x80, s0, s19, $0xb8;
	[tilespmem:$0x1E800] =	vst v63  }
0x64: {  	_ =	swait.ge [sflag:s21], $0x4000  }
0x65: {  	[sflag:s21] =	ssyncset.done $0x0  }
0x66: {  	s30 =	sadd.s32 $0x1400, s28;
	[sflag:s21] =	ssyncadd.s32 $0xFFFFC000  }
0x67: {  	[spmem:s2] =	stream.indirect.scatter.add.f32 [tilespmem:s16], [sflag:$0x4], $0x80, s30, s19, $0xb8;
	[tilespmem:$0x1E800] =	vst v63  }
0x68: {  	_ =	swait.ge [sflag:s22], $0x4000  }
0x69: {  	[sflag:s22] =	ssyncset.done $0x0  }
0x6a: {  	s31 =	sadd.s32 $0x100, s28;
	[sflag:s22] =	ssyncadd.s32 $0xFFFFC000  }
0x6b: {  	[tilespmem:s16], [sflag:$0x1] =	stream.indirect.gather [hbm4b:s4+s19], $0x80, s31, s19, $0xb8;
	[tilespmem:$0x1E800] =	vst v63  }
0x6c: {  	_ =	swait.ge [sflag:s23], $0x4000  }
0x6d: {  	[sflag:s23] =	ssyncset.done $0x0  }
0x6e: {  	s30 =	sadd.s32 $0x1480, s28;
	[sflag:s23] =	ssyncadd.s32 $0xFFFFC000  }
0x6f: {  	[spmem:s2] =	stream.indirect.scatter.add.f32 [tilespmem:s20], [sflag:$0x3], $0x80, s30, s19, $0xb8;
	[tilespmem:$0x1E800] =	vst v63  }
0x70: {  	_ =	swait.ge [sflag:s17], $0x4000  }
0x71: {  	[sflag:s17] =	ssyncset.done $0x0  }
0x72: {  	[sflag:s17] =	ssyncadd.s32 $0xFFFFC000  }
0x73: {  	[tilespmem:s20], [sflag:$0x2] =	stream.indirect.gather [hbm4b:s4+s19], $0x80, s24, s19, $0xb8;
	[tilespmem:$0x1E800] =	vst v63  }
0x74: {  	_ =	swait.ge [sflag:s21], $0x4000  }
0x75: {  	[sflag:s21] =	ssyncset.done $0x0  }
0x76: {  	[sflag:s21] =	ssyncadd.s32 $0xFFFFC000  }
0x77: {  	[spmem:s2] =	stream.indirect.scatter.add.f32 [tilespmem:s16], [sflag:$0x4], $0x80, s25, s19, $0xb8;
	[tilespmem:$0x1E800] =	vst v63  }
0x78: {  	_ =	swait.ge [sflag:s22], $0x4000  }
0x79: {  	[sflag:s22] =	ssyncset.done $0x0  }
0x7a: {  	[sflag:s22] =	ssyncadd.s32 $0xFFFFC000  }
0x7b: {  	_ =	swait.ge [sflag:s23], $0x4000  }
0x7c: {  	[sflag:s23] =	ssyncset.done $0x0  }
0x7d: {  	[sflag:s23] =	ssyncadd.s32 $0xFFFFC000  }
0x7e: {  	[spmem:s2] =	stream.indirect.scatter.add.f32 [tilespmem:s20], [sflag:$0x3], $0x80, s26, s19, $0xb8;
	[tilespmem:$0x1E800] =	vst v63  }
0x7f: {  	_ =	swait.ge [sflag:s17], $0x4000  }
0x80: {  	[sflag:s17] =	ssyncset.done $0x0  }
0x81: {  	s31 =	simm.s32 $0x0;
	[sflag:s17] =	ssyncadd.s32 $0xFFFFC000  }
0x82: {  	[tilespmem:s31], [sflag:$0x3] =	stream.linear.gather [hbm4b:s12+s31], $0x1380, $0x38;
	[tilespmem:$0x1E800] =	vst v63  }
0x83: {  	_ =	swait.ge [sflag:s17], $0x1380  }
0x84: {  	[sflag:s17] =	ssyncset.done $0x0  }
0x85: {  	[sflag:s17] =	ssyncadd.s32 $0xFFFFEC80  }
0x86: {  	[tilespmem:s18], [sflag:$0x3] =	stream.linear.gather [hbm4b:s13+s31], $0x1380, $0x38;
	[tilespmem:$0x1E800] =	vst v63  }
0x87: {  	_ =	swait.ge [sflag:s17], $0x1380  }
0x88: {  	[sflag:s17] =	ssyncset.done $0x0  }
0x89: {  	[sflag:s17] =	ssyncadd.s32 $0xFFFFEC80  }
0x8a: {  	[tilespmem:s16], [sflag:$0x1] =	stream.indirect.gather [hbm4b:s4+s19], $0x80, s31, s19, $0xb8;
	[tilespmem:$0x1E800] =	vst v63  }
0x8b: {  	s30 =	simm.s32 $0x80  }
0x8c: {  	[tilespmem:s20], [sflag:$0x2] =	stream.indirect.gather [hbm4b:s4+s19], $0x80, s30, s19, $0xb8;
	[tilespmem:$0x1E800] =	vst v63  }
0x8d: {  	_ =	swait.ge [sflag:s21], $0x4000  }
0x8e: {  	[sflag:s21] =	ssyncset.done $0x0  }
0x8f: {  	s31 =	simm.s32 $0x1400;
	[sflag:s21] =	ssyncadd.s32 $0xFFFFC000  }
0x90: {  	[spmem:s2] =	stream.indirect.scatter.add.f32 [tilespmem:s16], [sflag:$0x4], $0x80, s31, s19, $0xb8;
	[tilespmem:$0x1E800] =	vst v63  }
0x91: {  	_ =	swait.ge [sflag:s22], $0x4000  }
0x92: {  	[sflag:s22] =	ssyncset.done $0x0  }
0x93: {  	s30 =	simm.s32 $0x100;
	[sflag:s22] =	ssyncadd.s32 $0xFFFFC000  }
0x94: {  	[tilespmem:s16], [sflag:$0x1] =	stream.indirect.gather [hbm4b:s4+s19], $0x80, s30, s19, $0xb8;
	[tilespmem:$0x1E800] =	vst v63  }
0x95: {  	_ =	swait.ge [sflag:s23], $0x4000  }
0x96: {  	[sflag:s23] =	ssyncset.done $0x0  }
0x97: {  	s31 =	simm.s32 $0x1480;
	[sflag:s23] =	ssyncadd.s32 $0xFFFFC000  }
0x98: {  	[spmem:s2] =	stream.indirect.scatter.add.f32 [tilespmem:s20], [sflag:$0x3], $0x80, s31, s19, $0xb8;
	[tilespmem:$0x1E800] =	vst v63  }
0x99: {  	_ =	swait.ge [sflag:s17], $0x4000  }
0x9a: {  	s29 =	simm.s32 $0x800;
	s28 =	simm.s32 $0x100;
	[sflag:s17] =	ssyncset.done $0x0  }
.LBB2_6:
0x9b: {  	s0 =	sadd.s32 $0x80, s28  }
0x9c: {  	[sflag:s17] =	ssyncadd.s32 $0xFFFFC000;
	s30 =	smov.u32 s29;
	s31 =	sadd.s32 $0x400, s29  }
0x9d: {  	[tilespmem:s20], [sflag:$0x2] =	stream.indirect.gather [hbm4b:s4+s19], $0x80, s0, s19, $0xb8;
	[tilespmem:$0x1E800] =	vst v63  }
0x9e: {  	p0 =	sne.s32 s29, $0x4800;
	_ =	swait.ge [sflag:s21], $0x4000  }
0x9f: {  	[sflag:s21] =	ssyncset.done $0x0  }
0xa0: {  	s0 =	sadd.s32 $0x1400, s28;
	[sflag:s21] =	ssyncadd.s32 $0xFFFFC000  }
0xa1: {  	[spmem:s2] =	stream.indirect.scatter.add.f32 [tilespmem:s16], [sflag:$0x4], $0x80, s0, s19, $0xb8;
	[tilespmem:$0x1E800] =	vst v63  }
0xa2: {  	_ =	swait.ge [sflag:s22], $0x4000  }
0xa3: {  	[sflag:s22] =	ssyncset.done $0x0  }
0xa4: {  	s0 =	sadd.s32 $0x100, s28;
	[sflag:s22] =	ssyncadd.s32 $0xFFFFC000  }
0xa5: {  	[tilespmem:s16], [sflag:$0x1] =	stream.indirect.gather [hbm4b:s4+s19], $0x80, s0, s19, $0xb8;
	[tilespmem:$0x1E800] =	vst v63  }
0xa6: {  	_ =	swait.ge [sflag:s23], $0x4000  }
.Ltmp2:
0xa7: {  	[sflag:s23] =	ssyncset.done $0x0;
	(pc) =	sbr.rel @p0 .LBB2_6-.Ltmp2, $4  }
0xa8: {  	s0 =	sadd.s32 $0x1480, s28;
	[sflag:s23] =	ssyncadd.s32 $0xFFFFC000  }
0xa9: {  	[spmem:s2] =	stream.indirect.scatter.add.f32 [tilespmem:s20], [sflag:$0x3], $0x80, s0, s19, $0xb8;
	[tilespmem:$0x1E800] =	vst v63  }
0xaa: {  	_ =	swait.ge [sflag:s17], $0x4000  }
0xab: {  	s29 =	smov.u32 s31;
	s28 =	sshra.s32 s30, $0x2;
	[sflag:s17] =	ssyncset.done $0x0  }
0xac: {  	s0 =	sadd.s32 $0x80, s28;
	[sflag:s17] =	ssyncadd.s32 $0xFFFFC000  }
0xad: {  	[tilespmem:s20], [sflag:$0x2] =	stream.indirect.gather [hbm4b:s4+s19], $0x80, s0, s19, $0xb8;
	[tilespmem:$0x1E800] =	vst v63  }
0xae: {  	_ =	swait.ge [sflag:s21], $0x4000  }
0xaf: {  	[sflag:s21] =	ssyncset.done $0x0  }
0xb0: {  	s30 =	sadd.s32 $0x1400, s28;
	[sflag:s21] =	ssyncadd.s32 $0xFFFFC000  }
0xb1: {  	[spmem:s2] =	stream.indirect.scatter.add.f32 [tilespmem:s16], [sflag:$0x4], $0x80, s30, s19, $0xb8;
	[tilespmem:$0x1E800] =	vst v63  }
0xb2: {  	_ =	swait.ge [sflag:s22], $0x4000  }
0xb3: {  	[sflag:s22] =	ssyncset.done $0x0  }
0xb4: {  	s31 =	sadd.s32 $0x100, s28;
	[sflag:s22] =	ssyncadd.s32 $0xFFFFC000  }
0xb5: {  	[tilespmem:s16], [sflag:$0x1] =	stream.indirect.gather [hbm4b:s4+s19], $0x80, s31, s19, $0xb8;
	[tilespmem:$0x1E800] =	vst v63  }
0xb6: {  	_ =	swait.ge [sflag:s23], $0x4000  }
0xb7: {  	[sflag:s23] =	ssyncset.done $0x0  }
0xb8: {  	s29 =	sadd.s32 $0x1480, s28;
	[sflag:s23] =	ssyncadd.s32 $0xFFFFC000  }
0xb9: {  	[spmem:s2] =	stream.indirect.scatter.add.f32 [tilespmem:s20], [sflag:$0x3], $0x80, s29, s19, $0xb8;
	[tilespmem:$0x1E800] =	vst v63  }
0xba: {  	_ =	swait.ge [sflag:s17], $0x4000  }
0xbb: {  	[sflag:s17] =	ssyncset.done $0x0  }
0xbc: {  	[sflag:s17] =	ssyncadd.s32 $0xFFFFC000  }
0xbd: {  	_ =	swait.ge [sflag:s21], $0x4000  }
0xbe: {  	[sflag:s21] =	ssyncset.done $0x0  }
0xbf: {  	[sflag:s21] =	ssyncadd.s32 $0xFFFFC000  }
0xc0: {  	[spmem:s2] =	stream.indirect.scatter.add.f32 [tilespmem:s16], [sflag:$0x4], $0x80, s25, s19, $0xb8;
	[tilespmem:$0x1E800] =	vst v63  }
0xc1: {  	_ =	swait.ge [sflag:s22], $0x4000  }
0xc2: {  	s3 =	sadd.s32 $0x1, s3;
	s30 =	sshll.u32 s1, $0x6;
	[sflag:s22] =	ssyncset.done $0x0  }
0xc3: {  	p0 =	sne.s32 s3, s15;
	s0 =	sor.u32 $0x1C03, s30;
	[sflag:s22] =	ssyncadd.s32 $0xFFFFC000  }
.Ltmp3:
0xc4: {  	s31 =	sshrl.u32 s5, $0x3;
	[bflag:$0x0] =	sbarrier.arrive $0xFFFF;
	(pc) =	sbr.rel @p0 .LBB2_1-.Ltmp3, $4  }
0xc5: {  	[hbm:s14], [sflag:s0] =	dma.local [spmem:s31], $0x2800  }
0xc6: {  	_ =	swait.ge [sflag:s17], $0x2800  }
0xc7: {  	[sflag:s17] =	ssyncset.done $0x0  }
0xc8: {  	[sflag:s17] =	ssyncadd.s32 $0xFFFFD800  }
0xc9: {  	_ =	sfence.sel $0x180000  }
0xca: {  	[bflag:$0x0] =	sbarrier.arrive $0xFFFF  }
0xcb: {  	_ =	strace $0x90000053  }
0xcc: {  	[bflag:$0x2] =	sbarrier.arrive $0xFFFF  }
0xcd: {  	p0 =	sne.s32 s1, $0x0;
	s0 =	rddreg [dreg:$0x2]  }
0xce: {  	s0 =	sadd.s32 @!p0 $0x100000, s0  }
0xcf: {  	[sflag:s0] =	ssyncadd.tile.s32 @!p0 $0x1;
	_ =	shalt  }
.Lfunc_end2:
_tile_overlayer_lowered:
.L_overlay_start_2:
0xd0: {  	(tag) =	ssettag $0x2  }
0xd1: {  	s0 =	rddreg [dreg:$0x0];
	s2 =	stileid.u32  }
0xd2: {  	s1 =	rddreg [dreg:$0x1];
	p0 =	sne.s32 s2, $0x0  }
0xd3: {  	s3 =	rddreg [dreg:$0x2];
	[bflag:$0x3] =	sbarrier.arrive $0xFFFF;
	s2 =	simm.s32 @!p0 $0x1C03  }
0xd4: {  	[timem:s3], [sflag:s2] =	dma.local @!p0 [hbm:s0], s1  }
0xd5: {  	s0 =	simm.s32 @!p0 $0x3  }
0xd6: {  	_ =	swait.ge @!p0 [sflag:s0], s1  }
0xd7: {  	s1 =	ssub.s32 @!p0 $0x0, s1;
	[sflag:s0] =	ssyncset.done @!p0 $0x0  }
0xd8: {  	[sflag:s0] =	ssyncadd.s32 @!p0 s1  }
0xd9: {  	[bflag:$0x3] =	sbarrier.arrive $0xFFFF  }
0xda: {  	_ =	shalt  }

</sc_bundles>
